<compile_context>
chip_gen: v7x
topology: tpu7x:2x2x1
jax: 0.10.2.dev20260603
libtpu: 0.0.44.dev20260713+nightly
codegen_flags: <defaults>
</compile_context>

<pallas_src>
import math

import jax
import jax.numpy as jnp
from jax import lax
from jax.experimental import pallas as pl
from jax.experimental.pallas import tpu as pltpu
from jax.experimental.pallas import tpu_sc as plsc

N = 10000
E = 320000
D = 128
G = 16
NF = 128
CUTOFF = 10.0

NC = 2
NS = 16
NW = NC * NS
EPW = E // NW
K = 40
NCH = EPW // K
NPT = 624
VPR = D // 16


def _cutoff_body(ew_ref, c_ref):
    c_ref[...] = 0.5 * (jnp.cos(ew_ref[...] * (math.pi / CUTOFF)) + 1.0)


def _tc_cutoff(edge_weight):
    ew = edge_weight.reshape(E // 128, 128)
    c = pl.pallas_call(
        _cutoff_body,
        out_shape=jax.ShapeDtypeStruct((E // 128, 128), jnp.float32),
    )(ew)
    return c.reshape(E)


def _filter_body(attr_ref, c_ref, w1_ref, b1_ref, w2_ref, b2_ref, wf_ref):
    a1 = jnp.dot(attr_ref[...], w1_ref[...], preferred_element_type=jnp.float32)
    a1 = jnp.maximum(a1 + b1_ref[...], 0.0)
    wf = jnp.dot(a1, w2_ref[...], preferred_element_type=jnp.float32) + b2_ref[...]
    i = pl.program_id(0)
    cb = c_ref[pl.ds(i * attr_ref.shape[0], attr_ref.shape[0])]
    wf_ref[...] = wf * lax.broadcast_in_dim(cb, (attr_ref.shape[0], 1), (0,))


def _tc_filter(edge_attr, ew2, w1, b1, w2, b2):
    BE = 16000
    EH = edge_attr.shape[0]
    grid = (EH // BE,)
    return pl.pallas_call(
        _filter_body,
        grid=grid,
        in_specs=[
            pl.BlockSpec((BE, G), lambda i: (i, 0)),
            pl.BlockSpec((EH,), lambda i: (0,)),
            pl.BlockSpec((G, NF), lambda i: (0, 0)),
            pl.BlockSpec((1, NF), lambda i: (0, 0)),
            pl.BlockSpec((NF, NF), lambda i: (0, 0)),
            pl.BlockSpec((1, NF), lambda i: (0, 0)),
        ],
        out_specs=pl.BlockSpec((BE, NF), lambda i: (i, 0)),
        out_shape=jax.ShapeDtypeStruct((EH, NF), jnp.float32),
    )(edge_attr, ew2, w1, b1, w2, b2)


def _lin1_body(x_ref, w_ref, h_ref):
    h_ref[...] = jnp.dot(x_ref[...], w_ref[...], preferred_element_type=jnp.float32)


def _tc_lin1(x, lin1_w):
    return pl.pallas_call(
        _lin1_body,
        out_shape=jax.ShapeDtypeStruct((N, NF), jnp.float32),
    )(x, lin1_w)


def _make_sc_body(epw):
    nch = epw // K
    assert nch >= 6

    def _sc_body(h_hbm, wf_hbm, src_hbm, dst_hbm, out_hbm,
                 idx_v, rows_v, wfr_v, prod_v, agg_sh,
                 isem0, isem1, isem2, isem3,
                 gsem0, gsem1, wsem0, wsem1, ssem0, ssem1):
        cid = lax.axis_index("c")
        sid = lax.axis_index("s")
        wid = sid * NC + cid
        isem = (isem0, isem1, isem2, isem3)
        gsem = (gsem0, gsem1)
        wsem = (wsem0, wsem1)
        ssem = (ssem0, ssem1)

        def _zb(r, carry):
            for j in range(VPR):
                prod_v[0, r, pl.ds(j * 16, 16)] = jnp.zeros((16,), jnp.float32)
            return carry
        lax.fori_loop(0, K, _zb, 0)

        zbase = sid * NPT
        nz = NPT // K

        def _zc(i, carry):
            pltpu.sync_copy(prod_v.at[0], agg_sh.at[pl.ds(zbase + i * K, K)])
            return carry
        lax.fori_loop(0, nz, _zc, 0)
        zrem = NPT - nz * K

        @pl.when(sid == NS - 1)
        def _():
            for t in range((640 - NPT + zrem) // K):
                pltpu.sync_copy(prod_v.at[0],
                                agg_sh.at[pl.ds(zbase + nz * K + t * K, K)])

        if zrem:
            @pl.when(sid != NS - 1)
            def _():
                pltpu.sync_copy(prod_v.at[0, pl.ds(0, zrem)],
                                agg_sh.at[pl.ds(zbase + nz * K, zrem)])
        plsc.subcore_barrier()

        wbase = wid * epw

        def _issue_idx(i, s4):
            base = wbase + i * K
            pltpu.async_copy(src_hbm.at[pl.ds(base, K)], idx_v.at[s4, 0],
                             isem[s4])
            pltpu.async_copy(dst_hbm.at[pl.ds(base, K)], idx_v.at[s4, 1],
                             isem[s4])

        def _issue_gw(i, s4, b):
            pltpu.make_async_copy(src_hbm.at[pl.ds(wbase, K)], idx_v.at[s4, 0],
                                  isem[s4]).wait()
            pltpu.make_async_copy(dst_hbm.at[pl.ds(wbase, K)], idx_v.at[s4, 1],
                                  isem[s4]).wait()
            pltpu.async_copy(h_hbm.at[idx_v.at[s4, 0]], rows_v.at[b], gsem[b])
            pltpu.async_copy(wf_hbm.at[pl.ds(wbase + i * K, K)], wfr_v.at[b],
                             wsem[b])

        def _wait_sc(s4, b):
            pltpu.make_async_copy(prod_v.at[b], agg_sh.at[idx_v.at[s4, 1]],
                                  ssem[b]).wait()

        def _proc(i, s4, first=False, last=False):
            b = s4 % 2
            pltpu.make_async_copy(h_hbm.at[idx_v.at[s4, 0]], rows_v.at[b],
                                  gsem[b]).wait()
            pltpu.make_async_copy(wf_hbm.at[pl.ds(wbase, K)], wfr_v.at[b],
                                  wsem[b]).wait()
            if not first:
                _wait_sc((s4 + 2) % 4, b)
            if not last:
                _issue_idx(i + 2, (s4 + 2) % 4)

            def _mul(r, c2):
                for j in range(VPR):
                    sl = pl.ds(j * 16, 16)
                    prod_v[b, r, sl] = rows_v[b, r, sl] * wfr_v[b, r, sl]
                return c2
            lax.fori_loop(0, K, _mul, 0)

            pltpu.async_copy(prod_v.at[b], agg_sh.at[idx_v.at[s4, 1]],
                             ssem[b], add=True)

        _issue_idx(0, 0)
        _issue_idx(1, 1)
        _issue_gw(0, 0, 0)
        _issue_gw(1, 1, 1)
        _proc(0, 0, first=True)
        _issue_gw(2, 2, 0)
        _proc(1, 1, first=True)
        _issue_gw(3, 3, 1)

        m = (nch - 4) // 4

        def _quad(g, carry):
            i = 4 * g + 2
            for off in range(4):
                s4 = (2 + off) % 4
                _proc(i + off, s4)
                _issue_gw(i + off + 2, (s4 + 2) % 4, s4 % 2)
            return carry
        lax.fori_loop(0, m, _quad, 0)

        for c in range(2 + 4 * m, nch):
            s4 = c % 4
            _proc(c, s4, last=(c + 2 >= nch))
            if c + 2 <= nch - 1:
                _issue_gw(c + 2, (c + 2) % 4, (c + 2) % 2)
        _wait_sc((nch - 2) % 4, (nch - 2) % 2)
        _wait_sc((nch - 1) % 4, (nch - 1) % 2)

        plsc.subcore_barrier()

        @pl.when(sid == NS - 1)
        def _():
            pltpu.sync_copy(agg_sh.at[pl.ds(zbase, 640)],
                            out_hbm.at[cid, pl.ds(zbase, 640)])

        @pl.when(sid != NS - 1)
        def _():
            pltpu.sync_copy(agg_sh.at[pl.ds(zbase, NPT)],
                            out_hbm.at[cid, pl.ds(zbase, NPT)])

    return _sc_body


def _sc_aggregate(h, wf, src, dst):
    epw = src.shape[0] // NW
    mesh = plsc.VectorSubcoreMesh(core_axis_name="c", subcore_axis_name="s",
                                  num_cores=NC, num_subcores=NS)
    fn = pl.kernel(
        _make_sc_body(epw),
        out_type=jax.ShapeDtypeStruct((NC, N, NF), jnp.float32),
        mesh=mesh,
        scratch_types=[
            pltpu.VMEM((4, 2, K), jnp.int32),
            pltpu.VMEM((2, K, NF), jnp.float32),
            pltpu.VMEM((2, K, NF), jnp.float32),
            pltpu.VMEM((2, K, NF), jnp.float32),
            pltpu.VMEM_SHARED((N, NF), jnp.float32),
            pltpu.SemaphoreType.DMA,
            pltpu.SemaphoreType.DMA,
            pltpu.SemaphoreType.DMA,
            pltpu.SemaphoreType.DMA,
            pltpu.SemaphoreType.DMA,
            pltpu.SemaphoreType.DMA,
            pltpu.SemaphoreType.DMA,
            pltpu.SemaphoreType.DMA,
            pltpu.SemaphoreType.DMA,
            pltpu.SemaphoreType.DMA,
        ],
    )
    return fn(h, wf, src, dst)


def _tail_body(a0_ref, a1_ref, x_ref, w2_ref,
               b2_ref, w_ref, b_ref, out_ref):
    a = a0_ref[...] + a1_ref[...]
    t = jnp.dot(a, w2_ref[...], preferred_element_type=jnp.float32) + b2_ref[...]
    t = jnp.maximum(t, 0.0)
    out_ref[...] = x_ref[...] + jnp.dot(t, w_ref[...],
                                        preferred_element_type=jnp.float32) + b_ref[...]


def _tc_tail(aggs, x, lin2_w, lin2_b, lin_w, lin_b):
    BN = 2000
    grid = (N // BN,)
    agg_spec = pl.BlockSpec((BN, NF), lambda i: (i, 0))
    return pl.pallas_call(
        _tail_body,
        grid=grid,
        in_specs=[
            agg_spec, agg_spec,
            pl.BlockSpec((BN, D), lambda i: (i, 0)),
            pl.BlockSpec((NF, D), lambda i: (0, 0)),
            pl.BlockSpec((1, D), lambda i: (0, 0)),
            pl.BlockSpec((D, D), lambda i: (0, 0)),
            pl.BlockSpec((1, D), lambda i: (0, 0)),
        ],
        out_specs=pl.BlockSpec((BN, D), lambda i: (i, 0)),
        out_shape=jax.ShapeDtypeStruct((N, D), jnp.float32),
    )(*aggs, x, lin2_w, lin2_b, lin_w, lin_b)


def kernel(x, conf_node_batch, edge_index_conf, edge_weight_conf, edge_attr_conf,
           edge_index_graph, edge_attr_graph,
           mlp_w1, mlp_b1, mlp_w2, mlp_b2, lin1_w, lin2_w, lin2_b, lin_w, lin_b):
    c = _tc_cutoff(edge_weight_conf)
    h = _tc_lin1(x, lin1_w)
    src = edge_index_conf[0]
    dst = edge_index_conf[1]
    b1r = mlp_b1.reshape(1, NF)
    b2r = mlp_b2.reshape(1, NF)
    wf = _tc_filter(edge_attr_conf, c, mlp_w1, b1r, mlp_w2, b2r)
    p = _sc_aggregate(h, wf, src, dst)
    out = _tc_tail((p[0], p[1]), x, lin2_w,
                   lin2_b.reshape(1, D), lin_w, lin_b.reshape(1, D))
    return out

# --- scband reference (transcript-rebuilt; emitter-appended) ---
"""Pipeline reference for scband-dssconf-22230750724541 (READ-ONLY COPY).

The authoritative reference and input builder live on the scoring server;
editing this copy changes nothing except your own understanding.
"""

import jax, jax.numpy as jnp
import numpy as np

N = 10000
E = 320000
D = 128
G = 16
NF = 128
CUTOFF = 10.0
EG = 1000
NGRAPHS = 2000


def setup_inputs(seed: int = 0) -> dict:
    key = jax.random.key(seed)
    ks = jax.random.split(key, 20)
    inp = {}
    inp['x'] = jax.random.normal(ks[0], (N, D), dtype=jnp.float32)
    inp['conf_node_batch'] = jnp.sort(jax.random.randint(ks[1], (N,), 0, NGRAPHS, dtype=jnp.int32))
    inp['edge_index_conf'] = jax.random.randint(ks[2], (2, E), 0, N, dtype=jnp.int32)
    inp['edge_weight_conf'] = jax.random.uniform(ks[3], (E,), dtype=jnp.float32)
    inp['edge_attr_conf'] = jax.random.normal(ks[4], (E, G), dtype=jnp.float32)
    inp['edge_index_graph'] = jax.random.randint(ks[5], (2, EG), 0, NGRAPHS, dtype=jnp.int32)
    inp['edge_attr_graph'] = jax.random.randint(ks[6], (EG, 3), 0, 2, dtype=jnp.int32)
    # learned parameters (use_conf branch): CFConv filter MLP, lin1/lin2, outer lin
    s1 = 1.0 / np.sqrt(G)
    s2 = 1.0 / np.sqrt(NF)
    sd = 1.0 / np.sqrt(D)
    inp['mlp_w1'] = jax.random.uniform(ks[7], (G, NF), dtype=jnp.float32, minval=-s1, maxval=s1)
    inp['mlp_b1'] = jax.random.uniform(ks[8], (NF,), dtype=jnp.float32, minval=-s1, maxval=s1)
    inp['mlp_w2'] = jax.random.uniform(ks[9], (NF, NF), dtype=jnp.float32, minval=-s2, maxval=s2)
    inp['mlp_b2'] = jax.random.uniform(ks[10], (NF,), dtype=jnp.float32, minval=-s2, maxval=s2)
    inp['lin1_w'] = jax.random.uniform(ks[11], (D, NF), dtype=jnp.float32, minval=-sd, maxval=sd)  # no bias
    inp['lin2_w'] = jax.random.uniform(ks[12], (NF, D), dtype=jnp.float32, minval=-s2, maxval=s2)
    inp['lin2_b'] = jax.random.uniform(ks[13], (D,), dtype=jnp.float32, minval=-s2, maxval=s2)
    inp['lin_w'] = jax.random.uniform(ks[14], (D, D), dtype=jnp.float32, minval=-sd, maxval=sd)
    inp['lin_b'] = jax.random.uniform(ks[15], (D,), dtype=jnp.float32, minval=-sd, maxval=sd)
    return inp


def reference(x, conf_node_batch, edge_index_conf, edge_weight_conf, edge_attr_conf,
              edge_index_graph, edge_attr_graph,
              mlp_w1, mlp_b1, mlp_w2, mlp_b2, lin1_w, lin2_w, lin2_b, lin_w, lin_b):
    # DSSConf with use_conf=True, use_graph=False, residual=True
    out = x  # residual
    # schnet.CFConv forward
    src = edge_index_conf[0]
    dst = edge_index_conf[1]
    C = 0.5 * (jnp.cos(edge_weight_conf * jnp.pi / CUTOFF) + 1.0)
    Wf = jnp.maximum(edge_attr_conf @ mlp_w1 + mlp_b1, 0.0) @ mlp_w2 + mlp_b2
    Wf = Wf * C[:, None]
    h = x @ lin1_w
    msg = jnp.take(h, src, axis=0) * Wf  # gather x_j, edge-wise filter
    agg = jnp.zeros((x.shape[0], Wf.shape[1]), dtype=x.dtype).at[dst].add(msg)  # scatter-add aggr
    h = agg @ lin2_w + lin2_b
    # F.relu(h); self.lin(h)
    h = jnp.maximum(h, 0.0)
    h = h @ lin_w + lin_b
    out = out + h
    return out

if __name__ == "__main__":
    import jax
    _d = setup_inputs()
    print(jax.jit(kernel)(*tuple(_d.values())))

</pallas_src>

<mosaic_0001>
#map = affine_map<(d0, d1) -> (0, 0)>
#map1 = affine_map<(d0, d1) -> (0)>
#map2 = affine_map<(d0, d1) -> (0, 0, 0)>
module attributes {stable_mosaic.version = 14 : i64} {
  func.func @_sc_body(%arg0: i32, %arg1: i32, %arg2: memref<10000x128xf32, #tpu.memory_space<hbm>>, %arg3: memref<320000x128xf32, #tpu.memory_space<hbm>>, %arg4: memref<320000xi32, #tpu.memory_space<hbm>>, %arg5: memref<320000xi32, #tpu.memory_space<hbm>>, %arg6: memref<2x10000x128xf32, #tpu.memory_space<hbm>>, %arg7: memref<4x2x40xi32, #tpu.memory_space<vmem>>, %arg8: memref<2x40x128xf32, #tpu.memory_space<vmem>>, %arg9: memref<2x40x128xf32, #tpu.memory_space<vmem>>, %arg10: memref<2x40x128xf32, #tpu.memory_space<vmem>>, %arg11: memref<10000x128xf32, #tpu.memory_space<vmem_shared>>, %arg12: memref<!tpu.dma_semaphore, #tpu.memory_space<semaphore_mem>>, %arg13: memref<!tpu.dma_semaphore, #tpu.memory_space<semaphore_mem>>, %arg14: memref<!tpu.dma_semaphore, #tpu.memory_space<semaphore_mem>>, %arg15: memref<!tpu.dma_semaphore, #tpu.memory_space<semaphore_mem>>, %arg16: memref<!tpu.dma_semaphore, #tpu.memory_space<semaphore_mem>>, %arg17: memref<!tpu.dma_semaphore, #tpu.memory_space<semaphore_mem>>, %arg18: memref<!tpu.dma_semaphore, #tpu.memory_space<semaphore_mem>>, %arg19: memref<!tpu.dma_semaphore, #tpu.memory_space<semaphore_mem>>, %arg20: memref<!tpu.dma_semaphore, #tpu.memory_space<semaphore_mem>>, %arg21: memref<!tpu.dma_semaphore, #tpu.memory_space<semaphore_mem>>) attributes {dimension_semantics = [#tpu.dimension_semantics<core_parallel>, #tpu.dimension_semantics<subcore_parallel>], iteration_bounds = array<i64: 2, 16>, scalar_prefetch = 0 : i64, scratch_operands = 15 : i64, tpu.core_type = #tpu.core_type<sc_vector_subcore>, window_params = [{transform_indices = #map}, {transform_indices = #map}, {transform_indices = #map1}, {transform_indices = #map1}, {transform_indices = #map2}]} {
    %mul3A = arith.constant 2 : i32
    %mul3A_0 = arith.muli %arg1, %mul3A : i32
    %add3A = arith.addi %mul3A_0, %arg0 : i32
    %scan3A = arith.constant 0 : i32
    %scan3A_1 = arith.constant 0 : i32
    %scan3A_2 = arith.constant 40 : i32
    %scan3A_3 = arith.addi %scan3A_1, %scan3A_2 : i32
    %scan3A_4 = arith.constant 1 : i32
    scf.for %scan3A_805 = %scan3A_1 to %scan3A_3 step %scan3A_4  : i32 {
      %broadcast_in_dim3A = arith.constant 0.000000e+00 : f32
      %broadcast_in_dim3A_806 = vector.broadcast %broadcast_in_dim3A : f32 to vector<16xf32>
      %swap3A = arith.constant 0 : i32
      %swap3A_807 = arith.index_cast %swap3A : i32 to index
      %swap3A_808 = arith.index_cast %scan3A_805 : i32 to index
      %swap3A_809 = arith.constant 0 : index
      %swap3A_810 = tpu.vector_load %arg10[%swap3A_807, %swap3A_808, %swap3A_809] {strides = array<i32>} : memref<2x40x128xf32, #tpu.memory_space<vmem>>, vector<1x1x16xf32>,
      %swap3A_811 = vector.shape_cast %swap3A_810 : vector<1x1x16xf32> to vector<16xf32>
      %swap3A_812 = vector.shape_cast %broadcast_in_dim3A_806 : vector<16xf32> to vector<1x1x16xf32>
      tpu.vector_store %arg10[%swap3A_807, %swap3A_808, %swap3A_809], %swap3A_812 {strides = array<i32>} : memref<2x40x128xf32, #tpu.memory_space<vmem>>, vector<1x1x16xf32>,
      %broadcast_in_dim3A_813 = arith.constant 0.000000e+00 : f32
      %broadcast_in_dim3A_814 = vector.broadcast %broadcast_in_dim3A_813 : f32 to vector<16xf32>
      %swap3A_815 = arith.constant 0 : i32
      %swap3A_816 = arith.index_cast %swap3A_815 : i32 to index
      %swap3A_817 = arith.index_cast %scan3A_805 : i32 to index
      %swap3A_818 = arith.constant 16 : index
      %swap3A_819 = tpu.vector_load %arg10[%swap3A_816, %swap3A_817, %swap3A_818] {strides = array<i32>} : memref<2x40x128xf32, #tpu.memory_space<vmem>>, vector<1x1x16xf32>,
      %swap3A_820 = vector.shape_cast %swap3A_819 : vector<1x1x16xf32> to vector<16xf32>
      %swap3A_821 = vector.shape_cast %broadcast_in_dim3A_814 : vector<16xf32> to vector<1x1x16xf32>
      tpu.vector_store %arg10[%swap3A_816, %swap3A_817, %swap3A_818], %swap3A_821 {strides = array<i32>} : memref<2x40x128xf32, #tpu.memory_space<vmem>>, vector<1x1x16xf32>,
      %broadcast_in_dim3A_822 = arith.constant 0.000000e+00 : f32
      %broadcast_in_dim3A_823 = vector.broadcast %broadcast_in_dim3A_822 : f32 to vector<16xf32>
      %swap3A_824 = arith.constant 0 : i32
      %swap3A_825 = arith.index_cast %swap3A_824 : i32 to index
      %swap3A_826 = arith.index_cast %scan3A_805 : i32 to index
      %swap3A_827 = arith.constant 32 : index
      %swap3A_828 = tpu.vector_load %arg10[%swap3A_825, %swap3A_826, %swap3A_827] {strides = array<i32>} : memref<2x40x128xf32, #tpu.memory_space<vmem>>, vector<1x1x16xf32>,
      %swap3A_829 = vector.shape_cast %swap3A_828 : vector<1x1x16xf32> to vector<16xf32>
      %swap3A_830 = vector.shape_cast %broadcast_in_dim3A_823 : vector<16xf32> to vector<1x1x16xf32>
      tpu.vector_store %arg10[%swap3A_825, %swap3A_826, %swap3A_827], %swap3A_830 {strides = array<i32>} : memref<2x40x128xf32, #tpu.memory_space<vmem>>, vector<1x1x16xf32>,
      %broadcast_in_dim3A_831 = arith.constant 0.000000e+00 : f32
      %broadcast_in_dim3A_832 = vector.broadcast %broadcast_in_dim3A_831 : f32 to vector<16xf32>
      %swap3A_833 = arith.constant 0 : i32
      %swap3A_834 = arith.index_cast %swap3A_833 : i32 to index
      %swap3A_835 = arith.index_cast %scan3A_805 : i32 to index
      %swap3A_836 = arith.constant 48 : index
      %swap3A_837 = tpu.vector_load %arg10[%swap3A_834, %swap3A_835, %swap3A_836] {strides = array<i32>} : memref<2x40x128xf32, #tpu.memory_space<vmem>>, vector<1x1x16xf32>,
      %swap3A_838 = vector.shape_cast %swap3A_837 : vector<1x1x16xf32> to vector<16xf32>
      %swap3A_839 = vector.shape_cast %broadcast_in_dim3A_832 : vector<16xf32> to vector<1x1x16xf32>
      tpu.vector_store %arg10[%swap3A_834, %swap3A_835, %swap3A_836], %swap3A_839 {strides = array<i32>} : memref<2x40x128xf32, #tpu.memory_space<vmem>>, vector<1x1x16xf32>,
      %broadcast_in_dim3A_840 = arith.constant 0.000000e+00 : f32
      %broadcast_in_dim3A_841 = vector.broadcast %broadcast_in_dim3A_840 : f32 to vector<16xf32>
      %swap3A_842 = arith.constant 0 : i32
      %swap3A_843 = arith.index_cast %swap3A_842 : i32 to index
      %swap3A_844 = arith.index_cast %scan3A_805 : i32 to index
      %swap3A_845 = arith.constant 64 : index
      %swap3A_846 = tpu.vector_load %arg10[%swap3A_843, %swap3A_844, %swap3A_845] {strides = array<i32>} : memref<2x40x128xf32, #tpu.memory_space<vmem>>, vector<1x1x16xf32>,
      %swap3A_847 = vector.shape_cast %swap3A_846 : vector<1x1x16xf32> to vector<16xf32>
      %swap3A_848 = vector.shape_cast %broadcast_in_dim3A_841 : vector<16xf32> to vector<1x1x16xf32>
      tpu.vector_store %arg10[%swap3A_843, %swap3A_844, %swap3A_845], %swap3A_848 {strides = array<i32>} : memref<2x40x128xf32, #tpu.memory_space<vmem>>, vector<1x1x16xf32>,
      %broadcast_in_dim3A_849 = arith.constant 0.000000e+00 : f32
      %broadcast_in_dim3A_850 = vector.broadcast %broadcast_in_dim3A_849 : f32 to vector<16xf32>
      %swap3A_851 = arith.constant 0 : i32
      %swap3A_852 = arith.index_cast %swap3A_851 : i32 to index
      %swap3A_853 = arith.index_cast %scan3A_805 : i32 to index
      %swap3A_854 = arith.constant 80 : index
      %swap3A_855 = tpu.vector_load %arg10[%swap3A_852, %swap3A_853, %swap3A_854] {strides = array<i32>} : memref<2x40x128xf32, #tpu.memory_space<vmem>>, vector<1x1x16xf32>,
      %swap3A_856 = vector.shape_cast %swap3A_855 : vector<1x1x16xf32> to vector<16xf32>
      %swap3A_857 = vector.shape_cast %broadcast_in_dim3A_850 : vector<16xf32> to vector<1x1x16xf32>
      tpu.vector_store %arg10[%swap3A_852, %swap3A_853, %swap3A_854], %swap3A_857 {strides = array<i32>} : memref<2x40x128xf32, #tpu.memory_space<vmem>>, vector<1x1x16xf32>,
      %broadcast_in_dim3A_858 = arith.constant 0.000000e+00 : f32
      %broadcast_in_dim3A_859 = vector.broadcast %broadcast_in_dim3A_858 : f32 to vector<16xf32>
      %swap3A_860 = arith.constant 0 : i32
      %swap3A_861 = arith.index_cast %swap3A_860 : i32 to index
      %swap3A_862 = arith.index_cast %scan3A_805 : i32 to index
      %swap3A_863 = arith.constant 96 : index
      %swap3A_864 = tpu.vector_load %arg10[%swap3A_861, %swap3A_862, %swap3A_863] {strides = array<i32>} : memref<2x40x128xf32, #tpu.memory_space<vmem>>, vector<1x1x16xf32>,
      %swap3A_865 = vector.shape_cast %swap3A_864 : vector<1x1x16xf32> to vector<16xf32>
      %swap3A_866 = vector.shape_cast %broadcast_in_dim3A_859 : vector<16xf32> to vector<1x1x16xf32>
      tpu.vector_store %arg10[%swap3A_861, %swap3A_862, %swap3A_863], %swap3A_866 {strides = array<i32>} : memref<2x40x128xf32, #tpu.memory_space<vmem>>, vector<1x1x16xf32>,
      %broadcast_in_dim3A_867 = arith.constant 0.000000e+00 : f32
      %broadcast_in_dim3A_868 = vector.broadcast %broadcast_in_dim3A_867 : f32 to vector<16xf32>
      %swap3A_869 = arith.constant 0 : i32
      %swap3A_870 = arith.index_cast %swap3A_869 : i32 to index
      %swap3A_871 = arith.index_cast %scan3A_805 : i32 to index
      %swap3A_872 = arith.constant 112 : index
      %swap3A_873 = tpu.vector_load %arg10[%swap3A_870, %swap3A_871, %swap3A_872] {strides = array<i32>} : memref<2x40x128xf32, #tpu.memory_space<vmem>>, vector<1x1x16xf32>,
      %swap3A_874 = vector.shape_cast %swap3A_873 : vector<1x1x16xf32> to vector<16xf32>
      %swap3A_875 = vector.shape_cast %broadcast_in_dim3A_868 : vector<16xf32> to vector<1x1x16xf32>
      tpu.vector_store %arg10[%swap3A_870, %swap3A_871, %swap3A_872], %swap3A_875 {strides = array<i32>} : memref<2x40x128xf32, #tpu.memory_space<vmem>>, vector<1x1x16xf32>,
    }
    %scan3A_5 = arith.constant 40 : i32
    %mul3A_6 = arith.constant 624 : i32
    %mul3A_7 = arith.muli %arg1, %mul3A_6 : i32
    %scan3A_8 = arith.constant 0 : i32
    %scan3A_9 = arith.constant 0 : i32
    %scan3A_10 = arith.constant 15 : i32
    %scan3A_11 = arith.addi %scan3A_9, %scan3A_10 : i32
    %scan3A_12 = arith.constant 1 : i32
    scf.for %scan3A_805 = %scan3A_9 to %scan3A_11 step %scan3A_12  : i32 {
      %mul3A_806 = arith.constant 40 : i32
      %mul3A_807 = arith.muli %scan3A_805, %mul3A_806 : i32
      %add3A_808 = arith.addi %mul3A_7, %mul3A_807 : i32
      %run_scoped3A = arith.constant 0 : i32
      "tpu.region"() ({
        %run_scoped3A_809 = tpu.sem_alloc : memref<!tpu.dma_semaphore, #tpu.memory_space<semaphore_mem>>
        %dma_start3A_810 = arith.constant 0 : i32
        %dma_start3A_811 = arith.constant 0 : i32
        %dma_start3A_812 = tpu.memref_slice %arg10[%run_scoped3A, %dma_start3A_810, %dma_start3A_811] : memref<2x40x128xf32, #tpu.memory_space<vmem>> -> memref<1x40x128xf32, #tpu.memory_space<vmem>>
        %dma_start3A_813 = tpu.memref_squeeze %dma_start3A_812 : memref<1x40x128xf32, #tpu.memory_space<vmem>> -> memref<40x128xf32, #tpu.memory_space<vmem>>
        %dma_start3A_814 = arith.constant 0 : i32
        %dma_start3A_815 = tpu.memref_slice %arg11[%add3A_808, %dma_start3A_814] : memref<10000x128xf32, #tpu.memory_space<vmem_shared>> -> memref<40x128xf32, #tpu.memory_space<vmem_shared>>
        %dma_start3A_816 = arith.constant 0 : i32
        %dma_start3A_817 = tpu.memref_slice %arg11[%add3A_808, %dma_start3A_816] : memref<10000x128xf32, #tpu.memory_space<vmem_shared>> -> memref<40x128xf32, #tpu.memory_space<vmem_shared>>
        %dma_start3A_818 = arith.constant 0 : i32
        %dma_start3A_819 = arith.constant 0 : i32
        %dma_start3A_820 = tpu.memref_slice %arg10[%run_scoped3A, %dma_start3A_818, %dma_start3A_819] : memref<2x40x128xf32, #tpu.memory_space<vmem>> -> memref<1x40x128xf32, #tpu.memory_space<vmem>>
        %dma_start3A_821 = tpu.memref_squeeze %dma_start3A_820 : memref<1x40x128xf32, #tpu.memory_space<vmem>> -> memref<40x128xf32, #tpu.memory_space<vmem>>
        tpu.enqueue_dma source(%dma_start3A_821 : memref<40x128xf32, #tpu.memory_space<vmem>>) target(%dma_start3A_817 : memref<40x128xf32, #tpu.memory_space<vmem_shared>>) target_semaphore(%run_scoped3A_809 : memref<!tpu.dma_semaphore, #tpu.memory_space<semaphore_mem>>)
        %dma_wait3A_822 = arith.constant 0 : i32
        %dma_wait3A_823 = arith.constant 0 : i32
        %dma_wait3A_824 = tpu.memref_slice %arg10[%run_scoped3A, %dma_wait3A_822, %dma_wait3A_823] : memref<2x40x128xf32, #tpu.memory_space<vmem>> -> memref<1x40x128xf32, #tpu.memory_space<vmem>>
        %dma_wait3A_825 = tpu.memref_squeeze %dma_wait3A_824 : memref<1x40x128xf32, #tpu.memory_space<vmem>> -> memref<40x128xf32, #tpu.memory_space<vmem>>
        %dma_wait3A_826 = arith.constant 0 : i32
        %dma_wait3A_827 = tpu.memref_slice %arg11[%add3A_808, %dma_wait3A_826] : memref<10000x128xf32, #tpu.memory_space<vmem_shared>> -> memref<40x128xf32, #tpu.memory_space<vmem_shared>>
        %dma_wait3A_828 = arith.constant 0 : i32
        %dma_wait3A_829 = tpu.memref_slice %arg11[%add3A_808, %dma_wait3A_828] : memref<10000x128xf32, #tpu.memory_space<vmem_shared>> -> memref<40x128xf32, #tpu.memory_space<vmem_shared>>
        %dma_wait3A_830 = arith.constant 0 : i32
        %dma_wait3A_831 = arith.constant 0 : i32
        %dma_wait3A_832 = tpu.memref_slice %arg10[%run_scoped3A, %dma_wait3A_830, %dma_wait3A_831] : memref<2x40x128xf32, #tpu.memory_space<vmem>> -> memref<1x40x128xf32, #tpu.memory_space<vmem>>
        %dma_wait3A_833 = tpu.memref_squeeze %dma_wait3A_832 : memref<1x40x128xf32, #tpu.memory_space<vmem>> -> memref<40x128xf32, #tpu.memory_space<vmem>>
        tpu.wait_dma2 semaphore(%run_scoped3A_809 : memref<!tpu.dma_semaphore, #tpu.memory_space<semaphore_mem>>) src(%dma_wait3A_833 : memref<40x128xf32, #tpu.memory_space<vmem>>) dst(%dma_wait3A_829 : memref<40x128xf32, #tpu.memory_space<vmem_shared>>)
        tpu.yield
      }) : () -> ()
    }
    %scan3A_13 = arith.constant 15 : i32
    %eq3A = arith.constant 15 : i32
    %eq3A_14 = arith.cmpi eq, %arg1, %eq3A : i32
    %convert_element_type3A = arith.extui %eq3A_14 : i1 to i32
    %cond3A = arith.constant 0 : i32
    %cond3A_15 = arith.cmpi ne, %convert_element_type3A, %cond3A : i32
    scf.if %cond3A_15 {
      %add3A_805 = arith.constant 600 : i32
      %add3A_806 = arith.addi %mul3A_7, %add3A_805 : i32
      %add3A_807 = arith.constant 0 : i32
      %add3A_808 = arith.addi %add3A_806, %add3A_807 : i32
      %run_scoped3A = arith.constant 0 : i32
      "tpu.region"() ({
        %run_scoped3A_809 = tpu.sem_alloc : memref<!tpu.dma_semaphore, #tpu.memory_space<semaphore_mem>>
        %dma_start3A_810 = arith.constant 0 : i32
        %dma_start3A_811 = arith.constant 0 : i32
        %dma_start3A_812 = tpu.memref_slice %arg10[%run_scoped3A, %dma_start3A_810, %dma_start3A_811] : memref<2x40x128xf32, #tpu.memory_space<vmem>> -> memref<1x40x128xf32, #tpu.memory_space<vmem>>
        %dma_start3A_813 = tpu.memref_squeeze %dma_start3A_812 : memref<1x40x128xf32, #tpu.memory_space<vmem>> -> memref<40x128xf32, #tpu.memory_space<vmem>>
        %dma_start3A_814 = arith.constant 0 : i32
        %dma_start3A_815 = tpu.memref_slice %arg11[%add3A_808, %dma_start3A_814] : memref<10000x128xf32, #tpu.memory_space<vmem_shared>> -> memref<40x128xf32, #tpu.memory_space<vmem_shared>>
        %dma_start3A_816 = arith.constant 0 : i32
        %dma_start3A_817 = tpu.memref_slice %arg11[%add3A_808, %dma_start3A_816] : memref<10000x128xf32, #tpu.memory_space<vmem_shared>> -> memref<40x128xf32, #tpu.memory_space<vmem_shared>>
        %dma_start3A_818 = arith.constant 0 : i32
        %dma_start3A_819 = arith.constant 0 : i32
        %dma_start3A_820 = tpu.memref_slice %arg10[%run_scoped3A, %dma_start3A_818, %dma_start3A_819] : memref<2x40x128xf32, #tpu.memory_space<vmem>> -> memref<1x40x128xf32, #tpu.memory_space<vmem>>
        %dma_start3A_821 = tpu.memref_squeeze %dma_start3A_820 : memref<1x40x128xf32, #tpu.memory_space<vmem>> -> memref<40x128xf32, #tpu.memory_space<vmem>>
        tpu.enqueue_dma source(%dma_start3A_821 : memref<40x128xf32, #tpu.memory_space<vmem>>) target(%dma_start3A_817 : memref<40x128xf32, #tpu.memory_space<vmem_shared>>) target_semaphore(%run_scoped3A_809 : memref<!tpu.dma_semaphore, #tpu.memory_space<semaphore_mem>>)
        %dma_wait3A_822 = arith.constant 0 : i32
        %dma_wait3A_823 = arith.constant 0 : i32
        %dma_wait3A_824 = tpu.memref_slice %arg10[%run_scoped3A, %dma_wait3A_822, %dma_wait3A_823] : memref<2x40x128xf32, #tpu.memory_space<vmem>> -> memref<1x40x128xf32, #tpu.memory_space<vmem>>
        %dma_wait3A_825 = tpu.memref_squeeze %dma_wait3A_824 : memref<1x40x128xf32, #tpu.memory_space<vmem>> -> memref<40x128xf32, #tpu.memory_space<vmem>>
        %dma_wait3A_826 = arith.constant 0 : i32
        %dma_wait3A_827 = tpu.memref_slice %arg11[%add3A_808, %dma_wait3A_826] : memref<10000x128xf32, #tpu.memory_space<vmem_shared>> -> memref<40x128xf32, #tpu.memory_space<vmem_shared>>
        %dma_wait3A_828 = arith.constant 0 : i32
        %dma_wait3A_829 = tpu.memref_slice %arg11[%add3A_808, %dma_wait3A_828] : memref<10000x128xf32, #tpu.memory_space<vmem_shared>> -> memref<40x128xf32, #tpu.memory_space<vmem_shared>>
        %dma_wait3A_830 = arith.constant 0 : i32
        %dma_wait3A_831 = arith.constant 0 : i32
        %dma_wait3A_832 = tpu.memref_slice %arg10[%run_scoped3A, %dma_wait3A_830, %dma_wait3A_831] : memref<2x40x128xf32, #tpu.memory_space<vmem>> -> memref<1x40x128xf32, #tpu.memory_space<vmem>>
        %dma_wait3A_833 = tpu.memref_squeeze %dma_wait3A_832 : memref<1x40x128xf32, #tpu.memory_space<vmem>> -> memref<40x128xf32, #tpu.memory_space<vmem>>
        tpu.wait_dma2 semaphore(%run_scoped3A_809 : memref<!tpu.dma_semaphore, #tpu.memory_space<semaphore_mem>>) src(%dma_wait3A_833 : memref<40x128xf32, #tpu.memory_space<vmem>>) dst(%dma_wait3A_829 : memref<40x128xf32, #tpu.memory_space<vmem_shared>>)
        tpu.yield
      }) : () -> ()
    } else {
    }
    %ne3A = arith.constant 15 : i32
    %ne3A_16 = arith.cmpi ne, %arg1, %ne3A : i32
    %convert_element_type3A_17 = arith.extui %ne3A_16 : i1 to i32
    %cond3A_18 = arith.constant 0 : i32
    %cond3A_19 = arith.cmpi ne, %convert_element_type3A_17, %cond3A_18 : i32
    scf.if %cond3A_19 {
      %add3A_805 = arith.constant 600 : i32
      %add3A_806 = arith.addi %mul3A_7, %add3A_805 : i32
      %run_scoped3A = arith.constant 0 : i32
      "tpu.region"() ({
        %run_scoped3A_807 = tpu.sem_alloc : memref<!tpu.dma_semaphore, #tpu.memory_space<semaphore_mem>>
        %dma_start3A_808 = arith.constant 0 : i32
        %dma_start3A_809 = arith.constant 0 : i32
        %dma_start3A_810 = tpu.memref_slice %arg10[%run_scoped3A, %dma_start3A_808, %dma_start3A_809] : memref<2x40x128xf32, #tpu.memory_space<vmem>> -> memref<1x24x128xf32, #tpu.memory_space<vmem>>
        %dma_start3A_811 = tpu.memref_squeeze %dma_start3A_810 : memref<1x24x128xf32, #tpu.memory_space<vmem>> -> memref<24x128xf32, #tpu.memory_space<vmem>>
        %dma_start3A_812 = arith.constant 0 : i32
        %dma_start3A_813 = tpu.memref_slice %arg11[%add3A_806, %dma_start3A_812] : memref<10000x128xf32, #tpu.memory_space<vmem_shared>> -> memref<24x128xf32, #tpu.memory_space<vmem_shared>>
        %dma_start3A_814 = arith.constant 0 : i32
        %dma_start3A_815 = tpu.memref_slice %arg11[%add3A_806, %dma_start3A_814] : memref<10000x128xf32, #tpu.memory_space<vmem_shared>> -> memref<24x128xf32, #tpu.memory_space<vmem_shared>>
        %dma_start3A_816 = arith.constant 0 : i32
        %dma_start3A_817 = arith.constant 0 : i32
        %dma_start3A_818 = tpu.memref_slice %arg10[%run_scoped3A, %dma_start3A_816, %dma_start3A_817] : memref<2x40x128xf32, #tpu.memory_space<vmem>> -> memref<1x24x128xf32, #tpu.memory_space<vmem>>
        %dma_start3A_819 = tpu.memref_squeeze %dma_start3A_818 : memref<1x24x128xf32, #tpu.memory_space<vmem>> -> memref<24x128xf32, #tpu.memory_space<vmem>>
        tpu.enqueue_dma source(%dma_start3A_819 : memref<24x128xf32, #tpu.memory_space<vmem>>) target(%dma_start3A_815 : memref<24x128xf32, #tpu.memory_space<vmem_shared>>) target_semaphore(%run_scoped3A_807 : memref<!tpu.dma_semaphore, #tpu.memory_space<semaphore_mem>>)
        %dma_wait3A_820 = arith.constant 0 : i32
        %dma_wait3A_821 = arith.constant 0 : i32
        %dma_wait3A_822 = tpu.memref_slice %arg10[%run_scoped3A, %dma_wait3A_820, %dma_wait3A_821] : memref<2x40x128xf32, #tpu.memory_space<vmem>> -> memref<1x24x128xf32, #tpu.memory_space<vmem>>
        %dma_wait3A_823 = tpu.memref_squeeze %dma_wait3A_822 : memref<1x24x128xf32, #tpu.memory_space<vmem>> -> memref<24x128xf32, #tpu.memory_space<vmem>>
        %dma_wait3A_824 = arith.constant 0 : i32
        %dma_wait3A_825 = tpu.memref_slice %arg11[%add3A_806, %dma_wait3A_824] : memref<10000x128xf32, #tpu.memory_space<vmem_shared>> -> memref<24x128xf32, #tpu.memory_space<vmem_shared>>
        %dma_wait3A_826 = arith.constant 0 : i32
        %dma_wait3A_827 = tpu.memref_slice %arg11[%add3A_806, %dma_wait3A_826] : memref<10000x128xf32, #tpu.memory_space<vmem_shared>> -> memref<24x128xf32, #tpu.memory_space<vmem_shared>>
        %dma_wait3A_828 = arith.constant 0 : i32
        %dma_wait3A_829 = arith.constant 0 : i32
        %dma_wait3A_830 = tpu.memref_slice %arg10[%run_scoped3A, %dma_wait3A_828, %dma_wait3A_829] : memref<2x40x128xf32, #tpu.memory_space<vmem>> -> memref<1x24x128xf32, #tpu.memory_space<vmem>>
        %dma_wait3A_831 = tpu.memref_squeeze %dma_wait3A_830 : memref<1x24x128xf32, #tpu.memory_space<vmem>> -> memref<24x128xf32, #tpu.memory_space<vmem>>
        tpu.wait_dma2 semaphore(%run_scoped3A_807 : memref<!tpu.dma_semaphore, #tpu.memory_space<semaphore_mem>>) src(%dma_wait3A_831 : memref<24x128xf32, #tpu.memory_space<vmem>>) dst(%dma_wait3A_827 : memref<24x128xf32, #tpu.memory_space<vmem_shared>>)
        tpu.yield
      }) : () -> ()
    } else {
    }
    %barrier3A = arith.constant 0 : index
    tpu.barrier barrier_id(%barrier3A)
    %mul3A_20 = arith.constant 10000 : i32
    %mul3A_21 = arith.muli %add3A, %mul3A_20 : i32
    %add3A_22 = arith.constant 0 : i32
    %add3A_23 = arith.addi %mul3A_21, %add3A_22 : i32
    %dma_start3A = arith.constant 0 : i32
    %dma_start3A_24 = arith.constant 0 : i32
    %dma_start3A_25 = arith.constant 0 : i32
    %dma_start3A_26 = tpu.memref_slice %arg7[%dma_start3A, %dma_start3A_24, %dma_start3A_25] : memref<4x2x40xi32, #tpu.memory_space<vmem>> -> memref<1x1x40xi32, #tpu.memory_space<vmem>>
    %dma_start3A_27 = tpu.memref_squeeze %dma_start3A_26 : memref<1x1x40xi32, #tpu.memory_space<vmem>> -> memref<40xi32, #tpu.memory_space<vmem>>
    %dma_start3A_28 = tpu.memref_slice %arg4[%add3A_23] : memref<320000xi32, #tpu.memory_space<hbm>> -> memref<40xi32, #tpu.memory_space<hbm>>
    %dma_start3A_29 = arith.constant 0 : i32
    %dma_start3A_30 = tpu.memref_slice %arg7[%dma_start3A, %dma_start3A_24, %dma_start3A_29] : memref<4x2x40xi32, #tpu.memory_space<vmem>> -> memref<1x1x40xi32, #tpu.memory_space<vmem>>
    %dma_start3A_31 = tpu.memref_squeeze %dma_start3A_30 : memref<1x1x40xi32, #tpu.memory_space<vmem>> -> memref<40xi32, #tpu.memory_space<vmem>>
    %dma_start3A_32 = tpu.memref_slice %arg4[%add3A_23] : memref<320000xi32, #tpu.memory_space<hbm>> -> memref<40xi32, #tpu.memory_space<hbm>>
    tpu.enqueue_dma source(%dma_start3A_32 : memref<40xi32, #tpu.memory_space<hbm>>) target(%dma_start3A_31 : memref<40xi32, #tpu.memory_space<vmem>>) target_semaphore(%arg12 : memref<!tpu.dma_semaphore, #tpu.memory_space<semaphore_mem>>)
    %dma_start3A_33 = arith.constant 0 : i32
    %dma_start3A_34 = arith.constant 1 : i32
    %dma_start3A_35 = arith.constant 0 : i32
    %dma_start3A_36 = tpu.memref_slice %arg7[%dma_start3A_33, %dma_start3A_34, %dma_start3A_35] : memref<4x2x40xi32, #tpu.memory_space<vmem>> -> memref<1x1x40xi32, #tpu.memory_space<vmem>>
    %dma_start3A_37 = tpu.memref_squeeze %dma_start3A_36 : memref<1x1x40xi32, #tpu.memory_space<vmem>> -> memref<40xi32, #tpu.memory_space<vmem>>
    %dma_start3A_38 = tpu.memref_slice %arg5[%add3A_23] : memref<320000xi32, #tpu.memory_space<hbm>> -> memref<40xi32, #tpu.memory_space<hbm>>
    %dma_start3A_39 = arith.constant 0 : i32
    %dma_start3A_40 = tpu.memref_slice %arg7[%dma_start3A_33, %dma_start3A_34, %dma_start3A_39] : memref<4x2x40xi32, #tpu.memory_space<vmem>> -> memref<1x1x40xi32, #tpu.memory_space<vmem>>
    %dma_start3A_41 = tpu.memref_squeeze %dma_start3A_40 : memref<1x1x40xi32, #tpu.memory_space<vmem>> -> memref<40xi32, #tpu.memory_space<vmem>>
    %dma_start3A_42 = tpu.memref_slice %arg5[%add3A_23] : memref<320000xi32, #tpu.memory_space<hbm>> -> memref<40xi32, #tpu.memory_space<hbm>>
    tpu.enqueue_dma source(%dma_start3A_42 : memref<40xi32, #tpu.memory_space<hbm>>) target(%dma_start3A_41 : memref<40xi32, #tpu.memory_space<vmem>>) target_semaphore(%arg12 : memref<!tpu.dma_semaphore, #tpu.memory_space<semaphore_mem>>)
    %add3A_43 = arith.constant 40 : i32
    %add3A_44 = arith.addi %mul3A_21, %add3A_43 : i32
    %dma_start3A_45 = arith.constant 1 : i32
    %dma_start3A_46 = arith.constant 0 : i32
    %dma_start3A_47 = arith.constant 0 : i32
    %dma_start3A_48 = tpu.memref_slice %arg7[%dma_start3A_45, %dma_start3A_46, %dma_start3A_47] : memref<4x2x40xi32, #tpu.memory_space<vmem>> -> memref<1x1x40xi32, #tpu.memory_space<vmem>>
    %dma_start3A_49 = tpu.memref_squeeze %dma_start3A_48 : memref<1x1x40xi32, #tpu.memory_space<vmem>> -> memref<40xi32, #tpu.memory_space<vmem>>
    %dma_start3A_50 = tpu.memref_slice %arg4[%add3A_44] : memref<320000xi32, #tpu.memory_space<hbm>> -> memref<40xi32, #tpu.memory_space<hbm>>
    %dma_start3A_51 = arith.constant 0 : i32
    %dma_start3A_52 = tpu.memref_slice %arg7[%dma_start3A_45, %dma_start3A_46, %dma_start3A_51] : memref<4x2x40xi32, #tpu.memory_space<vmem>> -> memref<1x1x40xi32, #tpu.memory_space<vmem>>
    %dma_start3A_53 = tpu.memref_squeeze %dma_start3A_52 : memref<1x1x40xi32, #tpu.memory_space<vmem>> -> memref<40xi32, #tpu.memory_space<vmem>>
    %dma_start3A_54 = tpu.memref_slice %arg4[%add3A_44] : memref<320000xi32, #tpu.memory_space<hbm>> -> memref<40xi32, #tpu.memory_space<hbm>>
    tpu.enqueue_dma source(%dma_start3A_54 : memref<40xi32, #tpu.memory_space<hbm>>) target(%dma_start3A_53 : memref<40xi32, #tpu.memory_space<vmem>>) target_semaphore(%arg13 : memref<!tpu.dma_semaphore, #tpu.memory_space<semaphore_mem>>)
    %dma_start3A_55 = arith.constant 1 : i32
    %dma_start3A_56 = arith.constant 1 : i32
    %dma_start3A_57 = arith.constant 0 : i32
    %dma_start3A_58 = tpu.memref_slice %arg7[%dma_start3A_55, %dma_start3A_56, %dma_start3A_57] : memref<4x2x40xi32, #tpu.memory_space<vmem>> -> memref<1x1x40xi32, #tpu.memory_space<vmem>>
    %dma_start3A_59 = tpu.memref_squeeze %dma_start3A_58 : memref<1x1x40xi32, #tpu.memory_space<vmem>> -> memref<40xi32, #tpu.memory_space<vmem>>
    %dma_start3A_60 = tpu.memref_slice %arg5[%add3A_44] : memref<320000xi32, #tpu.memory_space<hbm>> -> memref<40xi32, #tpu.memory_space<hbm>>
    %dma_start3A_61 = arith.constant 0 : i32
    %dma_start3A_62 = tpu.memref_slice %arg7[%dma_start3A_55, %dma_start3A_56, %dma_start3A_61] : memref<4x2x40xi32, #tpu.memory_space<vmem>> -> memref<1x1x40xi32, #tpu.memory_space<vmem>>
    %dma_start3A_63 = tpu.memref_squeeze %dma_start3A_62 : memref<1x1x40xi32, #tpu.memory_space<vmem>> -> memref<40xi32, #tpu.memory_space<vmem>>
    %dma_start3A_64 = tpu.memref_slice %arg5[%add3A_44] : memref<320000xi32, #tpu.memory_space<hbm>> -> memref<40xi32, #tpu.memory_space<hbm>>
    tpu.enqueue_dma source(%dma_start3A_64 : memref<40xi32, #tpu.memory_space<hbm>>) target(%dma_start3A_63 : memref<40xi32, #tpu.memory_space<vmem>>) target_semaphore(%arg13 : memref<!tpu.dma_semaphore, #tpu.memory_space<semaphore_mem>>)
    %dma_wait3A = arith.constant 0 : i32
    %dma_wait3A_65 = arith.constant 0 : i32
    %dma_wait3A_66 = arith.constant 0 : i32
    %dma_wait3A_67 = tpu.memref_slice %arg7[%dma_wait3A, %dma_wait3A_65, %dma_wait3A_66] : memref<4x2x40xi32, #tpu.memory_space<vmem>> -> memref<1x1x40xi32, #tpu.memory_space<vmem>>
    %dma_wait3A_68 = tpu.memref_squeeze %dma_wait3A_67 : memref<1x1x40xi32, #tpu.memory_space<vmem>> -> memref<40xi32, #tpu.memory_space<vmem>>
    %dma_wait3A_69 = tpu.memref_slice %arg4[%mul3A_21] : memref<320000xi32, #tpu.memory_space<hbm>> -> memref<40xi32, #tpu.memory_space<hbm>>
    %dma_wait3A_70 = arith.constant 0 : i32
    %dma_wait3A_71 = tpu.memref_slice %arg7[%dma_wait3A, %dma_wait3A_65, %dma_wait3A_70] : memref<4x2x40xi32, #tpu.memory_space<vmem>> -> memref<1x1x40xi32, #tpu.memory_space<vmem>>
    %dma_wait3A_72 = tpu.memref_squeeze %dma_wait3A_71 : memref<1x1x40xi32, #tpu.memory_space<vmem>> -> memref<40xi32, #tpu.memory_space<vmem>>
    %dma_wait3A_73 = tpu.memref_slice %arg4[%mul3A_21] : memref<320000xi32, #tpu.memory_space<hbm>> -> memref<40xi32, #tpu.memory_space<hbm>>
    tpu.wait_dma2 semaphore(%arg12 : memref<!tpu.dma_semaphore, #tpu.memory_space<semaphore_mem>>) src(%dma_wait3A_73 : memref<40xi32, #tpu.memory_space<hbm>>) dst(%dma_wait3A_72 : memref<40xi32, #tpu.memory_space<vmem>>)
    %dma_wait3A_74 = arith.constant 0 : i32
    %dma_wait3A_75 = arith.constant 1 : i32
    %dma_wait3A_76 = arith.constant 0 : i32
    %dma_wait3A_77 = tpu.memref_slice %arg7[%dma_wait3A_74, %dma_wait3A_75, %dma_wait3A_76] : memref<4x2x40xi32, #tpu.memory_space<vmem>> -> memref<1x1x40xi32, #tpu.memory_space<vmem>>
    %dma_wait3A_78 = tpu.memref_squeeze %dma_wait3A_77 : memref<1x1x40xi32, #tpu.memory_space<vmem>> -> memref<40xi32, #tpu.memory_space<vmem>>
    %dma_wait3A_79 = tpu.memref_slice %arg5[%mul3A_21] : memref<320000xi32, #tpu.memory_space<hbm>> -> memref<40xi32, #tpu.memory_space<hbm>>
    %dma_wait3A_80 = arith.constant 0 : i32
    %dma_wait3A_81 = tpu.memref_slice %arg7[%dma_wait3A_74, %dma_wait3A_75, %dma_wait3A_80] : memref<4x2x40xi32, #tpu.memory_space<vmem>> -> memref<1x1x40xi32, #tpu.memory_space<vmem>>
    %dma_wait3A_82 = tpu.memref_squeeze %dma_wait3A_81 : memref<1x1x40xi32, #tpu.memory_space<vmem>> -> memref<40xi32, #tpu.memory_space<vmem>>
    %dma_wait3A_83 = tpu.memref_slice %arg5[%mul3A_21] : memref<320000xi32, #tpu.memory_space<hbm>> -> memref<40xi32, #tpu.memory_space<hbm>>
    tpu.wait_dma2 semaphore(%arg12 : memref<!tpu.dma_semaphore, #tpu.memory_space<semaphore_mem>>) src(%dma_wait3A_83 : memref<40xi32, #tpu.memory_space<hbm>>) dst(%dma_wait3A_82 : memref<40xi32, #tpu.memory_space<vmem>>)
    %dma_start3A_84 = arith.constant 0 : i32
    %dma_start3A_85 = arith.constant 0 : i32
    %dma_start3A_86 = arith.constant 0 : i32
    %dma_start3A_87 = arith.constant 0 : i32
    %dma_start3A_88 = arith.constant 0 : i32
    %dma_start3A_89 = tpu.memref_slice %arg8[%dma_start3A_86, %dma_start3A_87, %dma_start3A_88] : memref<2x40x128xf32, #tpu.memory_space<vmem>> -> memref<1x40x128xf32, #tpu.memory_space<vmem>>
    %dma_start3A_90 = tpu.memref_squeeze %dma_start3A_89 : memref<1x40x128xf32, #tpu.memory_space<vmem>> -> memref<40x128xf32, #tpu.memory_space<vmem>>
    %dma_start3A_91 = arith.constant 0 : i32
    %dma_start3A_92 = tpu.memref_slice %arg7[%dma_start3A_84, %dma_start3A_85, %dma_start3A_91] : memref<4x2x40xi32, #tpu.memory_space<vmem>> -> memref<1x1x40xi32, #tpu.memory_space<vmem>>
    %dma_start3A_93 = tpu.memref_squeeze %dma_start3A_92 : memref<1x1x40xi32, #tpu.memory_space<vmem>> -> memref<40xi32, #tpu.memory_space<vmem>>
    %dma_start3A_94 = arith.constant 0 : i32
    %dma_start3A_95 = arith.constant 0 : i32
    %dma_start3A_96 = tpu.memref_slice %arg2[%dma_start3A_94, %dma_start3A_95] : memref<10000x128xf32, #tpu.memory_space<hbm>> -> memref<10000x128xf32, #tpu.memory_space<hbm>>
    tpu.enqueue_indirect_dma source(%dma_start3A_96 : memref<10000x128xf32, #tpu.memory_space<hbm>>) target(%dma_start3A_90 : memref<40x128xf32, #tpu.memory_space<vmem>>) offsets(%dma_start3A_93 : memref<40xi32, #tpu.memory_space<vmem>>) semaphore(%arg16 : memref<!tpu.dma_semaphore, #tpu.memory_space<semaphore_mem>>)
    %add3A_97 = arith.constant 0 : i32
    %add3A_98 = arith.addi %mul3A_21, %add3A_97 : i32
    %dma_start3A_99 = arith.constant 0 : i32
    %dma_start3A_100 = arith.constant 0 : i32
    %dma_start3A_101 = arith.constant 0 : i32
    %dma_start3A_102 = tpu.memref_slice %arg9[%dma_start3A_99, %dma_start3A_100, %dma_start3A_101] : memref<2x40x128xf32, #tpu.memory_space<vmem>> -> memref<1x40x128xf32, #tpu.memory_space<vmem>>
    %dma_start3A_103 = tpu.memref_squeeze %dma_start3A_102 : memref<1x40x128xf32, #tpu.memory_space<vmem>> -> memref<40x128xf32, #tpu.memory_space<vmem>>
    %dma_start3A_104 = arith.constant 0 : i32
    %dma_start3A_105 = tpu.memref_slice %arg3[%add3A_98, %dma_start3A_104] : memref<320000x128xf32, #tpu.memory_space<hbm>> -> memref<40x128xf32, #tpu.memory_space<hbm>>
    %dma_start3A_106 = arith.constant 0 : i32
    %dma_start3A_107 = arith.constant 0 : i32
    %dma_start3A_108 = tpu.memref_slice %arg9[%dma_start3A_99, %dma_start3A_106, %dma_start3A_107] : memref<2x40x128xf32, #tpu.memory_space<vmem>> -> memref<1x40x128xf32, #tpu.memory_space<vmem>>
    %dma_start3A_109 = tpu.memref_squeeze %dma_start3A_108 : memref<1x40x128xf32, #tpu.memory_space<vmem>> -> memref<40x128xf32, #tpu.memory_space<vmem>>
    %dma_start3A_110 = arith.constant 0 : i32
    %dma_start3A_111 = tpu.memref_slice %arg3[%add3A_98, %dma_start3A_110] : memref<320000x128xf32, #tpu.memory_space<hbm>> -> memref<40x128xf32, #tpu.memory_space<hbm>>
    tpu.enqueue_dma source(%dma_start3A_111 : memref<40x128xf32, #tpu.memory_space<hbm>>) target(%dma_start3A_109 : memref<40x128xf32, #tpu.memory_space<vmem>>) target_semaphore(%arg18 : memref<!tpu.dma_semaphore, #tpu.memory_space<semaphore_mem>>)
    %dma_wait3A_112 = arith.constant 1 : i32
    %dma_wait3A_113 = arith.constant 0 : i32
    %dma_wait3A_114 = arith.constant 0 : i32
    %dma_wait3A_115 = tpu.memref_slice %arg7[%dma_wait3A_112, %dma_wait3A_113, %dma_wait3A_114] : memref<4x2x40xi32, #tpu.memory_space<vmem>> -> memref<1x1x40xi32, #tpu.memory_space<vmem>>
    %dma_wait3A_116 = tpu.memref_squeeze %dma_wait3A_115 : memref<1x1x40xi32, #tpu.memory_space<vmem>> -> memref<40xi32, #tpu.memory_space<vmem>>
    %dma_wait3A_117 = tpu.memref_slice %arg4[%mul3A_21] : memref<320000xi32, #tpu.memory_space<hbm>> -> memref<40xi32, #tpu.memory_space<hbm>>
    %dma_wait3A_118 = arith.constant 0 : i32
    %dma_wait3A_119 = tpu.memref_slice %arg7[%dma_wait3A_112, %dma_wait3A_113, %dma_wait3A_118] : memref<4x2x40xi32, #tpu.memory_space<vmem>> -> memref<1x1x40xi32, #tpu.memory_space<vmem>>
    %dma_wait3A_120 = tpu.memref_squeeze %dma_wait3A_119 : memref<1x1x40xi32, #tpu.memory_space<vmem>> -> memref<40xi32, #tpu.memory_space<vmem>>
    %dma_wait3A_121 = tpu.memref_slice %arg4[%mul3A_21] : memref<320000xi32, #tpu.memory_space<hbm>> -> memref<40xi32, #tpu.memory_space<hbm>>
    tpu.wait_dma2 semaphore(%arg13 : memref<!tpu.dma_semaphore, #tpu.memory_space<semaphore_mem>>) src(%dma_wait3A_121 : memref<40xi32, #tpu.memory_space<hbm>>) dst(%dma_wait3A_120 : memref<40xi32, #tpu.memory_space<vmem>>)
    %dma_wait3A_122 = arith.constant 1 : i32
    %dma_wait3A_123 = arith.constant 1 : i32
    %dma_wait3A_124 = arith.constant 0 : i32
    %dma_wait3A_125 = tpu.memref_slice %arg7[%dma_wait3A_122, %dma_wait3A_123, %dma_wait3A_124] : memref<4x2x40xi32, #tpu.memory_space<vmem>> -> memref<1x1x40xi32, #tpu.memory_space<vmem>>
    %dma_wait3A_126 = tpu.memref_squeeze %dma_wait3A_125 : memref<1x1x40xi32, #tpu.memory_space<vmem>> -> memref<40xi32, #tpu.memory_space<vmem>>
    %dma_wait3A_127 = tpu.memref_slice %arg5[%mul3A_21] : memref<320000xi32, #tpu.memory_space<hbm>> -> memref<40xi32, #tpu.memory_space<hbm>>
    %dma_wait3A_128 = arith.constant 0 : i32
    %dma_wait3A_129 = tpu.memref_slice %arg7[%dma_wait3A_122, %dma_wait3A_123, %dma_wait3A_128] : memref<4x2x40xi32, #tpu.memory_space<vmem>> -> memref<1x1x40xi32, #tpu.memory_space<vmem>>
    %dma_wait3A_130 = tpu.memref_squeeze %dma_wait3A_129 : memref<1x1x40xi32, #tpu.memory_space<vmem>> -> memref<40xi32, #tpu.memory_space<vmem>>
    %dma_wait3A_131 = tpu.memref_slice %arg5[%mul3A_21] : memref<320000xi32, #tpu.memory_space<hbm>> -> memref<40xi32, #tpu.memory_space<hbm>>
    tpu.wait_dma2 semaphore(%arg13 : memref<!tpu.dma_semaphore, #tpu.memory_space<semaphore_mem>>) src(%dma_wait3A_131 : memref<40xi32, #tpu.memory_space<hbm>>) dst(%dma_wait3A_130 : memref<40xi32, #tpu.memory_space<vmem>>)
    %dma_start3A_132 = arith.constant 1 : i32
    %dma_start3A_133 = arith.constant 0 : i32
    %dma_start3A_134 = arith.constant 1 : i32
    %dma_start3A_135 = arith.constant 0 : i32
    %dma_start3A_136 = arith.constant 0 : i32
    %dma_start3A_137 = tpu.memref_slice %arg8[%dma_start3A_134, %dma_start3A_135, %dma_start3A_136] : memref<2x40x128xf32, #tpu.memory_space<vmem>> -> memref<1x40x128xf32, #tpu.memory_space<vmem>>
    %dma_start3A_138 = tpu.memref_squeeze %dma_start3A_137 : memref<1x40x128xf32, #tpu.memory_space<vmem>> -> memref<40x128xf32, #tpu.memory_space<vmem>>
    %dma_start3A_139 = arith.constant 0 : i32
    %dma_start3A_140 = tpu.memref_slice %arg7[%dma_start3A_132, %dma_start3A_133, %dma_start3A_139] : memref<4x2x40xi32, #tpu.memory_space<vmem>> -> memref<1x1x40xi32, #tpu.memory_space<vmem>>
    %dma_start3A_141 = tpu.memref_squeeze %dma_start3A_140 : memref<1x1x40xi32, #tpu.memory_space<vmem>> -> memref<40xi32, #tpu.memory_space<vmem>>
    %dma_start3A_142 = arith.constant 0 : i32
    %dma_start3A_143 = arith.constant 0 : i32
    %dma_start3A_144 = tpu.memref_slice %arg2[%dma_start3A_142, %dma_start3A_143] : memref<10000x128xf32, #tpu.memory_space<hbm>> -> memref<10000x128xf32, #tpu.memory_space<hbm>>
    tpu.enqueue_indirect_dma source(%dma_start3A_144 : memref<10000x128xf32, #tpu.memory_space<hbm>>) target(%dma_start3A_138 : memref<40x128xf32, #tpu.memory_space<vmem>>) offsets(%dma_start3A_141 : memref<40xi32, #tpu.memory_space<vmem>>) semaphore(%arg17 : memref<!tpu.dma_semaphore, #tpu.memory_space<semaphore_mem>>)
    %add3A_145 = arith.constant 40 : i32
    %add3A_146 = arith.addi %mul3A_21, %add3A_145 : i32
    %dma_start3A_147 = arith.constant 1 : i32
    %dma_start3A_148 = arith.constant 0 : i32
    %dma_start3A_149 = arith.constant 0 : i32
    %dma_start3A_150 = tpu.memref_slice %arg9[%dma_start3A_147, %dma_start3A_148, %dma_start3A_149] : memref<2x40x128xf32, #tpu.memory_space<vmem>> -> memref<1x40x128xf32, #tpu.memory_space<vmem>>
    %dma_start3A_151 = tpu.memref_squeeze %dma_start3A_150 : memref<1x40x128xf32, #tpu.memory_space<vmem>> -> memref<40x128xf32, #tpu.memory_space<vmem>>
    %dma_start3A_152 = arith.constant 0 : i32
    %dma_start3A_153 = tpu.memref_slice %arg3[%add3A_146, %dma_start3A_152] : memref<320000x128xf32, #tpu.memory_space<hbm>> -> memref<40x128xf32, #tpu.memory_space<hbm>>
    %dma_start3A_154 = arith.constant 0 : i32
    %dma_start3A_155 = arith.constant 0 : i32
    %dma_start3A_156 = tpu.memref_slice %arg9[%dma_start3A_147, %dma_start3A_154, %dma_start3A_155] : memref<2x40x128xf32, #tpu.memory_space<vmem>> -> memref<1x40x128xf32, #tpu.memory_space<vmem>>
    %dma_start3A_157 = tpu.memref_squeeze %dma_start3A_156 : memref<1x40x128xf32, #tpu.memory_space<vmem>> -> memref<40x128xf32, #tpu.memory_space<vmem>>
    %dma_start3A_158 = arith.constant 0 : i32
    %dma_start3A_159 = tpu.memref_slice %arg3[%add3A_146, %dma_start3A_158] : memref<320000x128xf32, #tpu.memory_space<hbm>> -> memref<40x128xf32, #tpu.memory_space<hbm>>
    tpu.enqueue_dma source(%dma_start3A_159 : memref<40x128xf32, #tpu.memory_space<hbm>>) target(%dma_start3A_157 : memref<40x128xf32, #tpu.memory_space<vmem>>) target_semaphore(%arg19 : memref<!tpu.dma_semaphore, #tpu.memory_space<semaphore_mem>>)
    %dma_wait3A_160 = arith.constant 0 : i32
    %dma_wait3A_161 = arith.constant 0 : i32
    %dma_wait3A_162 = arith.constant 0 : i32
    %dma_wait3A_163 = arith.constant 0 : i32
    %dma_wait3A_164 = arith.constant 0 : i32
    %dma_wait3A_165 = tpu.memref_slice %arg8[%dma_wait3A_162, %dma_wait3A_163, %dma_wait3A_164] : memref<2x40x128xf32, #tpu.memory_space<vmem>> -> memref<1x40x128xf32, #tpu.memory_space<vmem>>
    %dma_wait3A_166 = tpu.memref_squeeze %dma_wait3A_165 : memref<1x40x128xf32, #tpu.memory_space<vmem>> -> memref<40x128xf32, #tpu.memory_space<vmem>>
    %dma_wait3A_167 = arith.constant 0 : i32
    %dma_wait3A_168 = tpu.memref_slice %arg7[%dma_wait3A_160, %dma_wait3A_161, %dma_wait3A_167] : memref<4x2x40xi32, #tpu.memory_space<vmem>> -> memref<1x1x40xi32, #tpu.memory_space<vmem>>
    %dma_wait3A_169 = tpu.memref_squeeze %dma_wait3A_168 : memref<1x1x40xi32, #tpu.memory_space<vmem>> -> memref<40xi32, #tpu.memory_space<vmem>>
    %dma_wait3A_170 = arith.constant 0 : i32
    %dma_wait3A_171 = arith.constant 0 : i32
    %dma_wait3A_172 = tpu.memref_slice %arg2[%dma_wait3A_170, %dma_wait3A_171] : memref<10000x128xf32, #tpu.memory_space<hbm>> -> memref<10000x128xf32, #tpu.memory_space<hbm>>
    tpu.wait_indirect_dma semaphore(%arg16 : memref<!tpu.dma_semaphore, #tpu.memory_space<semaphore_mem>>) src(%dma_wait3A_172 : memref<10000x128xf32, #tpu.memory_space<hbm>>) dst(%dma_wait3A_166 : memref<40x128xf32, #tpu.memory_space<vmem>>)
    %dma_wait3A_173 = arith.constant 0 : i32
    %dma_wait3A_174 = arith.constant 0 : i32
    %dma_wait3A_175 = arith.constant 0 : i32
    %dma_wait3A_176 = tpu.memref_slice %arg9[%dma_wait3A_173, %dma_wait3A_174, %dma_wait3A_175] : memref<2x40x128xf32, #tpu.memory_space<vmem>> -> memref<1x40x128xf32, #tpu.memory_space<vmem>>
    %dma_wait3A_177 = tpu.memref_squeeze %dma_wait3A_176 : memref<1x40x128xf32, #tpu.memory_space<vmem>> -> memref<40x128xf32, #tpu.memory_space<vmem>>
    %dma_wait3A_178 = arith.constant 0 : i32
    %dma_wait3A_179 = tpu.memref_slice %arg3[%mul3A_21, %dma_wait3A_178] : memref<320000x128xf32, #tpu.memory_space<hbm>> -> memref<40x128xf32, #tpu.memory_space<hbm>>
    %dma_wait3A_180 = arith.constant 0 : i32
    %dma_wait3A_181 = arith.constant 0 : i32
    %dma_wait3A_182 = tpu.memref_slice %arg9[%dma_wait3A_173, %dma_wait3A_180, %dma_wait3A_181] : memref<2x40x128xf32, #tpu.memory_space<vmem>> -> memref<1x40x128xf32, #tpu.memory_space<vmem>>
    %dma_wait3A_183 = tpu.memref_squeeze %dma_wait3A_182 : memref<1x40x128xf32, #tpu.memory_space<vmem>> -> memref<40x128xf32, #tpu.memory_space<vmem>>
    %dma_wait3A_184 = arith.constant 0 : i32
    %dma_wait3A_185 = tpu.memref_slice %arg3[%mul3A_21, %dma_wait3A_184] : memref<320000x128xf32, #tpu.memory_space<hbm>> -> memref<40x128xf32, #tpu.memory_space<hbm>>
    tpu.wait_dma2 semaphore(%arg18 : memref<!tpu.dma_semaphore, #tpu.memory_space<semaphore_mem>>) src(%dma_wait3A_185 : memref<40x128xf32, #tpu.memory_space<hbm>>) dst(%dma_wait3A_183 : memref<40x128xf32, #tpu.memory_space<vmem>>)
    %add3A_186 = arith.constant 80 : i32
    %add3A_187 = arith.addi %mul3A_21, %add3A_186 : i32
    %dma_start3A_188 = arith.constant 2 : i32
    %dma_start3A_189 = arith.constant 0 : i32
    %dma_start3A_190 = arith.constant 0 : i32
    %dma_start3A_191 = tpu.memref_slice %arg7[%dma_start3A_188, %dma_start3A_189, %dma_start3A_190] : memref<4x2x40xi32, #tpu.memory_space<vmem>> -> memref<1x1x40xi32, #tpu.memory_space<vmem>>
    %dma_start3A_192 = tpu.memref_squeeze %dma_start3A_191 : memref<1x1x40xi32, #tpu.memory_space<vmem>> -> memref<40xi32, #tpu.memory_space<vmem>>
    %dma_start3A_193 = tpu.memref_slice %arg4[%add3A_187] : memref<320000xi32, #tpu.memory_space<hbm>> -> memref<40xi32, #tpu.memory_space<hbm>>
    %dma_start3A_194 = arith.constant 0 : i32
    %dma_start3A_195 = tpu.memref_slice %arg7[%dma_start3A_188, %dma_start3A_189, %dma_start3A_194] : memref<4x2x40xi32, #tpu.memory_space<vmem>> -> memref<1x1x40xi32, #tpu.memory_space<vmem>>
    %dma_start3A_196 = tpu.memref_squeeze %dma_start3A_195 : memref<1x1x40xi32, #tpu.memory_space<vmem>> -> memref<40xi32, #tpu.memory_space<vmem>>
    %dma_start3A_197 = tpu.memref_slice %arg4[%add3A_187] : memref<320000xi32, #tpu.memory_space<hbm>> -> memref<40xi32, #tpu.memory_space<hbm>>
    tpu.enqueue_dma source(%dma_start3A_197 : memref<40xi32, #tpu.memory_space<hbm>>) target(%dma_start3A_196 : memref<40xi32, #tpu.memory_space<vmem>>) target_semaphore(%arg14 : memref<!tpu.dma_semaphore, #tpu.memory_space<semaphore_mem>>)
    %dma_start3A_198 = arith.constant 2 : i32
    %dma_start3A_199 = arith.constant 1 : i32
    %dma_start3A_200 = arith.constant 0 : i32
    %dma_start3A_201 = tpu.memref_slice %arg7[%dma_start3A_198, %dma_start3A_199, %dma_start3A_200] : memref<4x2x40xi32, #tpu.memory_space<vmem>> -> memref<1x1x40xi32, #tpu.memory_space<vmem>>
    %dma_start3A_202 = tpu.memref_squeeze %dma_start3A_201 : memref<1x1x40xi32, #tpu.memory_space<vmem>> -> memref<40xi32, #tpu.memory_space<vmem>>
    %dma_start3A_203 = tpu.memref_slice %arg5[%add3A_187] : memref<320000xi32, #tpu.memory_space<hbm>> -> memref<40xi32, #tpu.memory_space<hbm>>
    %dma_start3A_204 = arith.constant 0 : i32
    %dma_start3A_205 = tpu.memref_slice %arg7[%dma_start3A_198, %dma_start3A_199, %dma_start3A_204] : memref<4x2x40xi32, #tpu.memory_space<vmem>> -> memref<1x1x40xi32, #tpu.memory_space<vmem>>
    %dma_start3A_206 = tpu.memref_squeeze %dma_start3A_205 : memref<1x1x40xi32, #tpu.memory_space<vmem>> -> memref<40xi32, #tpu.memory_space<vmem>>
    %dma_start3A_207 = tpu.memref_slice %arg5[%add3A_187] : memref<320000xi32, #tpu.memory_space<hbm>> -> memref<40xi32, #tpu.memory_space<hbm>>
    tpu.enqueue_dma source(%dma_start3A_207 : memref<40xi32, #tpu.memory_space<hbm>>) target(%dma_start3A_206 : memref<40xi32, #tpu.memory_space<vmem>>) target_semaphore(%arg14 : memref<!tpu.dma_semaphore, #tpu.memory_space<semaphore_mem>>)
    %scan3A_208 = arith.constant 0 : i32
    %scan3A_209 = arith.constant 0 : i32
    %scan3A_210 = arith.constant 40 : i32
    %scan3A_211 = arith.addi %scan3A_209, %scan3A_210 : i32
    %scan3A_212 = arith.constant 1 : i32
    scf.for %scan3A_805 = %scan3A_209 to %scan3A_211 step %scan3A_212  : i32 {
      %get3A = arith.constant 0 : i32
      %get3A_806 = arith.index_cast %get3A : i32 to index
      %get3A_807 = arith.index_cast %scan3A_805 : i32 to index
      %get3A_808 = arith.constant 0 : index
      %get3A_809 = tpu.vector_load %arg8[%get3A_806, %get3A_807, %get3A_808] {strides = array<i32>} : memref<2x40x128xf32, #tpu.memory_space<vmem>>, vector<1x1x16xf32>,
      %get3A_810 = vector.shape_cast %get3A_809 : vector<1x1x16xf32> to vector<16xf32>
      %get3A_811 = arith.constant 0 : i32
      %get3A_812 = arith.index_cast %get3A_811 : i32 to index
      %get3A_813 = arith.index_cast %scan3A_805 : i32 to index
      %get3A_814 = arith.constant 0 : index
      %get3A_815 = tpu.vector_load %arg9[%get3A_812, %get3A_813, %get3A_814] {strides = array<i32>} : memref<2x40x128xf32, #tpu.memory_space<vmem>>, vector<1x1x16xf32>,
      %get3A_816 = vector.shape_cast %get3A_815 : vector<1x1x16xf32> to vector<16xf32>
      %mul3A_817 = arith.mulf %get3A_810, %get3A_816 : vector<16xf32>
      %swap3A = arith.constant 0 : i32
      %swap3A_818 = arith.index_cast %swap3A : i32 to index
      %swap3A_819 = arith.index_cast %scan3A_805 : i32 to index
      %swap3A_820 = arith.constant 0 : index
      %swap3A_821 = tpu.vector_load %arg10[%swap3A_818, %swap3A_819, %swap3A_820] {strides = array<i32>} : memref<2x40x128xf32, #tpu.memory_space<vmem>>, vector<1x1x16xf32>,
      %swap3A_822 = vector.shape_cast %swap3A_821 : vector<1x1x16xf32> to vector<16xf32>
      %swap3A_823 = vector.shape_cast %mul3A_817 : vector<16xf32> to vector<1x1x16xf32>
      tpu.vector_store %arg10[%swap3A_818, %swap3A_819, %swap3A_820], %swap3A_823 {strides = array<i32>} : memref<2x40x128xf32, #tpu.memory_space<vmem>>, vector<1x1x16xf32>,
      %get3A_824 = arith.constant 0 : i32
      %get3A_825 = arith.index_cast %get3A_824 : i32 to index
      %get3A_826 = arith.index_cast %scan3A_805 : i32 to index
      %get3A_827 = arith.constant 16 : index
      %get3A_828 = tpu.vector_load %arg8[%get3A_825, %get3A_826, %get3A_827] {strides = array<i32>} : memref<2x40x128xf32, #tpu.memory_space<vmem>>, vector<1x1x16xf32>,
      %get3A_829 = vector.shape_cast %get3A_828 : vector<1x1x16xf32> to vector<16xf32>
      %get3A_830 = arith.constant 0 : i32
      %get3A_831 = arith.index_cast %get3A_830 : i32 to index
      %get3A_832 = arith.index_cast %scan3A_805 : i32 to index
      %get3A_833 = arith.constant 16 : index
      %get3A_834 = tpu.vector_load %arg9[%get3A_831, %get3A_832, %get3A_833] {strides = array<i32>} : memref<2x40x128xf32, #tpu.memory_space<vmem>>, vector<1x1x16xf32>,
      %get3A_835 = vector.shape_cast %get3A_834 : vector<1x1x16xf32> to vector<16xf32>
      %mul3A_836 = arith.mulf %get3A_829, %get3A_835 : vector<16xf32>
      %swap3A_837 = arith.constant 0 : i32
      %swap3A_838 = arith.index_cast %swap3A_837 : i32 to index
      %swap3A_839 = arith.index_cast %scan3A_805 : i32 to index
      %swap3A_840 = arith.constant 16 : index
      %swap3A_841 = tpu.vector_load %arg10[%swap3A_838, %swap3A_839, %swap3A_840] {strides = array<i32>} : memref<2x40x128xf32, #tpu.memory_space<vmem>>, vector<1x1x16xf32>,
      %swap3A_842 = vector.shape_cast %swap3A_841 : vector<1x1x16xf32> to vector<16xf32>
      %swap3A_843 = vector.shape_cast %mul3A_836 : vector<16xf32> to vector<1x1x16xf32>
      tpu.vector_store %arg10[%swap3A_838, %swap3A_839, %swap3A_840], %swap3A_843 {strides = array<i32>} : memref<2x40x128xf32, #tpu.memory_space<vmem>>, vector<1x1x16xf32>,
      %get3A_844 = arith.constant 0 : i32
      %get3A_845 = arith.index_cast %get3A_844 : i32 to index
      %get3A_846 = arith.index_cast %scan3A_805 : i32 to index
      %get3A_847 = arith.constant 32 : index
      %get3A_848 = tpu.vector_load %arg8[%get3A_845, %get3A_846, %get3A_847] {strides = array<i32>} : memref<2x40x128xf32, #tpu.memory_space<vmem>>, vector<1x1x16xf32>,
      %get3A_849 = vector.shape_cast %get3A_848 : vector<1x1x16xf32> to vector<16xf32>
      %get3A_850 = arith.constant 0 : i32
      %get3A_851 = arith.index_cast %get3A_850 : i32 to index
      %get3A_852 = arith.index_cast %scan3A_805 : i32 to index
      %get3A_853 = arith.constant 32 : index
      %get3A_854 = tpu.vector_load %arg9[%get3A_851, %get3A_852, %get3A_853] {strides = array<i32>} : memref<2x40x128xf32, #tpu.memory_space<vmem>>, vector<1x1x16xf32>,
      %get3A_855 = vector.shape_cast %get3A_854 : vector<1x1x16xf32> to vector<16xf32>
      %mul3A_856 = arith.mulf %get3A_849, %get3A_855 : vector<16xf32>
      %swap3A_857 = arith.constant 0 : i32
      %swap3A_858 = arith.index_cast %swap3A_857 : i32 to index
      %swap3A_859 = arith.index_cast %scan3A_805 : i32 to index
      %swap3A_860 = arith.constant 32 : index
      %swap3A_861 = tpu.vector_load %arg10[%swap3A_858, %swap3A_859, %swap3A_860] {strides = array<i32>} : memref<2x40x128xf32, #tpu.memory_space<vmem>>, vector<1x1x16xf32>,
      %swap3A_862 = vector.shape_cast %swap3A_861 : vector<1x1x16xf32> to vector<16xf32>
      %swap3A_863 = vector.shape_cast %mul3A_856 : vector<16xf32> to vector<1x1x16xf32>
      tpu.vector_store %arg10[%swap3A_858, %swap3A_859, %swap3A_860], %swap3A_863 {strides = array<i32>} : memref<2x40x128xf32, #tpu.memory_space<vmem>>, vector<1x1x16xf32>,
      %get3A_864 = arith.constant 0 : i32
      %get3A_865 = arith.index_cast %get3A_864 : i32 to index
      %get3A_866 = arith.index_cast %scan3A_805 : i32 to index
      %get3A_867 = arith.constant 48 : index
      %get3A_868 = tpu.vector_load %arg8[%get3A_865, %get3A_866, %get3A_867] {strides = array<i32>} : memref<2x40x128xf32, #tpu.memory_space<vmem>>, vector<1x1x16xf32>,
      %get3A_869 = vector.shape_cast %get3A_868 : vector<1x1x16xf32> to vector<16xf32>
      %get3A_870 = arith.constant 0 : i32
      %get3A_871 = arith.index_cast %get3A_870 : i32 to index
      %get3A_872 = arith.index_cast %scan3A_805 : i32 to index
      %get3A_873 = arith.constant 48 : index
      %get3A_874 = tpu.vector_load %arg9[%get3A_871, %get3A_872, %get3A_873] {strides = array<i32>} : memref<2x40x128xf32, #tpu.memory_space<vmem>>, vector<1x1x16xf32>,
      %get3A_875 = vector.shape_cast %get3A_874 : vector<1x1x16xf32> to vector<16xf32>
      %mul3A_876 = arith.mulf %get3A_869, %get3A_875 : vector<16xf32>
      %swap3A_877 = arith.constant 0 : i32
      %swap3A_878 = arith.index_cast %swap3A_877 : i32 to index
      %swap3A_879 = arith.index_cast %scan3A_805 : i32 to index
      %swap3A_880 = arith.constant 48 : index
      %swap3A_881 = tpu.vector_load %arg10[%swap3A_878, %swap3A_879, %swap3A_880] {strides = array<i32>} : memref<2x40x128xf32, #tpu.memory_space<vmem>>, vector<1x1x16xf32>,
      %swap3A_882 = vector.shape_cast %swap3A_881 : vector<1x1x16xf32> to vector<16xf32>
      %swap3A_883 = vector.shape_cast %mul3A_876 : vector<16xf32> to vector<1x1x16xf32>
      tpu.vector_store %arg10[%swap3A_878, %swap3A_879, %swap3A_880], %swap3A_883 {strides = array<i32>} : memref<2x40x128xf32, #tpu.memory_space<vmem>>, vector<1x1x16xf32>,
      %get3A_884 = arith.constant 0 : i32
      %get3A_885 = arith.index_cast %get3A_884 : i32 to index
      %get3A_886 = arith.index_cast %scan3A_805 : i32 to index
      %get3A_887 = arith.constant 64 : index
      %get3A_888 = tpu.vector_load %arg8[%get3A_885, %get3A_886, %get3A_887] {strides = array<i32>} : memref<2x40x128xf32, #tpu.memory_space<vmem>>, vector<1x1x16xf32>,
      %get3A_889 = vector.shape_cast %get3A_888 : vector<1x1x16xf32> to vector<16xf32>
      %get3A_890 = arith.constant 0 : i32
      %get3A_891 = arith.index_cast %get3A_890 : i32 to index
      %get3A_892 = arith.index_cast %scan3A_805 : i32 to index
      %get3A_893 = arith.constant 64 : index
      %get3A_894 = tpu.vector_load %arg9[%get3A_891, %get3A_892, %get3A_893] {strides = array<i32>} : memref<2x40x128xf32, #tpu.memory_space<vmem>>, vector<1x1x16xf32>,
      %get3A_895 = vector.shape_cast %get3A_894 : vector<1x1x16xf32> to vector<16xf32>
      %mul3A_896 = arith.mulf %get3A_889, %get3A_895 : vector<16xf32>
      %swap3A_897 = arith.constant 0 : i32
      %swap3A_898 = arith.index_cast %swap3A_897 : i32 to index
      %swap3A_899 = arith.index_cast %scan3A_805 : i32 to index
      %swap3A_900 = arith.constant 64 : index
      %swap3A_901 = tpu.vector_load %arg10[%swap3A_898, %swap3A_899, %swap3A_900] {strides = array<i32>} : memref<2x40x128xf32, #tpu.memory_space<vmem>>, vector<1x1x16xf32>,
      %swap3A_902 = vector.shape_cast %swap3A_901 : vector<1x1x16xf32> to vector<16xf32>
      %swap3A_903 = vector.shape_cast %mul3A_896 : vector<16xf32> to vector<1x1x16xf32>
      tpu.vector_store %arg10[%swap3A_898, %swap3A_899, %swap3A_900], %swap3A_903 {strides = array<i32>} : memref<2x40x128xf32, #tpu.memory_space<vmem>>, vector<1x1x16xf32>,
      %get3A_904 = arith.constant 0 : i32
      %get3A_905 = arith.index_cast %get3A_904 : i32 to index
      %get3A_906 = arith.index_cast %scan3A_805 : i32 to index
      %get3A_907 = arith.constant 80 : index
      %get3A_908 = tpu.vector_load %arg8[%get3A_905, %get3A_906, %get3A_907] {strides = array<i32>} : memref<2x40x128xf32, #tpu.memory_space<vmem>>, vector<1x1x16xf32>,
      %get3A_909 = vector.shape_cast %get3A_908 : vector<1x1x16xf32> to vector<16xf32>
      %get3A_910 = arith.constant 0 : i32
      %get3A_911 = arith.index_cast %get3A_910 : i32 to index
      %get3A_912 = arith.index_cast %scan3A_805 : i32 to index
      %get3A_913 = arith.constant 80 : index
      %get3A_914 = tpu.vector_load %arg9[%get3A_911, %get3A_912, %get3A_913] {strides = array<i32>} : memref<2x40x128xf32, #tpu.memory_space<vmem>>, vector<1x1x16xf32>,
      %get3A_915 = vector.shape_cast %get3A_914 : vector<1x1x16xf32> to vector<16xf32>
      %mul3A_916 = arith.mulf %get3A_909, %get3A_915 : vector<16xf32>
      %swap3A_917 = arith.constant 0 : i32
      %swap3A_918 = arith.index_cast %swap3A_917 : i32 to index
      %swap3A_919 = arith.index_cast %scan3A_805 : i32 to index
      %swap3A_920 = arith.constant 80 : index
      %swap3A_921 = tpu.vector_load %arg10[%swap3A_918, %swap3A_919, %swap3A_920] {strides = array<i32>} : memref<2x40x128xf32, #tpu.memory_space<vmem>>, vector<1x1x16xf32>,
      %swap3A_922 = vector.shape_cast %swap3A_921 : vector<1x1x16xf32> to vector<16xf32>
      %swap3A_923 = vector.shape_cast %mul3A_916 : vector<16xf32> to vector<1x1x16xf32>
      tpu.vector_store %arg10[%swap3A_918, %swap3A_919, %swap3A_920], %swap3A_923 {strides = array<i32>} : memref<2x40x128xf32, #tpu.memory_space<vmem>>, vector<1x1x16xf32>,
      %get3A_924 = arith.constant 0 : i32
      %get3A_925 = arith.index_cast %get3A_924 : i32 to index
      %get3A_926 = arith.index_cast %scan3A_805 : i32 to index
      %get3A_927 = arith.constant 96 : index
      %get3A_928 = tpu.vector_load %arg8[%get3A_925, %get3A_926, %get3A_927] {strides = array<i32>} : memref<2x40x128xf32, #tpu.memory_space<vmem>>, vector<1x1x16xf32>,
      %get3A_929 = vector.shape_cast %get3A_928 : vector<1x1x16xf32> to vector<16xf32>
      %get3A_930 = arith.constant 0 : i32
      %get3A_931 = arith.index_cast %get3A_930 : i32 to index
      %get3A_932 = arith.index_cast %scan3A_805 : i32 to index
      %get3A_933 = arith.constant 96 : index
      %get3A_934 = tpu.vector_load %arg9[%get3A_931, %get3A_932, %get3A_933] {strides = array<i32>} : memref<2x40x128xf32, #tpu.memory_space<vmem>>, vector<1x1x16xf32>,
      %get3A_935 = vector.shape_cast %get3A_934 : vector<1x1x16xf32> to vector<16xf32>
      %mul3A_936 = arith.mulf %get3A_929, %get3A_935 : vector<16xf32>
      %swap3A_937 = arith.constant 0 : i32
      %swap3A_938 = arith.index_cast %swap3A_937 : i32 to index
      %swap3A_939 = arith.index_cast %scan3A_805 : i32 to index
      %swap3A_940 = arith.constant 96 : index
      %swap3A_941 = tpu.vector_load %arg10[%swap3A_938, %swap3A_939, %swap3A_940] {strides = array<i32>} : memref<2x40x128xf32, #tpu.memory_space<vmem>>, vector<1x1x16xf32>,
      %swap3A_942 = vector.shape_cast %swap3A_941 : vector<1x1x16xf32> to vector<16xf32>
      %swap3A_943 = vector.shape_cast %mul3A_936 : vector<16xf32> to vector<1x1x16xf32>
      tpu.vector_store %arg10[%swap3A_938, %swap3A_939, %swap3A_940], %swap3A_943 {strides = array<i32>} : memref<2x40x128xf32, #tpu.memory_space<vmem>>, vector<1x1x16xf32>,
      %get3A_944 = arith.constant 0 : i32
      %get3A_945 = arith.index_cast %get3A_944 : i32 to index
      %get3A_946 = arith.index_cast %scan3A_805 : i32 to index
      %get3A_947 = arith.constant 112 : index
      %get3A_948 = tpu.vector_load %arg8[%get3A_945, %get3A_946, %get3A_947] {strides = array<i32>} : memref<2x40x128xf32, #tpu.memory_space<vmem>>, vector<1x1x16xf32>,
      %get3A_949 = vector.shape_cast %get3A_948 : vector<1x1x16xf32> to vector<16xf32>
      %get3A_950 = arith.constant 0 : i32
      %get3A_951 = arith.index_cast %get3A_950 : i32 to index
      %get3A_952 = arith.index_cast %scan3A_805 : i32 to index
      %get3A_953 = arith.constant 112 : index
      %get3A_954 = tpu.vector_load %arg9[%get3A_951, %get3A_952, %get3A_953] {strides = array<i32>} : memref<2x40x128xf32, #tpu.memory_space<vmem>>, vector<1x1x16xf32>,
      %get3A_955 = vector.shape_cast %get3A_954 : vector<1x1x16xf32> to vector<16xf32>
      %mul3A_956 = arith.mulf %get3A_949, %get3A_955 : vector<16xf32>
      %swap3A_957 = arith.constant 0 : i32
      %swap3A_958 = arith.index_cast %swap3A_957 : i32 to index
      %swap3A_959 = arith.index_cast %scan3A_805 : i32 to index
      %swap3A_960 = arith.constant 112 : index
      %swap3A_961 = tpu.vector_load %arg10[%swap3A_958, %swap3A_959, %swap3A_960] {strides = array<i32>} : memref<2x40x128xf32, #tpu.memory_space<vmem>>, vector<1x1x16xf32>,
      %swap3A_962 = vector.shape_cast %swap3A_961 : vector<1x1x16xf32> to vector<16xf32>
      %swap3A_963 = vector.shape_cast %mul3A_956 : vector<16xf32> to vector<1x1x16xf32>
      tpu.vector_store %arg10[%swap3A_958, %swap3A_959, %swap3A_960], %swap3A_963 {strides = array<i32>} : memref<2x40x128xf32, #tpu.memory_space<vmem>>, vector<1x1x16xf32>,
    }
    %scan3A_213 = arith.constant 40 : i32
    %dma_start3A_214 = arith.constant 0 : i32
    %dma_start3A_215 = arith.constant 0 : i32
    %dma_start3A_216 = arith.constant 1 : i32
    %dma_start3A_217 = arith.constant 0 : i32
    %dma_start3A_218 = arith.constant 0 : i32
    %dma_start3A_219 = tpu.memref_slice %arg10[%dma_start3A_214, %dma_start3A_217, %dma_start3A_218] : memref<2x40x128xf32, #tpu.memory_space<vmem>> -> memref<1x40x128xf32, #tpu.memory_space<vmem>>
    %dma_start3A_220 = tpu.memref_squeeze %dma_start3A_219 : memref<1x40x128xf32, #tpu.memory_space<vmem>> -> memref<40x128xf32, #tpu.memory_space<vmem>>
    %dma_start3A_221 = arith.constant 0 : i32
    %dma_start3A_222 = tpu.memref_slice %arg7[%dma_start3A_215, %dma_start3A_216, %dma_start3A_221] : memref<4x2x40xi32, #tpu.memory_space<vmem>> -> memref<1x1x40xi32, #tpu.memory_space<vmem>>
    %dma_start3A_223 = tpu.memref_squeeze %dma_start3A_222 : memref<1x1x40xi32, #tpu.memory_space<vmem>> -> memref<40xi32, #tpu.memory_space<vmem>>
    %dma_start3A_224 = arith.constant 0 : i32
    %dma_start3A_225 = arith.constant 0 : i32
    %dma_start3A_226 = tpu.memref_slice %arg11[%dma_start3A_224, %dma_start3A_225] : memref<10000x128xf32, #tpu.memory_space<vmem_shared>> -> memref<10000x128xf32, #tpu.memory_space<vmem_shared>>
    tpu.enqueue_indirect_dma source(%dma_start3A_220 : memref<40x128xf32, #tpu.memory_space<vmem>>) target(%dma_start3A_226 : memref<10000x128xf32, #tpu.memory_space<vmem_shared>>) offsets(%dma_start3A_223 : memref<40xi32, #tpu.memory_space<vmem>>) semaphore(%arg20 : memref<!tpu.dma_semaphore, #tpu.memory_space<semaphore_mem>>) {add = true}
    %dma_wait3A_227 = arith.constant 2 : i32
    %dma_wait3A_228 = arith.constant 0 : i32
    %dma_wait3A_229 = arith.constant 0 : i32
    %dma_wait3A_230 = tpu.memref_slice %arg7[%dma_wait3A_227, %dma_wait3A_228, %dma_wait3A_229] : memref<4x2x40xi32, #tpu.memory_space<vmem>> -> memref<1x1x40xi32, #tpu.memory_space<vmem>>
    %dma_wait3A_231 = tpu.memref_squeeze %dma_wait3A_230 : memref<1x1x40xi32, #tpu.memory_space<vmem>> -> memref<40xi32, #tpu.memory_space<vmem>>
    %dma_wait3A_232 = tpu.memref_slice %arg4[%mul3A_21] : memref<320000xi32, #tpu.memory_space<hbm>> -> memref<40xi32, #tpu.memory_space<hbm>>
    %dma_wait3A_233 = arith.constant 0 : i32
    %dma_wait3A_234 = tpu.memref_slice %arg7[%dma_wait3A_227, %dma_wait3A_228, %dma_wait3A_233] : memref<4x2x40xi32, #tpu.memory_space<vmem>> -> memref<1x1x40xi32, #tpu.memory_space<vmem>>
    %dma_wait3A_235 = tpu.memref_squeeze %dma_wait3A_234 : memref<1x1x40xi32, #tpu.memory_space<vmem>> -> memref<40xi32, #tpu.memory_space<vmem>>
    %dma_wait3A_236 = tpu.memref_slice %arg4[%mul3A_21] : memref<320000xi32, #tpu.memory_space<hbm>> -> memref<40xi32, #tpu.memory_space<hbm>>
    tpu.wait_dma2 semaphore(%arg14 : memref<!tpu.dma_semaphore, #tpu.memory_space<semaphore_mem>>) src(%dma_wait3A_236 : memref<40xi32, #tpu.memory_space<hbm>>) dst(%dma_wait3A_235 : memref<40xi32, #tpu.memory_space<vmem>>)
    %dma_wait3A_237 = arith.constant 2 : i32
    %dma_wait3A_238 = arith.constant 1 : i32
    %dma_wait3A_239 = arith.constant 0 : i32
    %dma_wait3A_240 = tpu.memref_slice %arg7[%dma_wait3A_237, %dma_wait3A_238, %dma_wait3A_239] : memref<4x2x40xi32, #tpu.memory_space<vmem>> -> memref<1x1x40xi32, #tpu.memory_space<vmem>>
    %dma_wait3A_241 = tpu.memref_squeeze %dma_wait3A_240 : memref<1x1x40xi32, #tpu.memory_space<vmem>> -> memref<40xi32, #tpu.memory_space<vmem>>
    %dma_wait3A_242 = tpu.memref_slice %arg5[%mul3A_21] : memref<320000xi32, #tpu.memory_space<hbm>> -> memref<40xi32, #tpu.memory_space<hbm>>
    %dma_wait3A_243 = arith.constant 0 : i32
    %dma_wait3A_244 = tpu.memref_slice %arg7[%dma_wait3A_237, %dma_wait3A_238, %dma_wait3A_243] : memref<4x2x40xi32, #tpu.memory_space<vmem>> -> memref<1x1x40xi32, #tpu.memory_space<vmem>>
    %dma_wait3A_245 = tpu.memref_squeeze %dma_wait3A_244 : memref<1x1x40xi32, #tpu.memory_space<vmem>> -> memref<40xi32, #tpu.memory_space<vmem>>
    %dma_wait3A_246 = tpu.memref_slice %arg5[%mul3A_21] : memref<320000xi32, #tpu.memory_space<hbm>> -> memref<40xi32, #tpu.memory_space<hbm>>
    tpu.wait_dma2 semaphore(%arg14 : memref<!tpu.dma_semaphore, #tpu.memory_space<semaphore_mem>>) src(%dma_wait3A_246 : memref<40xi32, #tpu.memory_space<hbm>>) dst(%dma_wait3A_245 : memref<40xi32, #tpu.memory_space<vmem>>)
    %dma_start3A_247 = arith.constant 2 : i32
    %dma_start3A_248 = arith.constant 0 : i32
    %dma_start3A_249 = arith.constant 0 : i32
    %dma_start3A_250 = arith.constant 0 : i32
    %dma_start3A_251 = arith.constant 0 : i32
    %dma_start3A_252 = tpu.memref_slice %arg8[%dma_start3A_249, %dma_start3A_250, %dma_start3A_251] : memref<2x40x128xf32, #tpu.memory_space<vmem>> -> memref<1x40x128xf32, #tpu.memory_space<vmem>>
    %dma_start3A_253 = tpu.memref_squeeze %dma_start3A_252 : memref<1x40x128xf32, #tpu.memory_space<vmem>> -> memref<40x128xf32, #tpu.memory_space<vmem>>
    %dma_start3A_254 = arith.constant 0 : i32
    %dma_start3A_255 = tpu.memref_slice %arg7[%dma_start3A_247, %dma_start3A_248, %dma_start3A_254] : memref<4x2x40xi32, #tpu.memory_space<vmem>> -> memref<1x1x40xi32, #tpu.memory_space<vmem>>
    %dma_start3A_256 = tpu.memref_squeeze %dma_start3A_255 : memref<1x1x40xi32, #tpu.memory_space<vmem>> -> memref<40xi32, #tpu.memory_space<vmem>>
    %dma_start3A_257 = arith.constant 0 : i32
    %dma_start3A_258 = arith.constant 0 : i32
    %dma_start3A_259 = tpu.memref_slice %arg2[%dma_start3A_257, %dma_start3A_258] : memref<10000x128xf32, #tpu.memory_space<hbm>> -> memref<10000x128xf32, #tpu.memory_space<hbm>>
    tpu.enqueue_indirect_dma source(%dma_start3A_259 : memref<10000x128xf32, #tpu.memory_space<hbm>>) target(%dma_start3A_253 : memref<40x128xf32, #tpu.memory_space<vmem>>) offsets(%dma_start3A_256 : memref<40xi32, #tpu.memory_space<vmem>>) semaphore(%arg16 : memref<!tpu.dma_semaphore, #tpu.memory_space<semaphore_mem>>)
    %add3A_260 = arith.constant 80 : i32
    %add3A_261 = arith.addi %mul3A_21, %add3A_260 : i32
    %dma_start3A_262 = arith.constant 0 : i32
    %dma_start3A_263 = arith.constant 0 : i32
    %dma_start3A_264 = arith.constant 0 : i32
    %dma_start3A_265 = tpu.memref_slice %arg9[%dma_start3A_262, %dma_start3A_263, %dma_start3A_264] : memref<2x40x128xf32, #tpu.memory_space<vmem>> -> memref<1x40x128xf32, #tpu.memory_space<vmem>>
    %dma_start3A_266 = tpu.memref_squeeze %dma_start3A_265 : memref<1x40x128xf32, #tpu.memory_space<vmem>> -> memref<40x128xf32, #tpu.memory_space<vmem>>
    %dma_start3A_267 = arith.constant 0 : i32
    %dma_start3A_268 = tpu.memref_slice %arg3[%add3A_261, %dma_start3A_267] : memref<320000x128xf32, #tpu.memory_space<hbm>> -> memref<40x128xf32, #tpu.memory_space<hbm>>
    %dma_start3A_269 = arith.constant 0 : i32
    %dma_start3A_270 = arith.constant 0 : i32
    %dma_start3A_271 = tpu.memref_slice %arg9[%dma_start3A_262, %dma_start3A_269, %dma_start3A_270] : memref<2x40x128xf32, #tpu.memory_space<vmem>> -> memref<1x40x128xf32, #tpu.memory_space<vmem>>
    %dma_start3A_272 = tpu.memref_squeeze %dma_start3A_271 : memref<1x40x128xf32, #tpu.memory_space<vmem>> -> memref<40x128xf32, #tpu.memory_space<vmem>>
    %dma_start3A_273 = arith.constant 0 : i32
    %dma_start3A_274 = tpu.memref_slice %arg3[%add3A_261, %dma_start3A_273] : memref<320000x128xf32, #tpu.memory_space<hbm>> -> memref<40x128xf32, #tpu.memory_space<hbm>>
    tpu.enqueue_dma source(%dma_start3A_274 : memref<40x128xf32, #tpu.memory_space<hbm>>) target(%dma_start3A_272 : memref<40x128xf32, #tpu.memory_space<vmem>>) target_semaphore(%arg18 : memref<!tpu.dma_semaphore, #tpu.memory_space<semaphore_mem>>)
    %dma_wait3A_275 = arith.constant 1 : i32
    %dma_wait3A_276 = arith.constant 0 : i32
    %dma_wait3A_277 = arith.constant 1 : i32
    %dma_wait3A_278 = arith.constant 0 : i32
    %dma_wait3A_279 = arith.constant 0 : i32
    %dma_wait3A_280 = tpu.memref_slice %arg8[%dma_wait3A_277, %dma_wait3A_278, %dma_wait3A_279] : memref<2x40x128xf32, #tpu.memory_space<vmem>> -> memref<1x40x128xf32, #tpu.memory_space<vmem>>
    %dma_wait3A_281 = tpu.memref_squeeze %dma_wait3A_280 : memref<1x40x128xf32, #tpu.memory_space<vmem>> -> memref<40x128xf32, #tpu.memory_space<vmem>>
    %dma_wait3A_282 = arith.constant 0 : i32
    %dma_wait3A_283 = tpu.memref_slice %arg7[%dma_wait3A_275, %dma_wait3A_276, %dma_wait3A_282] : memref<4x2x40xi32, #tpu.memory_space<vmem>> -> memref<1x1x40xi32, #tpu.memory_space<vmem>>
    %dma_wait3A_284 = tpu.memref_squeeze %dma_wait3A_283 : memref<1x1x40xi32, #tpu.memory_space<vmem>> -> memref<40xi32, #tpu.memory_space<vmem>>
    %dma_wait3A_285 = arith.constant 0 : i32
    %dma_wait3A_286 = arith.constant 0 : i32
    %dma_wait3A_287 = tpu.memref_slice %arg2[%dma_wait3A_285, %dma_wait3A_286] : memref<10000x128xf32, #tpu.memory_space<hbm>> -> memref<10000x128xf32, #tpu.memory_space<hbm>>
    tpu.wait_indirect_dma semaphore(%arg17 : memref<!tpu.dma_semaphore, #tpu.memory_space<semaphore_mem>>) src(%dma_wait3A_287 : memref<10000x128xf32, #tpu.memory_space<hbm>>) dst(%dma_wait3A_281 : memref<40x128xf32, #tpu.memory_space<vmem>>)
    %dma_wait3A_288 = arith.constant 1 : i32
    %dma_wait3A_289 = arith.constant 0 : i32
    %dma_wait3A_290 = arith.constant 0 : i32
    %dma_wait3A_291 = tpu.memref_slice %arg9[%dma_wait3A_288, %dma_wait3A_289, %dma_wait3A_290] : memref<2x40x128xf32, #tpu.memory_space<vmem>> -> memref<1x40x128xf32, #tpu.memory_space<vmem>>
    %dma_wait3A_292 = tpu.memref_squeeze %dma_wait3A_291 : memref<1x40x128xf32, #tpu.memory_space<vmem>> -> memref<40x128xf32, #tpu.memory_space<vmem>>
    %dma_wait3A_293 = arith.constant 0 : i32
    %dma_wait3A_294 = tpu.memref_slice %arg3[%mul3A_21, %dma_wait3A_293] : memref<320000x128xf32, #tpu.memory_space<hbm>> -> memref<40x128xf32, #tpu.memory_space<hbm>>
    %dma_wait3A_295 = arith.constant 0 : i32
    %dma_wait3A_296 = arith.constant 0 : i32
    %dma_wait3A_297 = tpu.memref_slice %arg9[%dma_wait3A_288, %dma_wait3A_295, %dma_wait3A_296] : memref<2x40x128xf32, #tpu.memory_space<vmem>> -> memref<1x40x128xf32, #tpu.memory_space<vmem>>
    %dma_wait3A_298 = tpu.memref_squeeze %dma_wait3A_297 : memref<1x40x128xf32, #tpu.memory_space<vmem>> -> memref<40x128xf32, #tpu.memory_space<vmem>>
    %dma_wait3A_299 = arith.constant 0 : i32
    %dma_wait3A_300 = tpu.memref_slice %arg3[%mul3A_21, %dma_wait3A_299] : memref<320000x128xf32, #tpu.memory_space<hbm>> -> memref<40x128xf32, #tpu.memory_space<hbm>>
    tpu.wait_dma2 semaphore(%arg19 : memref<!tpu.dma_semaphore, #tpu.memory_space<semaphore_mem>>) src(%dma_wait3A_300 : memref<40x128xf32, #tpu.memory_space<hbm>>) dst(%dma_wait3A_298 : memref<40x128xf32, #tpu.memory_space<vmem>>)
    %add3A_301 = arith.constant 120 : i32
    %add3A_302 = arith.addi %mul3A_21, %add3A_301 : i32
    %dma_start3A_303 = arith.constant 3 : i32
    %dma_start3A_304 = arith.constant 0 : i32
    %dma_start3A_305 = arith.constant 0 : i32
    %dma_start3A_306 = tpu.memref_slice %arg7[%dma_start3A_303, %dma_start3A_304, %dma_start3A_305] : memref<4x2x40xi32, #tpu.memory_space<vmem>> -> memref<1x1x40xi32, #tpu.memory_space<vmem>>
    %dma_start3A_307 = tpu.memref_squeeze %dma_start3A_306 : memref<1x1x40xi32, #tpu.memory_space<vmem>> -> memref<40xi32, #tpu.memory_space<vmem>>
    %dma_start3A_308 = tpu.memref_slice %arg4[%add3A_302] : memref<320000xi32, #tpu.memory_space<hbm>> -> memref<40xi32, #tpu.memory_space<hbm>>
    %dma_start3A_309 = arith.constant 0 : i32
    %dma_start3A_310 = tpu.memref_slice %arg7[%dma_start3A_303, %dma_start3A_304, %dma_start3A_309] : memref<4x2x40xi32, #tpu.memory_space<vmem>> -> memref<1x1x40xi32, #tpu.memory_space<vmem>>
    %dma_start3A_311 = tpu.memref_squeeze %dma_start3A_310 : memref<1x1x40xi32, #tpu.memory_space<vmem>> -> memref<40xi32, #tpu.memory_space<vmem>>
    %dma_start3A_312 = tpu.memref_slice %arg4[%add3A_302] : memref<320000xi32, #tpu.memory_space<hbm>> -> memref<40xi32, #tpu.memory_space<hbm>>
    tpu.enqueue_dma source(%dma_start3A_312 : memref<40xi32, #tpu.memory_space<hbm>>) target(%dma_start3A_311 : memref<40xi32, #tpu.memory_space<vmem>>) target_semaphore(%arg15 : memref<!tpu.dma_semaphore, #tpu.memory_space<semaphore_mem>>)
    %dma_start3A_313 = arith.constant 3 : i32
    %dma_start3A_314 = arith.constant 1 : i32
    %dma_start3A_315 = arith.constant 0 : i32
    %dma_start3A_316 = tpu.memref_slice %arg7[%dma_start3A_313, %dma_start3A_314, %dma_start3A_315] : memref<4x2x40xi32, #tpu.memory_space<vmem>> -> memref<1x1x40xi32, #tpu.memory_space<vmem>>
    %dma_start3A_317 = tpu.memref_squeeze %dma_start3A_316 : memref<1x1x40xi32, #tpu.memory_space<vmem>> -> memref<40xi32, #tpu.memory_space<vmem>>
    %dma_start3A_318 = tpu.memref_slice %arg5[%add3A_302] : memref<320000xi32, #tpu.memory_space<hbm>> -> memref<40xi32, #tpu.memory_space<hbm>>
    %dma_start3A_319 = arith.constant 0 : i32
    %dma_start3A_320 = tpu.memref_slice %arg7[%dma_start3A_313, %dma_start3A_314, %dma_start3A_319] : memref<4x2x40xi32, #tpu.memory_space<vmem>> -> memref<1x1x40xi32, #tpu.memory_space<vmem>>
    %dma_start3A_321 = tpu.memref_squeeze %dma_start3A_320 : memref<1x1x40xi32, #tpu.memory_space<vmem>> -> memref<40xi32, #tpu.memory_space<vmem>>
    %dma_start3A_322 = tpu.memref_slice %arg5[%add3A_302] : memref<320000xi32, #tpu.memory_space<hbm>> -> memref<40xi32, #tpu.memory_space<hbm>>
    tpu.enqueue_dma source(%dma_start3A_322 : memref<40xi32, #tpu.memory_space<hbm>>) target(%dma_start3A_321 : memref<40xi32, #tpu.memory_space<vmem>>) target_semaphore(%arg15 : memref<!tpu.dma_semaphore, #tpu.memory_space<semaphore_mem>>)
    %scan3A_323 = arith.constant 0 : i32
    %scan3A_324 = arith.constant 0 : i32
    %scan3A_325 = arith.constant 40 : i32
    %scan3A_326 = arith.addi %scan3A_324, %scan3A_325 : i32
    %scan3A_327 = arith.constant 1 : i32
    scf.for %scan3A_805 = %scan3A_324 to %scan3A_326 step %scan3A_327  : i32 {
      %get3A = arith.constant 1 : i32
      %get3A_806 = arith.index_cast %get3A : i32 to index
      %get3A_807 = arith.index_cast %scan3A_805 : i32 to index
      %get3A_808 = arith.constant 0 : index
      %get3A_809 = tpu.vector_load %arg8[%get3A_806, %get3A_807, %get3A_808] {strides = array<i32>} : memref<2x40x128xf32, #tpu.memory_space<vmem>>, vector<1x1x16xf32>,
      %get3A_810 = vector.shape_cast %get3A_809 : vector<1x1x16xf32> to vector<16xf32>
      %get3A_811 = arith.constant 1 : i32
      %get3A_812 = arith.index_cast %get3A_811 : i32 to index
      %get3A_813 = arith.index_cast %scan3A_805 : i32 to index
      %get3A_814 = arith.constant 0 : index
      %get3A_815 = tpu.vector_load %arg9[%get3A_812, %get3A_813, %get3A_814] {strides = array<i32>} : memref<2x40x128xf32, #tpu.memory_space<vmem>>, vector<1x1x16xf32>,
      %get3A_816 = vector.shape_cast %get3A_815 : vector<1x1x16xf32> to vector<16xf32>
      %mul3A_817 = arith.mulf %get3A_810, %get3A_816 : vector<16xf32>
      %swap3A = arith.constant 1 : i32
      %swap3A_818 = arith.index_cast %swap3A : i32 to index
      %swap3A_819 = arith.index_cast %scan3A_805 : i32 to index
      %swap3A_820 = arith.constant 0 : index
      %swap3A_821 = tpu.vector_load %arg10[%swap3A_818, %swap3A_819, %swap3A_820] {strides = array<i32>} : memref<2x40x128xf32, #tpu.memory_space<vmem>>, vector<1x1x16xf32>,
      %swap3A_822 = vector.shape_cast %swap3A_821 : vector<1x1x16xf32> to vector<16xf32>
      %swap3A_823 = vector.shape_cast %mul3A_817 : vector<16xf32> to vector<1x1x16xf32>
      tpu.vector_store %arg10[%swap3A_818, %swap3A_819, %swap3A_820], %swap3A_823 {strides = array<i32>} : memref<2x40x128xf32, #tpu.memory_space<vmem>>, vector<1x1x16xf32>,
      %get3A_824 = arith.constant 1 : i32
      %get3A_825 = arith.index_cast %get3A_824 : i32 to index
      %get3A_826 = arith.index_cast %scan3A_805 : i32 to index
      %get3A_827 = arith.constant 16 : index
      %get3A_828 = tpu.vector_load %arg8[%get3A_825, %get3A_826, %get3A_827] {strides = array<i32>} : memref<2x40x128xf32, #tpu.memory_space<vmem>>, vector<1x1x16xf32>,
      %get3A_829 = vector.shape_cast %get3A_828 : vector<1x1x16xf32> to vector<16xf32>
      %get3A_830 = arith.constant 1 : i32
      %get3A_831 = arith.index_cast %get3A_830 : i32 to index
      %get3A_832 = arith.index_cast %scan3A_805 : i32 to index
      %get3A_833 = arith.constant 16 : index
      %get3A_834 = tpu.vector_load %arg9[%get3A_831, %get3A_832, %get3A_833] {strides = array<i32>} : memref<2x40x128xf32, #tpu.memory_space<vmem>>, vector<1x1x16xf32>,
      %get3A_835 = vector.shape_cast %get3A_834 : vector<1x1x16xf32> to vector<16xf32>
      %mul3A_836 = arith.mulf %get3A_829, %get3A_835 : vector<16xf32>
      %swap3A_837 = arith.constant 1 : i32
      %swap3A_838 = arith.index_cast %swap3A_837 : i32 to index
      %swap3A_839 = arith.index_cast %scan3A_805 : i32 to index
      %swap3A_840 = arith.constant 16 : index
      %swap3A_841 = tpu.vector_load %arg10[%swap3A_838, %swap3A_839, %swap3A_840] {strides = array<i32>} : memref<2x40x128xf32, #tpu.memory_space<vmem>>, vector<1x1x16xf32>,
      %swap3A_842 = vector.shape_cast %swap3A_841 : vector<1x1x16xf32> to vector<16xf32>
      %swap3A_843 = vector.shape_cast %mul3A_836 : vector<16xf32> to vector<1x1x16xf32>
      tpu.vector_store %arg10[%swap3A_838, %swap3A_839, %swap3A_840], %swap3A_843 {strides = array<i32>} : memref<2x40x128xf32, #tpu.memory_space<vmem>>, vector<1x1x16xf32>,
      %get3A_844 = arith.constant 1 : i32
      %get3A_845 = arith.index_cast %get3A_844 : i32 to index
      %get3A_846 = arith.index_cast %scan3A_805 : i32 to index
      %get3A_847 = arith.constant 32 : index
      %get3A_848 = tpu.vector_load %arg8[%get3A_845, %get3A_846, %get3A_847] {strides = array<i32>} : memref<2x40x128xf32, #tpu.memory_space<vmem>>, vector<1x1x16xf32>,
      %get3A_849 = vector.shape_cast %get3A_848 : vector<1x1x16xf32> to vector<16xf32>
      %get3A_850 = arith.constant 1 : i32
      %get3A_851 = arith.index_cast %get3A_850 : i32 to index
      %get3A_852 = arith.index_cast %scan3A_805 : i32 to index
      %get3A_853 = arith.constant 32 : index
      %get3A_854 = tpu.vector_load %arg9[%get3A_851, %get3A_852, %get3A_853] {strides = array<i32>} : memref<2x40x128xf32, #tpu.memory_space<vmem>>, vector<1x1x16xf32>,
      %get3A_855 = vector.shape_cast %get3A_854 : vector<1x1x16xf32> to vector<16xf32>
      %mul3A_856 = arith.mulf %get3A_849, %get3A_855 : vector<16xf32>
      %swap3A_857 = arith.constant 1 : i32
      %swap3A_858 = arith.index_cast %swap3A_857 : i32 to index
      %swap3A_859 = arith.index_cast %scan3A_805 : i32 to index
      %swap3A_860 = arith.constant 32 : index
      %swap3A_861 = tpu.vector_load %arg10[%swap3A_858, %swap3A_859, %swap3A_860] {strides = array<i32>} : memref<2x40x128xf32, #tpu.memory_space<vmem>>, vector<1x1x16xf32>,
      %swap3A_862 = vector.shape_cast %swap3A_861 : vector<1x1x16xf32> to vector<16xf32>
      %swap3A_863 = vector.shape_cast %mul3A_856 : vector<16xf32> to vector<1x1x16xf32>
      tpu.vector_store %arg10[%swap3A_858, %swap3A_859, %swap3A_860], %swap3A_863 {strides = array<i32>} : memref<2x40x128xf32, #tpu.memory_space<vmem>>, vector<1x1x16xf32>,
      %get3A_864 = arith.constant 1 : i32
      %get3A_865 = arith.index_cast %get3A_864 : i32 to index
      %get3A_866 = arith.index_cast %scan3A_805 : i32 to index
      %get3A_867 = arith.constant 48 : index
      %get3A_868 = tpu.vector_load %arg8[%get3A_865, %get3A_866, %get3A_867] {strides = array<i32>} : memref<2x40x128xf32, #tpu.memory_space<vmem>>, vector<1x1x16xf32>,
      %get3A_869 = vector.shape_cast %get3A_868 : vector<1x1x16xf32> to vector<16xf32>
      %get3A_870 = arith.constant 1 : i32
      %get3A_871 = arith.index_cast %get3A_870 : i32 to index
      %get3A_872 = arith.index_cast %scan3A_805 : i32 to index
      %get3A_873 = arith.constant 48 : index
      %get3A_874 = tpu.vector_load %arg9[%get3A_871, %get3A_872, %get3A_873] {strides = array<i32>} : memref<2x40x128xf32, #tpu.memory_space<vmem>>, vector<1x1x16xf32>,
      %get3A_875 = vector.shape_cast %get3A_874 : vector<1x1x16xf32> to vector<16xf32>
      %mul3A_876 = arith.mulf %get3A_869, %get3A_875 : vector<16xf32>
      %swap3A_877 = arith.constant 1 : i32
      %swap3A_878 = arith.index_cast %swap3A_877 : i32 to index
      %swap3A_879 = arith.index_cast %scan3A_805 : i32 to index
      %swap3A_880 = arith.constant 48 : index
      %swap3A_881 = tpu.vector_load %arg10[%swap3A_878, %swap3A_879, %swap3A_880] {strides = array<i32>} : memref<2x40x128xf32, #tpu.memory_space<vmem>>, vector<1x1x16xf32>,
      %swap3A_882 = vector.shape_cast %swap3A_881 : vector<1x1x16xf32> to vector<16xf32>
      %swap3A_883 = vector.shape_cast %mul3A_876 : vector<16xf32> to vector<1x1x16xf32>
      tpu.vector_store %arg10[%swap3A_878, %swap3A_879, %swap3A_880], %swap3A_883 {strides = array<i32>} : memref<2x40x128xf32, #tpu.memory_space<vmem>>, vector<1x1x16xf32>,
      %get3A_884 = arith.constant 1 : i32
      %get3A_885 = arith.index_cast %get3A_884 : i32 to index
      %get3A_886 = arith.index_cast %scan3A_805 : i32 to index
      %get3A_887 = arith.constant 64 : index
      %get3A_888 = tpu.vector_load %arg8[%get3A_885, %get3A_886, %get3A_887] {strides = array<i32>} : memref<2x40x128xf32, #tpu.memory_space<vmem>>, vector<1x1x16xf32>,
      %get3A_889 = vector.shape_cast %get3A_888 : vector<1x1x16xf32> to vector<16xf32>
      %get3A_890 = arith.constant 1 : i32
      %get3A_891 = arith.index_cast %get3A_890 : i32 to index
      %get3A_892 = arith.index_cast %scan3A_805 : i32 to index
      %get3A_893 = arith.constant 64 : index
      %get3A_894 = tpu.vector_load %arg9[%get3A_891, %get3A_892, %get3A_893] {strides = array<i32>} : memref<2x40x128xf32, #tpu.memory_space<vmem>>, vector<1x1x16xf32>,
      %get3A_895 = vector.shape_cast %get3A_894 : vector<1x1x16xf32> to vector<16xf32>
      %mul3A_896 = arith.mulf %get3A_889, %get3A_895 : vector<16xf32>
      %swap3A_897 = arith.constant 1 : i32
      %swap3A_898 = arith.index_cast %swap3A_897 : i32 to index
      %swap3A_899 = arith.index_cast %scan3A_805 : i32 to index
      %swap3A_900 = arith.constant 64 : index
      %swap3A_901 = tpu.vector_load %arg10[%swap3A_898, %swap3A_899, %swap3A_900] {strides = array<i32>} : memref<2x40x128xf32, #tpu.memory_space<vmem>>, vector<1x1x16xf32>,
      %swap3A_902 = vector.shape_cast %swap3A_901 : vector<1x1x16xf32> to vector<16xf32>
      %swap3A_903 = vector.shape_cast %mul3A_896 : vector<16xf32> to vector<1x1x16xf32>
      tpu.vector_store %arg10[%swap3A_898, %swap3A_899, %swap3A_900], %swap3A_903 {strides = array<i32>} : memref<2x40x128xf32, #tpu.memory_space<vmem>>, vector<1x1x16xf32>,
      %get3A_904 = arith.constant 1 : i32
      %get3A_905 = arith.index_cast %get3A_904 : i32 to index
      %get3A_906 = arith.index_cast %scan3A_805 : i32 to index
      %get3A_907 = arith.constant 80 : index
      %get3A_908 = tpu.vector_load %arg8[%get3A_905, %get3A_906, %get3A_907] {strides = array<i32>} : memref<2x40x128xf32, #tpu.memory_space<vmem>>, vector<1x1x16xf32>,
      %get3A_909 = vector.shape_cast %get3A_908 : vector<1x1x16xf32> to vector<16xf32>
      %get3A_910 = arith.constant 1 : i32
      %get3A_911 = arith.index_cast %get3A_910 : i32 to index
      %get3A_912 = arith.index_cast %scan3A_805 : i32 to index
      %get3A_913 = arith.constant 80 : index
      %get3A_914 = tpu.vector_load %arg9[%get3A_911, %get3A_912, %get3A_913] {strides = array<i32>} : memref<2x40x128xf32, #tpu.memory_space<vmem>>, vector<1x1x16xf32>,
      %get3A_915 = vector.shape_cast %get3A_914 : vector<1x1x16xf32> to vector<16xf32>
      %mul3A_916 = arith.mulf %get3A_909, %get3A_915 : vector<16xf32>
      %swap3A_917 = arith.constant 1 : i32
      %swap3A_918 = arith.index_cast %swap3A_917 : i32 to index
      %swap3A_919 = arith.index_cast %scan3A_805 : i32 to index
      %swap3A_920 = arith.constant 80 : index
      %swap3A_921 = tpu.vector_load %arg10[%swap3A_918, %swap3A_919, %swap3A_920] {strides = array<i32>} : memref<2x40x128xf32, #tpu.memory_space<vmem>>, vector<1x1x16xf32>,
      %swap3A_922 = vector.shape_cast %swap3A_921 : vector<1x1x16xf32> to vector<16xf32>
      %swap3A_923 = vector.shape_cast %mul3A_916 : vector<16xf32> to vector<1x1x16xf32>
      tpu.vector_store %arg10[%swap3A_918, %swap3A_919, %swap3A_920], %swap3A_923 {strides = array<i32>} : memref<2x40x128xf32, #tpu.memory_space<vmem>>, vector<1x1x16xf32>,
      %get3A_924 = arith.constant 1 : i32
      %get3A_925 = arith.index_cast %get3A_924 : i32 to index
      %get3A_926 = arith.index_cast %scan3A_805 : i32 to index
      %get3A_927 = arith.constant 96 : index
      %get3A_928 = tpu.vector_load %arg8[%get3A_925, %get3A_926, %get3A_927] {strides = array<i32>} : memref<2x40x128xf32, #tpu.memory_space<vmem>>, vector<1x1x16xf32>,
      %get3A_929 = vector.shape_cast %get3A_928 : vector<1x1x16xf32> to vector<16xf32>
      %get3A_930 = arith.constant 1 : i32
      %get3A_931 = arith.index_cast %get3A_930 : i32 to index
      %get3A_932 = arith.index_cast %scan3A_805 : i32 to index
      %get3A_933 = arith.constant 96 : index
      %get3A_934 = tpu.vector_load %arg9[%get3A_931, %get3A_932, %get3A_933] {strides = array<i32>} : memref<2x40x128xf32, #tpu.memory_space<vmem>>, vector<1x1x16xf32>,
      %get3A_935 = vector.shape_cast %get3A_934 : vector<1x1x16xf32> to vector<16xf32>
      %mul3A_936 = arith.mulf %get3A_929, %get3A_935 : vector<16xf32>
      %swap3A_937 = arith.constant 1 : i32
      %swap3A_938 = arith.index_cast %swap3A_937 : i32 to index
      %swap3A_939 = arith.index_cast %scan3A_805 : i32 to index
      %swap3A_940 = arith.constant 96 : index
      %swap3A_941 = tpu.vector_load %arg10[%swap3A_938, %swap3A_939, %swap3A_940] {strides = array<i32>} : memref<2x40x128xf32, #tpu.memory_space<vmem>>, vector<1x1x16xf32>,
      %swap3A_942 = vector.shape_cast %swap3A_941 : vector<1x1x16xf32> to vector<16xf32>
      %swap3A_943 = vector.shape_cast %mul3A_936 : vector<16xf32> to vector<1x1x16xf32>
      tpu.vector_store %arg10[%swap3A_938, %swap3A_939, %swap3A_940], %swap3A_943 {strides = array<i32>} : memref<2x40x128xf32, #tpu.memory_space<vmem>>, vector<1x1x16xf32>,
      %get3A_944 = arith.constant 1 : i32
      %get3A_945 = arith.index_cast %get3A_944 : i32 to index
      %get3A_946 = arith.index_cast %scan3A_805 : i32 to index
      %get3A_947 = arith.constant 112 : index
      %get3A_948 = tpu.vector_load %arg8[%get3A_945, %get3A_946, %get3A_947] {strides = array<i32>} : memref<2x40x128xf32, #tpu.memory_space<vmem>>, vector<1x1x16xf32>,
      %get3A_949 = vector.shape_cast %get3A_948 : vector<1x1x16xf32> to vector<16xf32>
      %get3A_950 = arith.constant 1 : i32
      %get3A_951 = arith.index_cast %get3A_950 : i32 to index
      %get3A_952 = arith.index_cast %scan3A_805 : i32 to index
      %get3A_953 = arith.constant 112 : index
      %get3A_954 = tpu.vector_load %arg9[%get3A_951, %get3A_952, %get3A_953] {strides = array<i32>} : memref<2x40x128xf32, #tpu.memory_space<vmem>>, vector<1x1x16xf32>,
      %get3A_955 = vector.shape_cast %get3A_954 : vector<1x1x16xf32> to vector<16xf32>
      %mul3A_956 = arith.mulf %get3A_949, %get3A_955 : vector<16xf32>
      %swap3A_957 = arith.constant 1 : i32
      %swap3A_958 = arith.index_cast %swap3A_957 : i32 to index
      %swap3A_959 = arith.index_cast %scan3A_805 : i32 to index
      %swap3A_960 = arith.constant 112 : index
      %swap3A_961 = tpu.vector_load %arg10[%swap3A_958, %swap3A_959, %swap3A_960] {strides = array<i32>} : memref<2x40x128xf32, #tpu.memory_space<vmem>>, vector<1x1x16xf32>,
      %swap3A_962 = vector.shape_cast %swap3A_961 : vector<1x1x16xf32> to vector<16xf32>
      %swap3A_963 = vector.shape_cast %mul3A_956 : vector<16xf32> to vector<1x1x16xf32>
      tpu.vector_store %arg10[%swap3A_958, %swap3A_959, %swap3A_960], %swap3A_963 {strides = array<i32>} : memref<2x40x128xf32, #tpu.memory_space<vmem>>, vector<1x1x16xf32>,
    }
    %scan3A_328 = arith.constant 40 : i32
    %dma_start3A_329 = arith.constant 1 : i32
    %dma_start3A_330 = arith.constant 1 : i32
    %dma_start3A_331 = arith.constant 1 : i32
    %dma_start3A_332 = arith.constant 0 : i32
    %dma_start3A_333 = arith.constant 0 : i32
    %dma_start3A_334 = tpu.memref_slice %arg10[%dma_start3A_329, %dma_start3A_332, %dma_start3A_333] : memref<2x40x128xf32, #tpu.memory_space<vmem>> -> memref<1x40x128xf32, #tpu.memory_space<vmem>>
    %dma_start3A_335 = tpu.memref_squeeze %dma_start3A_334 : memref<1x40x128xf32, #tpu.memory_space<vmem>> -> memref<40x128xf32, #tpu.memory_space<vmem>>
    %dma_start3A_336 = arith.constant 0 : i32
    %dma_start3A_337 = tpu.memref_slice %arg7[%dma_start3A_330, %dma_start3A_331, %dma_start3A_336] : memref<4x2x40xi32, #tpu.memory_space<vmem>> -> memref<1x1x40xi32, #tpu.memory_space<vmem>>
    %dma_start3A_338 = tpu.memref_squeeze %dma_start3A_337 : memref<1x1x40xi32, #tpu.memory_space<vmem>> -> memref<40xi32, #tpu.memory_space<vmem>>
    %dma_start3A_339 = arith.constant 0 : i32
    %dma_start3A_340 = arith.constant 0 : i32
    %dma_start3A_341 = tpu.memref_slice %arg11[%dma_start3A_339, %dma_start3A_340] : memref<10000x128xf32, #tpu.memory_space<vmem_shared>> -> memref<10000x128xf32, #tpu.memory_space<vmem_shared>>
    tpu.enqueue_indirect_dma source(%dma_start3A_335 : memref<40x128xf32, #tpu.memory_space<vmem>>) target(%dma_start3A_341 : memref<10000x128xf32, #tpu.memory_space<vmem_shared>>) offsets(%dma_start3A_338 : memref<40xi32, #tpu.memory_space<vmem>>) semaphore(%arg21 : memref<!tpu.dma_semaphore, #tpu.memory_space<semaphore_mem>>) {add = true}
    %dma_wait3A_342 = arith.constant 3 : i32
    %dma_wait3A_343 = arith.constant 0 : i32
    %dma_wait3A_344 = arith.constant 0 : i32
    %dma_wait3A_345 = tpu.memref_slice %arg7[%dma_wait3A_342, %dma_wait3A_343, %dma_wait3A_344] : memref<4x2x40xi32, #tpu.memory_space<vmem>> -> memref<1x1x40xi32, #tpu.memory_space<vmem>>
    %dma_wait3A_346 = tpu.memref_squeeze %dma_wait3A_345 : memref<1x1x40xi32, #tpu.memory_space<vmem>> -> memref<40xi32, #tpu.memory_space<vmem>>
    %dma_wait3A_347 = tpu.memref_slice %arg4[%mul3A_21] : memref<320000xi32, #tpu.memory_space<hbm>> -> memref<40xi32, #tpu.memory_space<hbm>>
    %dma_wait3A_348 = arith.constant 0 : i32
    %dma_wait3A_349 = tpu.memref_slice %arg7[%dma_wait3A_342, %dma_wait3A_343, %dma_wait3A_348] : memref<4x2x40xi32, #tpu.memory_space<vmem>> -> memref<1x1x40xi32, #tpu.memory_space<vmem>>
    %dma_wait3A_350 = tpu.memref_squeeze %dma_wait3A_349 : memref<1x1x40xi32, #tpu.memory_space<vmem>> -> memref<40xi32, #tpu.memory_space<vmem>>
    %dma_wait3A_351 = tpu.memref_slice %arg4[%mul3A_21] : memref<320000xi32, #tpu.memory_space<hbm>> -> memref<40xi32, #tpu.memory_space<hbm>>
    tpu.wait_dma2 semaphore(%arg15 : memref<!tpu.dma_semaphore, #tpu.memory_space<semaphore_mem>>) src(%dma_wait3A_351 : memref<40xi32, #tpu.memory_space<hbm>>) dst(%dma_wait3A_350 : memref<40xi32, #tpu.memory_space<vmem>>)
    %dma_wait3A_352 = arith.constant 3 : i32
    %dma_wait3A_353 = arith.constant 1 : i32
    %dma_wait3A_354 = arith.constant 0 : i32
    %dma_wait3A_355 = tpu.memref_slice %arg7[%dma_wait3A_352, %dma_wait3A_353, %dma_wait3A_354] : memref<4x2x40xi32, #tpu.memory_space<vmem>> -> memref<1x1x40xi32, #tpu.memory_space<vmem>>
    %dma_wait3A_356 = tpu.memref_squeeze %dma_wait3A_355 : memref<1x1x40xi32, #tpu.memory_space<vmem>> -> memref<40xi32, #tpu.memory_space<vmem>>
    %dma_wait3A_357 = tpu.memref_slice %arg5[%mul3A_21] : memref<320000xi32, #tpu.memory_space<hbm>> -> memref<40xi32, #tpu.memory_space<hbm>>
    %dma_wait3A_358 = arith.constant 0 : i32
    %dma_wait3A_359 = tpu.memref_slice %arg7[%dma_wait3A_352, %dma_wait3A_353, %dma_wait3A_358] : memref<4x2x40xi32, #tpu.memory_space<vmem>> -> memref<1x1x40xi32, #tpu.memory_space<vmem>>
    %dma_wait3A_360 = tpu.memref_squeeze %dma_wait3A_359 : memref<1x1x40xi32, #tpu.memory_space<vmem>> -> memref<40xi32, #tpu.memory_space<vmem>>
    %dma_wait3A_361 = tpu.memref_slice %arg5[%mul3A_21] : memref<320000xi32, #tpu.memory_space<hbm>> -> memref<40xi32, #tpu.memory_space<hbm>>
    tpu.wait_dma2 semaphore(%arg15 : memref<!tpu.dma_semaphore, #tpu.memory_space<semaphore_mem>>) src(%dma_wait3A_361 : memref<40xi32, #tpu.memory_space<hbm>>) dst(%dma_wait3A_360 : memref<40xi32, #tpu.memory_space<vmem>>)
    %dma_start3A_362 = arith.constant 3 : i32
    %dma_start3A_363 = arith.constant 0 : i32
    %dma_start3A_364 = arith.constant 1 : i32
    %dma_start3A_365 = arith.constant 0 : i32
    %dma_start3A_366 = arith.constant 0 : i32
    %dma_start3A_367 = tpu.memref_slice %arg8[%dma_start3A_364, %dma_start3A_365, %dma_start3A_366] : memref<2x40x128xf32, #tpu.memory_space<vmem>> -> memref<1x40x128xf32, #tpu.memory_space<vmem>>
    %dma_start3A_368 = tpu.memref_squeeze %dma_start3A_367 : memref<1x40x128xf32, #tpu.memory_space<vmem>> -> memref<40x128xf32, #tpu.memory_space<vmem>>
    %dma_start3A_369 = arith.constant 0 : i32
    %dma_start3A_370 = tpu.memref_slice %arg7[%dma_start3A_362, %dma_start3A_363, %dma_start3A_369] : memref<4x2x40xi32, #tpu.memory_space<vmem>> -> memref<1x1x40xi32, #tpu.memory_space<vmem>>
    %dma_start3A_371 = tpu.memref_squeeze %dma_start3A_370 : memref<1x1x40xi32, #tpu.memory_space<vmem>> -> memref<40xi32, #tpu.memory_space<vmem>>
    %dma_start3A_372 = arith.constant 0 : i32
    %dma_start3A_373 = arith.constant 0 : i32
    %dma_start3A_374 = tpu.memref_slice %arg2[%dma_start3A_372, %dma_start3A_373] : memref<10000x128xf32, #tpu.memory_space<hbm>> -> memref<10000x128xf32, #tpu.memory_space<hbm>>
    tpu.enqueue_indirect_dma source(%dma_start3A_374 : memref<10000x128xf32, #tpu.memory_space<hbm>>) target(%dma_start3A_368 : memref<40x128xf32, #tpu.memory_space<vmem>>) offsets(%dma_start3A_371 : memref<40xi32, #tpu.memory_space<vmem>>) semaphore(%arg17 : memref<!tpu.dma_semaphore, #tpu.memory_space<semaphore_mem>>)
    %add3A_375 = arith.constant 120 : i32
    %add3A_376 = arith.addi %mul3A_21, %add3A_375 : i32
    %dma_start3A_377 = arith.constant 1 : i32
    %dma_start3A_378 = arith.constant 0 : i32
    %dma_start3A_379 = arith.constant 0 : i32
    %dma_start3A_380 = tpu.memref_slice %arg9[%dma_start3A_377, %dma_start3A_378, %dma_start3A_379] : memref<2x40x128xf32, #tpu.memory_space<vmem>> -> memref<1x40x128xf32, #tpu.memory_space<vmem>>
    %dma_start3A_381 = tpu.memref_squeeze %dma_start3A_380 : memref<1x40x128xf32, #tpu.memory_space<vmem>> -> memref<40x128xf32, #tpu.memory_space<vmem>>
    %dma_start3A_382 = arith.constant 0 : i32
    %dma_start3A_383 = tpu.memref_slice %arg3[%add3A_376, %dma_start3A_382] : memref<320000x128xf32, #tpu.memory_space<hbm>> -> memref<40x128xf32, #tpu.memory_space<hbm>>
    %dma_start3A_384 = arith.constant 0 : i32
    %dma_start3A_385 = arith.constant 0 : i32
    %dma_start3A_386 = tpu.memref_slice %arg9[%dma_start3A_377, %dma_start3A_384, %dma_start3A_385] : memref<2x40x128xf32, #tpu.memory_space<vmem>> -> memref<1x40x128xf32, #tpu.memory_space<vmem>>
    %dma_start3A_387 = tpu.memref_squeeze %dma_start3A_386 : memref<1x40x128xf32, #tpu.memory_space<vmem>> -> memref<40x128xf32, #tpu.memory_space<vmem>>
    %dma_start3A_388 = arith.constant 0 : i32
    %dma_start3A_389 = tpu.memref_slice %arg3[%add3A_376, %dma_start3A_388] : memref<320000x128xf32, #tpu.memory_space<hbm>> -> memref<40x128xf32, #tpu.memory_space<hbm>>
    tpu.enqueue_dma source(%dma_start3A_389 : memref<40x128xf32, #tpu.memory_space<hbm>>) target(%dma_start3A_387 : memref<40x128xf32, #tpu.memory_space<vmem>>) target_semaphore(%arg19 : memref<!tpu.dma_semaphore, #tpu.memory_space<semaphore_mem>>)
    %scan3A_390 = arith.constant 0 : i32
    %scan3A_391 = arith.constant 0 : i32
    %scan3A_392 = arith.constant 61 : i32
    %scan3A_393 = arith.addi %scan3A_391, %scan3A_392 : i32
    %scan3A_394 = arith.constant 1 : i32
    scf.for %scan3A_805 = %scan3A_391 to %scan3A_393 step %scan3A_394  : i32 {
      %mul3A_806 = arith.constant 4 : i32
      %mul3A_807 = arith.muli %mul3A_806, %scan3A_805 : i32
      %add3A_808 = arith.constant 2 : i32
      %add3A_809 = arith.addi %mul3A_807, %add3A_808 : i32
      %add3A_810 = arith.constant 0 : i32
      %add3A_811 = arith.addi %add3A_809, %add3A_810 : i32
      %dma_wait3A_812 = arith.constant 2 : i32
      %dma_wait3A_813 = arith.constant 0 : i32
      %dma_wait3A_814 = arith.constant 0 : i32
      %dma_wait3A_815 = arith.constant 0 : i32
      %dma_wait3A_816 = arith.constant 0 : i32
      %dma_wait3A_817 = tpu.memref_slice %arg8[%dma_wait3A_814, %dma_wait3A_815, %dma_wait3A_816] : memref<2x40x128xf32, #tpu.memory_space<vmem>> -> memref<1x40x128xf32, #tpu.memory_space<vmem>>
      %dma_wait3A_818 = tpu.memref_squeeze %dma_wait3A_817 : memref<1x40x128xf32, #tpu.memory_space<vmem>> -> memref<40x128xf32, #tpu.memory_space<vmem>>
      %dma_wait3A_819 = arith.constant 0 : i32
      %dma_wait3A_820 = tpu.memref_slice %arg7[%dma_wait3A_812, %dma_wait3A_813, %dma_wait3A_819] : memref<4x2x40xi32, #tpu.memory_space<vmem>> -> memref<1x1x40xi32, #tpu.memory_space<vmem>>
      %dma_wait3A_821 = tpu.memref_squeeze %dma_wait3A_820 : memref<1x1x40xi32, #tpu.memory_space<vmem>> -> memref<40xi32, #tpu.memory_space<vmem>>
      %dma_wait3A_822 = arith.constant 0 : i32
      %dma_wait3A_823 = arith.constant 0 : i32
      %dma_wait3A_824 = tpu.memref_slice %arg2[%dma_wait3A_822, %dma_wait3A_823] : memref<10000x128xf32, #tpu.memory_space<hbm>> -> memref<10000x128xf32, #tpu.memory_space<hbm>>
      tpu.wait_indirect_dma semaphore(%arg16 : memref<!tpu.dma_semaphore, #tpu.memory_space<semaphore_mem>>) src(%dma_wait3A_824 : memref<10000x128xf32, #tpu.memory_space<hbm>>) dst(%dma_wait3A_818 : memref<40x128xf32, #tpu.memory_space<vmem>>)
      %dma_wait3A_825 = arith.constant 0 : i32
      %dma_wait3A_826 = arith.constant 0 : i32
      %dma_wait3A_827 = arith.constant 0 : i32
      %dma_wait3A_828 = tpu.memref_slice %arg9[%dma_wait3A_825, %dma_wait3A_826, %dma_wait3A_827] : memref<2x40x128xf32, #tpu.memory_space<vmem>> -> memref<1x40x128xf32, #tpu.memory_space<vmem>>
      %dma_wait3A_829 = tpu.memref_squeeze %dma_wait3A_828 : memref<1x40x128xf32, #tpu.memory_space<vmem>> -> memref<40x128xf32, #tpu.memory_space<vmem>>
      %dma_wait3A_830 = arith.constant 0 : i32
      %dma_wait3A_831 = tpu.memref_slice %arg3[%mul3A_21, %dma_wait3A_830] : memref<320000x128xf32, #tpu.memory_space<hbm>> -> memref<40x128xf32, #tpu.memory_space<hbm>>
      %dma_wait3A_832 = arith.constant 0 : i32
      %dma_wait3A_833 = arith.constant 0 : i32
      %dma_wait3A_834 = tpu.memref_slice %arg9[%dma_wait3A_825, %dma_wait3A_832, %dma_wait3A_833] : memref<2x40x128xf32, #tpu.memory_space<vmem>> -> memref<1x40x128xf32, #tpu.memory_space<vmem>>
      %dma_wait3A_835 = tpu.memref_squeeze %dma_wait3A_834 : memref<1x40x128xf32, #tpu.memory_space<vmem>> -> memref<40x128xf32, #tpu.memory_space<vmem>>
      %dma_wait3A_836 = arith.constant 0 : i32
      %dma_wait3A_837 = tpu.memref_slice %arg3[%mul3A_21, %dma_wait3A_836] : memref<320000x128xf32, #tpu.memory_space<hbm>> -> memref<40x128xf32, #tpu.memory_space<hbm>>
      tpu.wait_dma2 semaphore(%arg18 : memref<!tpu.dma_semaphore, #tpu.memory_space<semaphore_mem>>) src(%dma_wait3A_837 : memref<40x128xf32, #tpu.memory_space<hbm>>) dst(%dma_wait3A_835 : memref<40x128xf32, #tpu.memory_space<vmem>>)
      %dma_wait3A_838 = arith.constant 0 : i32
      %dma_wait3A_839 = arith.constant 0 : i32
      %dma_wait3A_840 = arith.constant 1 : i32
      %dma_wait3A_841 = arith.constant 0 : i32
      %dma_wait3A_842 = arith.constant 0 : i32
      %dma_wait3A_843 = tpu.memref_slice %arg10[%dma_wait3A_838, %dma_wait3A_841, %dma_wait3A_842] : memref<2x40x128xf32, #tpu.memory_space<vmem>> -> memref<1x40x128xf32, #tpu.memory_space<vmem>>
      %dma_wait3A_844 = tpu.memref_squeeze %dma_wait3A_843 : memref<1x40x128xf32, #tpu.memory_space<vmem>> -> memref<40x128xf32, #tpu.memory_space<vmem>>
      %dma_wait3A_845 = arith.constant 0 : i32
      %dma_wait3A_846 = tpu.memref_slice %arg7[%dma_wait3A_839, %dma_wait3A_840, %dma_wait3A_845] : memref<4x2x40xi32, #tpu.memory_space<vmem>> -> memref<1x1x40xi32, #tpu.memory_space<vmem>>
      %dma_wait3A_847 = tpu.memref_squeeze %dma_wait3A_846 : memref<1x1x40xi32, #tpu.memory_space<vmem>> -> memref<40xi32, #tpu.memory_space<vmem>>
      %dma_wait3A_848 = arith.constant 0 : i32
      %dma_wait3A_849 = arith.constant 0 : i32
      %dma_wait3A_850 = tpu.memref_slice %arg11[%dma_wait3A_848, %dma_wait3A_849] : memref<10000x128xf32, #tpu.memory_space<vmem_shared>> -> memref<10000x128xf32, #tpu.memory_space<vmem_shared>>
      tpu.wait_indirect_dma semaphore(%arg20 : memref<!tpu.dma_semaphore, #tpu.memory_space<semaphore_mem>>) src(%dma_wait3A_844 : memref<40x128xf32, #tpu.memory_space<vmem>>) dst(%dma_wait3A_850 : memref<10000x128xf32, #tpu.memory_space<vmem_shared>>)
      %add3A_851 = arith.constant 2 : i32
      %add3A_852 = arith.addi %add3A_811, %add3A_851 : i32
      %mul3A_853 = arith.constant 40 : i32
      %mul3A_854 = arith.muli %add3A_852, %mul3A_853 : i32
      %add3A_855 = arith.addi %mul3A_21, %mul3A_854 : i32
      %dma_start3A_856 = arith.constant 0 : i32
      %dma_start3A_857 = arith.constant 0 : i32
      %dma_start3A_858 = arith.constant 0 : i32
      %dma_start3A_859 = tpu.memref_slice %arg7[%dma_start3A_856, %dma_start3A_857, %dma_start3A_858] : memref<4x2x40xi32, #tpu.memory_space<vmem>> -> memref<1x1x40xi32, #tpu.memory_space<vmem>>
      %dma_start3A_860 = tpu.memref_squeeze %dma_start3A_859 : memref<1x1x40xi32, #tpu.memory_space<vmem>> -> memref<40xi32, #tpu.memory_space<vmem>>
      %dma_start3A_861 = tpu.memref_slice %arg4[%add3A_855] : memref<320000xi32, #tpu.memory_space<hbm>> -> memref<40xi32, #tpu.memory_space<hbm>>
      %dma_start3A_862 = arith.constant 0 : i32
      %dma_start3A_863 = tpu.memref_slice %arg7[%dma_start3A_856, %dma_start3A_857, %dma_start3A_862] : memref<4x2x40xi32, #tpu.memory_space<vmem>> -> memref<1x1x40xi32, #tpu.memory_space<vmem>>
      %dma_start3A_864 = tpu.memref_squeeze %dma_start3A_863 : memref<1x1x40xi32, #tpu.memory_space<vmem>> -> memref<40xi32, #tpu.memory_space<vmem>>
      %dma_start3A_865 = tpu.memref_slice %arg4[%add3A_855] : memref<320000xi32, #tpu.memory_space<hbm>> -> memref<40xi32, #tpu.memory_space<hbm>>
      tpu.enqueue_dma source(%dma_start3A_865 : memref<40xi32, #tpu.memory_space<hbm>>) target(%dma_start3A_864 : memref<40xi32, #tpu.memory_space<vmem>>) target_semaphore(%arg12 : memref<!tpu.dma_semaphore, #tpu.memory_space<semaphore_mem>>)
      %dma_start3A_866 = arith.constant 0 : i32
      %dma_start3A_867 = arith.constant 1 : i32
      %dma_start3A_868 = arith.constant 0 : i32
      %dma_start3A_869 = tpu.memref_slice %arg7[%dma_start3A_866, %dma_start3A_867, %dma_start3A_868] : memref<4x2x40xi32, #tpu.memory_space<vmem>> -> memref<1x1x40xi32, #tpu.memory_space<vmem>>
      %dma_start3A_870 = tpu.memref_squeeze %dma_start3A_869 : memref<1x1x40xi32, #tpu.memory_space<vmem>> -> memref<40xi32, #tpu.memory_space<vmem>>
      %dma_start3A_871 = tpu.memref_slice %arg5[%add3A_855] : memref<320000xi32, #tpu.memory_space<hbm>> -> memref<40xi32, #tpu.memory_space<hbm>>
      %dma_start3A_872 = arith.constant 0 : i32
      %dma_start3A_873 = tpu.memref_slice %arg7[%dma_start3A_866, %dma_start3A_867, %dma_start3A_872] : memref<4x2x40xi32, #tpu.memory_space<vmem>> -> memref<1x1x40xi32, #tpu.memory_space<vmem>>
      %dma_start3A_874 = tpu.memref_squeeze %dma_start3A_873 : memref<1x1x40xi32, #tpu.memory_space<vmem>> -> memref<40xi32, #tpu.memory_space<vmem>>
      %dma_start3A_875 = tpu.memref_slice %arg5[%add3A_855] : memref<320000xi32, #tpu.memory_space<hbm>> -> memref<40xi32, #tpu.memory_space<hbm>>
      tpu.enqueue_dma source(%dma_start3A_875 : memref<40xi32, #tpu.memory_space<hbm>>) target(%dma_start3A_874 : memref<40xi32, #tpu.memory_space<vmem>>) target_semaphore(%arg12 : memref<!tpu.dma_semaphore, #tpu.memory_space<semaphore_mem>>)
      %scan3A_876 = arith.constant 0 : i32
      %scan3A_877 = arith.constant 0 : i32
      %scan3A_878 = arith.constant 40 : i32
      %scan3A_879 = arith.addi %scan3A_877, %scan3A_878 : i32
      %scan3A_880 = arith.constant 1 : i32
      scf.for %scan3A_1362 = %scan3A_877 to %scan3A_879 step %scan3A_880  : i32 {
        %get3A = arith.constant 0 : i32
        %get3A_1363 = arith.index_cast %get3A : i32 to index
        %get3A_1364 = arith.index_cast %scan3A_1362 : i32 to index
        %get3A_1365 = arith.constant 0 : index
        %get3A_1366 = tpu.vector_load %arg8[%get3A_1363, %get3A_1364, %get3A_1365] {strides = array<i32>} : memref<2x40x128xf32, #tpu.memory_space<vmem>>, vector<1x1x16xf32>,
        %get3A_1367 = vector.shape_cast %get3A_1366 : vector<1x1x16xf32> to vector<16xf32>
        %get3A_1368 = arith.constant 0 : i32
        %get3A_1369 = arith.index_cast %get3A_1368 : i32 to index
        %get3A_1370 = arith.index_cast %scan3A_1362 : i32 to index
        %get3A_1371 = arith.constant 0 : index
        %get3A_1372 = tpu.vector_load %arg9[%get3A_1369, %get3A_1370, %get3A_1371] {strides = array<i32>} : memref<2x40x128xf32, #tpu.memory_space<vmem>>, vector<1x1x16xf32>,
        %get3A_1373 = vector.shape_cast %get3A_1372 : vector<1x1x16xf32> to vector<16xf32>
        %mul3A_1374 = arith.mulf %get3A_1367, %get3A_1373 : vector<16xf32>
        %swap3A = arith.constant 0 : i32
        %swap3A_1375 = arith.index_cast %swap3A : i32 to index
        %swap3A_1376 = arith.index_cast %scan3A_1362 : i32 to index
        %swap3A_1377 = arith.constant 0 : index
        %swap3A_1378 = tpu.vector_load %arg10[%swap3A_1375, %swap3A_1376, %swap3A_1377] {strides = array<i32>} : memref<2x40x128xf32, #tpu.memory_space<vmem>>, vector<1x1x16xf32>,
        %swap3A_1379 = vector.shape_cast %swap3A_1378 : vector<1x1x16xf32> to vector<16xf32>
        %swap3A_1380 = vector.shape_cast %mul3A_1374 : vector<16xf32> to vector<1x1x16xf32>
        tpu.vector_store %arg10[%swap3A_1375, %swap3A_1376, %swap3A_1377], %swap3A_1380 {strides = array<i32>} : memref<2x40x128xf32, #tpu.memory_space<vmem>>, vector<1x1x16xf32>,
        %get3A_1381 = arith.constant 0 : i32
        %get3A_1382 = arith.index_cast %get3A_1381 : i32 to index
        %get3A_1383 = arith.index_cast %scan3A_1362 : i32 to index
        %get3A_1384 = arith.constant 16 : index
        %get3A_1385 = tpu.vector_load %arg8[%get3A_1382, %get3A_1383, %get3A_1384] {strides = array<i32>} : memref<2x40x128xf32, #tpu.memory_space<vmem>>, vector<1x1x16xf32>,
        %get3A_1386 = vector.shape_cast %get3A_1385 : vector<1x1x16xf32> to vector<16xf32>
        %get3A_1387 = arith.constant 0 : i32
        %get3A_1388 = arith.index_cast %get3A_1387 : i32 to index
        %get3A_1389 = arith.index_cast %scan3A_1362 : i32 to index
        %get3A_1390 = arith.constant 16 : index
        %get3A_1391 = tpu.vector_load %arg9[%get3A_1388, %get3A_1389, %get3A_1390] {strides = array<i32>} : memref<2x40x128xf32, #tpu.memory_space<vmem>>, vector<1x1x16xf32>,
        %get3A_1392 = vector.shape_cast %get3A_1391 : vector<1x1x16xf32> to vector<16xf32>
        %mul3A_1393 = arith.mulf %get3A_1386, %get3A_1392 : vector<16xf32>
        %swap3A_1394 = arith.constant 0 : i32
        %swap3A_1395 = arith.index_cast %swap3A_1394 : i32 to index
        %swap3A_1396 = arith.index_cast %scan3A_1362 : i32 to index
        %swap3A_1397 = arith.constant 16 : index
        %swap3A_1398 = tpu.vector_load %arg10[%swap3A_1395, %swap3A_1396, %swap3A_1397] {strides = array<i32>} : memref<2x40x128xf32, #tpu.memory_space<vmem>>, vector<1x1x16xf32>,
        %swap3A_1399 = vector.shape_cast %swap3A_1398 : vector<1x1x16xf32> to vector<16xf32>
        %swap3A_1400 = vector.shape_cast %mul3A_1393 : vector<16xf32> to vector<1x1x16xf32>
        tpu.vector_store %arg10[%swap3A_1395, %swap3A_1396, %swap3A_1397], %swap3A_1400 {strides = array<i32>} : memref<2x40x128xf32, #tpu.memory_space<vmem>>, vector<1x1x16xf32>,
        %get3A_1401 = arith.constant 0 : i32
        %get3A_1402 = arith.index_cast %get3A_1401 : i32 to index
        %get3A_1403 = arith.index_cast %scan3A_1362 : i32 to index
        %get3A_1404 = arith.constant 32 : index
        %get3A_1405 = tpu.vector_load %arg8[%get3A_1402, %get3A_1403, %get3A_1404] {strides = array<i32>} : memref<2x40x128xf32, #tpu.memory_space<vmem>>, vector<1x1x16xf32>,
        %get3A_1406 = vector.shape_cast %get3A_1405 : vector<1x1x16xf32> to vector<16xf32>
        %get3A_1407 = arith.constant 0 : i32
        %get3A_1408 = arith.index_cast %get3A_1407 : i32 to index
        %get3A_1409 = arith.index_cast %scan3A_1362 : i32 to index
        %get3A_1410 = arith.constant 32 : index
        %get3A_1411 = tpu.vector_load %arg9[%get3A_1408, %get3A_1409, %get3A_1410] {strides = array<i32>} : memref<2x40x128xf32, #tpu.memory_space<vmem>>, vector<1x1x16xf32>,
        %get3A_1412 = vector.shape_cast %get3A_1411 : vector<1x1x16xf32> to vector<16xf32>
        %mul3A_1413 = arith.mulf %get3A_1406, %get3A_1412 : vector<16xf32>
        %swap3A_1414 = arith.constant 0 : i32
        %swap3A_1415 = arith.index_cast %swap3A_1414 : i32 to index
        %swap3A_1416 = arith.index_cast %scan3A_1362 : i32 to index
        %swap3A_1417 = arith.constant 32 : index
        %swap3A_1418 = tpu.vector_load %arg10[%swap3A_1415, %swap3A_1416, %swap3A_1417] {strides = array<i32>} : memref<2x40x128xf32, #tpu.memory_space<vmem>>, vector<1x1x16xf32>,
        %swap3A_1419 = vector.shape_cast %swap3A_1418 : vector<1x1x16xf32> to vector<16xf32>
        %swap3A_1420 = vector.shape_cast %mul3A_1413 : vector<16xf32> to vector<1x1x16xf32>
        tpu.vector_store %arg10[%swap3A_1415, %swap3A_1416, %swap3A_1417], %swap3A_1420 {strides = array<i32>} : memref<2x40x128xf32, #tpu.memory_space<vmem>>, vector<1x1x16xf32>,
        %get3A_1421 = arith.constant 0 : i32
        %get3A_1422 = arith.index_cast %get3A_1421 : i32 to index
        %get3A_1423 = arith.index_cast %scan3A_1362 : i32 to index
        %get3A_1424 = arith.constant 48 : index
        %get3A_1425 = tpu.vector_load %arg8[%get3A_1422, %get3A_1423, %get3A_1424] {strides = array<i32>} : memref<2x40x128xf32, #tpu.memory_space<vmem>>, vector<1x1x16xf32>,
        %get3A_1426 = vector.shape_cast %get3A_1425 : vector<1x1x16xf32> to vector<16xf32>
        %get3A_1427 = arith.constant 0 : i32
        %get3A_1428 = arith.index_cast %get3A_1427 : i32 to index
        %get3A_1429 = arith.index_cast %scan3A_1362 : i32 to index
        %get3A_1430 = arith.constant 48 : index
        %get3A_1431 = tpu.vector_load %arg9[%get3A_1428, %get3A_1429, %get3A_1430] {strides = array<i32>} : memref<2x40x128xf32, #tpu.memory_space<vmem>>, vector<1x1x16xf32>,
        %get3A_1432 = vector.shape_cast %get3A_1431 : vector<1x1x16xf32> to vector<16xf32>
        %mul3A_1433 = arith.mulf %get3A_1426, %get3A_1432 : vector<16xf32>
        %swap3A_1434 = arith.constant 0 : i32
        %swap3A_1435 = arith.index_cast %swap3A_1434 : i32 to index
        %swap3A_1436 = arith.index_cast %scan3A_1362 : i32 to index
        %swap3A_1437 = arith.constant 48 : index
        %swap3A_1438 = tpu.vector_load %arg10[%swap3A_1435, %swap3A_1436, %swap3A_1437] {strides = array<i32>} : memref<2x40x128xf32, #tpu.memory_space<vmem>>, vector<1x1x16xf32>,
        %swap3A_1439 = vector.shape_cast %swap3A_1438 : vector<1x1x16xf32> to vector<16xf32>
        %swap3A_1440 = vector.shape_cast %mul3A_1433 : vector<16xf32> to vector<1x1x16xf32>
        tpu.vector_store %arg10[%swap3A_1435, %swap3A_1436, %swap3A_1437], %swap3A_1440 {strides = array<i32>} : memref<2x40x128xf32, #tpu.memory_space<vmem>>, vector<1x1x16xf32>,
        %get3A_1441 = arith.constant 0 : i32
        %get3A_1442 = arith.index_cast %get3A_1441 : i32 to index
        %get3A_1443 = arith.index_cast %scan3A_1362 : i32 to index
        %get3A_1444 = arith.constant 64 : index
        %get3A_1445 = tpu.vector_load %arg8[%get3A_1442, %get3A_1443, %get3A_1444] {strides = array<i32>} : memref<2x40x128xf32, #tpu.memory_space<vmem>>, vector<1x1x16xf32>,
        %get3A_1446 = vector.shape_cast %get3A_1445 : vector<1x1x16xf32> to vector<16xf32>
        %get3A_1447 = arith.constant 0 : i32
        %get3A_1448 = arith.index_cast %get3A_1447 : i32 to index
        %get3A_1449 = arith.index_cast %scan3A_1362 : i32 to index
        %get3A_1450 = arith.constant 64 : index
        %get3A_1451 = tpu.vector_load %arg9[%get3A_1448, %get3A_1449, %get3A_1450] {strides = array<i32>} : memref<2x40x128xf32, #tpu.memory_space<vmem>>, vector<1x1x16xf32>,
        %get3A_1452 = vector.shape_cast %get3A_1451 : vector<1x1x16xf32> to vector<16xf32>
        %mul3A_1453 = arith.mulf %get3A_1446, %get3A_1452 : vector<16xf32>
        %swap3A_1454 = arith.constant 0 : i32
        %swap3A_1455 = arith.index_cast %swap3A_1454 : i32 to index
        %swap3A_1456 = arith.index_cast %scan3A_1362 : i32 to index
        %swap3A_1457 = arith.constant 64 : index
        %swap3A_1458 = tpu.vector_load %arg10[%swap3A_1455, %swap3A_1456, %swap3A_1457] {strides = array<i32>} : memref<2x40x128xf32, #tpu.memory_space<vmem>>, vector<1x1x16xf32>,
        %swap3A_1459 = vector.shape_cast %swap3A_1458 : vector<1x1x16xf32> to vector<16xf32>
        %swap3A_1460 = vector.shape_cast %mul3A_1453 : vector<16xf32> to vector<1x1x16xf32>
        tpu.vector_store %arg10[%swap3A_1455, %swap3A_1456, %swap3A_1457], %swap3A_1460 {strides = array<i32>} : memref<2x40x128xf32, #tpu.memory_space<vmem>>, vector<1x1x16xf32>,
        %get3A_1461 = arith.constant 0 : i32
        %get3A_1462 = arith.index_cast %get3A_1461 : i32 to index
        %get3A_1463 = arith.index_cast %scan3A_1362 : i32 to index
        %get3A_1464 = arith.constant 80 : index
        %get3A_1465 = tpu.vector_load %arg8[%get3A_1462, %get3A_1463, %get3A_1464] {strides = array<i32>} : memref<2x40x128xf32, #tpu.memory_space<vmem>>, vector<1x1x16xf32>,
        %get3A_1466 = vector.shape_cast %get3A_1465 : vector<1x1x16xf32> to vector<16xf32>
        %get3A_1467 = arith.constant 0 : i32
        %get3A_1468 = arith.index_cast %get3A_1467 : i32 to index
        %get3A_1469 = arith.index_cast %scan3A_1362 : i32 to index
        %get3A_1470 = arith.constant 80 : index
        %get3A_1471 = tpu.vector_load %arg9[%get3A_1468, %get3A_1469, %get3A_1470] {strides = array<i32>} : memref<2x40x128xf32, #tpu.memory_space<vmem>>, vector<1x1x16xf32>,
        %get3A_1472 = vector.shape_cast %get3A_1471 : vector<1x1x16xf32> to vector<16xf32>
        %mul3A_1473 = arith.mulf %get3A_1466, %get3A_1472 : vector<16xf32>
        %swap3A_1474 = arith.constant 0 : i32
        %swap3A_1475 = arith.index_cast %swap3A_1474 : i32 to index
        %swap3A_1476 = arith.index_cast %scan3A_1362 : i32 to index
        %swap3A_1477 = arith.constant 80 : index
        %swap3A_1478 = tpu.vector_load %arg10[%swap3A_1475, %swap3A_1476, %swap3A_1477] {strides = array<i32>} : memref<2x40x128xf32, #tpu.memory_space<vmem>>, vector<1x1x16xf32>,
        %swap3A_1479 = vector.shape_cast %swap3A_1478 : vector<1x1x16xf32> to vector<16xf32>
        %swap3A_1480 = vector.shape_cast %mul3A_1473 : vector<16xf32> to vector<1x1x16xf32>
        tpu.vector_store %arg10[%swap3A_1475, %swap3A_1476, %swap3A_1477], %swap3A_1480 {strides = array<i32>} : memref<2x40x128xf32, #tpu.memory_space<vmem>>, vector<1x1x16xf32>,
        %get3A_1481 = arith.constant 0 : i32
        %get3A_1482 = arith.index_cast %get3A_1481 : i32 to index
        %get3A_1483 = arith.index_cast %scan3A_1362 : i32 to index
        %get3A_1484 = arith.constant 96 : index
        %get3A_1485 = tpu.vector_load %arg8[%get3A_1482, %get3A_1483, %get3A_1484] {strides = array<i32>} : memref<2x40x128xf32, #tpu.memory_space<vmem>>, vector<1x1x16xf32>,
        %get3A_1486 = vector.shape_cast %get3A_1485 : vector<1x1x16xf32> to vector<16xf32>
        %get3A_1487 = arith.constant 0 : i32
        %get3A_1488 = arith.index_cast %get3A_1487 : i32 to index
        %get3A_1489 = arith.index_cast %scan3A_1362 : i32 to index
        %get3A_1490 = arith.constant 96 : index
        %get3A_1491 = tpu.vector_load %arg9[%get3A_1488, %get3A_1489, %get3A_1490] {strides = array<i32>} : memref<2x40x128xf32, #tpu.memory_space<vmem>>, vector<1x1x16xf32>,
        %get3A_1492 = vector.shape_cast %get3A_1491 : vector<1x1x16xf32> to vector<16xf32>
        %mul3A_1493 = arith.mulf %get3A_1486, %get3A_1492 : vector<16xf32>
        %swap3A_1494 = arith.constant 0 : i32
        %swap3A_1495 = arith.index_cast %swap3A_1494 : i32 to index
        %swap3A_1496 = arith.index_cast %scan3A_1362 : i32 to index
        %swap3A_1497 = arith.constant 96 : index
        %swap3A_1498 = tpu.vector_load %arg10[%swap3A_1495, %swap3A_1496, %swap3A_1497] {strides = array<i32>} : memref<2x40x128xf32, #tpu.memory_space<vmem>>, vector<1x1x16xf32>,
        %swap3A_1499 = vector.shape_cast %swap3A_1498 : vector<1x1x16xf32> to vector<16xf32>
        %swap3A_1500 = vector.shape_cast %mul3A_1493 : vector<16xf32> to vector<1x1x16xf32>
        tpu.vector_store %arg10[%swap3A_1495, %swap3A_1496, %swap3A_1497], %swap3A_1500 {strides = array<i32>} : memref<2x40x128xf32, #tpu.memory_space<vmem>>, vector<1x1x16xf32>,
        %get3A_1501 = arith.constant 0 : i32
        %get3A_1502 = arith.index_cast %get3A_1501 : i32 to index
        %get3A_1503 = arith.index_cast %scan3A_1362 : i32 to index
        %get3A_1504 = arith.constant 112 : index
        %get3A_1505 = tpu.vector_load %arg8[%get3A_1502, %get3A_1503, %get3A_1504] {strides = array<i32>} : memref<2x40x128xf32, #tpu.memory_space<vmem>>, vector<1x1x16xf32>,
        %get3A_1506 = vector.shape_cast %get3A_1505 : vector<1x1x16xf32> to vector<16xf32>
        %get3A_1507 = arith.constant 0 : i32
        %get3A_1508 = arith.index_cast %get3A_1507 : i32 to index
        %get3A_1509 = arith.index_cast %scan3A_1362 : i32 to index
        %get3A_1510 = arith.constant 112 : index
        %get3A_1511 = tpu.vector_load %arg9[%get3A_1508, %get3A_1509, %get3A_1510] {strides = array<i32>} : memref<2x40x128xf32, #tpu.memory_space<vmem>>, vector<1x1x16xf32>,
        %get3A_1512 = vector.shape_cast %get3A_1511 : vector<1x1x16xf32> to vector<16xf32>
        %mul3A_1513 = arith.mulf %get3A_1506, %get3A_1512 : vector<16xf32>
        %swap3A_1514 = arith.constant 0 : i32
        %swap3A_1515 = arith.index_cast %swap3A_1514 : i32 to index
        %swap3A_1516 = arith.index_cast %scan3A_1362 : i32 to index
        %swap3A_1517 = arith.constant 112 : index
        %swap3A_1518 = tpu.vector_load %arg10[%swap3A_1515, %swap3A_1516, %swap3A_1517] {strides = array<i32>} : memref<2x40x128xf32, #tpu.memory_space<vmem>>, vector<1x1x16xf32>,
        %swap3A_1519 = vector.shape_cast %swap3A_1518 : vector<1x1x16xf32> to vector<16xf32>
        %swap3A_1520 = vector.shape_cast %mul3A_1513 : vector<16xf32> to vector<1x1x16xf32>
        tpu.vector_store %arg10[%swap3A_1515, %swap3A_1516, %swap3A_1517], %swap3A_1520 {strides = array<i32>} : memref<2x40x128xf32, #tpu.memory_space<vmem>>, vector<1x1x16xf32>,
      }
      %scan3A_881 = arith.constant 40 : i32
      %dma_start3A_882 = arith.constant 0 : i32
      %dma_start3A_883 = arith.constant 2 : i32
      %dma_start3A_884 = arith.constant 1 : i32
      %dma_start3A_885 = arith.constant 0 : i32
      %dma_start3A_886 = arith.constant 0 : i32
      %dma_start3A_887 = tpu.memref_slice %arg10[%dma_start3A_882, %dma_start3A_885, %dma_start3A_886] : memref<2x40x128xf32, #tpu.memory_space<vmem>> -> memref<1x40x128xf32, #tpu.memory_space<vmem>>
      %dma_start3A_888 = tpu.memref_squeeze %dma_start3A_887 : memref<1x40x128xf32, #tpu.memory_space<vmem>> -> memref<40x128xf32, #tpu.memory_space<vmem>>
      %dma_start3A_889 = arith.constant 0 : i32
      %dma_start3A_890 = tpu.memref_slice %arg7[%dma_start3A_883, %dma_start3A_884, %dma_start3A_889] : memref<4x2x40xi32, #tpu.memory_space<vmem>> -> memref<1x1x40xi32, #tpu.memory_space<vmem>>
      %dma_start3A_891 = tpu.memref_squeeze %dma_start3A_890 : memref<1x1x40xi32, #tpu.memory_space<vmem>> -> memref<40xi32, #tpu.memory_space<vmem>>
      %dma_start3A_892 = arith.constant 0 : i32
      %dma_start3A_893 = arith.constant 0 : i32
      %dma_start3A_894 = tpu.memref_slice %arg11[%dma_start3A_892, %dma_start3A_893] : memref<10000x128xf32, #tpu.memory_space<vmem_shared>> -> memref<10000x128xf32, #tpu.memory_space<vmem_shared>>
      tpu.enqueue_indirect_dma source(%dma_start3A_888 : memref<40x128xf32, #tpu.memory_space<vmem>>) target(%dma_start3A_894 : memref<10000x128xf32, #tpu.memory_space<vmem_shared>>) offsets(%dma_start3A_891 : memref<40xi32, #tpu.memory_space<vmem>>) semaphore(%arg20 : memref<!tpu.dma_semaphore, #tpu.memory_space<semaphore_mem>>) {add = true}
      %add3A_895 = arith.constant 0 : i32
      %add3A_896 = arith.addi %add3A_809, %add3A_895 : i32
      %add3A_897 = arith.constant 2 : i32
      %add3A_898 = arith.addi %add3A_896, %add3A_897 : i32
      %dma_wait3A_899 = arith.constant 0 : i32
      %dma_wait3A_900 = arith.constant 0 : i32
      %dma_wait3A_901 = arith.constant 0 : i32
      %dma_wait3A_902 = tpu.memref_slice %arg7[%dma_wait3A_899, %dma_wait3A_900, %dma_wait3A_901] : memref<4x2x40xi32, #tpu.memory_space<vmem>> -> memref<1x1x40xi32, #tpu.memory_space<vmem>>
      %dma_wait3A_903 = tpu.memref_squeeze %dma_wait3A_902 : memref<1x1x40xi32, #tpu.memory_space<vmem>> -> memref<40xi32, #tpu.memory_space<vmem>>
      %dma_wait3A_904 = tpu.memref_slice %arg4[%mul3A_21] : memref<320000xi32, #tpu.memory_space<hbm>> -> memref<40xi32, #tpu.memory_space<hbm>>
      %dma_wait3A_905 = arith.constant 0 : i32
      %dma_wait3A_906 = tpu.memref_slice %arg7[%dma_wait3A_899, %dma_wait3A_900, %dma_wait3A_905] : memref<4x2x40xi32, #tpu.memory_space<vmem>> -> memref<1x1x40xi32, #tpu.memory_space<vmem>>
      %dma_wait3A_907 = tpu.memref_squeeze %dma_wait3A_906 : memref<1x1x40xi32, #tpu.memory_space<vmem>> -> memref<40xi32, #tpu.memory_space<vmem>>
      %dma_wait3A_908 = tpu.memref_slice %arg4[%mul3A_21] : memref<320000xi32, #tpu.memory_space<hbm>> -> memref<40xi32, #tpu.memory_space<hbm>>
      tpu.wait_dma2 semaphore(%arg12 : memref<!tpu.dma_semaphore, #tpu.memory_space<semaphore_mem>>) src(%dma_wait3A_908 : memref<40xi32, #tpu.memory_space<hbm>>) dst(%dma_wait3A_907 : memref<40xi32, #tpu.memory_space<vmem>>)
      %dma_wait3A_909 = arith.constant 0 : i32
      %dma_wait3A_910 = arith.constant 1 : i32
      %dma_wait3A_911 = arith.constant 0 : i32
      %dma_wait3A_912 = tpu.memref_slice %arg7[%dma_wait3A_909, %dma_wait3A_910, %dma_wait3A_911] : memref<4x2x40xi32, #tpu.memory_space<vmem>> -> memref<1x1x40xi32, #tpu.memory_space<vmem>>
      %dma_wait3A_913 = tpu.memref_squeeze %dma_wait3A_912 : memref<1x1x40xi32, #tpu.memory_space<vmem>> -> memref<40xi32, #tpu.memory_space<vmem>>
      %dma_wait3A_914 = tpu.memref_slice %arg5[%mul3A_21] : memref<320000xi32, #tpu.memory_space<hbm>> -> memref<40xi32, #tpu.memory_space<hbm>>
      %dma_wait3A_915 = arith.constant 0 : i32
      %dma_wait3A_916 = tpu.memref_slice %arg7[%dma_wait3A_909, %dma_wait3A_910, %dma_wait3A_915] : memref<4x2x40xi32, #tpu.memory_space<vmem>> -> memref<1x1x40xi32, #tpu.memory_space<vmem>>
      %dma_wait3A_917 = tpu.memref_squeeze %dma_wait3A_916 : memref<1x1x40xi32, #tpu.memory_space<vmem>> -> memref<40xi32, #tpu.memory_space<vmem>>
      %dma_wait3A_918 = tpu.memref_slice %arg5[%mul3A_21] : memref<320000xi32, #tpu.memory_space<hbm>> -> memref<40xi32, #tpu.memory_space<hbm>>
      tpu.wait_dma2 semaphore(%arg12 : memref<!tpu.dma_semaphore, #tpu.memory_space<semaphore_mem>>) src(%dma_wait3A_918 : memref<40xi32, #tpu.memory_space<hbm>>) dst(%dma_wait3A_917 : memref<40xi32, #tpu.memory_space<vmem>>)
      %dma_start3A_919 = arith.constant 0 : i32
      %dma_start3A_920 = arith.constant 0 : i32
      %dma_start3A_921 = arith.constant 0 : i32
      %dma_start3A_922 = arith.constant 0 : i32
      %dma_start3A_923 = arith.constant 0 : i32
      %dma_start3A_924 = tpu.memref_slice %arg8[%dma_start3A_921, %dma_start3A_922, %dma_start3A_923] : memref<2x40x128xf32, #tpu.memory_space<vmem>> -> memref<1x40x128xf32, #tpu.memory_space<vmem>>
      %dma_start3A_925 = tpu.memref_squeeze %dma_start3A_924 : memref<1x40x128xf32, #tpu.memory_space<vmem>> -> memref<40x128xf32, #tpu.memory_space<vmem>>
      %dma_start3A_926 = arith.constant 0 : i32
      %dma_start3A_927 = tpu.memref_slice %arg7[%dma_start3A_919, %dma_start3A_920, %dma_start3A_926] : memref<4x2x40xi32, #tpu.memory_space<vmem>> -> memref<1x1x40xi32, #tpu.memory_space<vmem>>
      %dma_start3A_928 = tpu.memref_squeeze %dma_start3A_927 : memref<1x1x40xi32, #tpu.memory_space<vmem>> -> memref<40xi32, #tpu.memory_space<vmem>>
      %dma_start3A_929 = arith.constant 0 : i32
      %dma_start3A_930 = arith.constant 0 : i32
      %dma_start3A_931 = tpu.memref_slice %arg2[%dma_start3A_929, %dma_start3A_930] : memref<10000x128xf32, #tpu.memory_space<hbm>> -> memref<10000x128xf32, #tpu.memory_space<hbm>>
      tpu.enqueue_indirect_dma source(%dma_start3A_931 : memref<10000x128xf32, #tpu.memory_space<hbm>>) target(%dma_start3A_925 : memref<40x128xf32, #tpu.memory_space<vmem>>) offsets(%dma_start3A_928 : memref<40xi32, #tpu.memory_space<vmem>>) semaphore(%arg16 : memref<!tpu.dma_semaphore, #tpu.memory_space<semaphore_mem>>)
      %mul3A_932 = arith.constant 40 : i32
      %mul3A_933 = arith.muli %add3A_898, %mul3A_932 : i32
      %add3A_934 = arith.addi %mul3A_21, %mul3A_933 : i32
      %dma_start3A_935 = arith.constant 0 : i32
      %dma_start3A_936 = arith.constant 0 : i32
      %dma_start3A_937 = arith.constant 0 : i32
      %dma_start3A_938 = tpu.memref_slice %arg9[%dma_start3A_935, %dma_start3A_936, %dma_start3A_937] : memref<2x40x128xf32, #tpu.memory_space<vmem>> -> memref<1x40x128xf32, #tpu.memory_space<vmem>>
      %dma_start3A_939 = tpu.memref_squeeze %dma_start3A_938 : memref<1x40x128xf32, #tpu.memory_space<vmem>> -> memref<40x128xf32, #tpu.memory_space<vmem>>
      %dma_start3A_940 = arith.constant 0 : i32
      %dma_start3A_941 = tpu.memref_slice %arg3[%add3A_934, %dma_start3A_940] : memref<320000x128xf32, #tpu.memory_space<hbm>> -> memref<40x128xf32, #tpu.memory_space<hbm>>
      %dma_start3A_942 = arith.constant 0 : i32
      %dma_start3A_943 = arith.constant 0 : i32
      %dma_start3A_944 = tpu.memref_slice %arg9[%dma_start3A_935, %dma_start3A_942, %dma_start3A_943] : memref<2x40x128xf32, #tpu.memory_space<vmem>> -> memref<1x40x128xf32, #tpu.memory_space<vmem>>
      %dma_start3A_945 = tpu.memref_squeeze %dma_start3A_944 : memref<1x40x128xf32, #tpu.memory_space<vmem>> -> memref<40x128xf32, #tpu.memory_space<vmem>>
      %dma_start3A_946 = arith.constant 0 : i32
      %dma_start3A_947 = tpu.memref_slice %arg3[%add3A_934, %dma_start3A_946] : memref<320000x128xf32, #tpu.memory_space<hbm>> -> memref<40x128xf32, #tpu.memory_space<hbm>>
      tpu.enqueue_dma source(%dma_start3A_947 : memref<40x128xf32, #tpu.memory_space<hbm>>) target(%dma_start3A_945 : memref<40x128xf32, #tpu.memory_space<vmem>>) target_semaphore(%arg18 : memref<!tpu.dma_semaphore, #tpu.memory_space<semaphore_mem>>)
      %add3A_948 = arith.constant 1 : i32
      %add3A_949 = arith.addi %add3A_809, %add3A_948 : i32
      %dma_wait3A_950 = arith.constant 3 : i32
      %dma_wait3A_951 = arith.constant 0 : i32
      %dma_wait3A_952 = arith.constant 1 : i32
      %dma_wait3A_953 = arith.constant 0 : i32
      %dma_wait3A_954 = arith.constant 0 : i32
      %dma_wait3A_955 = tpu.memref_slice %arg8[%dma_wait3A_952, %dma_wait3A_953, %dma_wait3A_954] : memref<2x40x128xf32, #tpu.memory_space<vmem>> -> memref<1x40x128xf32, #tpu.memory_space<vmem>>
      %dma_wait3A_956 = tpu.memref_squeeze %dma_wait3A_955 : memref<1x40x128xf32, #tpu.memory_space<vmem>> -> memref<40x128xf32, #tpu.memory_space<vmem>>
      %dma_wait3A_957 = arith.constant 0 : i32
      %dma_wait3A_958 = tpu.memref_slice %arg7[%dma_wait3A_950, %dma_wait3A_951, %dma_wait3A_957] : memref<4x2x40xi32, #tpu.memory_space<vmem>> -> memref<1x1x40xi32, #tpu.memory_space<vmem>>
      %dma_wait3A_959 = tpu.memref_squeeze %dma_wait3A_958 : memref<1x1x40xi32, #tpu.memory_space<vmem>> -> memref<40xi32, #tpu.memory_space<vmem>>
      %dma_wait3A_960 = arith.constant 0 : i32
      %dma_wait3A_961 = arith.constant 0 : i32
      %dma_wait3A_962 = tpu.memref_slice %arg2[%dma_wait3A_960, %dma_wait3A_961] : memref<10000x128xf32, #tpu.memory_space<hbm>> -> memref<10000x128xf32, #tpu.memory_space<hbm>>
      tpu.wait_indirect_dma semaphore(%arg17 : memref<!tpu.dma_semaphore, #tpu.memory_space<semaphore_mem>>) src(%dma_wait3A_962 : memref<10000x128xf32, #tpu.memory_space<hbm>>) dst(%dma_wait3A_956 : memref<40x128xf32, #tpu.memory_space<vmem>>)
      %dma_wait3A_963 = arith.constant 1 : i32
      %dma_wait3A_964 = arith.constant 0 : i32
      %dma_wait3A_965 = arith.constant 0 : i32
      %dma_wait3A_966 = tpu.memref_slice %arg9[%dma_wait3A_963, %dma_wait3A_964, %dma_wait3A_965] : memref<2x40x128xf32, #tpu.memory_space<vmem>> -> memref<1x40x128xf32, #tpu.memory_space<vmem>>
      %dma_wait3A_967 = tpu.memref_squeeze %dma_wait3A_966 : memref<1x40x128xf32, #tpu.memory_space<vmem>> -> memref<40x128xf32, #tpu.memory_space<vmem>>
      %dma_wait3A_968 = arith.constant 0 : i32
      %dma_wait3A_969 = tpu.memref_slice %arg3[%mul3A_21, %dma_wait3A_968] : memref<320000x128xf32, #tpu.memory_space<hbm>> -> memref<40x128xf32, #tpu.memory_space<hbm>>
      %dma_wait3A_970 = arith.constant 0 : i32
      %dma_wait3A_971 = arith.constant 0 : i32
      %dma_wait3A_972 = tpu.memref_slice %arg9[%dma_wait3A_963, %dma_wait3A_970, %dma_wait3A_971] : memref<2x40x128xf32, #tpu.memory_space<vmem>> -> memref<1x40x128xf32, #tpu.memory_space<vmem>>
      %dma_wait3A_973 = tpu.memref_squeeze %dma_wait3A_972 : memref<1x40x128xf32, #tpu.memory_space<vmem>> -> memref<40x128xf32, #tpu.memory_space<vmem>>
      %dma_wait3A_974 = arith.constant 0 : i32
      %dma_wait3A_975 = tpu.memref_slice %arg3[%mul3A_21, %dma_wait3A_974] : memref<320000x128xf32, #tpu.memory_space<hbm>> -> memref<40x128xf32, #tpu.memory_space<hbm>>
      tpu.wait_dma2 semaphore(%arg19 : memref<!tpu.dma_semaphore, #tpu.memory_space<semaphore_mem>>) src(%dma_wait3A_975 : memref<40x128xf32, #tpu.memory_space<hbm>>) dst(%dma_wait3A_973 : memref<40x128xf32, #tpu.memory_space<vmem>>)
      %dma_wait3A_976 = arith.constant 1 : i32
      %dma_wait3A_977 = arith.constant 1 : i32
      %dma_wait3A_978 = arith.constant 1 : i32
      %dma_wait3A_979 = arith.constant 0 : i32
      %dma_wait3A_980 = arith.constant 0 : i32
      %dma_wait3A_981 = tpu.memref_slice %arg10[%dma_wait3A_976, %dma_wait3A_979, %dma_wait3A_980] : memref<2x40x128xf32, #tpu.memory_space<vmem>> -> memref<1x40x128xf32, #tpu.memory_space<vmem>>
      %dma_wait3A_982 = tpu.memref_squeeze %dma_wait3A_981 : memref<1x40x128xf32, #tpu.memory_space<vmem>> -> memref<40x128xf32, #tpu.memory_space<vmem>>
      %dma_wait3A_983 = arith.constant 0 : i32
      %dma_wait3A_984 = tpu.memref_slice %arg7[%dma_wait3A_977, %dma_wait3A_978, %dma_wait3A_983] : memref<4x2x40xi32, #tpu.memory_space<vmem>> -> memref<1x1x40xi32, #tpu.memory_space<vmem>>
      %dma_wait3A_985 = tpu.memref_squeeze %dma_wait3A_984 : memref<1x1x40xi32, #tpu.memory_space<vmem>> -> memref<40xi32, #tpu.memory_space<vmem>>
      %dma_wait3A_986 = arith.constant 0 : i32
      %dma_wait3A_987 = arith.constant 0 : i32
      %dma_wait3A_988 = tpu.memref_slice %arg11[%dma_wait3A_986, %dma_wait3A_987] : memref<10000x128xf32, #tpu.memory_space<vmem_shared>> -> memref<10000x128xf32, #tpu.memory_space<vmem_shared>>
      tpu.wait_indirect_dma semaphore(%arg21 : memref<!tpu.dma_semaphore, #tpu.memory_space<semaphore_mem>>) src(%dma_wait3A_982 : memref<40x128xf32, #tpu.memory_space<vmem>>) dst(%dma_wait3A_988 : memref<10000x128xf32, #tpu.memory_space<vmem_shared>>)
      %add3A_989 = arith.constant 2 : i32
      %add3A_990 = arith.addi %add3A_949, %add3A_989 : i32
      %mul3A_991 = arith.constant 40 : i32
      %mul3A_992 = arith.muli %add3A_990, %mul3A_991 : i32
      %add3A_993 = arith.addi %mul3A_21, %mul3A_992 : i32
      %dma_start3A_994 = arith.constant 1 : i32
      %dma_start3A_995 = arith.constant 0 : i32
      %dma_start3A_996 = arith.constant 0 : i32
      %dma_start3A_997 = tpu.memref_slice %arg7[%dma_start3A_994, %dma_start3A_995, %dma_start3A_996] : memref<4x2x40xi32, #tpu.memory_space<vmem>> -> memref<1x1x40xi32, #tpu.memory_space<vmem>>
      %dma_start3A_998 = tpu.memref_squeeze %dma_start3A_997 : memref<1x1x40xi32, #tpu.memory_space<vmem>> -> memref<40xi32, #tpu.memory_space<vmem>>
      %dma_start3A_999 = tpu.memref_slice %arg4[%add3A_993] : memref<320000xi32, #tpu.memory_space<hbm>> -> memref<40xi32, #tpu.memory_space<hbm>>
      %dma_start3A_1000 = arith.constant 0 : i32
      %dma_start3A_1001 = tpu.memref_slice %arg7[%dma_start3A_994, %dma_start3A_995, %dma_start3A_1000] : memref<4x2x40xi32, #tpu.memory_space<vmem>> -> memref<1x1x40xi32, #tpu.memory_space<vmem>>
      %dma_start3A_1002 = tpu.memref_squeeze %dma_start3A_1001 : memref<1x1x40xi32, #tpu.memory_space<vmem>> -> memref<40xi32, #tpu.memory_space<vmem>>
      %dma_start3A_1003 = tpu.memref_slice %arg4[%add3A_993] : memref<320000xi32, #tpu.memory_space<hbm>> -> memref<40xi32, #tpu.memory_space<hbm>>
      tpu.enqueue_dma source(%dma_start3A_1003 : memref<40xi32, #tpu.memory_space<hbm>>) target(%dma_start3A_1002 : memref<40xi32, #tpu.memory_space<vmem>>) target_semaphore(%arg13 : memref<!tpu.dma_semaphore, #tpu.memory_space<semaphore_mem>>)
      %dma_start3A_1004 = arith.constant 1 : i32
      %dma_start3A_1005 = arith.constant 1 : i32
      %dma_start3A_1006 = arith.constant 0 : i32
      %dma_start3A_1007 = tpu.memref_slice %arg7[%dma_start3A_1004, %dma_start3A_1005, %dma_start3A_1006] : memref<4x2x40xi32, #tpu.memory_space<vmem>> -> memref<1x1x40xi32, #tpu.memory_space<vmem>>
      %dma_start3A_1008 = tpu.memref_squeeze %dma_start3A_1007 : memref<1x1x40xi32, #tpu.memory_space<vmem>> -> memref<40xi32, #tpu.memory_space<vmem>>
      %dma_start3A_1009 = tpu.memref_slice %arg5[%add3A_993] : memref<320000xi32, #tpu.memory_space<hbm>> -> memref<40xi32, #tpu.memory_space<hbm>>
      %dma_start3A_1010 = arith.constant 0 : i32
      %dma_start3A_1011 = tpu.memref_slice %arg7[%dma_start3A_1004, %dma_start3A_1005, %dma_start3A_1010] : memref<4x2x40xi32, #tpu.memory_space<vmem>> -> memref<1x1x40xi32, #tpu.memory_space<vmem>>
      %dma_start3A_1012 = tpu.memref_squeeze %dma_start3A_1011 : memref<1x1x40xi32, #tpu.memory_space<vmem>> -> memref<40xi32, #tpu.memory_space<vmem>>
      %dma_start3A_1013 = tpu.memref_slice %arg5[%add3A_993] : memref<320000xi32, #tpu.memory_space<hbm>> -> memref<40xi32, #tpu.memory_space<hbm>>
      tpu.enqueue_dma source(%dma_start3A_1013 : memref<40xi32, #tpu.memory_space<hbm>>) target(%dma_start3A_1012 : memref<40xi32, #tpu.memory_space<vmem>>) target_semaphore(%arg13 : memref<!tpu.dma_semaphore, #tpu.memory_space<semaphore_mem>>)
      %scan3A_1014 = arith.constant 0 : i32
      %scan3A_1015 = arith.constant 0 : i32
      %scan3A_1016 = arith.constant 40 : i32
      %scan3A_1017 = arith.addi %scan3A_1015, %scan3A_1016 : i32
      %scan3A_1018 = arith.constant 1 : i32
      scf.for %scan3A_1362 = %scan3A_1015 to %scan3A_1017 step %scan3A_1018  : i32 {
        %get3A = arith.constant 1 : i32
        %get3A_1363 = arith.index_cast %get3A : i32 to index
        %get3A_1364 = arith.index_cast %scan3A_1362 : i32 to index
        %get3A_1365 = arith.constant 0 : index
        %get3A_1366 = tpu.vector_load %arg8[%get3A_1363, %get3A_1364, %get3A_1365] {strides = array<i32>} : memref<2x40x128xf32, #tpu.memory_space<vmem>>, vector<1x1x16xf32>,
        %get3A_1367 = vector.shape_cast %get3A_1366 : vector<1x1x16xf32> to vector<16xf32>
        %get3A_1368 = arith.constant 1 : i32
        %get3A_1369 = arith.index_cast %get3A_1368 : i32 to index
        %get3A_1370 = arith.index_cast %scan3A_1362 : i32 to index
        %get3A_1371 = arith.constant 0 : index
        %get3A_1372 = tpu.vector_load %arg9[%get3A_1369, %get3A_1370, %get3A_1371] {strides = array<i32>} : memref<2x40x128xf32, #tpu.memory_space<vmem>>, vector<1x1x16xf32>,
        %get3A_1373 = vector.shape_cast %get3A_1372 : vector<1x1x16xf32> to vector<16xf32>
        %mul3A_1374 = arith.mulf %get3A_1367, %get3A_1373 : vector<16xf32>
        %swap3A = arith.constant 1 : i32
        %swap3A_1375 = arith.index_cast %swap3A : i32 to index
        %swap3A_1376 = arith.index_cast %scan3A_1362 : i32 to index
        %swap3A_1377 = arith.constant 0 : index
        %swap3A_1378 = tpu.vector_load %arg10[%swap3A_1375, %swap3A_1376, %swap3A_1377] {strides = array<i32>} : memref<2x40x128xf32, #tpu.memory_space<vmem>>, vector<1x1x16xf32>,
        %swap3A_1379 = vector.shape_cast %swap3A_1378 : vector<1x1x16xf32> to vector<16xf32>
        %swap3A_1380 = vector.shape_cast %mul3A_1374 : vector<16xf32> to vector<1x1x16xf32>
        tpu.vector_store %arg10[%swap3A_1375, %swap3A_1376, %swap3A_1377], %swap3A_1380 {strides = array<i32>} : memref<2x40x128xf32, #tpu.memory_space<vmem>>, vector<1x1x16xf32>,
        %get3A_1381 = arith.constant 1 : i32
        %get3A_1382 = arith.index_cast %get3A_1381 : i32 to index
        %get3A_1383 = arith.index_cast %scan3A_1362 : i32 to index
        %get3A_1384 = arith.constant 16 : index
        %get3A_1385 = tpu.vector_load %arg8[%get3A_1382, %get3A_1383, %get3A_1384] {strides = array<i32>} : memref<2x40x128xf32, #tpu.memory_space<vmem>>, vector<1x1x16xf32>,
        %get3A_1386 = vector.shape_cast %get3A_1385 : vector<1x1x16xf32> to vector<16xf32>
        %get3A_1387 = arith.constant 1 : i32
        %get3A_1388 = arith.index_cast %get3A_1387 : i32 to index
        %get3A_1389 = arith.index_cast %scan3A_1362 : i32 to index
        %get3A_1390 = arith.constant 16 : index
        %get3A_1391 = tpu.vector_load %arg9[%get3A_1388, %get3A_1389, %get3A_1390] {strides = array<i32>} : memref<2x40x128xf32, #tpu.memory_space<vmem>>, vector<1x1x16xf32>,
        %get3A_1392 = vector.shape_cast %get3A_1391 : vector<1x1x16xf32> to vector<16xf32>
        %mul3A_1393 = arith.mulf %get3A_1386, %get3A_1392 : vector<16xf32>
        %swap3A_1394 = arith.constant 1 : i32
        %swap3A_1395 = arith.index_cast %swap3A_1394 : i32 to index
        %swap3A_1396 = arith.index_cast %scan3A_1362 : i32 to index
        %swap3A_1397 = arith.constant 16 : index
        %swap3A_1398 = tpu.vector_load %arg10[%swap3A_1395, %swap3A_1396, %swap3A_1397] {strides = array<i32>} : memref<2x40x128xf32, #tpu.memory_space<vmem>>, vector<1x1x16xf32>,
        %swap3A_1399 = vector.shape_cast %swap3A_1398 : vector<1x1x16xf32> to vector<16xf32>
        %swap3A_1400 = vector.shape_cast %mul3A_1393 : vector<16xf32> to vector<1x1x16xf32>
        tpu.vector_store %arg10[%swap3A_1395, %swap3A_1396, %swap3A_1397], %swap3A_1400 {strides = array<i32>} : memref<2x40x128xf32, #tpu.memory_space<vmem>>, vector<1x1x16xf32>,
        %get3A_1401 = arith.constant 1 : i32
        %get3A_1402 = arith.index_cast %get3A_1401 : i32 to index
        %get3A_1403 = arith.index_cast %scan3A_1362 : i32 to index
        %get3A_1404 = arith.constant 32 : index
        %get3A_1405 = tpu.vector_load %arg8[%get3A_1402, %get3A_1403, %get3A_1404] {strides = array<i32>} : memref<2x40x128xf32, #tpu.memory_space<vmem>>, vector<1x1x16xf32>,
        %get3A_1406 = vector.shape_cast %get3A_1405 : vector<1x1x16xf32> to vector<16xf32>
        %get3A_1407 = arith.constant 1 : i32
        %get3A_1408 = arith.index_cast %get3A_1407 : i32 to index
        %get3A_1409 = arith.index_cast %scan3A_1362 : i32 to index
        %get3A_1410 = arith.constant 32 : index
        %get3A_1411 = tpu.vector_load %arg9[%get3A_1408, %get3A_1409, %get3A_1410] {strides = array<i32>} : memref<2x40x128xf32, #tpu.memory_space<vmem>>, vector<1x1x16xf32>,
        %get3A_1412 = vector.shape_cast %get3A_1411 : vector<1x1x16xf32> to vector<16xf32>
        %mul3A_1413 = arith.mulf %get3A_1406, %get3A_1412 : vector<16xf32>
        %swap3A_1414 = arith.constant 1 : i32
        %swap3A_1415 = arith.index_cast %swap3A_1414 : i32 to index
        %swap3A_1416 = arith.index_cast %scan3A_1362 : i32 to index
        %swap3A_1417 = arith.constant 32 : index
        %swap3A_1418 = tpu.vector_load %arg10[%swap3A_1415, %swap3A_1416, %swap3A_1417] {strides = array<i32>} : memref<2x40x128xf32, #tpu.memory_space<vmem>>, vector<1x1x16xf32>,
        %swap3A_1419 = vector.shape_cast %swap3A_1418 : vector<1x1x16xf32> to vector<16xf32>
        %swap3A_1420 = vector.shape_cast %mul3A_1413 : vector<16xf32> to vector<1x1x16xf32>
        tpu.vector_store %arg10[%swap3A_1415, %swap3A_1416, %swap3A_1417], %swap3A_1420 {strides = array<i32>} : memref<2x40x128xf32, #tpu.memory_space<vmem>>, vector<1x1x16xf32>,
        %get3A_1421 = arith.constant 1 : i32
        %get3A_1422 = arith.index_cast %get3A_1421 : i32 to index
        %get3A_1423 = arith.index_cast %scan3A_1362 : i32 to index
        %get3A_1424 = arith.constant 48 : index
        %get3A_1425 = tpu.vector_load %arg8[%get3A_1422, %get3A_1423, %get3A_1424] {strides = array<i32>} : memref<2x40x128xf32, #tpu.memory_space<vmem>>, vector<1x1x16xf32>,
        %get3A_1426 = vector.shape_cast %get3A_1425 : vector<1x1x16xf32> to vector<16xf32>
        %get3A_1427 = arith.constant 1 : i32
        %get3A_1428 = arith.index_cast %get3A_1427 : i32 to index
        %get3A_1429 = arith.index_cast %scan3A_1362 : i32 to index
        %get3A_1430 = arith.constant 48 : index
        %get3A_1431 = tpu.vector_load %arg9[%get3A_1428, %get3A_1429, %get3A_1430] {strides = array<i32>} : memref<2x40x128xf32, #tpu.memory_space<vmem>>, vector<1x1x16xf32>,
        %get3A_1432 = vector.shape_cast %get3A_1431 : vector<1x1x16xf32> to vector<16xf32>
        %mul3A_1433 = arith.mulf %get3A_1426, %get3A_1432 : vector<16xf32>
        %swap3A_1434 = arith.constant 1 : i32
        %swap3A_1435 = arith.index_cast %swap3A_1434 : i32 to index
        %swap3A_1436 = arith.index_cast %scan3A_1362 : i32 to index
        %swap3A_1437 = arith.constant 48 : index
        %swap3A_1438 = tpu.vector_load %arg10[%swap3A_1435, %swap3A_1436, %swap3A_1437] {strides = array<i32>} : memref<2x40x128xf32, #tpu.memory_space<vmem>>, vector<1x1x16xf32>,
        %swap3A_1439 = vector.shape_cast %swap3A_1438 : vector<1x1x16xf32> to vector<16xf32>
        %swap3A_1440 = vector.shape_cast %mul3A_1433 : vector<16xf32> to vector<1x1x16xf32>
        tpu.vector_store %arg10[%swap3A_1435, %swap3A_1436, %swap3A_1437], %swap3A_1440 {strides = array<i32>} : memref<2x40x128xf32, #tpu.memory_space<vmem>>, vector<1x1x16xf32>,
        %get3A_1441 = arith.constant 1 : i32
        %get3A_1442 = arith.index_cast %get3A_1441 : i32 to index
        %get3A_1443 = arith.index_cast %scan3A_1362 : i32 to index
        %get3A_1444 = arith.constant 64 : index
        %get3A_1445 = tpu.vector_load %arg8[%get3A_1442, %get3A_1443, %get3A_1444] {strides = array<i32>} : memref<2x40x128xf32, #tpu.memory_space<vmem>>, vector<1x1x16xf32>,
        %get3A_1446 = vector.shape_cast %get3A_1445 : vector<1x1x16xf32> to vector<16xf32>
        %get3A_1447 = arith.constant 1 : i32
        %get3A_1448 = arith.index_cast %get3A_1447 : i32 to index
        %get3A_1449 = arith.index_cast %scan3A_1362 : i32 to index
        %get3A_1450 = arith.constant 64 : index
        %get3A_1451 = tpu.vector_load %arg9[%get3A_1448, %get3A_1449, %get3A_1450] {strides = array<i32>} : memref<2x40x128xf32, #tpu.memory_space<vmem>>, vector<1x1x16xf32>,
        %get3A_1452 = vector.shape_cast %get3A_1451 : vector<1x1x16xf32> to vector<16xf32>
        %mul3A_1453 = arith.mulf %get3A_1446, %get3A_1452 : vector<16xf32>
        %swap3A_1454 = arith.constant 1 : i32
        %swap3A_1455 = arith.index_cast %swap3A_1454 : i32 to index
        %swap3A_1456 = arith.index_cast %scan3A_1362 : i32 to index
        %swap3A_1457 = arith.constant 64 : index
        %swap3A_1458 = tpu.vector_load %arg10[%swap3A_1455, %swap3A_1456, %swap3A_1457] {strides = array<i32>} : memref<2x40x128xf32, #tpu.memory_space<vmem>>, vector<1x1x16xf32>,
        %swap3A_1459 = vector.shape_cast %swap3A_1458 : vector<1x1x16xf32> to vector<16xf32>
        %swap3A_1460 = vector.shape_cast %mul3A_1453 : vector<16xf32> to vector<1x1x16xf32>
        tpu.vector_store %arg10[%swap3A_1455, %swap3A_1456, %swap3A_1457], %swap3A_1460 {strides = array<i32>} : memref<2x40x128xf32, #tpu.memory_space<vmem>>, vector<1x1x16xf32>,
        %get3A_1461 = arith.constant 1 : i32
        %get3A_1462 = arith.index_cast %get3A_1461 : i32 to index
        %get3A_1463 = arith.index_cast %scan3A_1362 : i32 to index
        %get3A_1464 = arith.constant 80 : index
        %get3A_1465 = tpu.vector_load %arg8[%get3A_1462, %get3A_1463, %get3A_1464] {strides = array<i32>} : memref<2x40x128xf32, #tpu.memory_space<vmem>>, vector<1x1x16xf32>,
        %get3A_1466 = vector.shape_cast %get3A_1465 : vector<1x1x16xf32> to vector<16xf32>
        %get3A_1467 = arith.constant 1 : i32
        %get3A_1468 = arith.index_cast %get3A_1467 : i32 to index
        %get3A_1469 = arith.index_cast %scan3A_1362 : i32 to index
        %get3A_1470 = arith.constant 80 : index
        %get3A_1471 = tpu.vector_load %arg9[%get3A_1468, %get3A_1469, %get3A_1470] {strides = array<i32>} : memref<2x40x128xf32, #tpu.memory_space<vmem>>, vector<1x1x16xf32>,
        %get3A_1472 = vector.shape_cast %get3A_1471 : vector<1x1x16xf32> to vector<16xf32>
        %mul3A_1473 = arith.mulf %get3A_1466, %get3A_1472 : vector<16xf32>
        %swap3A_1474 = arith.constant 1 : i32
        %swap3A_1475 = arith.index_cast %swap3A_1474 : i32 to index
        %swap3A_1476 = arith.index_cast %scan3A_1362 : i32 to index
        %swap3A_1477 = arith.constant 80 : index
        %swap3A_1478 = tpu.vector_load %arg10[%swap3A_1475, %swap3A_1476, %swap3A_1477] {strides = array<i32>} : memref<2x40x128xf32, #tpu.memory_space<vmem>>, vector<1x1x16xf32>,
        %swap3A_1479 = vector.shape_cast %swap3A_1478 : vector<1x1x16xf32> to vector<16xf32>
        %swap3A_1480 = vector.shape_cast %mul3A_1473 : vector<16xf32> to vector<1x1x16xf32>
        tpu.vector_store %arg10[%swap3A_1475, %swap3A_1476, %swap3A_1477], %swap3A_1480 {strides = array<i32>} : memref<2x40x128xf32, #tpu.memory_space<vmem>>, vector<1x1x16xf32>,
        %get3A_1481 = arith.constant 1 : i32
        %get3A_1482 = arith.index_cast %get3A_1481 : i32 to index
        %get3A_1483 = arith.index_cast %scan3A_1362 : i32 to index
        %get3A_1484 = arith.constant 96 : index
        %get3A_1485 = tpu.vector_load %arg8[%get3A_1482, %get3A_1483, %get3A_1484] {strides = array<i32>} : memref<2x40x128xf32, #tpu.memory_space<vmem>>, vector<1x1x16xf32>,
        %get3A_1486 = vector.shape_cast %get3A_1485 : vector<1x1x16xf32> to vector<16xf32>
        %get3A_1487 = arith.constant 1 : i32
        %get3A_1488 = arith.index_cast %get3A_1487 : i32 to index
        %get3A_1489 = arith.index_cast %scan3A_1362 : i32 to index
        %get3A_1490 = arith.constant 96 : index
        %get3A_1491 = tpu.vector_load %arg9[%get3A_1488, %get3A_1489, %get3A_1490] {strides = array<i32>} : memref<2x40x128xf32, #tpu.memory_space<vmem>>, vector<1x1x16xf32>,
        %get3A_1492 = vector.shape_cast %get3A_1491 : vector<1x1x16xf32> to vector<16xf32>
        %mul3A_1493 = arith.mulf %get3A_1486, %get3A_1492 : vector<16xf32>
        %swap3A_1494 = arith.constant 1 : i32
        %swap3A_1495 = arith.index_cast %swap3A_1494 : i32 to index
        %swap3A_1496 = arith.index_cast %scan3A_1362 : i32 to index
        %swap3A_1497 = arith.constant 96 : index
        %swap3A_1498 = tpu.vector_load %arg10[%swap3A_1495, %swap3A_1496, %swap3A_1497] {strides = array<i32>} : memref<2x40x128xf32, #tpu.memory_space<vmem>>, vector<1x1x16xf32>,
        %swap3A_1499 = vector.shape_cast %swap3A_1498 : vector<1x1x16xf32> to vector<16xf32>
        %swap3A_1500 = vector.shape_cast %mul3A_1493 : vector<16xf32> to vector<1x1x16xf32>
        tpu.vector_store %arg10[%swap3A_1495, %swap3A_1496, %swap3A_1497], %swap3A_1500 {strides = array<i32>} : memref<2x40x128xf32, #tpu.memory_space<vmem>>, vector<1x1x16xf32>,
        %get3A_1501 = arith.constant 1 : i32
        %get3A_1502 = arith.index_cast %get3A_1501 : i32 to index
        %get3A_1503 = arith.index_cast %scan3A_1362 : i32 to index
        %get3A_1504 = arith.constant 112 : index
        %get3A_1505 = tpu.vector_load %arg8[%get3A_1502, %get3A_1503, %get3A_1504] {strides = array<i32>} : memref<2x40x128xf32, #tpu.memory_space<vmem>>, vector<1x1x16xf32>,
        %get3A_1506 = vector.shape_cast %get3A_1505 : vector<1x1x16xf32> to vector<16xf32>
        %get3A_1507 = arith.constant 1 : i32
        %get3A_1508 = arith.index_cast %get3A_1507 : i32 to index
        %get3A_1509 = arith.index_cast %scan3A_1362 : i32 to index
        %get3A_1510 = arith.constant 112 : index
        %get3A_1511 = tpu.vector_load %arg9[%get3A_1508, %get3A_1509, %get3A_1510] {strides = array<i32>} : memref<2x40x128xf32, #tpu.memory_space<vmem>>, vector<1x1x16xf32>,
        %get3A_1512 = vector.shape_cast %get3A_1511 : vector<1x1x16xf32> to vector<16xf32>
        %mul3A_1513 = arith.mulf %get3A_1506, %get3A_1512 : vector<16xf32>
        %swap3A_1514 = arith.constant 1 : i32
        %swap3A_1515 = arith.index_cast %swap3A_1514 : i32 to index
        %swap3A_1516 = arith.index_cast %scan3A_1362 : i32 to index
        %swap3A_1517 = arith.constant 112 : index
        %swap3A_1518 = tpu.vector_load %arg10[%swap3A_1515, %swap3A_1516, %swap3A_1517] {strides = array<i32>} : memref<2x40x128xf32, #tpu.memory_space<vmem>>, vector<1x1x16xf32>,
        %swap3A_1519 = vector.shape_cast %swap3A_1518 : vector<1x1x16xf32> to vector<16xf32>
        %swap3A_1520 = vector.shape_cast %mul3A_1513 : vector<16xf32> to vector<1x1x16xf32>
        tpu.vector_store %arg10[%swap3A_1515, %swap3A_1516, %swap3A_1517], %swap3A_1520 {strides = array<i32>} : memref<2x40x128xf32, #tpu.memory_space<vmem>>, vector<1x1x16xf32>,
      }
      %scan3A_1019 = arith.constant 40 : i32
      %dma_start3A_1020 = arith.constant 1 : i32
      %dma_start3A_1021 = arith.constant 3 : i32
      %dma_start3A_1022 = arith.constant 1 : i32
      %dma_start3A_1023 = arith.constant 0 : i32
      %dma_start3A_1024 = arith.constant 0 : i32
      %dma_start3A_1025 = tpu.memref_slice %arg10[%dma_start3A_1020, %dma_start3A_1023, %dma_start3A_1024] : memref<2x40x128xf32, #tpu.memory_space<vmem>> -> memref<1x40x128xf32, #tpu.memory_space<vmem>>
      %dma_start3A_1026 = tpu.memref_squeeze %dma_start3A_1025 : memref<1x40x128xf32, #tpu.memory_space<vmem>> -> memref<40x128xf32, #tpu.memory_space<vmem>>
      %dma_start3A_1027 = arith.constant 0 : i32
      %dma_start3A_1028 = tpu.memref_slice %arg7[%dma_start3A_1021, %dma_start3A_1022, %dma_start3A_1027] : memref<4x2x40xi32, #tpu.memory_space<vmem>> -> memref<1x1x40xi32, #tpu.memory_space<vmem>>
      %dma_start3A_1029 = tpu.memref_squeeze %dma_start3A_1028 : memref<1x1x40xi32, #tpu.memory_space<vmem>> -> memref<40xi32, #tpu.memory_space<vmem>>
      %dma_start3A_1030 = arith.constant 0 : i32
      %dma_start3A_1031 = arith.constant 0 : i32
      %dma_start3A_1032 = tpu.memref_slice %arg11[%dma_start3A_1030, %dma_start3A_1031] : memref<10000x128xf32, #tpu.memory_space<vmem_shared>> -> memref<10000x128xf32, #tpu.memory_space<vmem_shared>>
      tpu.enqueue_indirect_dma source(%dma_start3A_1026 : memref<40x128xf32, #tpu.memory_space<vmem>>) target(%dma_start3A_1032 : memref<10000x128xf32, #tpu.memory_space<vmem_shared>>) offsets(%dma_start3A_1029 : memref<40xi32, #tpu.memory_space<vmem>>) semaphore(%arg21 : memref<!tpu.dma_semaphore, #tpu.memory_space<semaphore_mem>>) {add = true}
      %add3A_1033 = arith.constant 1 : i32
      %add3A_1034 = arith.addi %add3A_809, %add3A_1033 : i32
      %add3A_1035 = arith.constant 2 : i32
      %add3A_1036 = arith.addi %add3A_1034, %add3A_1035 : i32
      %dma_wait3A_1037 = arith.constant 1 : i32
      %dma_wait3A_1038 = arith.constant 0 : i32
      %dma_wait3A_1039 = arith.constant 0 : i32
      %dma_wait3A_1040 = tpu.memref_slice %arg7[%dma_wait3A_1037, %dma_wait3A_1038, %dma_wait3A_1039] : memref<4x2x40xi32, #tpu.memory_space<vmem>> -> memref<1x1x40xi32, #tpu.memory_space<vmem>>
      %dma_wait3A_1041 = tpu.memref_squeeze %dma_wait3A_1040 : memref<1x1x40xi32, #tpu.memory_space<vmem>> -> memref<40xi32, #tpu.memory_space<vmem>>
      %dma_wait3A_1042 = tpu.memref_slice %arg4[%mul3A_21] : memref<320000xi32, #tpu.memory_space<hbm>> -> memref<40xi32, #tpu.memory_space<hbm>>
      %dma_wait3A_1043 = arith.constant 0 : i32
      %dma_wait3A_1044 = tpu.memref_slice %arg7[%dma_wait3A_1037, %dma_wait3A_1038, %dma_wait3A_1043] : memref<4x2x40xi32, #tpu.memory_space<vmem>> -> memref<1x1x40xi32, #tpu.memory_space<vmem>>
      %dma_wait3A_1045 = tpu.memref_squeeze %dma_wait3A_1044 : memref<1x1x40xi32, #tpu.memory_space<vmem>> -> memref<40xi32, #tpu.memory_space<vmem>>
      %dma_wait3A_1046 = tpu.memref_slice %arg4[%mul3A_21] : memref<320000xi32, #tpu.memory_space<hbm>> -> memref<40xi32, #tpu.memory_space<hbm>>
      tpu.wait_dma2 semaphore(%arg13 : memref<!tpu.dma_semaphore, #tpu.memory_space<semaphore_mem>>) src(%dma_wait3A_1046 : memref<40xi32, #tpu.memory_space<hbm>>) dst(%dma_wait3A_1045 : memref<40xi32, #tpu.memory_space<vmem>>)
      %dma_wait3A_1047 = arith.constant 1 : i32
      %dma_wait3A_1048 = arith.constant 1 : i32
      %dma_wait3A_1049 = arith.constant 0 : i32
      %dma_wait3A_1050 = tpu.memref_slice %arg7[%dma_wait3A_1047, %dma_wait3A_1048, %dma_wait3A_1049] : memref<4x2x40xi32, #tpu.memory_space<vmem>> -> memref<1x1x40xi32, #tpu.memory_space<vmem>>
      %dma_wait3A_1051 = tpu.memref_squeeze %dma_wait3A_1050 : memref<1x1x40xi32, #tpu.memory_space<vmem>> -> memref<40xi32, #tpu.memory_space<vmem>>
      %dma_wait3A_1052 = tpu.memref_slice %arg5[%mul3A_21] : memref<320000xi32, #tpu.memory_space<hbm>> -> memref<40xi32, #tpu.memory_space<hbm>>
      %dma_wait3A_1053 = arith.constant 0 : i32
      %dma_wait3A_1054 = tpu.memref_slice %arg7[%dma_wait3A_1047, %dma_wait3A_1048, %dma_wait3A_1053] : memref<4x2x40xi32, #tpu.memory_space<vmem>> -> memref<1x1x40xi32, #tpu.memory_space<vmem>>
      %dma_wait3A_1055 = tpu.memref_squeeze %dma_wait3A_1054 : memref<1x1x40xi32, #tpu.memory_space<vmem>> -> memref<40xi32, #tpu.memory_space<vmem>>
      %dma_wait3A_1056 = tpu.memref_slice %arg5[%mul3A_21] : memref<320000xi32, #tpu.memory_space<hbm>> -> memref<40xi32, #tpu.memory_space<hbm>>
      tpu.wait_dma2 semaphore(%arg13 : memref<!tpu.dma_semaphore, #tpu.memory_space<semaphore_mem>>) src(%dma_wait3A_1056 : memref<40xi32, #tpu.memory_space<hbm>>) dst(%dma_wait3A_1055 : memref<40xi32, #tpu.memory_space<vmem>>)
      %dma_start3A_1057 = arith.constant 1 : i32
      %dma_start3A_1058 = arith.constant 0 : i32
      %dma_start3A_1059 = arith.constant 1 : i32
      %dma_start3A_1060 = arith.constant 0 : i32
      %dma_start3A_1061 = arith.constant 0 : i32
      %dma_start3A_1062 = tpu.memref_slice %arg8[%dma_start3A_1059, %dma_start3A_1060, %dma_start3A_1061] : memref<2x40x128xf32, #tpu.memory_space<vmem>> -> memref<1x40x128xf32, #tpu.memory_space<vmem>>
      %dma_start3A_1063 = tpu.memref_squeeze %dma_start3A_1062 : memref<1x40x128xf32, #tpu.memory_space<vmem>> -> memref<40x128xf32, #tpu.memory_space<vmem>>
      %dma_start3A_1064 = arith.constant 0 : i32
      %dma_start3A_1065 = tpu.memref_slice %arg7[%dma_start3A_1057, %dma_start3A_1058, %dma_start3A_1064] : memref<4x2x40xi32, #tpu.memory_space<vmem>> -> memref<1x1x40xi32, #tpu.memory_space<vmem>>
      %dma_start3A_1066 = tpu.memref_squeeze %dma_start3A_1065 : memref<1x1x40xi32, #tpu.memory_space<vmem>> -> memref<40xi32, #tpu.memory_space<vmem>>
      %dma_start3A_1067 = arith.constant 0 : i32
      %dma_start3A_1068 = arith.constant 0 : i32
      %dma_start3A_1069 = tpu.memref_slice %arg2[%dma_start3A_1067, %dma_start3A_1068] : memref<10000x128xf32, #tpu.memory_space<hbm>> -> memref<10000x128xf32, #tpu.memory_space<hbm>>
      tpu.enqueue_indirect_dma source(%dma_start3A_1069 : memref<10000x128xf32, #tpu.memory_space<hbm>>) target(%dma_start3A_1063 : memref<40x128xf32, #tpu.memory_space<vmem>>) offsets(%dma_start3A_1066 : memref<40xi32, #tpu.memory_space<vmem>>) semaphore(%arg17 : memref<!tpu.dma_semaphore, #tpu.memory_space<semaphore_mem>>)
      %mul3A_1070 = arith.constant 40 : i32
      %mul3A_1071 = arith.muli %add3A_1036, %mul3A_1070 : i32
      %add3A_1072 = arith.addi %mul3A_21, %mul3A_1071 : i32
      %dma_start3A_1073 = arith.constant 1 : i32
      %dma_start3A_1074 = arith.constant 0 : i32
      %dma_start3A_1075 = arith.constant 0 : i32
      %dma_start3A_1076 = tpu.memref_slice %arg9[%dma_start3A_1073, %dma_start3A_1074, %dma_start3A_1075] : memref<2x40x128xf32, #tpu.memory_space<vmem>> -> memref<1x40x128xf32, #tpu.memory_space<vmem>>
      %dma_start3A_1077 = tpu.memref_squeeze %dma_start3A_1076 : memref<1x40x128xf32, #tpu.memory_space<vmem>> -> memref<40x128xf32, #tpu.memory_space<vmem>>
      %dma_start3A_1078 = arith.constant 0 : i32
      %dma_start3A_1079 = tpu.memref_slice %arg3[%add3A_1072, %dma_start3A_1078] : memref<320000x128xf32, #tpu.memory_space<hbm>> -> memref<40x128xf32, #tpu.memory_space<hbm>>
      %dma_start3A_1080 = arith.constant 0 : i32
      %dma_start3A_1081 = arith.constant 0 : i32
      %dma_start3A_1082 = tpu.memref_slice %arg9[%dma_start3A_1073, %dma_start3A_1080, %dma_start3A_1081] : memref<2x40x128xf32, #tpu.memory_space<vmem>> -> memref<1x40x128xf32, #tpu.memory_space<vmem>>
      %dma_start3A_1083 = tpu.memref_squeeze %dma_start3A_1082 : memref<1x40x128xf32, #tpu.memory_space<vmem>> -> memref<40x128xf32, #tpu.memory_space<vmem>>
      %dma_start3A_1084 = arith.constant 0 : i32
      %dma_start3A_1085 = tpu.memref_slice %arg3[%add3A_1072, %dma_start3A_1084] : memref<320000x128xf32, #tpu.memory_space<hbm>> -> memref<40x128xf32, #tpu.memory_space<hbm>>
      tpu.enqueue_dma source(%dma_start3A_1085 : memref<40x128xf32, #tpu.memory_space<hbm>>) target(%dma_start3A_1083 : memref<40x128xf32, #tpu.memory_space<vmem>>) target_semaphore(%arg19 : memref<!tpu.dma_semaphore, #tpu.memory_space<semaphore_mem>>)
      %add3A_1086 = arith.constant 2 : i32
      %add3A_1087 = arith.addi %add3A_809, %add3A_1086 : i32
      %dma_wait3A_1088 = arith.constant 0 : i32
      %dma_wait3A_1089 = arith.constant 0 : i32
      %dma_wait3A_1090 = arith.constant 0 : i32
      %dma_wait3A_1091 = arith.constant 0 : i32
      %dma_wait3A_1092 = arith.constant 0 : i32
      %dma_wait3A_1093 = tpu.memref_slice %arg8[%dma_wait3A_1090, %dma_wait3A_1091, %dma_wait3A_1092] : memref<2x40x128xf32, #tpu.memory_space<vmem>> -> memref<1x40x128xf32, #tpu.memory_space<vmem>>
      %dma_wait3A_1094 = tpu.memref_squeeze %dma_wait3A_1093 : memref<1x40x128xf32, #tpu.memory_space<vmem>> -> memref<40x128xf32, #tpu.memory_space<vmem>>
      %dma_wait3A_1095 = arith.constant 0 : i32
      %dma_wait3A_1096 = tpu.memref_slice %arg7[%dma_wait3A_1088, %dma_wait3A_1089, %dma_wait3A_1095] : memref<4x2x40xi32, #tpu.memory_space<vmem>> -> memref<1x1x40xi32, #tpu.memory_space<vmem>>
      %dma_wait3A_1097 = tpu.memref_squeeze %dma_wait3A_1096 : memref<1x1x40xi32, #tpu.memory_space<vmem>> -> memref<40xi32, #tpu.memory_space<vmem>>
      %dma_wait3A_1098 = arith.constant 0 : i32
      %dma_wait3A_1099 = arith.constant 0 : i32
      %dma_wait3A_1100 = tpu.memref_slice %arg2[%dma_wait3A_1098, %dma_wait3A_1099] : memref<10000x128xf32, #tpu.memory_space<hbm>> -> memref<10000x128xf32, #tpu.memory_space<hbm>>
      tpu.wait_indirect_dma semaphore(%arg16 : memref<!tpu.dma_semaphore, #tpu.memory_space<semaphore_mem>>) src(%dma_wait3A_1100 : memref<10000x128xf32, #tpu.memory_space<hbm>>) dst(%dma_wait3A_1094 : memref<40x128xf32, #tpu.memory_space<vmem>>)
      %dma_wait3A_1101 = arith.constant 0 : i32
      %dma_wait3A_1102 = arith.constant 0 : i32
      %dma_wait3A_1103 = arith.constant 0 : i32
      %dma_wait3A_1104 = tpu.memref_slice %arg9[%dma_wait3A_1101, %dma_wait3A_1102, %dma_wait3A_1103] : memref<2x40x128xf32, #tpu.memory_space<vmem>> -> memref<1x40x128xf32, #tpu.memory_space<vmem>>
      %dma_wait3A_1105 = tpu.memref_squeeze %dma_wait3A_1104 : memref<1x40x128xf32, #tpu.memory_space<vmem>> -> memref<40x128xf32, #tpu.memory_space<vmem>>
      %dma_wait3A_1106 = arith.constant 0 : i32
      %dma_wait3A_1107 = tpu.memref_slice %arg3[%mul3A_21, %dma_wait3A_1106] : memref<320000x128xf32, #tpu.memory_space<hbm>> -> memref<40x128xf32, #tpu.memory_space<hbm>>
      %dma_wait3A_1108 = arith.constant 0 : i32
      %dma_wait3A_1109 = arith.constant 0 : i32
      %dma_wait3A_1110 = tpu.memref_slice %arg9[%dma_wait3A_1101, %dma_wait3A_1108, %dma_wait3A_1109] : memref<2x40x128xf32, #tpu.memory_space<vmem>> -> memref<1x40x128xf32, #tpu.memory_space<vmem>>
      %dma_wait3A_1111 = tpu.memref_squeeze %dma_wait3A_1110 : memref<1x40x128xf32, #tpu.memory_space<vmem>> -> memref<40x128xf32, #tpu.memory_space<vmem>>
      %dma_wait3A_1112 = arith.constant 0 : i32
      %dma_wait3A_1113 = tpu.memref_slice %arg3[%mul3A_21, %dma_wait3A_1112] : memref<320000x128xf32, #tpu.memory_space<hbm>> -> memref<40x128xf32, #tpu.memory_space<hbm>>
      tpu.wait_dma2 semaphore(%arg18 : memref<!tpu.dma_semaphore, #tpu.memory_space<semaphore_mem>>) src(%dma_wait3A_1113 : memref<40x128xf32, #tpu.memory_space<hbm>>) dst(%dma_wait3A_1111 : memref<40x128xf32, #tpu.memory_space<vmem>>)
      %dma_wait3A_1114 = arith.constant 0 : i32
      %dma_wait3A_1115 = arith.constant 2 : i32
      %dma_wait3A_1116 = arith.constant 1 : i32
      %dma_wait3A_1117 = arith.constant 0 : i32
      %dma_wait3A_1118 = arith.constant 0 : i32
      %dma_wait3A_1119 = tpu.memref_slice %arg10[%dma_wait3A_1114, %dma_wait3A_1117, %dma_wait3A_1118] : memref<2x40x128xf32, #tpu.memory_space<vmem>> -> memref<1x40x128xf32, #tpu.memory_space<vmem>>
      %dma_wait3A_1120 = tpu.memref_squeeze %dma_wait3A_1119 : memref<1x40x128xf32, #tpu.memory_space<vmem>> -> memref<40x128xf32, #tpu.memory_space<vmem>>
      %dma_wait3A_1121 = arith.constant 0 : i32
      %dma_wait3A_1122 = tpu.memref_slice %arg7[%dma_wait3A_1115, %dma_wait3A_1116, %dma_wait3A_1121] : memref<4x2x40xi32, #tpu.memory_space<vmem>> -> memref<1x1x40xi32, #tpu.memory_space<vmem>>
      %dma_wait3A_1123 = tpu.memref_squeeze %dma_wait3A_1122 : memref<1x1x40xi32, #tpu.memory_space<vmem>> -> memref<40xi32, #tpu.memory_space<vmem>>
      %dma_wait3A_1124 = arith.constant 0 : i32
      %dma_wait3A_1125 = arith.constant 0 : i32
      %dma_wait3A_1126 = tpu.memref_slice %arg11[%dma_wait3A_1124, %dma_wait3A_1125] : memref<10000x128xf32, #tpu.memory_space<vmem_shared>> -> memref<10000x128xf32, #tpu.memory_space<vmem_shared>>
      tpu.wait_indirect_dma semaphore(%arg20 : memref<!tpu.dma_semaphore, #tpu.memory_space<semaphore_mem>>) src(%dma_wait3A_1120 : memref<40x128xf32, #tpu.memory_space<vmem>>) dst(%dma_wait3A_1126 : memref<10000x128xf32, #tpu.memory_space<vmem_shared>>)
      %add3A_1127 = arith.constant 2 : i32
      %add3A_1128 = arith.addi %add3A_1087, %add3A_1127 : i32
      %mul3A_1129 = arith.constant 40 : i32
      %mul3A_1130 = arith.muli %add3A_1128, %mul3A_1129 : i32
      %add3A_1131 = arith.addi %mul3A_21, %mul3A_1130 : i32
      %dma_start3A_1132 = arith.constant 2 : i32
      %dma_start3A_1133 = arith.constant 0 : i32
      %dma_start3A_1134 = arith.constant 0 : i32
      %dma_start3A_1135 = tpu.memref_slice %arg7[%dma_start3A_1132, %dma_start3A_1133, %dma_start3A_1134] : memref<4x2x40xi32, #tpu.memory_space<vmem>> -> memref<1x1x40xi32, #tpu.memory_space<vmem>>
      %dma_start3A_1136 = tpu.memref_squeeze %dma_start3A_1135 : memref<1x1x40xi32, #tpu.memory_space<vmem>> -> memref<40xi32, #tpu.memory_space<vmem>>
      %dma_start3A_1137 = tpu.memref_slice %arg4[%add3A_1131] : memref<320000xi32, #tpu.memory_space<hbm>> -> memref<40xi32, #tpu.memory_space<hbm>>
      %dma_start3A_1138 = arith.constant 0 : i32
      %dma_start3A_1139 = tpu.memref_slice %arg7[%dma_start3A_1132, %dma_start3A_1133, %dma_start3A_1138] : memref<4x2x40xi32, #tpu.memory_space<vmem>> -> memref<1x1x40xi32, #tpu.memory_space<vmem>>
      %dma_start3A_1140 = tpu.memref_squeeze %dma_start3A_1139 : memref<1x1x40xi32, #tpu.memory_space<vmem>> -> memref<40xi32, #tpu.memory_space<vmem>>
      %dma_start3A_1141 = tpu.memref_slice %arg4[%add3A_1131] : memref<320000xi32, #tpu.memory_space<hbm>> -> memref<40xi32, #tpu.memory_space<hbm>>
      tpu.enqueue_dma source(%dma_start3A_1141 : memref<40xi32, #tpu.memory_space<hbm>>) target(%dma_start3A_1140 : memref<40xi32, #tpu.memory_space<vmem>>) target_semaphore(%arg14 : memref<!tpu.dma_semaphore, #tpu.memory_space<semaphore_mem>>)
      %dma_start3A_1142 = arith.constant 2 : i32
      %dma_start3A_1143 = arith.constant 1 : i32
      %dma_start3A_1144 = arith.constant 0 : i32
      %dma_start3A_1145 = tpu.memref_slice %arg7[%dma_start3A_1142, %dma_start3A_1143, %dma_start3A_1144] : memref<4x2x40xi32, #tpu.memory_space<vmem>> -> memref<1x1x40xi32, #tpu.memory_space<vmem>>
      %dma_start3A_1146 = tpu.memref_squeeze %dma_start3A_1145 : memref<1x1x40xi32, #tpu.memory_space<vmem>> -> memref<40xi32, #tpu.memory_space<vmem>>
      %dma_start3A_1147 = tpu.memref_slice %arg5[%add3A_1131] : memref<320000xi32, #tpu.memory_space<hbm>> -> memref<40xi32, #tpu.memory_space<hbm>>
      %dma_start3A_1148 = arith.constant 0 : i32
      %dma_start3A_1149 = tpu.memref_slice %arg7[%dma_start3A_1142, %dma_start3A_1143, %dma_start3A_1148] : memref<4x2x40xi32, #tpu.memory_space<vmem>> -> memref<1x1x40xi32, #tpu.memory_space<vmem>>
      %dma_start3A_1150 = tpu.memref_squeeze %dma_start3A_1149 : memref<1x1x40xi32, #tpu.memory_space<vmem>> -> memref<40xi32, #tpu.memory_space<vmem>>
      %dma_start3A_1151 = tpu.memref_slice %arg5[%add3A_1131] : memref<320000xi32, #tpu.memory_space<hbm>> -> memref<40xi32, #tpu.memory_space<hbm>>
      tpu.enqueue_dma source(%dma_start3A_1151 : memref<40xi32, #tpu.memory_space<hbm>>) target(%dma_start3A_1150 : memref<40xi32, #tpu.memory_space<vmem>>) target_semaphore(%arg14 : memref<!tpu.dma_semaphore, #tpu.memory_space<semaphore_mem>>)
      %scan3A_1152 = arith.constant 0 : i32
      %scan3A_1153 = arith.constant 0 : i32
      %scan3A_1154 = arith.constant 40 : i32
      %scan3A_1155 = arith.addi %scan3A_1153, %scan3A_1154 : i32
      %scan3A_1156 = arith.constant 1 : i32
      scf.for %scan3A_1362 = %scan3A_1153 to %scan3A_1155 step %scan3A_1156  : i32 {
        %get3A = arith.constant 0 : i32
        %get3A_1363 = arith.index_cast %get3A : i32 to index
        %get3A_1364 = arith.index_cast %scan3A_1362 : i32 to index
        %get3A_1365 = arith.constant 0 : index
        %get3A_1366 = tpu.vector_load %arg8[%get3A_1363, %get3A_1364, %get3A_1365] {strides = array<i32>} : memref<2x40x128xf32, #tpu.memory_space<vmem>>, vector<1x1x16xf32>,
        %get3A_1367 = vector.shape_cast %get3A_1366 : vector<1x1x16xf32> to vector<16xf32>
        %get3A_1368 = arith.constant 0 : i32
        %get3A_1369 = arith.index_cast %get3A_1368 : i32 to index
        %get3A_1370 = arith.index_cast %scan3A_1362 : i32 to index
        %get3A_1371 = arith.constant 0 : index
        %get3A_1372 = tpu.vector_load %arg9[%get3A_1369, %get3A_1370, %get3A_1371] {strides = array<i32>} : memref<2x40x128xf32, #tpu.memory_space<vmem>>, vector<1x1x16xf32>,
        %get3A_1373 = vector.shape_cast %get3A_1372 : vector<1x1x16xf32> to vector<16xf32>
        %mul3A_1374 = arith.mulf %get3A_1367, %get3A_1373 : vector<16xf32>
        %swap3A = arith.constant 0 : i32
        %swap3A_1375 = arith.index_cast %swap3A : i32 to index
        %swap3A_1376 = arith.index_cast %scan3A_1362 : i32 to index
        %swap3A_1377 = arith.constant 0 : index
        %swap3A_1378 = tpu.vector_load %arg10[%swap3A_1375, %swap3A_1376, %swap3A_1377] {strides = array<i32>} : memref<2x40x128xf32, #tpu.memory_space<vmem>>, vector<1x1x16xf32>,
        %swap3A_1379 = vector.shape_cast %swap3A_1378 : vector<1x1x16xf32> to vector<16xf32>
        %swap3A_1380 = vector.shape_cast %mul3A_1374 : vector<16xf32> to vector<1x1x16xf32>
        tpu.vector_store %arg10[%swap3A_1375, %swap3A_1376, %swap3A_1377], %swap3A_1380 {strides = array<i32>} : memref<2x40x128xf32, #tpu.memory_space<vmem>>, vector<1x1x16xf32>,
        %get3A_1381 = arith.constant 0 : i32
        %get3A_1382 = arith.index_cast %get3A_1381 : i32 to index
        %get3A_1383 = arith.index_cast %scan3A_1362 : i32 to index
        %get3A_1384 = arith.constant 16 : index
        %get3A_1385 = tpu.vector_load %arg8[%get3A_1382, %get3A_1383, %get3A_1384] {strides = array<i32>} : memref<2x40x128xf32, #tpu.memory_space<vmem>>, vector<1x1x16xf32>,
        %get3A_1386 = vector.shape_cast %get3A_1385 : vector<1x1x16xf32> to vector<16xf32>
        %get3A_1387 = arith.constant 0 : i32
        %get3A_1388 = arith.index_cast %get3A_1387 : i32 to index
        %get3A_1389 = arith.index_cast %scan3A_1362 : i32 to index
        %get3A_1390 = arith.constant 16 : index
        %get3A_1391 = tpu.vector_load %arg9[%get3A_1388, %get3A_1389, %get3A_1390] {strides = array<i32>} : memref<2x40x128xf32, #tpu.memory_space<vmem>>, vector<1x1x16xf32>,
        %get3A_1392 = vector.shape_cast %get3A_1391 : vector<1x1x16xf32> to vector<16xf32>
        %mul3A_1393 = arith.mulf %get3A_1386, %get3A_1392 : vector<16xf32>
        %swap3A_1394 = arith.constant 0 : i32
        %swap3A_1395 = arith.index_cast %swap3A_1394 : i32 to index
        %swap3A_1396 = arith.index_cast %scan3A_1362 : i32 to index
        %swap3A_1397 = arith.constant 16 : index
        %swap3A_1398 = tpu.vector_load %arg10[%swap3A_1395, %swap3A_1396, %swap3A_1397] {strides = array<i32>} : memref<2x40x128xf32, #tpu.memory_space<vmem>>, vector<1x1x16xf32>,
        %swap3A_1399 = vector.shape_cast %swap3A_1398 : vector<1x1x16xf32> to vector<16xf32>
        %swap3A_1400 = vector.shape_cast %mul3A_1393 : vector<16xf32> to vector<1x1x16xf32>
        tpu.vector_store %arg10[%swap3A_1395, %swap3A_1396, %swap3A_1397], %swap3A_1400 {strides = array<i32>} : memref<2x40x128xf32, #tpu.memory_space<vmem>>, vector<1x1x16xf32>,
        %get3A_1401 = arith.constant 0 : i32
        %get3A_1402 = arith.index_cast %get3A_1401 : i32 to index
        %get3A_1403 = arith.index_cast %scan3A_1362 : i32 to index
        %get3A_1404 = arith.constant 32 : index
        %get3A_1405 = tpu.vector_load %arg8[%get3A_1402, %get3A_1403, %get3A_1404] {strides = array<i32>} : memref<2x40x128xf32, #tpu.memory_space<vmem>>, vector<1x1x16xf32>,
        %get3A_1406 = vector.shape_cast %get3A_1405 : vector<1x1x16xf32> to vector<16xf32>
        %get3A_1407 = arith.constant 0 : i32
        %get3A_1408 = arith.index_cast %get3A_1407 : i32 to index
        %get3A_1409 = arith.index_cast %scan3A_1362 : i32 to index
        %get3A_1410 = arith.constant 32 : index
        %get3A_1411 = tpu.vector_load %arg9[%get3A_1408, %get3A_1409, %get3A_1410] {strides = array<i32>} : memref<2x40x128xf32, #tpu.memory_space<vmem>>, vector<1x1x16xf32>,
        %get3A_1412 = vector.shape_cast %get3A_1411 : vector<1x1x16xf32> to vector<16xf32>
        %mul3A_1413 = arith.mulf %get3A_1406, %get3A_1412 : vector<16xf32>
        %swap3A_1414 = arith.constant 0 : i32
        %swap3A_1415 = arith.index_cast %swap3A_1414 : i32 to index
        %swap3A_1416 = arith.index_cast %scan3A_1362 : i32 to index
        %swap3A_1417 = arith.constant 32 : index
        %swap3A_1418 = tpu.vector_load %arg10[%swap3A_1415, %swap3A_1416, %swap3A_1417] {strides = array<i32>} : memref<2x40x128xf32, #tpu.memory_space<vmem>>, vector<1x1x16xf32>,
        %swap3A_1419 = vector.shape_cast %swap3A_1418 : vector<1x1x16xf32> to vector<16xf32>
        %swap3A_1420 = vector.shape_cast %mul3A_1413 : vector<16xf32> to vector<1x1x16xf32>
        tpu.vector_store %arg10[%swap3A_1415, %swap3A_1416, %swap3A_1417], %swap3A_1420 {strides = array<i32>} : memref<2x40x128xf32, #tpu.memory_space<vmem>>, vector<1x1x16xf32>,
        %get3A_1421 = arith.constant 0 : i32
        %get3A_1422 = arith.index_cast %get3A_1421 : i32 to index
        %get3A_1423 = arith.index_cast %scan3A_1362 : i32 to index
        %get3A_1424 = arith.constant 48 : index
        %get3A_1425 = tpu.vector_load %arg8[%get3A_1422, %get3A_1423, %get3A_1424] {strides = array<i32>} : memref<2x40x128xf32, #tpu.memory_space<vmem>>, vector<1x1x16xf32>,
        %get3A_1426 = vector.shape_cast %get3A_1425 : vector<1x1x16xf32> to vector<16xf32>
        %get3A_1427 = arith.constant 0 : i32
        %get3A_1428 = arith.index_cast %get3A_1427 : i32 to index
        %get3A_1429 = arith.index_cast %scan3A_1362 : i32 to index
        %get3A_1430 = arith.constant 48 : index
        %get3A_1431 = tpu.vector_load %arg9[%get3A_1428, %get3A_1429, %get3A_1430] {strides = array<i32>} : memref<2x40x128xf32, #tpu.memory_space<vmem>>, vector<1x1x16xf32>,
        %get3A_1432 = vector.shape_cast %get3A_1431 : vector<1x1x16xf32> to vector<16xf32>
        %mul3A_1433 = arith.mulf %get3A_1426, %get3A_1432 : vector<16xf32>
        %swap3A_1434 = arith.constant 0 : i32
        %swap3A_1435 = arith.index_cast %swap3A_1434 : i32 to index
        %swap3A_1436 = arith.index_cast %scan3A_1362 : i32 to index
        %swap3A_1437 = arith.constant 48 : index
        %swap3A_1438 = tpu.vector_load %arg10[%swap3A_1435, %swap3A_1436, %swap3A_1437] {strides = array<i32>} : memref<2x40x128xf32, #tpu.memory_space<vmem>>, vector<1x1x16xf32>,
        %swap3A_1439 = vector.shape_cast %swap3A_1438 : vector<1x1x16xf32> to vector<16xf32>
        %swap3A_1440 = vector.shape_cast %mul3A_1433 : vector<16xf32> to vector<1x1x16xf32>
        tpu.vector_store %arg10[%swap3A_1435, %swap3A_1436, %swap3A_1437], %swap3A_1440 {strides = array<i32>} : memref<2x40x128xf32, #tpu.memory_space<vmem>>, vector<1x1x16xf32>,
        %get3A_1441 = arith.constant 0 : i32
        %get3A_1442 = arith.index_cast %get3A_1441 : i32 to index
        %get3A_1443 = arith.index_cast %scan3A_1362 : i32 to index
        %get3A_1444 = arith.constant 64 : index
        %get3A_1445 = tpu.vector_load %arg8[%get3A_1442, %get3A_1443, %get3A_1444] {strides = array<i32>} : memref<2x40x128xf32, #tpu.memory_space<vmem>>, vector<1x1x16xf32>,
        %get3A_1446 = vector.shape_cast %get3A_1445 : vector<1x1x16xf32> to vector<16xf32>
        %get3A_1447 = arith.constant 0 : i32
        %get3A_1448 = arith.index_cast %get3A_1447 : i32 to index
        %get3A_1449 = arith.index_cast %scan3A_1362 : i32 to index
        %get3A_1450 = arith.constant 64 : index
        %get3A_1451 = tpu.vector_load %arg9[%get3A_1448, %get3A_1449, %get3A_1450] {strides = array<i32>} : memref<2x40x128xf32, #tpu.memory_space<vmem>>, vector<1x1x16xf32>,
        %get3A_1452 = vector.shape_cast %get3A_1451 : vector<1x1x16xf32> to vector<16xf32>
        %mul3A_1453 = arith.mulf %get3A_1446, %get3A_1452 : vector<16xf32>
        %swap3A_1454 = arith.constant 0 : i32
        %swap3A_1455 = arith.index_cast %swap3A_1454 : i32 to index
        %swap3A_1456 = arith.index_cast %scan3A_1362 : i32 to index
        %swap3A_1457 = arith.constant 64 : index
        %swap3A_1458 = tpu.vector_load %arg10[%swap3A_1455, %swap3A_1456, %swap3A_1457] {strides = array<i32>} : memref<2x40x128xf32, #tpu.memory_space<vmem>>, vector<1x1x16xf32>,
        %swap3A_1459 = vector.shape_cast %swap3A_1458 : vector<1x1x16xf32> to vector<16xf32>
        %swap3A_1460 = vector.shape_cast %mul3A_1453 : vector<16xf32> to vector<1x1x16xf32>
        tpu.vector_store %arg10[%swap3A_1455, %swap3A_1456, %swap3A_1457], %swap3A_1460 {strides = array<i32>} : memref<2x40x128xf32, #tpu.memory_space<vmem>>, vector<1x1x16xf32>,
        %get3A_1461 = arith.constant 0 : i32
        %get3A_1462 = arith.index_cast %get3A_1461 : i32 to index
        %get3A_1463 = arith.index_cast %scan3A_1362 : i32 to index
        %get3A_1464 = arith.constant 80 : index
        %get3A_1465 = tpu.vector_load %arg8[%get3A_1462, %get3A_1463, %get3A_1464] {strides = array<i32>} : memref<2x40x128xf32, #tpu.memory_space<vmem>>, vector<1x1x16xf32>,
        %get3A_1466 = vector.shape_cast %get3A_1465 : vector<1x1x16xf32> to vector<16xf32>
        %get3A_1467 = arith.constant 0 : i32
        %get3A_1468 = arith.index_cast %get3A_1467 : i32 to index
        %get3A_1469 = arith.index_cast %scan3A_1362 : i32 to index
        %get3A_1470 = arith.constant 80 : index
        %get3A_1471 = tpu.vector_load %arg9[%get3A_1468, %get3A_1469, %get3A_1470] {strides = array<i32>} : memref<2x40x128xf32, #tpu.memory_space<vmem>>, vector<1x1x16xf32>,
        %get3A_1472 = vector.shape_cast %get3A_1471 : vector<1x1x16xf32> to vector<16xf32>
        %mul3A_1473 = arith.mulf %get3A_1466, %get3A_1472 : vector<16xf32>
        %swap3A_1474 = arith.constant 0 : i32
        %swap3A_1475 = arith.index_cast %swap3A_1474 : i32 to index
        %swap3A_1476 = arith.index_cast %scan3A_1362 : i32 to index
        %swap3A_1477 = arith.constant 80 : index
        %swap3A_1478 = tpu.vector_load %arg10[%swap3A_1475, %swap3A_1476, %swap3A_1477] {strides = array<i32>} : memref<2x40x128xf32, #tpu.memory_space<vmem>>, vector<1x1x16xf32>,
        %swap3A_1479 = vector.shape_cast %swap3A_1478 : vector<1x1x16xf32> to vector<16xf32>
        %swap3A_1480 = vector.shape_cast %mul3A_1473 : vector<16xf32> to vector<1x1x16xf32>
        tpu.vector_store %arg10[%swap3A_1475, %swap3A_1476, %swap3A_1477], %swap3A_1480 {strides = array<i32>} : memref<2x40x128xf32, #tpu.memory_space<vmem>>, vector<1x1x16xf32>,
        %get3A_1481 = arith.constant 0 : i32
        %get3A_1482 = arith.index_cast %get3A_1481 : i32 to index
        %get3A_1483 = arith.index_cast %scan3A_1362 : i32 to index
        %get3A_1484 = arith.constant 96 : index
        %get3A_1485 = tpu.vector_load %arg8[%get3A_1482, %get3A_1483, %get3A_1484] {strides = array<i32>} : memref<2x40x128xf32, #tpu.memory_space<vmem>>, vector<1x1x16xf32>,
        %get3A_1486 = vector.shape_cast %get3A_1485 : vector<1x1x16xf32> to vector<16xf32>
        %get3A_1487 = arith.constant 0 : i32
        %get3A_1488 = arith.index_cast %get3A_1487 : i32 to index
        %get3A_1489 = arith.index_cast %scan3A_1362 : i32 to index
        %get3A_1490 = arith.constant 96 : index
        %get3A_1491 = tpu.vector_load %arg9[%get3A_1488, %get3A_1489, %get3A_1490] {strides = array<i32>} : memref<2x40x128xf32, #tpu.memory_space<vmem>>, vector<1x1x16xf32>,
        %get3A_1492 = vector.shape_cast %get3A_1491 : vector<1x1x16xf32> to vector<16xf32>
        %mul3A_1493 = arith.mulf %get3A_1486, %get3A_1492 : vector<16xf32>
        %swap3A_1494 = arith.constant 0 : i32
        %swap3A_1495 = arith.index_cast %swap3A_1494 : i32 to index
        %swap3A_1496 = arith.index_cast %scan3A_1362 : i32 to index
        %swap3A_1497 = arith.constant 96 : index
        %swap3A_1498 = tpu.vector_load %arg10[%swap3A_1495, %swap3A_1496, %swap3A_1497] {strides = array<i32>} : memref<2x40x128xf32, #tpu.memory_space<vmem>>, vector<1x1x16xf32>,
        %swap3A_1499 = vector.shape_cast %swap3A_1498 : vector<1x1x16xf32> to vector<16xf32>
        %swap3A_1500 = vector.shape_cast %mul3A_1493 : vector<16xf32> to vector<1x1x16xf32>
        tpu.vector_store %arg10[%swap3A_1495, %swap3A_1496, %swap3A_1497], %swap3A_1500 {strides = array<i32>} : memref<2x40x128xf32, #tpu.memory_space<vmem>>, vector<1x1x16xf32>,
        %get3A_1501 = arith.constant 0 : i32
        %get3A_1502 = arith.index_cast %get3A_1501 : i32 to index
        %get3A_1503 = arith.index_cast %scan3A_1362 : i32 to index
        %get3A_1504 = arith.constant 112 : index
        %get3A_1505 = tpu.vector_load %arg8[%get3A_1502, %get3A_1503, %get3A_1504] {strides = array<i32>} : memref<2x40x128xf32, #tpu.memory_space<vmem>>, vector<1x1x16xf32>,
        %get3A_1506 = vector.shape_cast %get3A_1505 : vector<1x1x16xf32> to vector<16xf32>
        %get3A_1507 = arith.constant 0 : i32
        %get3A_1508 = arith.index_cast %get3A_1507 : i32 to index
        %get3A_1509 = arith.index_cast %scan3A_1362 : i32 to index
        %get3A_1510 = arith.constant 112 : index
        %get3A_1511 = tpu.vector_load %arg9[%get3A_1508, %get3A_1509, %get3A_1510] {strides = array<i32>} : memref<2x40x128xf32, #tpu.memory_space<vmem>>, vector<1x1x16xf32>,
        %get3A_1512 = vector.shape_cast %get3A_1511 : vector<1x1x16xf32> to vector<16xf32>
        %mul3A_1513 = arith.mulf %get3A_1506, %get3A_1512 : vector<16xf32>
        %swap3A_1514 = arith.constant 0 : i32
        %swap3A_1515 = arith.index_cast %swap3A_1514 : i32 to index
        %swap3A_1516 = arith.index_cast %scan3A_1362 : i32 to index
        %swap3A_1517 = arith.constant 112 : index
        %swap3A_1518 = tpu.vector_load %arg10[%swap3A_1515, %swap3A_1516, %swap3A_1517] {strides = array<i32>} : memref<2x40x128xf32, #tpu.memory_space<vmem>>, vector<1x1x16xf32>,
        %swap3A_1519 = vector.shape_cast %swap3A_1518 : vector<1x1x16xf32> to vector<16xf32>
        %swap3A_1520 = vector.shape_cast %mul3A_1513 : vector<16xf32> to vector<1x1x16xf32>
        tpu.vector_store %arg10[%swap3A_1515, %swap3A_1516, %swap3A_1517], %swap3A_1520 {strides = array<i32>} : memref<2x40x128xf32, #tpu.memory_space<vmem>>, vector<1x1x16xf32>,
      }
      %scan3A_1157 = arith.constant 40 : i32
      %dma_start3A_1158 = arith.constant 0 : i32
      %dma_start3A_1159 = arith.constant 0 : i32
      %dma_start3A_1160 = arith.constant 1 : i32
      %dma_start3A_1161 = arith.constant 0 : i32
      %dma_start3A_1162 = arith.constant 0 : i32
      %dma_start3A_1163 = tpu.memref_slice %arg10[%dma_start3A_1158, %dma_start3A_1161, %dma_start3A_1162] : memref<2x40x128xf32, #tpu.memory_space<vmem>> -> memref<1x40x128xf32, #tpu.memory_space<vmem>>
      %dma_start3A_1164 = tpu.memref_squeeze %dma_start3A_1163 : memref<1x40x128xf32, #tpu.memory_space<vmem>> -> memref<40x128xf32, #tpu.memory_space<vmem>>
      %dma_start3A_1165 = arith.constant 0 : i32
      %dma_start3A_1166 = tpu.memref_slice %arg7[%dma_start3A_1159, %dma_start3A_1160, %dma_start3A_1165] : memref<4x2x40xi32, #tpu.memory_space<vmem>> -> memref<1x1x40xi32, #tpu.memory_space<vmem>>
      %dma_start3A_1167 = tpu.memref_squeeze %dma_start3A_1166 : memref<1x1x40xi32, #tpu.memory_space<vmem>> -> memref<40xi32, #tpu.memory_space<vmem>>
      %dma_start3A_1168 = arith.constant 0 : i32
      %dma_start3A_1169 = arith.constant 0 : i32
      %dma_start3A_1170 = tpu.memref_slice %arg11[%dma_start3A_1168, %dma_start3A_1169] : memref<10000x128xf32, #tpu.memory_space<vmem_shared>> -> memref<10000x128xf32, #tpu.memory_space<vmem_shared>>
      tpu.enqueue_indirect_dma source(%dma_start3A_1164 : memref<40x128xf32, #tpu.memory_space<vmem>>) target(%dma_start3A_1170 : memref<10000x128xf32, #tpu.memory_space<vmem_shared>>) offsets(%dma_start3A_1167 : memref<40xi32, #tpu.memory_space<vmem>>) semaphore(%arg20 : memref<!tpu.dma_semaphore, #tpu.memory_space<semaphore_mem>>) {add = true}
      %add3A_1171 = arith.constant 2 : i32
      %add3A_1172 = arith.addi %add3A_809, %add3A_1171 : i32
      %add3A_1173 = arith.constant 2 : i32
      %add3A_1174 = arith.addi %add3A_1172, %add3A_1173 : i32
      %dma_wait3A_1175 = arith.constant 2 : i32
      %dma_wait3A_1176 = arith.constant 0 : i32
      %dma_wait3A_1177 = arith.constant 0 : i32
      %dma_wait3A_1178 = tpu.memref_slice %arg7[%dma_wait3A_1175, %dma_wait3A_1176, %dma_wait3A_1177] : memref<4x2x40xi32, #tpu.memory_space<vmem>> -> memref<1x1x40xi32, #tpu.memory_space<vmem>>
      %dma_wait3A_1179 = tpu.memref_squeeze %dma_wait3A_1178 : memref<1x1x40xi32, #tpu.memory_space<vmem>> -> memref<40xi32, #tpu.memory_space<vmem>>
      %dma_wait3A_1180 = tpu.memref_slice %arg4[%mul3A_21] : memref<320000xi32, #tpu.memory_space<hbm>> -> memref<40xi32, #tpu.memory_space<hbm>>
      %dma_wait3A_1181 = arith.constant 0 : i32
      %dma_wait3A_1182 = tpu.memref_slice %arg7[%dma_wait3A_1175, %dma_wait3A_1176, %dma_wait3A_1181] : memref<4x2x40xi32, #tpu.memory_space<vmem>> -> memref<1x1x40xi32, #tpu.memory_space<vmem>>
      %dma_wait3A_1183 = tpu.memref_squeeze %dma_wait3A_1182 : memref<1x1x40xi32, #tpu.memory_space<vmem>> -> memref<40xi32, #tpu.memory_space<vmem>>
      %dma_wait3A_1184 = tpu.memref_slice %arg4[%mul3A_21] : memref<320000xi32, #tpu.memory_space<hbm>> -> memref<40xi32, #tpu.memory_space<hbm>>
      tpu.wait_dma2 semaphore(%arg14 : memref<!tpu.dma_semaphore, #tpu.memory_space<semaphore_mem>>) src(%dma_wait3A_1184 : memref<40xi32, #tpu.memory_space<hbm>>) dst(%dma_wait3A_1183 : memref<40xi32, #tpu.memory_space<vmem>>)
      %dma_wait3A_1185 = arith.constant 2 : i32
      %dma_wait3A_1186 = arith.constant 1 : i32
      %dma_wait3A_1187 = arith.constant 0 : i32
      %dma_wait3A_1188 = tpu.memref_slice %arg7[%dma_wait3A_1185, %dma_wait3A_1186, %dma_wait3A_1187] : memref<4x2x40xi32, #tpu.memory_space<vmem>> -> memref<1x1x40xi32, #tpu.memory_space<vmem>>
      %dma_wait3A_1189 = tpu.memref_squeeze %dma_wait3A_1188 : memref<1x1x40xi32, #tpu.memory_space<vmem>> -> memref<40xi32, #tpu.memory_space<vmem>>
      %dma_wait3A_1190 = tpu.memref_slice %arg5[%mul3A_21] : memref<320000xi32, #tpu.memory_space<hbm>> -> memref<40xi32, #tpu.memory_space<hbm>>
      %dma_wait3A_1191 = arith.constant 0 : i32
      %dma_wait3A_1192 = tpu.memref_slice %arg7[%dma_wait3A_1185, %dma_wait3A_1186, %dma_wait3A_1191] : memref<4x2x40xi32, #tpu.memory_space<vmem>> -> memref<1x1x40xi32, #tpu.memory_space<vmem>>
      %dma_wait3A_1193 = tpu.memref_squeeze %dma_wait3A_1192 : memref<1x1x40xi32, #tpu.memory_space<vmem>> -> memref<40xi32, #tpu.memory_space<vmem>>
      %dma_wait3A_1194 = tpu.memref_slice %arg5[%mul3A_21] : memref<320000xi32, #tpu.memory_space<hbm>> -> memref<40xi32, #tpu.memory_space<hbm>>
      tpu.wait_dma2 semaphore(%arg14 : memref<!tpu.dma_semaphore, #tpu.memory_space<semaphore_mem>>) src(%dma_wait3A_1194 : memref<40xi32, #tpu.memory_space<hbm>>) dst(%dma_wait3A_1193 : memref<40xi32, #tpu.memory_space<vmem>>)
      %dma_start3A_1195 = arith.constant 2 : i32
      %dma_start3A_1196 = arith.constant 0 : i32
      %dma_start3A_1197 = arith.constant 0 : i32
      %dma_start3A_1198 = arith.constant 0 : i32
      %dma_start3A_1199 = arith.constant 0 : i32
      %dma_start3A_1200 = tpu.memref_slice %arg8[%dma_start3A_1197, %dma_start3A_1198, %dma_start3A_1199] : memref<2x40x128xf32, #tpu.memory_space<vmem>> -> memref<1x40x128xf32, #tpu.memory_space<vmem>>
      %dma_start3A_1201 = tpu.memref_squeeze %dma_start3A_1200 : memref<1x40x128xf32, #tpu.memory_space<vmem>> -> memref<40x128xf32, #tpu.memory_space<vmem>>
      %dma_start3A_1202 = arith.constant 0 : i32
      %dma_start3A_1203 = tpu.memref_slice %arg7[%dma_start3A_1195, %dma_start3A_1196, %dma_start3A_1202] : memref<4x2x40xi32, #tpu.memory_space<vmem>> -> memref<1x1x40xi32, #tpu.memory_space<vmem>>
      %dma_start3A_1204 = tpu.memref_squeeze %dma_start3A_1203 : memref<1x1x40xi32, #tpu.memory_space<vmem>> -> memref<40xi32, #tpu.memory_space<vmem>>
      %dma_start3A_1205 = arith.constant 0 : i32
      %dma_start3A_1206 = arith.constant 0 : i32
      %dma_start3A_1207 = tpu.memref_slice %arg2[%dma_start3A_1205, %dma_start3A_1206] : memref<10000x128xf32, #tpu.memory_space<hbm>> -> memref<10000x128xf32, #tpu.memory_space<hbm>>
      tpu.enqueue_indirect_dma source(%dma_start3A_1207 : memref<10000x128xf32, #tpu.memory_space<hbm>>) target(%dma_start3A_1201 : memref<40x128xf32, #tpu.memory_space<vmem>>) offsets(%dma_start3A_1204 : memref<40xi32, #tpu.memory_space<vmem>>) semaphore(%arg16 : memref<!tpu.dma_semaphore, #tpu.memory_space<semaphore_mem>>)
      %mul3A_1208 = arith.constant 40 : i32
      %mul3A_1209 = arith.muli %add3A_1174, %mul3A_1208 : i32
      %add3A_1210 = arith.addi %mul3A_21, %mul3A_1209 : i32
      %dma_start3A_1211 = arith.constant 0 : i32
      %dma_start3A_1212 = arith.constant 0 : i32
      %dma_start3A_1213 = arith.constant 0 : i32
      %dma_start3A_1214 = tpu.memref_slice %arg9[%dma_start3A_1211, %dma_start3A_1212, %dma_start3A_1213] : memref<2x40x128xf32, #tpu.memory_space<vmem>> -> memref<1x40x128xf32, #tpu.memory_space<vmem>>
      %dma_start3A_1215 = tpu.memref_squeeze %dma_start3A_1214 : memref<1x40x128xf32, #tpu.memory_space<vmem>> -> memref<40x128xf32, #tpu.memory_space<vmem>>
      %dma_start3A_1216 = arith.constant 0 : i32
      %dma_start3A_1217 = tpu.memref_slice %arg3[%add3A_1210, %dma_start3A_1216] : memref<320000x128xf32, #tpu.memory_space<hbm>> -> memref<40x128xf32, #tpu.memory_space<hbm>>
      %dma_start3A_1218 = arith.constant 0 : i32
      %dma_start3A_1219 = arith.constant 0 : i32
      %dma_start3A_1220 = tpu.memref_slice %arg9[%dma_start3A_1211, %dma_start3A_1218, %dma_start3A_1219] : memref<2x40x128xf32, #tpu.memory_space<vmem>> -> memref<1x40x128xf32, #tpu.memory_space<vmem>>
      %dma_start3A_1221 = tpu.memref_squeeze %dma_start3A_1220 : memref<1x40x128xf32, #tpu.memory_space<vmem>> -> memref<40x128xf32, #tpu.memory_space<vmem>>
      %dma_start3A_1222 = arith.constant 0 : i32
      %dma_start3A_1223 = tpu.memref_slice %arg3[%add3A_1210, %dma_start3A_1222] : memref<320000x128xf32, #tpu.memory_space<hbm>> -> memref<40x128xf32, #tpu.memory_space<hbm>>
      tpu.enqueue_dma source(%dma_start3A_1223 : memref<40x128xf32, #tpu.memory_space<hbm>>) target(%dma_start3A_1221 : memref<40x128xf32, #tpu.memory_space<vmem>>) target_semaphore(%arg18 : memref<!tpu.dma_semaphore, #tpu.memory_space<semaphore_mem>>)
      %add3A_1224 = arith.constant 3 : i32
      %add3A_1225 = arith.addi %add3A_809, %add3A_1224 : i32
      %dma_wait3A_1226 = arith.constant 1 : i32
      %dma_wait3A_1227 = arith.constant 0 : i32
      %dma_wait3A_1228 = arith.constant 1 : i32
      %dma_wait3A_1229 = arith.constant 0 : i32
      %dma_wait3A_1230 = arith.constant 0 : i32
      %dma_wait3A_1231 = tpu.memref_slice %arg8[%dma_wait3A_1228, %dma_wait3A_1229, %dma_wait3A_1230] : memref<2x40x128xf32, #tpu.memory_space<vmem>> -> memref<1x40x128xf32, #tpu.memory_space<vmem>>
      %dma_wait3A_1232 = tpu.memref_squeeze %dma_wait3A_1231 : memref<1x40x128xf32, #tpu.memory_space<vmem>> -> memref<40x128xf32, #tpu.memory_space<vmem>>
      %dma_wait3A_1233 = arith.constant 0 : i32
      %dma_wait3A_1234 = tpu.memref_slice %arg7[%dma_wait3A_1226, %dma_wait3A_1227, %dma_wait3A_1233] : memref<4x2x40xi32, #tpu.memory_space<vmem>> -> memref<1x1x40xi32, #tpu.memory_space<vmem>>
      %dma_wait3A_1235 = tpu.memref_squeeze %dma_wait3A_1234 : memref<1x1x40xi32, #tpu.memory_space<vmem>> -> memref<40xi32, #tpu.memory_space<vmem>>
      %dma_wait3A_1236 = arith.constant 0 : i32
      %dma_wait3A_1237 = arith.constant 0 : i32
      %dma_wait3A_1238 = tpu.memref_slice %arg2[%dma_wait3A_1236, %dma_wait3A_1237] : memref<10000x128xf32, #tpu.memory_space<hbm>> -> memref<10000x128xf32, #tpu.memory_space<hbm>>
      tpu.wait_indirect_dma semaphore(%arg17 : memref<!tpu.dma_semaphore, #tpu.memory_space<semaphore_mem>>) src(%dma_wait3A_1238 : memref<10000x128xf32, #tpu.memory_space<hbm>>) dst(%dma_wait3A_1232 : memref<40x128xf32, #tpu.memory_space<vmem>>)
      %dma_wait3A_1239 = arith.constant 1 : i32
      %dma_wait3A_1240 = arith.constant 0 : i32
      %dma_wait3A_1241 = arith.constant 0 : i32
      %dma_wait3A_1242 = tpu.memref_slice %arg9[%dma_wait3A_1239, %dma_wait3A_1240, %dma_wait3A_1241] : memref<2x40x128xf32, #tpu.memory_space<vmem>> -> memref<1x40x128xf32, #tpu.memory_space<vmem>>
      %dma_wait3A_1243 = tpu.memref_squeeze %dma_wait3A_1242 : memref<1x40x128xf32, #tpu.memory_space<vmem>> -> memref<40x128xf32, #tpu.memory_space<vmem>>
      %dma_wait3A_1244 = arith.constant 0 : i32
      %dma_wait3A_1245 = tpu.memref_slice %arg3[%mul3A_21, %dma_wait3A_1244] : memref<320000x128xf32, #tpu.memory_space<hbm>> -> memref<40x128xf32, #tpu.memory_space<hbm>>
      %dma_wait3A_1246 = arith.constant 0 : i32
      %dma_wait3A_1247 = arith.constant 0 : i32
      %dma_wait3A_1248 = tpu.memref_slice %arg9[%dma_wait3A_1239, %dma_wait3A_1246, %dma_wait3A_1247] : memref<2x40x128xf32, #tpu.memory_space<vmem>> -> memref<1x40x128xf32, #tpu.memory_space<vmem>>
      %dma_wait3A_1249 = tpu.memref_squeeze %dma_wait3A_1248 : memref<1x40x128xf32, #tpu.memory_space<vmem>> -> memref<40x128xf32, #tpu.memory_space<vmem>>
      %dma_wait3A_1250 = arith.constant 0 : i32
      %dma_wait3A_1251 = tpu.memref_slice %arg3[%mul3A_21, %dma_wait3A_1250] : memref<320000x128xf32, #tpu.memory_space<hbm>> -> memref<40x128xf32, #tpu.memory_space<hbm>>
      tpu.wait_dma2 semaphore(%arg19 : memref<!tpu.dma_semaphore, #tpu.memory_space<semaphore_mem>>) src(%dma_wait3A_1251 : memref<40x128xf32, #tpu.memory_space<hbm>>) dst(%dma_wait3A_1249 : memref<40x128xf32, #tpu.memory_space<vmem>>)
      %dma_wait3A_1252 = arith.constant 1 : i32
      %dma_wait3A_1253 = arith.constant 3 : i32
      %dma_wait3A_1254 = arith.constant 1 : i32
      %dma_wait3A_1255 = arith.constant 0 : i32
      %dma_wait3A_1256 = arith.constant 0 : i32
      %dma_wait3A_1257 = tpu.memref_slice %arg10[%dma_wait3A_1252, %dma_wait3A_1255, %dma_wait3A_1256] : memref<2x40x128xf32, #tpu.memory_space<vmem>> -> memref<1x40x128xf32, #tpu.memory_space<vmem>>
      %dma_wait3A_1258 = tpu.memref_squeeze %dma_wait3A_1257 : memref<1x40x128xf32, #tpu.memory_space<vmem>> -> memref<40x128xf32, #tpu.memory_space<vmem>>
      %dma_wait3A_1259 = arith.constant 0 : i32
      %dma_wait3A_1260 = tpu.memref_slice %arg7[%dma_wait3A_1253, %dma_wait3A_1254, %dma_wait3A_1259] : memref<4x2x40xi32, #tpu.memory_space<vmem>> -> memref<1x1x40xi32, #tpu.memory_space<vmem>>
      %dma_wait3A_1261 = tpu.memref_squeeze %dma_wait3A_1260 : memref<1x1x40xi32, #tpu.memory_space<vmem>> -> memref<40xi32, #tpu.memory_space<vmem>>
      %dma_wait3A_1262 = arith.constant 0 : i32
      %dma_wait3A_1263 = arith.constant 0 : i32
      %dma_wait3A_1264 = tpu.memref_slice %arg11[%dma_wait3A_1262, %dma_wait3A_1263] : memref<10000x128xf32, #tpu.memory_space<vmem_shared>> -> memref<10000x128xf32, #tpu.memory_space<vmem_shared>>
      tpu.wait_indirect_dma semaphore(%arg21 : memref<!tpu.dma_semaphore, #tpu.memory_space<semaphore_mem>>) src(%dma_wait3A_1258 : memref<40x128xf32, #tpu.memory_space<vmem>>) dst(%dma_wait3A_1264 : memref<10000x128xf32, #tpu.memory_space<vmem_shared>>)
      %add3A_1265 = arith.constant 2 : i32
      %add3A_1266 = arith.addi %add3A_1225, %add3A_1265 : i32
      %mul3A_1267 = arith.constant 40 : i32
      %mul3A_1268 = arith.muli %add3A_1266, %mul3A_1267 : i32
      %add3A_1269 = arith.addi %mul3A_21, %mul3A_1268 : i32
      %dma_start3A_1270 = arith.constant 3 : i32
      %dma_start3A_1271 = arith.constant 0 : i32
      %dma_start3A_1272 = arith.constant 0 : i32
      %dma_start3A_1273 = tpu.memref_slice %arg7[%dma_start3A_1270, %dma_start3A_1271, %dma_start3A_1272] : memref<4x2x40xi32, #tpu.memory_space<vmem>> -> memref<1x1x40xi32, #tpu.memory_space<vmem>>
      %dma_start3A_1274 = tpu.memref_squeeze %dma_start3A_1273 : memref<1x1x40xi32, #tpu.memory_space<vmem>> -> memref<40xi32, #tpu.memory_space<vmem>>
      %dma_start3A_1275 = tpu.memref_slice %arg4[%add3A_1269] : memref<320000xi32, #tpu.memory_space<hbm>> -> memref<40xi32, #tpu.memory_space<hbm>>
      %dma_start3A_1276 = arith.constant 0 : i32
      %dma_start3A_1277 = tpu.memref_slice %arg7[%dma_start3A_1270, %dma_start3A_1271, %dma_start3A_1276] : memref<4x2x40xi32, #tpu.memory_space<vmem>> -> memref<1x1x40xi32, #tpu.memory_space<vmem>>
      %dma_start3A_1278 = tpu.memref_squeeze %dma_start3A_1277 : memref<1x1x40xi32, #tpu.memory_space<vmem>> -> memref<40xi32, #tpu.memory_space<vmem>>
      %dma_start3A_1279 = tpu.memref_slice %arg4[%add3A_1269] : memref<320000xi32, #tpu.memory_space<hbm>> -> memref<40xi32, #tpu.memory_space<hbm>>
      tpu.enqueue_dma source(%dma_start3A_1279 : memref<40xi32, #tpu.memory_space<hbm>>) target(%dma_start3A_1278 : memref<40xi32, #tpu.memory_space<vmem>>) target_semaphore(%arg15 : memref<!tpu.dma_semaphore, #tpu.memory_space<semaphore_mem>>)
      %dma_start3A_1280 = arith.constant 3 : i32
      %dma_start3A_1281 = arith.constant 1 : i32
      %dma_start3A_1282 = arith.constant 0 : i32
      %dma_start3A_1283 = tpu.memref_slice %arg7[%dma_start3A_1280, %dma_start3A_1281, %dma_start3A_1282] : memref<4x2x40xi32, #tpu.memory_space<vmem>> -> memref<1x1x40xi32, #tpu.memory_space<vmem>>
      %dma_start3A_1284 = tpu.memref_squeeze %dma_start3A_1283 : memref<1x1x40xi32, #tpu.memory_space<vmem>> -> memref<40xi32, #tpu.memory_space<vmem>>
      %dma_start3A_1285 = tpu.memref_slice %arg5[%add3A_1269] : memref<320000xi32, #tpu.memory_space<hbm>> -> memref<40xi32, #tpu.memory_space<hbm>>
      %dma_start3A_1286 = arith.constant 0 : i32
      %dma_start3A_1287 = tpu.memref_slice %arg7[%dma_start3A_1280, %dma_start3A_1281, %dma_start3A_1286] : memref<4x2x40xi32, #tpu.memory_space<vmem>> -> memref<1x1x40xi32, #tpu.memory_space<vmem>>
      %dma_start3A_1288 = tpu.memref_squeeze %dma_start3A_1287 : memref<1x1x40xi32, #tpu.memory_space<vmem>> -> memref<40xi32, #tpu.memory_space<vmem>>
      %dma_start3A_1289 = tpu.memref_slice %arg5[%add3A_1269] : memref<320000xi32, #tpu.memory_space<hbm>> -> memref<40xi32, #tpu.memory_space<hbm>>
      tpu.enqueue_dma source(%dma_start3A_1289 : memref<40xi32, #tpu.memory_space<hbm>>) target(%dma_start3A_1288 : memref<40xi32, #tpu.memory_space<vmem>>) target_semaphore(%arg15 : memref<!tpu.dma_semaphore, #tpu.memory_space<semaphore_mem>>)
      %scan3A_1290 = arith.constant 0 : i32
      %scan3A_1291 = arith.constant 0 : i32
      %scan3A_1292 = arith.constant 40 : i32
      %scan3A_1293 = arith.addi %scan3A_1291, %scan3A_1292 : i32
      %scan3A_1294 = arith.constant 1 : i32
      scf.for %scan3A_1362 = %scan3A_1291 to %scan3A_1293 step %scan3A_1294  : i32 {
        %get3A = arith.constant 1 : i32
        %get3A_1363 = arith.index_cast %get3A : i32 to index
        %get3A_1364 = arith.index_cast %scan3A_1362 : i32 to index
        %get3A_1365 = arith.constant 0 : index
        %get3A_1366 = tpu.vector_load %arg8[%get3A_1363, %get3A_1364, %get3A_1365] {strides = array<i32>} : memref<2x40x128xf32, #tpu.memory_space<vmem>>, vector<1x1x16xf32>,
        %get3A_1367 = vector.shape_cast %get3A_1366 : vector<1x1x16xf32> to vector<16xf32>
        %get3A_1368 = arith.constant 1 : i32
        %get3A_1369 = arith.index_cast %get3A_1368 : i32 to index
        %get3A_1370 = arith.index_cast %scan3A_1362 : i32 to index
        %get3A_1371 = arith.constant 0 : index
        %get3A_1372 = tpu.vector_load %arg9[%get3A_1369, %get3A_1370, %get3A_1371] {strides = array<i32>} : memref<2x40x128xf32, #tpu.memory_space<vmem>>, vector<1x1x16xf32>,
        %get3A_1373 = vector.shape_cast %get3A_1372 : vector<1x1x16xf32> to vector<16xf32>
        %mul3A_1374 = arith.mulf %get3A_1367, %get3A_1373 : vector<16xf32>
        %swap3A = arith.constant 1 : i32
        %swap3A_1375 = arith.index_cast %swap3A : i32 to index
        %swap3A_1376 = arith.index_cast %scan3A_1362 : i32 to index
        %swap3A_1377 = arith.constant 0 : index
        %swap3A_1378 = tpu.vector_load %arg10[%swap3A_1375, %swap3A_1376, %swap3A_1377] {strides = array<i32>} : memref<2x40x128xf32, #tpu.memory_space<vmem>>, vector<1x1x16xf32>,
        %swap3A_1379 = vector.shape_cast %swap3A_1378 : vector<1x1x16xf32> to vector<16xf32>
        %swap3A_1380 = vector.shape_cast %mul3A_1374 : vector<16xf32> to vector<1x1x16xf32>
        tpu.vector_store %arg10[%swap3A_1375, %swap3A_1376, %swap3A_1377], %swap3A_1380 {strides = array<i32>} : memref<2x40x128xf32, #tpu.memory_space<vmem>>, vector<1x1x16xf32>,
        %get3A_1381 = arith.constant 1 : i32
        %get3A_1382 = arith.index_cast %get3A_1381 : i32 to index
        %get3A_1383 = arith.index_cast %scan3A_1362 : i32 to index
        %get3A_1384 = arith.constant 16 : index
        %get3A_1385 = tpu.vector_load %arg8[%get3A_1382, %get3A_1383, %get3A_1384] {strides = array<i32>} : memref<2x40x128xf32, #tpu.memory_space<vmem>>, vector<1x1x16xf32>,
        %get3A_1386 = vector.shape_cast %get3A_1385 : vector<1x1x16xf32> to vector<16xf32>
        %get3A_1387 = arith.constant 1 : i32
        %get3A_1388 = arith.index_cast %get3A_1387 : i32 to index
        %get3A_1389 = arith.index_cast %scan3A_1362 : i32 to index
        %get3A_1390 = arith.constant 16 : index
        %get3A_1391 = tpu.vector_load %arg9[%get3A_1388, %get3A_1389, %get3A_1390] {strides = array<i32>} : memref<2x40x128xf32, #tpu.memory_space<vmem>>, vector<1x1x16xf32>,
        %get3A_1392 = vector.shape_cast %get3A_1391 : vector<1x1x16xf32> to vector<16xf32>
        %mul3A_1393 = arith.mulf %get3A_1386, %get3A_1392 : vector<16xf32>
        %swap3A_1394 = arith.constant 1 : i32
        %swap3A_1395 = arith.index_cast %swap3A_1394 : i32 to index
        %swap3A_1396 = arith.index_cast %scan3A_1362 : i32 to index
        %swap3A_1397 = arith.constant 16 : index
        %swap3A_1398 = tpu.vector_load %arg10[%swap3A_1395, %swap3A_1396, %swap3A_1397] {strides = array<i32>} : memref<2x40x128xf32, #tpu.memory_space<vmem>>, vector<1x1x16xf32>,
        %swap3A_1399 = vector.shape_cast %swap3A_1398 : vector<1x1x16xf32> to vector<16xf32>
        %swap3A_1400 = vector.shape_cast %mul3A_1393 : vector<16xf32> to vector<1x1x16xf32>
        tpu.vector_store %arg10[%swap3A_1395, %swap3A_1396, %swap3A_1397], %swap3A_1400 {strides = array<i32>} : memref<2x40x128xf32, #tpu.memory_space<vmem>>, vector<1x1x16xf32>,
        %get3A_1401 = arith.constant 1 : i32
        %get3A_1402 = arith.index_cast %get3A_1401 : i32 to index
        %get3A_1403 = arith.index_cast %scan3A_1362 : i32 to index
        %get3A_1404 = arith.constant 32 : index
        %get3A_1405 = tpu.vector_load %arg8[%get3A_1402, %get3A_1403, %get3A_1404] {strides = array<i32>} : memref<2x40x128xf32, #tpu.memory_space<vmem>>, vector<1x1x16xf32>,
        %get3A_1406 = vector.shape_cast %get3A_1405 : vector<1x1x16xf32> to vector<16xf32>
        %get3A_1407 = arith.constant 1 : i32
        %get3A_1408 = arith.index_cast %get3A_1407 : i32 to index
        %get3A_1409 = arith.index_cast %scan3A_1362 : i32 to index
        %get3A_1410 = arith.constant 32 : index
        %get3A_1411 = tpu.vector_load %arg9[%get3A_1408, %get3A_1409, %get3A_1410] {strides = array<i32>} : memref<2x40x128xf32, #tpu.memory_space<vmem>>, vector<1x1x16xf32>,
        %get3A_1412 = vector.shape_cast %get3A_1411 : vector<1x1x16xf32> to vector<16xf32>
        %mul3A_1413 = arith.mulf %get3A_1406, %get3A_1412 : vector<16xf32>
        %swap3A_1414 = arith.constant 1 : i32
        %swap3A_1415 = arith.index_cast %swap3A_1414 : i32 to index
        %swap3A_1416 = arith.index_cast %scan3A_1362 : i32 to index
        %swap3A_1417 = arith.constant 32 : index
        %swap3A_1418 = tpu.vector_load %arg10[%swap3A_1415, %swap3A_1416, %swap3A_1417] {strides = array<i32>} : memref<2x40x128xf32, #tpu.memory_space<vmem>>, vector<1x1x16xf32>,
        %swap3A_1419 = vector.shape_cast %swap3A_1418 : vector<1x1x16xf32> to vector<16xf32>
        %swap3A_1420 = vector.shape_cast %mul3A_1413 : vector<16xf32> to vector<1x1x16xf32>
        tpu.vector_store %arg10[%swap3A_1415, %swap3A_1416, %swap3A_1417], %swap3A_1420 {strides = array<i32>} : memref<2x40x128xf32, #tpu.memory_space<vmem>>, vector<1x1x16xf32>,
        %get3A_1421 = arith.constant 1 : i32
        %get3A_1422 = arith.index_cast %get3A_1421 : i32 to index
        %get3A_1423 = arith.index_cast %scan3A_1362 : i32 to index
        %get3A_1424 = arith.constant 48 : index
        %get3A_1425 = tpu.vector_load %arg8[%get3A_1422, %get3A_1423, %get3A_1424] {strides = array<i32>} : memref<2x40x128xf32, #tpu.memory_space<vmem>>, vector<1x1x16xf32>,
        %get3A_1426 = vector.shape_cast %get3A_1425 : vector<1x1x16xf32> to vector<16xf32>
        %get3A_1427 = arith.constant 1 : i32
        %get3A_1428 = arith.index_cast %get3A_1427 : i32 to index
        %get3A_1429 = arith.index_cast %scan3A_1362 : i32 to index
        %get3A_1430 = arith.constant 48 : index
        %get3A_1431 = tpu.vector_load %arg9[%get3A_1428, %get3A_1429, %get3A_1430] {strides = array<i32>} : memref<2x40x128xf32, #tpu.memory_space<vmem>>, vector<1x1x16xf32>,
        %get3A_1432 = vector.shape_cast %get3A_1431 : vector<1x1x16xf32> to vector<16xf32>
        %mul3A_1433 = arith.mulf %get3A_1426, %get3A_1432 : vector<16xf32>
        %swap3A_1434 = arith.constant 1 : i32
        %swap3A_1435 = arith.index_cast %swap3A_1434 : i32 to index
        %swap3A_1436 = arith.index_cast %scan3A_1362 : i32 to index
        %swap3A_1437 = arith.constant 48 : index
        %swap3A_1438 = tpu.vector_load %arg10[%swap3A_1435, %swap3A_1436, %swap3A_1437] {strides = array<i32>} : memref<2x40x128xf32, #tpu.memory_space<vmem>>, vector<1x1x16xf32>,
        %swap3A_1439 = vector.shape_cast %swap3A_1438 : vector<1x1x16xf32> to vector<16xf32>
        %swap3A_1440 = vector.shape_cast %mul3A_1433 : vector<16xf32> to vector<1x1x16xf32>
        tpu.vector_store %arg10[%swap3A_1435, %swap3A_1436, %swap3A_1437], %swap3A_1440 {strides = array<i32>} : memref<2x40x128xf32, #tpu.memory_space<vmem>>, vector<1x1x16xf32>,
        %get3A_1441 = arith.constant 1 : i32
        %get3A_1442 = arith.index_cast %get3A_1441 : i32 to index
        %get3A_1443 = arith.index_cast %scan3A_1362 : i32 to index
        %get3A_1444 = arith.constant 64 : index
        %get3A_1445 = tpu.vector_load %arg8[%get3A_1442, %get3A_1443, %get3A_1444] {strides = array<i32>} : memref<2x40x128xf32, #tpu.memory_space<vmem>>, vector<1x1x16xf32>,
        %get3A_1446 = vector.shape_cast %get3A_1445 : vector<1x1x16xf32> to vector<16xf32>
        %get3A_1447 = arith.constant 1 : i32
        %get3A_1448 = arith.index_cast %get3A_1447 : i32 to index
        %get3A_1449 = arith.index_cast %scan3A_1362 : i32 to index
        %get3A_1450 = arith.constant 64 : index
        %get3A_1451 = tpu.vector_load %arg9[%get3A_1448, %get3A_1449, %get3A_1450] {strides = array<i32>} : memref<2x40x128xf32, #tpu.memory_space<vmem>>, vector<1x1x16xf32>,
        %get3A_1452 = vector.shape_cast %get3A_1451 : vector<1x1x16xf32> to vector<16xf32>
        %mul3A_1453 = arith.mulf %get3A_1446, %get3A_1452 : vector<16xf32>
        %swap3A_1454 = arith.constant 1 : i32
        %swap3A_1455 = arith.index_cast %swap3A_1454 : i32 to index
        %swap3A_1456 = arith.index_cast %scan3A_1362 : i32 to index
        %swap3A_1457 = arith.constant 64 : index
        %swap3A_1458 = tpu.vector_load %arg10[%swap3A_1455, %swap3A_1456, %swap3A_1457] {strides = array<i32>} : memref<2x40x128xf32, #tpu.memory_space<vmem>>, vector<1x1x16xf32>,
        %swap3A_1459 = vector.shape_cast %swap3A_1458 : vector<1x1x16xf32> to vector<16xf32>
        %swap3A_1460 = vector.shape_cast %mul3A_1453 : vector<16xf32> to vector<1x1x16xf32>
        tpu.vector_store %arg10[%swap3A_1455, %swap3A_1456, %swap3A_1457], %swap3A_1460 {strides = array<i32>} : memref<2x40x128xf32, #tpu.memory_space<vmem>>, vector<1x1x16xf32>,
        %get3A_1461 = arith.constant 1 : i32
        %get3A_1462 = arith.index_cast %get3A_1461 : i32 to index
        %get3A_1463 = arith.index_cast %scan3A_1362 : i32 to index
        %get3A_1464 = arith.constant 80 : index
        %get3A_1465 = tpu.vector_load %arg8[%get3A_1462, %get3A_1463, %get3A_1464] {strides = array<i32>} : memref<2x40x128xf32, #tpu.memory_space<vmem>>, vector<1x1x16xf32>,
        %get3A_1466 = vector.shape_cast %get3A_1465 : vector<1x1x16xf32> to vector<16xf32>
        %get3A_1467 = arith.constant 1 : i32
        %get3A_1468 = arith.index_cast %get3A_1467 : i32 to index
        %get3A_1469 = arith.index_cast %scan3A_1362 : i32 to index
        %get3A_1470 = arith.constant 80 : index
        %get3A_1471 = tpu.vector_load %arg9[%get3A_1468, %get3A_1469, %get3A_1470] {strides = array<i32>} : memref<2x40x128xf32, #tpu.memory_space<vmem>>, vector<1x1x16xf32>,
        %get3A_1472 = vector.shape_cast %get3A_1471 : vector<1x1x16xf32> to vector<16xf32>
        %mul3A_1473 = arith.mulf %get3A_1466, %get3A_1472 : vector<16xf32>
        %swap3A_1474 = arith.constant 1 : i32
        %swap3A_1475 = arith.index_cast %swap3A_1474 : i32 to index
        %swap3A_1476 = arith.index_cast %scan3A_1362 : i32 to index
        %swap3A_1477 = arith.constant 80 : index
        %swap3A_1478 = tpu.vector_load %arg10[%swap3A_1475, %swap3A_1476, %swap3A_1477] {strides = array<i32>} : memref<2x40x128xf32, #tpu.memory_space<vmem>>, vector<1x1x16xf32>,
        %swap3A_1479 = vector.shape_cast %swap3A_1478 : vector<1x1x16xf32> to vector<16xf32>
        %swap3A_1480 = vector.shape_cast %mul3A_1473 : vector<16xf32> to vector<1x1x16xf32>
        tpu.vector_store %arg10[%swap3A_1475, %swap3A_1476, %swap3A_1477], %swap3A_1480 {strides = array<i32>} : memref<2x40x128xf32, #tpu.memory_space<vmem>>, vector<1x1x16xf32>,
        %get3A_1481 = arith.constant 1 : i32
        %get3A_1482 = arith.index_cast %get3A_1481 : i32 to index
        %get3A_1483 = arith.index_cast %scan3A_1362 : i32 to index
        %get3A_1484 = arith.constant 96 : index
        %get3A_1485 = tpu.vector_load %arg8[%get3A_1482, %get3A_1483, %get3A_1484] {strides = array<i32>} : memref<2x40x128xf32, #tpu.memory_space<vmem>>, vector<1x1x16xf32>,
        %get3A_1486 = vector.shape_cast %get3A_1485 : vector<1x1x16xf32> to vector<16xf32>
        %get3A_1487 = arith.constant 1 : i32
        %get3A_1488 = arith.index_cast %get3A_1487 : i32 to index
        %get3A_1489 = arith.index_cast %scan3A_1362 : i32 to index
        %get3A_1490 = arith.constant 96 : index
        %get3A_1491 = tpu.vector_load %arg9[%get3A_1488, %get3A_1489, %get3A_1490] {strides = array<i32>} : memref<2x40x128xf32, #tpu.memory_space<vmem>>, vector<1x1x16xf32>,
        %get3A_1492 = vector.shape_cast %get3A_1491 : vector<1x1x16xf32> to vector<16xf32>
        %mul3A_1493 = arith.mulf %get3A_1486, %get3A_1492 : vector<16xf32>
        %swap3A_1494 = arith.constant 1 : i32
        %swap3A_1495 = arith.index_cast %swap3A_1494 : i32 to index
        %swap3A_1496 = arith.index_cast %scan3A_1362 : i32 to index
        %swap3A_1497 = arith.constant 96 : index
        %swap3A_1498 = tpu.vector_load %arg10[%swap3A_1495, %swap3A_1496, %swap3A_1497] {strides = array<i32>} : memref<2x40x128xf32, #tpu.memory_space<vmem>>, vector<1x1x16xf32>,
        %swap3A_1499 = vector.shape_cast %swap3A_1498 : vector<1x1x16xf32> to vector<16xf32>
        %swap3A_1500 = vector.shape_cast %mul3A_1493 : vector<16xf32> to vector<1x1x16xf32>
        tpu.vector_store %arg10[%swap3A_1495, %swap3A_1496, %swap3A_1497], %swap3A_1500 {strides = array<i32>} : memref<2x40x128xf32, #tpu.memory_space<vmem>>, vector<1x1x16xf32>,
        %get3A_1501 = arith.constant 1 : i32
        %get3A_1502 = arith.index_cast %get3A_1501 : i32 to index
        %get3A_1503 = arith.index_cast %scan3A_1362 : i32 to index
        %get3A_1504 = arith.constant 112 : index
        %get3A_1505 = tpu.vector_load %arg8[%get3A_1502, %get3A_1503, %get3A_1504] {strides = array<i32>} : memref<2x40x128xf32, #tpu.memory_space<vmem>>, vector<1x1x16xf32>,
        %get3A_1506 = vector.shape_cast %get3A_1505 : vector<1x1x16xf32> to vector<16xf32>
        %get3A_1507 = arith.constant 1 : i32
        %get3A_1508 = arith.index_cast %get3A_1507 : i32 to index
        %get3A_1509 = arith.index_cast %scan3A_1362 : i32 to index
        %get3A_1510 = arith.constant 112 : index
        %get3A_1511 = tpu.vector_load %arg9[%get3A_1508, %get3A_1509, %get3A_1510] {strides = array<i32>} : memref<2x40x128xf32, #tpu.memory_space<vmem>>, vector<1x1x16xf32>,
        %get3A_1512 = vector.shape_cast %get3A_1511 : vector<1x1x16xf32> to vector<16xf32>
        %mul3A_1513 = arith.mulf %get3A_1506, %get3A_1512 : vector<16xf32>
        %swap3A_1514 = arith.constant 1 : i32
        %swap3A_1515 = arith.index_cast %swap3A_1514 : i32 to index
        %swap3A_1516 = arith.index_cast %scan3A_1362 : i32 to index
        %swap3A_1517 = arith.constant 112 : index
        %swap3A_1518 = tpu.vector_load %arg10[%swap3A_1515, %swap3A_1516, %swap3A_1517] {strides = array<i32>} : memref<2x40x128xf32, #tpu.memory_space<vmem>>, vector<1x1x16xf32>,
        %swap3A_1519 = vector.shape_cast %swap3A_1518 : vector<1x1x16xf32> to vector<16xf32>
        %swap3A_1520 = vector.shape_cast %mul3A_1513 : vector<16xf32> to vector<1x1x16xf32>
        tpu.vector_store %arg10[%swap3A_1515, %swap3A_1516, %swap3A_1517], %swap3A_1520 {strides = array<i32>} : memref<2x40x128xf32, #tpu.memory_space<vmem>>, vector<1x1x16xf32>,
      }
      %scan3A_1295 = arith.constant 40 : i32
      %dma_start3A_1296 = arith.constant 1 : i32
      %dma_start3A_1297 = arith.constant 1 : i32
      %dma_start3A_1298 = arith.constant 1 : i32
      %dma_start3A_1299 = arith.constant 0 : i32
      %dma_start3A_1300 = arith.constant 0 : i32
      %dma_start3A_1301 = tpu.memref_slice %arg10[%dma_start3A_1296, %dma_start3A_1299, %dma_start3A_1300] : memref<2x40x128xf32, #tpu.memory_space<vmem>> -> memref<1x40x128xf32, #tpu.memory_space<vmem>>
      %dma_start3A_1302 = tpu.memref_squeeze %dma_start3A_1301 : memref<1x40x128xf32, #tpu.memory_space<vmem>> -> memref<40x128xf32, #tpu.memory_space<vmem>>
      %dma_start3A_1303 = arith.constant 0 : i32
      %dma_start3A_1304 = tpu.memref_slice %arg7[%dma_start3A_1297, %dma_start3A_1298, %dma_start3A_1303] : memref<4x2x40xi32, #tpu.memory_space<vmem>> -> memref<1x1x40xi32, #tpu.memory_space<vmem>>
      %dma_start3A_1305 = tpu.memref_squeeze %dma_start3A_1304 : memref<1x1x40xi32, #tpu.memory_space<vmem>> -> memref<40xi32, #tpu.memory_space<vmem>>
      %dma_start3A_1306 = arith.constant 0 : i32
      %dma_start3A_1307 = arith.constant 0 : i32
      %dma_start3A_1308 = tpu.memref_slice %arg11[%dma_start3A_1306, %dma_start3A_1307] : memref<10000x128xf32, #tpu.memory_space<vmem_shared>> -> memref<10000x128xf32, #tpu.memory_space<vmem_shared>>
      tpu.enqueue_indirect_dma source(%dma_start3A_1302 : memref<40x128xf32, #tpu.memory_space<vmem>>) target(%dma_start3A_1308 : memref<10000x128xf32, #tpu.memory_space<vmem_shared>>) offsets(%dma_start3A_1305 : memref<40xi32, #tpu.memory_space<vmem>>) semaphore(%arg21 : memref<!tpu.dma_semaphore, #tpu.memory_space<semaphore_mem>>) {add = true}
      %add3A_1309 = arith.constant 3 : i32
      %add3A_1310 = arith.addi %add3A_809, %add3A_1309 : i32
      %add3A_1311 = arith.constant 2 : i32
      %add3A_1312 = arith.addi %add3A_1310, %add3A_1311 : i32
      %dma_wait3A_1313 = arith.constant 3 : i32
      %dma_wait3A_1314 = arith.constant 0 : i32
      %dma_wait3A_1315 = arith.constant 0 : i32
      %dma_wait3A_1316 = tpu.memref_slice %arg7[%dma_wait3A_1313, %dma_wait3A_1314, %dma_wait3A_1315] : memref<4x2x40xi32, #tpu.memory_space<vmem>> -> memref<1x1x40xi32, #tpu.memory_space<vmem>>
      %dma_wait3A_1317 = tpu.memref_squeeze %dma_wait3A_1316 : memref<1x1x40xi32, #tpu.memory_space<vmem>> -> memref<40xi32, #tpu.memory_space<vmem>>
      %dma_wait3A_1318 = tpu.memref_slice %arg4[%mul3A_21] : memref<320000xi32, #tpu.memory_space<hbm>> -> memref<40xi32, #tpu.memory_space<hbm>>
      %dma_wait3A_1319 = arith.constant 0 : i32
      %dma_wait3A_1320 = tpu.memref_slice %arg7[%dma_wait3A_1313, %dma_wait3A_1314, %dma_wait3A_1319] : memref<4x2x40xi32, #tpu.memory_space<vmem>> -> memref<1x1x40xi32, #tpu.memory_space<vmem>>
      %dma_wait3A_1321 = tpu.memref_squeeze %dma_wait3A_1320 : memref<1x1x40xi32, #tpu.memory_space<vmem>> -> memref<40xi32, #tpu.memory_space<vmem>>
      %dma_wait3A_1322 = tpu.memref_slice %arg4[%mul3A_21] : memref<320000xi32, #tpu.memory_space<hbm>> -> memref<40xi32, #tpu.memory_space<hbm>>
      tpu.wait_dma2 semaphore(%arg15 : memref<!tpu.dma_semaphore, #tpu.memory_space<semaphore_mem>>) src(%dma_wait3A_1322 : memref<40xi32, #tpu.memory_space<hbm>>) dst(%dma_wait3A_1321 : memref<40xi32, #tpu.memory_space<vmem>>)
      %dma_wait3A_1323 = arith.constant 3 : i32
      %dma_wait3A_1324 = arith.constant 1 : i32
      %dma_wait3A_1325 = arith.constant 0 : i32
      %dma_wait3A_1326 = tpu.memref_slice %arg7[%dma_wait3A_1323, %dma_wait3A_1324, %dma_wait3A_1325] : memref<4x2x40xi32, #tpu.memory_space<vmem>> -> memref<1x1x40xi32, #tpu.memory_space<vmem>>
      %dma_wait3A_1327 = tpu.memref_squeeze %dma_wait3A_1326 : memref<1x1x40xi32, #tpu.memory_space<vmem>> -> memref<40xi32, #tpu.memory_space<vmem>>
      %dma_wait3A_1328 = tpu.memref_slice %arg5[%mul3A_21] : memref<320000xi32, #tpu.memory_space<hbm>> -> memref<40xi32, #tpu.memory_space<hbm>>
      %dma_wait3A_1329 = arith.constant 0 : i32
      %dma_wait3A_1330 = tpu.memref_slice %arg7[%dma_wait3A_1323, %dma_wait3A_1324, %dma_wait3A_1329] : memref<4x2x40xi32, #tpu.memory_space<vmem>> -> memref<1x1x40xi32, #tpu.memory_space<vmem>>
      %dma_wait3A_1331 = tpu.memref_squeeze %dma_wait3A_1330 : memref<1x1x40xi32, #tpu.memory_space<vmem>> -> memref<40xi32, #tpu.memory_space<vmem>>
      %dma_wait3A_1332 = tpu.memref_slice %arg5[%mul3A_21] : memref<320000xi32, #tpu.memory_space<hbm>> -> memref<40xi32, #tpu.memory_space<hbm>>
      tpu.wait_dma2 semaphore(%arg15 : memref<!tpu.dma_semaphore, #tpu.memory_space<semaphore_mem>>) src(%dma_wait3A_1332 : memref<40xi32, #tpu.memory_space<hbm>>) dst(%dma_wait3A_1331 : memref<40xi32, #tpu.memory_space<vmem>>)
      %dma_start3A_1333 = arith.constant 3 : i32
      %dma_start3A_1334 = arith.constant 0 : i32
      %dma_start3A_1335 = arith.constant 1 : i32
      %dma_start3A_1336 = arith.constant 0 : i32
      %dma_start3A_1337 = arith.constant 0 : i32
      %dma_start3A_1338 = tpu.memref_slice %arg8[%dma_start3A_1335, %dma_start3A_1336, %dma_start3A_1337] : memref<2x40x128xf32, #tpu.memory_space<vmem>> -> memref<1x40x128xf32, #tpu.memory_space<vmem>>
      %dma_start3A_1339 = tpu.memref_squeeze %dma_start3A_1338 : memref<1x40x128xf32, #tpu.memory_space<vmem>> -> memref<40x128xf32, #tpu.memory_space<vmem>>
      %dma_start3A_1340 = arith.constant 0 : i32
      %dma_start3A_1341 = tpu.memref_slice %arg7[%dma_start3A_1333, %dma_start3A_1334, %dma_start3A_1340] : memref<4x2x40xi32, #tpu.memory_space<vmem>> -> memref<1x1x40xi32, #tpu.memory_space<vmem>>
      %dma_start3A_1342 = tpu.memref_squeeze %dma_start3A_1341 : memref<1x1x40xi32, #tpu.memory_space<vmem>> -> memref<40xi32, #tpu.memory_space<vmem>>
      %dma_start3A_1343 = arith.constant 0 : i32
      %dma_start3A_1344 = arith.constant 0 : i32
      %dma_start3A_1345 = tpu.memref_slice %arg2[%dma_start3A_1343, %dma_start3A_1344] : memref<10000x128xf32, #tpu.memory_space<hbm>> -> memref<10000x128xf32, #tpu.memory_space<hbm>>
      tpu.enqueue_indirect_dma source(%dma_start3A_1345 : memref<10000x128xf32, #tpu.memory_space<hbm>>) target(%dma_start3A_1339 : memref<40x128xf32, #tpu.memory_space<vmem>>) offsets(%dma_start3A_1342 : memref<40xi32, #tpu.memory_space<vmem>>) semaphore(%arg17 : memref<!tpu.dma_semaphore, #tpu.memory_space<semaphore_mem>>)
      %mul3A_1346 = arith.constant 40 : i32
      %mul3A_1347 = arith.muli %add3A_1312, %mul3A_1346 : i32
      %add3A_1348 = arith.addi %mul3A_21, %mul3A_1347 : i32
      %dma_start3A_1349 = arith.constant 1 : i32
      %dma_start3A_1350 = arith.constant 0 : i32
      %dma_start3A_1351 = arith.constant 0 : i32
      %dma_start3A_1352 = tpu.memref_slice %arg9[%dma_start3A_1349, %dma_start3A_1350, %dma_start3A_1351] : memref<2x40x128xf32, #tpu.memory_space<vmem>> -> memref<1x40x128xf32, #tpu.memory_space<vmem>>
      %dma_start3A_1353 = tpu.memref_squeeze %dma_start3A_1352 : memref<1x40x128xf32, #tpu.memory_space<vmem>> -> memref<40x128xf32, #tpu.memory_space<vmem>>
      %dma_start3A_1354 = arith.constant 0 : i32
      %dma_start3A_1355 = tpu.memref_slice %arg3[%add3A_1348, %dma_start3A_1354] : memref<320000x128xf32, #tpu.memory_space<hbm>> -> memref<40x128xf32, #tpu.memory_space<hbm>>
      %dma_start3A_1356 = arith.constant 0 : i32
      %dma_start3A_1357 = arith.constant 0 : i32
      %dma_start3A_1358 = tpu.memref_slice %arg9[%dma_start3A_1349, %dma_start3A_1356, %dma_start3A_1357] : memref<2x40x128xf32, #tpu.memory_space<vmem>> -> memref<1x40x128xf32, #tpu.memory_space<vmem>>
      %dma_start3A_1359 = tpu.memref_squeeze %dma_start3A_1358 : memref<1x40x128xf32, #tpu.memory_space<vmem>> -> memref<40x128xf32, #tpu.memory_space<vmem>>
      %dma_start3A_1360 = arith.constant 0 : i32
      %dma_start3A_1361 = tpu.memref_slice %arg3[%add3A_1348, %dma_start3A_1360] : memref<320000x128xf32, #tpu.memory_space<hbm>> -> memref<40x128xf32, #tpu.memory_space<hbm>>
      tpu.enqueue_dma source(%dma_start3A_1361 : memref<40x128xf32, #tpu.memory_space<hbm>>) target(%dma_start3A_1359 : memref<40x128xf32, #tpu.memory_space<vmem>>) target_semaphore(%arg19 : memref<!tpu.dma_semaphore, #tpu.memory_space<semaphore_mem>>)
    }
    %scan3A_395 = arith.constant 61 : i32
    %dma_wait3A_396 = arith.constant 2 : i32
    %dma_wait3A_397 = arith.constant 0 : i32
    %dma_wait3A_398 = arith.constant 0 : i32
    %dma_wait3A_399 = arith.constant 0 : i32
    %dma_wait3A_400 = arith.constant 0 : i32
    %dma_wait3A_401 = tpu.memref_slice %arg8[%dma_wait3A_398, %dma_wait3A_399, %dma_wait3A_400] : memref<2x40x128xf32, #tpu.memory_space<vmem>> -> memref<1x40x128xf32, #tpu.memory_space<vmem>>
    %dma_wait3A_402 = tpu.memref_squeeze %dma_wait3A_401 : memref<1x40x128xf32, #tpu.memory_space<vmem>> -> memref<40x128xf32, #tpu.memory_space<vmem>>
    %dma_wait3A_403 = arith.constant 0 : i32
    %dma_wait3A_404 = tpu.memref_slice %arg7[%dma_wait3A_396, %dma_wait3A_397, %dma_wait3A_403] : memref<4x2x40xi32, #tpu.memory_space<vmem>> -> memref<1x1x40xi32, #tpu.memory_space<vmem>>
    %dma_wait3A_405 = tpu.memref_squeeze %dma_wait3A_404 : memref<1x1x40xi32, #tpu.memory_space<vmem>> -> memref<40xi32, #tpu.memory_space<vmem>>
    %dma_wait3A_406 = arith.constant 0 : i32
    %dma_wait3A_407 = arith.constant 0 : i32
    %dma_wait3A_408 = tpu.memref_slice %arg2[%dma_wait3A_406, %dma_wait3A_407] : memref<10000x128xf32, #tpu.memory_space<hbm>> -> memref<10000x128xf32, #tpu.memory_space<hbm>>
    tpu.wait_indirect_dma semaphore(%arg16 : memref<!tpu.dma_semaphore, #tpu.memory_space<semaphore_mem>>) src(%dma_wait3A_408 : memref<10000x128xf32, #tpu.memory_space<hbm>>) dst(%dma_wait3A_402 : memref<40x128xf32, #tpu.memory_space<vmem>>)
    %dma_wait3A_409 = arith.constant 0 : i32
    %dma_wait3A_410 = arith.constant 0 : i32
    %dma_wait3A_411 = arith.constant 0 : i32
    %dma_wait3A_412 = tpu.memref_slice %arg9[%dma_wait3A_409, %dma_wait3A_410, %dma_wait3A_411] : memref<2x40x128xf32, #tpu.memory_space<vmem>> -> memref<1x40x128xf32, #tpu.memory_space<vmem>>
    %dma_wait3A_413 = tpu.memref_squeeze %dma_wait3A_412 : memref<1x40x128xf32, #tpu.memory_space<vmem>> -> memref<40x128xf32, #tpu.memory_space<vmem>>
    %dma_wait3A_414 = arith.constant 0 : i32
    %dma_wait3A_415 = tpu.memref_slice %arg3[%mul3A_21, %dma_wait3A_414] : memref<320000x128xf32, #tpu.memory_space<hbm>> -> memref<40x128xf32, #tpu.memory_space<hbm>>
    %dma_wait3A_416 = arith.constant 0 : i32
    %dma_wait3A_417 = arith.constant 0 : i32
    %dma_wait3A_418 = tpu.memref_slice %arg9[%dma_wait3A_409, %dma_wait3A_416, %dma_wait3A_417] : memref<2x40x128xf32, #tpu.memory_space<vmem>> -> memref<1x40x128xf32, #tpu.memory_space<vmem>>
    %dma_wait3A_419 = tpu.memref_squeeze %dma_wait3A_418 : memref<1x40x128xf32, #tpu.memory_space<vmem>> -> memref<40x128xf32, #tpu.memory_space<vmem>>
    %dma_wait3A_420 = arith.constant 0 : i32
    %dma_wait3A_421 = tpu.memref_slice %arg3[%mul3A_21, %dma_wait3A_420] : memref<320000x128xf32, #tpu.memory_space<hbm>> -> memref<40x128xf32, #tpu.memory_space<hbm>>
    tpu.wait_dma2 semaphore(%arg18 : memref<!tpu.dma_semaphore, #tpu.memory_space<semaphore_mem>>) src(%dma_wait3A_421 : memref<40x128xf32, #tpu.memory_space<hbm>>) dst(%dma_wait3A_419 : memref<40x128xf32, #tpu.memory_space<vmem>>)
    %dma_wait3A_422 = arith.constant 0 : i32
    %dma_wait3A_423 = arith.constant 0 : i32
    %dma_wait3A_424 = arith.constant 1 : i32
    %dma_wait3A_425 = arith.constant 0 : i32
    %dma_wait3A_426 = arith.constant 0 : i32
    %dma_wait3A_427 = tpu.memref_slice %arg10[%dma_wait3A_422, %dma_wait3A_425, %dma_wait3A_426] : memref<2x40x128xf32, #tpu.memory_space<vmem>> -> memref<1x40x128xf32, #tpu.memory_space<vmem>>
    %dma_wait3A_428 = tpu.memref_squeeze %dma_wait3A_427 : memref<1x40x128xf32, #tpu.memory_space<vmem>> -> memref<40x128xf32, #tpu.memory_space<vmem>>
    %dma_wait3A_429 = arith.constant 0 : i32
    %dma_wait3A_430 = tpu.memref_slice %arg7[%dma_wait3A_423, %dma_wait3A_424, %dma_wait3A_429] : memref<4x2x40xi32, #tpu.memory_space<vmem>> -> memref<1x1x40xi32, #tpu.memory_space<vmem>>
    %dma_wait3A_431 = tpu.memref_squeeze %dma_wait3A_430 : memref<1x1x40xi32, #tpu.memory_space<vmem>> -> memref<40xi32, #tpu.memory_space<vmem>>
    %dma_wait3A_432 = arith.constant 0 : i32
    %dma_wait3A_433 = arith.constant 0 : i32
    %dma_wait3A_434 = tpu.memref_slice %arg11[%dma_wait3A_432, %dma_wait3A_433] : memref<10000x128xf32, #tpu.memory_space<vmem_shared>> -> memref<10000x128xf32, #tpu.memory_space<vmem_shared>>
    tpu.wait_indirect_dma semaphore(%arg20 : memref<!tpu.dma_semaphore, #tpu.memory_space<semaphore_mem>>) src(%dma_wait3A_428 : memref<40x128xf32, #tpu.memory_space<vmem>>) dst(%dma_wait3A_434 : memref<10000x128xf32, #tpu.memory_space<vmem_shared>>)
    %add3A_435 = arith.constant 9920 : i32
    %add3A_436 = arith.addi %mul3A_21, %add3A_435 : i32
    %dma_start3A_437 = arith.constant 0 : i32
    %dma_start3A_438 = arith.constant 0 : i32
    %dma_start3A_439 = arith.constant 0 : i32
    %dma_start3A_440 = tpu.memref_slice %arg7[%dma_start3A_437, %dma_start3A_438, %dma_start3A_439] : memref<4x2x40xi32, #tpu.memory_space<vmem>> -> memref<1x1x40xi32, #tpu.memory_space<vmem>>
    %dma_start3A_441 = tpu.memref_squeeze %dma_start3A_440 : memref<1x1x40xi32, #tpu.memory_space<vmem>> -> memref<40xi32, #tpu.memory_space<vmem>>
    %dma_start3A_442 = tpu.memref_slice %arg4[%add3A_436] : memref<320000xi32, #tpu.memory_space<hbm>> -> memref<40xi32, #tpu.memory_space<hbm>>
    %dma_start3A_443 = arith.constant 0 : i32
    %dma_start3A_444 = tpu.memref_slice %arg7[%dma_start3A_437, %dma_start3A_438, %dma_start3A_443] : memref<4x2x40xi32, #tpu.memory_space<vmem>> -> memref<1x1x40xi32, #tpu.memory_space<vmem>>
    %dma_start3A_445 = tpu.memref_squeeze %dma_start3A_444 : memref<1x1x40xi32, #tpu.memory_space<vmem>> -> memref<40xi32, #tpu.memory_space<vmem>>
    %dma_start3A_446 = tpu.memref_slice %arg4[%add3A_436] : memref<320000xi32, #tpu.memory_space<hbm>> -> memref<40xi32, #tpu.memory_space<hbm>>
    tpu.enqueue_dma source(%dma_start3A_446 : memref<40xi32, #tpu.memory_space<hbm>>) target(%dma_start3A_445 : memref<40xi32, #tpu.memory_space<vmem>>) target_semaphore(%arg12 : memref<!tpu.dma_semaphore, #tpu.memory_space<semaphore_mem>>)
    %dma_start3A_447 = arith.constant 0 : i32
    %dma_start3A_448 = arith.constant 1 : i32
    %dma_start3A_449 = arith.constant 0 : i32
    %dma_start3A_450 = tpu.memref_slice %arg7[%dma_start3A_447, %dma_start3A_448, %dma_start3A_449] : memref<4x2x40xi32, #tpu.memory_space<vmem>> -> memref<1x1x40xi32, #tpu.memory_space<vmem>>
    %dma_start3A_451 = tpu.memref_squeeze %dma_start3A_450 : memref<1x1x40xi32, #tpu.memory_space<vmem>> -> memref<40xi32, #tpu.memory_space<vmem>>
    %dma_start3A_452 = tpu.memref_slice %arg5[%add3A_436] : memref<320000xi32, #tpu.memory_space<hbm>> -> memref<40xi32, #tpu.memory_space<hbm>>
    %dma_start3A_453 = arith.constant 0 : i32
    %dma_start3A_454 = tpu.memref_slice %arg7[%dma_start3A_447, %dma_start3A_448, %dma_start3A_453] : memref<4x2x40xi32, #tpu.memory_space<vmem>> -> memref<1x1x40xi32, #tpu.memory_space<vmem>>
    %dma_start3A_455 = tpu.memref_squeeze %dma_start3A_454 : memref<1x1x40xi32, #tpu.memory_space<vmem>> -> memref<40xi32, #tpu.memory_space<vmem>>
    %dma_start3A_456 = tpu.memref_slice %arg5[%add3A_436] : memref<320000xi32, #tpu.memory_space<hbm>> -> memref<40xi32, #tpu.memory_space<hbm>>
    tpu.enqueue_dma source(%dma_start3A_456 : memref<40xi32, #tpu.memory_space<hbm>>) target(%dma_start3A_455 : memref<40xi32, #tpu.memory_space<vmem>>) target_semaphore(%arg12 : memref<!tpu.dma_semaphore, #tpu.memory_space<semaphore_mem>>)
    %scan3A_457 = arith.constant 0 : i32
    %scan3A_458 = arith.constant 0 : i32
    %scan3A_459 = arith.constant 40 : i32
    %scan3A_460 = arith.addi %scan3A_458, %scan3A_459 : i32
    %scan3A_461 = arith.constant 1 : i32
    scf.for %scan3A_805 = %scan3A_458 to %scan3A_460 step %scan3A_461  : i32 {
      %get3A = arith.constant 0 : i32
      %get3A_806 = arith.index_cast %get3A : i32 to index
      %get3A_807 = arith.index_cast %scan3A_805 : i32 to index
      %get3A_808 = arith.constant 0 : index
      %get3A_809 = tpu.vector_load %arg8[%get3A_806, %get3A_807, %get3A_808] {strides = array<i32>} : memref<2x40x128xf32, #tpu.memory_space<vmem>>, vector<1x1x16xf32>,
      %get3A_810 = vector.shape_cast %get3A_809 : vector<1x1x16xf32> to vector<16xf32>
      %get3A_811 = arith.constant 0 : i32
      %get3A_812 = arith.index_cast %get3A_811 : i32 to index
      %get3A_813 = arith.index_cast %scan3A_805 : i32 to index
      %get3A_814 = arith.constant 0 : index
      %get3A_815 = tpu.vector_load %arg9[%get3A_812, %get3A_813, %get3A_814] {strides = array<i32>} : memref<2x40x128xf32, #tpu.memory_space<vmem>>, vector<1x1x16xf32>,
      %get3A_816 = vector.shape_cast %get3A_815 : vector<1x1x16xf32> to vector<16xf32>
      %mul3A_817 = arith.mulf %get3A_810, %get3A_816 : vector<16xf32>
      %swap3A = arith.constant 0 : i32
      %swap3A_818 = arith.index_cast %swap3A : i32 to index
      %swap3A_819 = arith.index_cast %scan3A_805 : i32 to index
      %swap3A_820 = arith.constant 0 : index
      %swap3A_821 = tpu.vector_load %arg10[%swap3A_818, %swap3A_819, %swap3A_820] {strides = array<i32>} : memref<2x40x128xf32, #tpu.memory_space<vmem>>, vector<1x1x16xf32>,
      %swap3A_822 = vector.shape_cast %swap3A_821 : vector<1x1x16xf32> to vector<16xf32>
      %swap3A_823 = vector.shape_cast %mul3A_817 : vector<16xf32> to vector<1x1x16xf32>
      tpu.vector_store %arg10[%swap3A_818, %swap3A_819, %swap3A_820], %swap3A_823 {strides = array<i32>} : memref<2x40x128xf32, #tpu.memory_space<vmem>>, vector<1x1x16xf32>,
      %get3A_824 = arith.constant 0 : i32
      %get3A_825 = arith.index_cast %get3A_824 : i32 to index
      %get3A_826 = arith.index_cast %scan3A_805 : i32 to index
      %get3A_827 = arith.constant 16 : index
      %get3A_828 = tpu.vector_load %arg8[%get3A_825, %get3A_826, %get3A_827] {strides = array<i32>} : memref<2x40x128xf32, #tpu.memory_space<vmem>>, vector<1x1x16xf32>,
      %get3A_829 = vector.shape_cast %get3A_828 : vector<1x1x16xf32> to vector<16xf32>
      %get3A_830 = arith.constant 0 : i32
      %get3A_831 = arith.index_cast %get3A_830 : i32 to index
      %get3A_832 = arith.index_cast %scan3A_805 : i32 to index
      %get3A_833 = arith.constant 16 : index
      %get3A_834 = tpu.vector_load %arg9[%get3A_831, %get3A_832, %get3A_833] {strides = array<i32>} : memref<2x40x128xf32, #tpu.memory_space<vmem>>, vector<1x1x16xf32>,
      %get3A_835 = vector.shape_cast %get3A_834 : vector<1x1x16xf32> to vector<16xf32>
      %mul3A_836 = arith.mulf %get3A_829, %get3A_835 : vector<16xf32>
      %swap3A_837 = arith.constant 0 : i32
      %swap3A_838 = arith.index_cast %swap3A_837 : i32 to index
      %swap3A_839 = arith.index_cast %scan3A_805 : i32 to index
      %swap3A_840 = arith.constant 16 : index
      %swap3A_841 = tpu.vector_load %arg10[%swap3A_838, %swap3A_839, %swap3A_840] {strides = array<i32>} : memref<2x40x128xf32, #tpu.memory_space<vmem>>, vector<1x1x16xf32>,
      %swap3A_842 = vector.shape_cast %swap3A_841 : vector<1x1x16xf32> to vector<16xf32>
      %swap3A_843 = vector.shape_cast %mul3A_836 : vector<16xf32> to vector<1x1x16xf32>
      tpu.vector_store %arg10[%swap3A_838, %swap3A_839, %swap3A_840], %swap3A_843 {strides = array<i32>} : memref<2x40x128xf32, #tpu.memory_space<vmem>>, vector<1x1x16xf32>,
      %get3A_844 = arith.constant 0 : i32
      %get3A_845 = arith.index_cast %get3A_844 : i32 to index
      %get3A_846 = arith.index_cast %scan3A_805 : i32 to index
      %get3A_847 = arith.constant 32 : index
      %get3A_848 = tpu.vector_load %arg8[%get3A_845, %get3A_846, %get3A_847] {strides = array<i32>} : memref<2x40x128xf32, #tpu.memory_space<vmem>>, vector<1x1x16xf32>,
      %get3A_849 = vector.shape_cast %get3A_848 : vector<1x1x16xf32> to vector<16xf32>
      %get3A_850 = arith.constant 0 : i32
      %get3A_851 = arith.index_cast %get3A_850 : i32 to index
      %get3A_852 = arith.index_cast %scan3A_805 : i32 to index
      %get3A_853 = arith.constant 32 : index
      %get3A_854 = tpu.vector_load %arg9[%get3A_851, %get3A_852, %get3A_853] {strides = array<i32>} : memref<2x40x128xf32, #tpu.memory_space<vmem>>, vector<1x1x16xf32>,
      %get3A_855 = vector.shape_cast %get3A_854 : vector<1x1x16xf32> to vector<16xf32>
      %mul3A_856 = arith.mulf %get3A_849, %get3A_855 : vector<16xf32>
      %swap3A_857 = arith.constant 0 : i32
      %swap3A_858 = arith.index_cast %swap3A_857 : i32 to index
      %swap3A_859 = arith.index_cast %scan3A_805 : i32 to index
      %swap3A_860 = arith.constant 32 : index
      %swap3A_861 = tpu.vector_load %arg10[%swap3A_858, %swap3A_859, %swap3A_860] {strides = array<i32>} : memref<2x40x128xf32, #tpu.memory_space<vmem>>, vector<1x1x16xf32>,
      %swap3A_862 = vector.shape_cast %swap3A_861 : vector<1x1x16xf32> to vector<16xf32>
      %swap3A_863 = vector.shape_cast %mul3A_856 : vector<16xf32> to vector<1x1x16xf32>
      tpu.vector_store %arg10[%swap3A_858, %swap3A_859, %swap3A_860], %swap3A_863 {strides = array<i32>} : memref<2x40x128xf32, #tpu.memory_space<vmem>>, vector<1x1x16xf32>,
      %get3A_864 = arith.constant 0 : i32
      %get3A_865 = arith.index_cast %get3A_864 : i32 to index
      %get3A_866 = arith.index_cast %scan3A_805 : i32 to index
      %get3A_867 = arith.constant 48 : index
      %get3A_868 = tpu.vector_load %arg8[%get3A_865, %get3A_866, %get3A_867] {strides = array<i32>} : memref<2x40x128xf32, #tpu.memory_space<vmem>>, vector<1x1x16xf32>,
      %get3A_869 = vector.shape_cast %get3A_868 : vector<1x1x16xf32> to vector<16xf32>
      %get3A_870 = arith.constant 0 : i32
      %get3A_871 = arith.index_cast %get3A_870 : i32 to index
      %get3A_872 = arith.index_cast %scan3A_805 : i32 to index
      %get3A_873 = arith.constant 48 : index
      %get3A_874 = tpu.vector_load %arg9[%get3A_871, %get3A_872, %get3A_873] {strides = array<i32>} : memref<2x40x128xf32, #tpu.memory_space<vmem>>, vector<1x1x16xf32>,
      %get3A_875 = vector.shape_cast %get3A_874 : vector<1x1x16xf32> to vector<16xf32>
      %mul3A_876 = arith.mulf %get3A_869, %get3A_875 : vector<16xf32>
      %swap3A_877 = arith.constant 0 : i32
      %swap3A_878 = arith.index_cast %swap3A_877 : i32 to index
      %swap3A_879 = arith.index_cast %scan3A_805 : i32 to index
      %swap3A_880 = arith.constant 48 : index
      %swap3A_881 = tpu.vector_load %arg10[%swap3A_878, %swap3A_879, %swap3A_880] {strides = array<i32>} : memref<2x40x128xf32, #tpu.memory_space<vmem>>, vector<1x1x16xf32>,
      %swap3A_882 = vector.shape_cast %swap3A_881 : vector<1x1x16xf32> to vector<16xf32>
      %swap3A_883 = vector.shape_cast %mul3A_876 : vector<16xf32> to vector<1x1x16xf32>
      tpu.vector_store %arg10[%swap3A_878, %swap3A_879, %swap3A_880], %swap3A_883 {strides = array<i32>} : memref<2x40x128xf32, #tpu.memory_space<vmem>>, vector<1x1x16xf32>,
      %get3A_884 = arith.constant 0 : i32
      %get3A_885 = arith.index_cast %get3A_884 : i32 to index
      %get3A_886 = arith.index_cast %scan3A_805 : i32 to index
      %get3A_887 = arith.constant 64 : index
      %get3A_888 = tpu.vector_load %arg8[%get3A_885, %get3A_886, %get3A_887] {strides = array<i32>} : memref<2x40x128xf32, #tpu.memory_space<vmem>>, vector<1x1x16xf32>,
      %get3A_889 = vector.shape_cast %get3A_888 : vector<1x1x16xf32> to vector<16xf32>
      %get3A_890 = arith.constant 0 : i32
      %get3A_891 = arith.index_cast %get3A_890 : i32 to index
      %get3A_892 = arith.index_cast %scan3A_805 : i32 to index
      %get3A_893 = arith.constant 64 : index
      %get3A_894 = tpu.vector_load %arg9[%get3A_891, %get3A_892, %get3A_893] {strides = array<i32>} : memref<2x40x128xf32, #tpu.memory_space<vmem>>, vector<1x1x16xf32>,
      %get3A_895 = vector.shape_cast %get3A_894 : vector<1x1x16xf32> to vector<16xf32>
      %mul3A_896 = arith.mulf %get3A_889, %get3A_895 : vector<16xf32>
      %swap3A_897 = arith.constant 0 : i32
      %swap3A_898 = arith.index_cast %swap3A_897 : i32 to index
      %swap3A_899 = arith.index_cast %scan3A_805 : i32 to index
      %swap3A_900 = arith.constant 64 : index
      %swap3A_901 = tpu.vector_load %arg10[%swap3A_898, %swap3A_899, %swap3A_900] {strides = array<i32>} : memref<2x40x128xf32, #tpu.memory_space<vmem>>, vector<1x1x16xf32>,
      %swap3A_902 = vector.shape_cast %swap3A_901 : vector<1x1x16xf32> to vector<16xf32>
      %swap3A_903 = vector.shape_cast %mul3A_896 : vector<16xf32> to vector<1x1x16xf32>
      tpu.vector_store %arg10[%swap3A_898, %swap3A_899, %swap3A_900], %swap3A_903 {strides = array<i32>} : memref<2x40x128xf32, #tpu.memory_space<vmem>>, vector<1x1x16xf32>,
      %get3A_904 = arith.constant 0 : i32
      %get3A_905 = arith.index_cast %get3A_904 : i32 to index
      %get3A_906 = arith.index_cast %scan3A_805 : i32 to index
      %get3A_907 = arith.constant 80 : index
      %get3A_908 = tpu.vector_load %arg8[%get3A_905, %get3A_906, %get3A_907] {strides = array<i32>} : memref<2x40x128xf32, #tpu.memory_space<vmem>>, vector<1x1x16xf32>,
      %get3A_909 = vector.shape_cast %get3A_908 : vector<1x1x16xf32> to vector<16xf32>
      %get3A_910 = arith.constant 0 : i32
      %get3A_911 = arith.index_cast %get3A_910 : i32 to index
      %get3A_912 = arith.index_cast %scan3A_805 : i32 to index
      %get3A_913 = arith.constant 80 : index
      %get3A_914 = tpu.vector_load %arg9[%get3A_911, %get3A_912, %get3A_913] {strides = array<i32>} : memref<2x40x128xf32, #tpu.memory_space<vmem>>, vector<1x1x16xf32>,
      %get3A_915 = vector.shape_cast %get3A_914 : vector<1x1x16xf32> to vector<16xf32>
      %mul3A_916 = arith.mulf %get3A_909, %get3A_915 : vector<16xf32>
      %swap3A_917 = arith.constant 0 : i32
      %swap3A_918 = arith.index_cast %swap3A_917 : i32 to index
      %swap3A_919 = arith.index_cast %scan3A_805 : i32 to index
      %swap3A_920 = arith.constant 80 : index
      %swap3A_921 = tpu.vector_load %arg10[%swap3A_918, %swap3A_919, %swap3A_920] {strides = array<i32>} : memref<2x40x128xf32, #tpu.memory_space<vmem>>, vector<1x1x16xf32>,
      %swap3A_922 = vector.shape_cast %swap3A_921 : vector<1x1x16xf32> to vector<16xf32>
      %swap3A_923 = vector.shape_cast %mul3A_916 : vector<16xf32> to vector<1x1x16xf32>
      tpu.vector_store %arg10[%swap3A_918, %swap3A_919, %swap3A_920], %swap3A_923 {strides = array<i32>} : memref<2x40x128xf32, #tpu.memory_space<vmem>>, vector<1x1x16xf32>,
      %get3A_924 = arith.constant 0 : i32
      %get3A_925 = arith.index_cast %get3A_924 : i32 to index
      %get3A_926 = arith.index_cast %scan3A_805 : i32 to index
      %get3A_927 = arith.constant 96 : index
      %get3A_928 = tpu.vector_load %arg8[%get3A_925, %get3A_926, %get3A_927] {strides = array<i32>} : memref<2x40x128xf32, #tpu.memory_space<vmem>>, vector<1x1x16xf32>,
      %get3A_929 = vector.shape_cast %get3A_928 : vector<1x1x16xf32> to vector<16xf32>
      %get3A_930 = arith.constant 0 : i32
      %get3A_931 = arith.index_cast %get3A_930 : i32 to index
      %get3A_932 = arith.index_cast %scan3A_805 : i32 to index
      %get3A_933 = arith.constant 96 : index
      %get3A_934 = tpu.vector_load %arg9[%get3A_931, %get3A_932, %get3A_933] {strides = array<i32>} : memref<2x40x128xf32, #tpu.memory_space<vmem>>, vector<1x1x16xf32>,
      %get3A_935 = vector.shape_cast %get3A_934 : vector<1x1x16xf32> to vector<16xf32>
      %mul3A_936 = arith.mulf %get3A_929, %get3A_935 : vector<16xf32>
      %swap3A_937 = arith.constant 0 : i32
      %swap3A_938 = arith.index_cast %swap3A_937 : i32 to index
      %swap3A_939 = arith.index_cast %scan3A_805 : i32 to index
      %swap3A_940 = arith.constant 96 : index
      %swap3A_941 = tpu.vector_load %arg10[%swap3A_938, %swap3A_939, %swap3A_940] {strides = array<i32>} : memref<2x40x128xf32, #tpu.memory_space<vmem>>, vector<1x1x16xf32>,
      %swap3A_942 = vector.shape_cast %swap3A_941 : vector<1x1x16xf32> to vector<16xf32>
      %swap3A_943 = vector.shape_cast %mul3A_936 : vector<16xf32> to vector<1x1x16xf32>
      tpu.vector_store %arg10[%swap3A_938, %swap3A_939, %swap3A_940], %swap3A_943 {strides = array<i32>} : memref<2x40x128xf32, #tpu.memory_space<vmem>>, vector<1x1x16xf32>,
      %get3A_944 = arith.constant 0 : i32
      %get3A_945 = arith.index_cast %get3A_944 : i32 to index
      %get3A_946 = arith.index_cast %scan3A_805 : i32 to index
      %get3A_947 = arith.constant 112 : index
      %get3A_948 = tpu.vector_load %arg8[%get3A_945, %get3A_946, %get3A_947] {strides = array<i32>} : memref<2x40x128xf32, #tpu.memory_space<vmem>>, vector<1x1x16xf32>,
      %get3A_949 = vector.shape_cast %get3A_948 : vector<1x1x16xf32> to vector<16xf32>
      %get3A_950 = arith.constant 0 : i32
      %get3A_951 = arith.index_cast %get3A_950 : i32 to index
      %get3A_952 = arith.index_cast %scan3A_805 : i32 to index
      %get3A_953 = arith.constant 112 : index
      %get3A_954 = tpu.vector_load %arg9[%get3A_951, %get3A_952, %get3A_953] {strides = array<i32>} : memref<2x40x128xf32, #tpu.memory_space<vmem>>, vector<1x1x16xf32>,
      %get3A_955 = vector.shape_cast %get3A_954 : vector<1x1x16xf32> to vector<16xf32>
      %mul3A_956 = arith.mulf %get3A_949, %get3A_955 : vector<16xf32>
      %swap3A_957 = arith.constant 0 : i32
      %swap3A_958 = arith.index_cast %swap3A_957 : i32 to index
      %swap3A_959 = arith.index_cast %scan3A_805 : i32 to index
      %swap3A_960 = arith.constant 112 : index
      %swap3A_961 = tpu.vector_load %arg10[%swap3A_958, %swap3A_959, %swap3A_960] {strides = array<i32>} : memref<2x40x128xf32, #tpu.memory_space<vmem>>, vector<1x1x16xf32>,
      %swap3A_962 = vector.shape_cast %swap3A_961 : vector<1x1x16xf32> to vector<16xf32>
      %swap3A_963 = vector.shape_cast %mul3A_956 : vector<16xf32> to vector<1x1x16xf32>
      tpu.vector_store %arg10[%swap3A_958, %swap3A_959, %swap3A_960], %swap3A_963 {strides = array<i32>} : memref<2x40x128xf32, #tpu.memory_space<vmem>>, vector<1x1x16xf32>,
    }
    %scan3A_462 = arith.constant 40 : i32
    %dma_start3A_463 = arith.constant 0 : i32
    %dma_start3A_464 = arith.constant 2 : i32
    %dma_start3A_465 = arith.constant 1 : i32
    %dma_start3A_466 = arith.constant 0 : i32
    %dma_start3A_467 = arith.constant 0 : i32
    %dma_start3A_468 = tpu.memref_slice %arg10[%dma_start3A_463, %dma_start3A_466, %dma_start3A_467] : memref<2x40x128xf32, #tpu.memory_space<vmem>> -> memref<1x40x128xf32, #tpu.memory_space<vmem>>
    %dma_start3A_469 = tpu.memref_squeeze %dma_start3A_468 : memref<1x40x128xf32, #tpu.memory_space<vmem>> -> memref<40x128xf32, #tpu.memory_space<vmem>>
    %dma_start3A_470 = arith.constant 0 : i32
    %dma_start3A_471 = tpu.memref_slice %arg7[%dma_start3A_464, %dma_start3A_465, %dma_start3A_470] : memref<4x2x40xi32, #tpu.memory_space<vmem>> -> memref<1x1x40xi32, #tpu.memory_space<vmem>>
    %dma_start3A_472 = tpu.memref_squeeze %dma_start3A_471 : memref<1x1x40xi32, #tpu.memory_space<vmem>> -> memref<40xi32, #tpu.memory_space<vmem>>
    %dma_start3A_473 = arith.constant 0 : i32
    %dma_start3A_474 = arith.constant 0 : i32
    %dma_start3A_475 = tpu.memref_slice %arg11[%dma_start3A_473, %dma_start3A_474] : memref<10000x128xf32, #tpu.memory_space<vmem_shared>> -> memref<10000x128xf32, #tpu.memory_space<vmem_shared>>
    tpu.enqueue_indirect_dma source(%dma_start3A_469 : memref<40x128xf32, #tpu.memory_space<vmem>>) target(%dma_start3A_475 : memref<10000x128xf32, #tpu.memory_space<vmem_shared>>) offsets(%dma_start3A_472 : memref<40xi32, #tpu.memory_space<vmem>>) semaphore(%arg20 : memref<!tpu.dma_semaphore, #tpu.memory_space<semaphore_mem>>) {add = true}
    %dma_wait3A_476 = arith.constant 0 : i32
    %dma_wait3A_477 = arith.constant 0 : i32
    %dma_wait3A_478 = arith.constant 0 : i32
    %dma_wait3A_479 = tpu.memref_slice %arg7[%dma_wait3A_476, %dma_wait3A_477, %dma_wait3A_478] : memref<4x2x40xi32, #tpu.memory_space<vmem>> -> memref<1x1x40xi32, #tpu.memory_space<vmem>>
    %dma_wait3A_480 = tpu.memref_squeeze %dma_wait3A_479 : memref<1x1x40xi32, #tpu.memory_space<vmem>> -> memref<40xi32, #tpu.memory_space<vmem>>
    %dma_wait3A_481 = tpu.memref_slice %arg4[%mul3A_21] : memref<320000xi32, #tpu.memory_space<hbm>> -> memref<40xi32, #tpu.memory_space<hbm>>
    %dma_wait3A_482 = arith.constant 0 : i32
    %dma_wait3A_483 = tpu.memref_slice %arg7[%dma_wait3A_476, %dma_wait3A_477, %dma_wait3A_482] : memref<4x2x40xi32, #tpu.memory_space<vmem>> -> memref<1x1x40xi32, #tpu.memory_space<vmem>>
    %dma_wait3A_484 = tpu.memref_squeeze %dma_wait3A_483 : memref<1x1x40xi32, #tpu.memory_space<vmem>> -> memref<40xi32, #tpu.memory_space<vmem>>
    %dma_wait3A_485 = tpu.memref_slice %arg4[%mul3A_21] : memref<320000xi32, #tpu.memory_space<hbm>> -> memref<40xi32, #tpu.memory_space<hbm>>
    tpu.wait_dma2 semaphore(%arg12 : memref<!tpu.dma_semaphore, #tpu.memory_space<semaphore_mem>>) src(%dma_wait3A_485 : memref<40xi32, #tpu.memory_space<hbm>>) dst(%dma_wait3A_484 : memref<40xi32, #tpu.memory_space<vmem>>)
    %dma_wait3A_486 = arith.constant 0 : i32
    %dma_wait3A_487 = arith.constant 1 : i32
    %dma_wait3A_488 = arith.constant 0 : i32
    %dma_wait3A_489 = tpu.memref_slice %arg7[%dma_wait3A_486, %dma_wait3A_487, %dma_wait3A_488] : memref<4x2x40xi32, #tpu.memory_space<vmem>> -> memref<1x1x40xi32, #tpu.memory_space<vmem>>
    %dma_wait3A_490 = tpu.memref_squeeze %dma_wait3A_489 : memref<1x1x40xi32, #tpu.memory_space<vmem>> -> memref<40xi32, #tpu.memory_space<vmem>>
    %dma_wait3A_491 = tpu.memref_slice %arg5[%mul3A_21] : memref<320000xi32, #tpu.memory_space<hbm>> -> memref<40xi32, #tpu.memory_space<hbm>>
    %dma_wait3A_492 = arith.constant 0 : i32
    %dma_wait3A_493 = tpu.memref_slice %arg7[%dma_wait3A_486, %dma_wait3A_487, %dma_wait3A_492] : memref<4x2x40xi32, #tpu.memory_space<vmem>> -> memref<1x1x40xi32, #tpu.memory_space<vmem>>
    %dma_wait3A_494 = tpu.memref_squeeze %dma_wait3A_493 : memref<1x1x40xi32, #tpu.memory_space<vmem>> -> memref<40xi32, #tpu.memory_space<vmem>>
    %dma_wait3A_495 = tpu.memref_slice %arg5[%mul3A_21] : memref<320000xi32, #tpu.memory_space<hbm>> -> memref<40xi32, #tpu.memory_space<hbm>>
    tpu.wait_dma2 semaphore(%arg12 : memref<!tpu.dma_semaphore, #tpu.memory_space<semaphore_mem>>) src(%dma_wait3A_495 : memref<40xi32, #tpu.memory_space<hbm>>) dst(%dma_wait3A_494 : memref<40xi32, #tpu.memory_space<vmem>>)
    %dma_start3A_496 = arith.constant 0 : i32
    %dma_start3A_497 = arith.constant 0 : i32
    %dma_start3A_498 = arith.constant 0 : i32
    %dma_start3A_499 = arith.constant 0 : i32
    %dma_start3A_500 = arith.constant 0 : i32
    %dma_start3A_501 = tpu.memref_slice %arg8[%dma_start3A_498, %dma_start3A_499, %dma_start3A_500] : memref<2x40x128xf32, #tpu.memory_space<vmem>> -> memref<1x40x128xf32, #tpu.memory_space<vmem>>
    %dma_start3A_502 = tpu.memref_squeeze %dma_start3A_501 : memref<1x40x128xf32, #tpu.memory_space<vmem>> -> memref<40x128xf32, #tpu.memory_space<vmem>>
    %dma_start3A_503 = arith.constant 0 : i32
    %dma_start3A_504 = tpu.memref_slice %arg7[%dma_start3A_496, %dma_start3A_497, %dma_start3A_503] : memref<4x2x40xi32, #tpu.memory_space<vmem>> -> memref<1x1x40xi32, #tpu.memory_space<vmem>>
    %dma_start3A_505 = tpu.memref_squeeze %dma_start3A_504 : memref<1x1x40xi32, #tpu.memory_space<vmem>> -> memref<40xi32, #tpu.memory_space<vmem>>
    %dma_start3A_506 = arith.constant 0 : i32
    %dma_start3A_507 = arith.constant 0 : i32
    %dma_start3A_508 = tpu.memref_slice %arg2[%dma_start3A_506, %dma_start3A_507] : memref<10000x128xf32, #tpu.memory_space<hbm>> -> memref<10000x128xf32, #tpu.memory_space<hbm>>
    tpu.enqueue_indirect_dma source(%dma_start3A_508 : memref<10000x128xf32, #tpu.memory_space<hbm>>) target(%dma_start3A_502 : memref<40x128xf32, #tpu.memory_space<vmem>>) offsets(%dma_start3A_505 : memref<40xi32, #tpu.memory_space<vmem>>) semaphore(%arg16 : memref<!tpu.dma_semaphore, #tpu.memory_space<semaphore_mem>>)
    %add3A_509 = arith.constant 9920 : i32
    %add3A_510 = arith.addi %mul3A_21, %add3A_509 : i32
    %dma_start3A_511 = arith.constant 0 : i32
    %dma_start3A_512 = arith.constant 0 : i32
    %dma_start3A_513 = arith.constant 0 : i32
    %dma_start3A_514 = tpu.memref_slice %arg9[%dma_start3A_511, %dma_start3A_512, %dma_start3A_513] : memref<2x40x128xf32, #tpu.memory_space<vmem>> -> memref<1x40x128xf32, #tpu.memory_space<vmem>>
    %dma_start3A_515 = tpu.memref_squeeze %dma_start3A_514 : memref<1x40x128xf32, #tpu.memory_space<vmem>> -> memref<40x128xf32, #tpu.memory_space<vmem>>
    %dma_start3A_516 = arith.constant 0 : i32
    %dma_start3A_517 = tpu.memref_slice %arg3[%add3A_510, %dma_start3A_516] : memref<320000x128xf32, #tpu.memory_space<hbm>> -> memref<40x128xf32, #tpu.memory_space<hbm>>
    %dma_start3A_518 = arith.constant 0 : i32
    %dma_start3A_519 = arith.constant 0 : i32
    %dma_start3A_520 = tpu.memref_slice %arg9[%dma_start3A_511, %dma_start3A_518, %dma_start3A_519] : memref<2x40x128xf32, #tpu.memory_space<vmem>> -> memref<1x40x128xf32, #tpu.memory_space<vmem>>
    %dma_start3A_521 = tpu.memref_squeeze %dma_start3A_520 : memref<1x40x128xf32, #tpu.memory_space<vmem>> -> memref<40x128xf32, #tpu.memory_space<vmem>>
    %dma_start3A_522 = arith.constant 0 : i32
    %dma_start3A_523 = tpu.memref_slice %arg3[%add3A_510, %dma_start3A_522] : memref<320000x128xf32, #tpu.memory_space<hbm>> -> memref<40x128xf32, #tpu.memory_space<hbm>>
    tpu.enqueue_dma source(%dma_start3A_523 : memref<40x128xf32, #tpu.memory_space<hbm>>) target(%dma_start3A_521 : memref<40x128xf32, #tpu.memory_space<vmem>>) target_semaphore(%arg18 : memref<!tpu.dma_semaphore, #tpu.memory_space<semaphore_mem>>)
    %dma_wait3A_524 = arith.constant 3 : i32
    %dma_wait3A_525 = arith.constant 0 : i32
    %dma_wait3A_526 = arith.constant 1 : i32
    %dma_wait3A_527 = arith.constant 0 : i32
    %dma_wait3A_528 = arith.constant 0 : i32
    %dma_wait3A_529 = tpu.memref_slice %arg8[%dma_wait3A_526, %dma_wait3A_527, %dma_wait3A_528] : memref<2x40x128xf32, #tpu.memory_space<vmem>> -> memref<1x40x128xf32, #tpu.memory_space<vmem>>
    %dma_wait3A_530 = tpu.memref_squeeze %dma_wait3A_529 : memref<1x40x128xf32, #tpu.memory_space<vmem>> -> memref<40x128xf32, #tpu.memory_space<vmem>>
    %dma_wait3A_531 = arith.constant 0 : i32
    %dma_wait3A_532 = tpu.memref_slice %arg7[%dma_wait3A_524, %dma_wait3A_525, %dma_wait3A_531] : memref<4x2x40xi32, #tpu.memory_space<vmem>> -> memref<1x1x40xi32, #tpu.memory_space<vmem>>
    %dma_wait3A_533 = tpu.memref_squeeze %dma_wait3A_532 : memref<1x1x40xi32, #tpu.memory_space<vmem>> -> memref<40xi32, #tpu.memory_space<vmem>>
    %dma_wait3A_534 = arith.constant 0 : i32
    %dma_wait3A_535 = arith.constant 0 : i32
    %dma_wait3A_536 = tpu.memref_slice %arg2[%dma_wait3A_534, %dma_wait3A_535] : memref<10000x128xf32, #tpu.memory_space<hbm>> -> memref<10000x128xf32, #tpu.memory_space<hbm>>
    tpu.wait_indirect_dma semaphore(%arg17 : memref<!tpu.dma_semaphore, #tpu.memory_space<semaphore_mem>>) src(%dma_wait3A_536 : memref<10000x128xf32, #tpu.memory_space<hbm>>) dst(%dma_wait3A_530 : memref<40x128xf32, #tpu.memory_space<vmem>>)
    %dma_wait3A_537 = arith.constant 1 : i32
    %dma_wait3A_538 = arith.constant 0 : i32
    %dma_wait3A_539 = arith.constant 0 : i32
    %dma_wait3A_540 = tpu.memref_slice %arg9[%dma_wait3A_537, %dma_wait3A_538, %dma_wait3A_539] : memref<2x40x128xf32, #tpu.memory_space<vmem>> -> memref<1x40x128xf32, #tpu.memory_space<vmem>>
    %dma_wait3A_541 = tpu.memref_squeeze %dma_wait3A_540 : memref<1x40x128xf32, #tpu.memory_space<vmem>> -> memref<40x128xf32, #tpu.memory_space<vmem>>
    %dma_wait3A_542 = arith.constant 0 : i32
    %dma_wait3A_543 = tpu.memref_slice %arg3[%mul3A_21, %dma_wait3A_542] : memref<320000x128xf32, #tpu.memory_space<hbm>> -> memref<40x128xf32, #tpu.memory_space<hbm>>
    %dma_wait3A_544 = arith.constant 0 : i32
    %dma_wait3A_545 = arith.constant 0 : i32
    %dma_wait3A_546 = tpu.memref_slice %arg9[%dma_wait3A_537, %dma_wait3A_544, %dma_wait3A_545] : memref<2x40x128xf32, #tpu.memory_space<vmem>> -> memref<1x40x128xf32, #tpu.memory_space<vmem>>
    %dma_wait3A_547 = tpu.memref_squeeze %dma_wait3A_546 : memref<1x40x128xf32, #tpu.memory_space<vmem>> -> memref<40x128xf32, #tpu.memory_space<vmem>>
    %dma_wait3A_548 = arith.constant 0 : i32
    %dma_wait3A_549 = tpu.memref_slice %arg3[%mul3A_21, %dma_wait3A_548] : memref<320000x128xf32, #tpu.memory_space<hbm>> -> memref<40x128xf32, #tpu.memory_space<hbm>>
    tpu.wait_dma2 semaphore(%arg19 : memref<!tpu.dma_semaphore, #tpu.memory_space<semaphore_mem>>) src(%dma_wait3A_549 : memref<40x128xf32, #tpu.memory_space<hbm>>) dst(%dma_wait3A_547 : memref<40x128xf32, #tpu.memory_space<vmem>>)
    %dma_wait3A_550 = arith.constant 1 : i32
    %dma_wait3A_551 = arith.constant 1 : i32
    %dma_wait3A_552 = arith.constant 1 : i32
    %dma_wait3A_553 = arith.constant 0 : i32
    %dma_wait3A_554 = arith.constant 0 : i32
    %dma_wait3A_555 = tpu.memref_slice %arg10[%dma_wait3A_550, %dma_wait3A_553, %dma_wait3A_554] : memref<2x40x128xf32, #tpu.memory_space<vmem>> -> memref<1x40x128xf32, #tpu.memory_space<vmem>>
    %dma_wait3A_556 = tpu.memref_squeeze %dma_wait3A_555 : memref<1x40x128xf32, #tpu.memory_space<vmem>> -> memref<40x128xf32, #tpu.memory_space<vmem>>
    %dma_wait3A_557 = arith.constant 0 : i32
    %dma_wait3A_558 = tpu.memref_slice %arg7[%dma_wait3A_551, %dma_wait3A_552, %dma_wait3A_557] : memref<4x2x40xi32, #tpu.memory_space<vmem>> -> memref<1x1x40xi32, #tpu.memory_space<vmem>>
    %dma_wait3A_559 = tpu.memref_squeeze %dma_wait3A_558 : memref<1x1x40xi32, #tpu.memory_space<vmem>> -> memref<40xi32, #tpu.memory_space<vmem>>
    %dma_wait3A_560 = arith.constant 0 : i32
    %dma_wait3A_561 = arith.constant 0 : i32
    %dma_wait3A_562 = tpu.memref_slice %arg11[%dma_wait3A_560, %dma_wait3A_561] : memref<10000x128xf32, #tpu.memory_space<vmem_shared>> -> memref<10000x128xf32, #tpu.memory_space<vmem_shared>>
    tpu.wait_indirect_dma semaphore(%arg21 : memref<!tpu.dma_semaphore, #tpu.memory_space<semaphore_mem>>) src(%dma_wait3A_556 : memref<40x128xf32, #tpu.memory_space<vmem>>) dst(%dma_wait3A_562 : memref<10000x128xf32, #tpu.memory_space<vmem_shared>>)
    %add3A_563 = arith.constant 9960 : i32
    %add3A_564 = arith.addi %mul3A_21, %add3A_563 : i32
    %dma_start3A_565 = arith.constant 1 : i32
    %dma_start3A_566 = arith.constant 0 : i32
    %dma_start3A_567 = arith.constant 0 : i32
    %dma_start3A_568 = tpu.memref_slice %arg7[%dma_start3A_565, %dma_start3A_566, %dma_start3A_567] : memref<4x2x40xi32, #tpu.memory_space<vmem>> -> memref<1x1x40xi32, #tpu.memory_space<vmem>>
    %dma_start3A_569 = tpu.memref_squeeze %dma_start3A_568 : memref<1x1x40xi32, #tpu.memory_space<vmem>> -> memref<40xi32, #tpu.memory_space<vmem>>
    %dma_start3A_570 = tpu.memref_slice %arg4[%add3A_564] : memref<320000xi32, #tpu.memory_space<hbm>> -> memref<40xi32, #tpu.memory_space<hbm>>
    %dma_start3A_571 = arith.constant 0 : i32
    %dma_start3A_572 = tpu.memref_slice %arg7[%dma_start3A_565, %dma_start3A_566, %dma_start3A_571] : memref<4x2x40xi32, #tpu.memory_space<vmem>> -> memref<1x1x40xi32, #tpu.memory_space<vmem>>
    %dma_start3A_573 = tpu.memref_squeeze %dma_start3A_572 : memref<1x1x40xi32, #tpu.memory_space<vmem>> -> memref<40xi32, #tpu.memory_space<vmem>>
    %dma_start3A_574 = tpu.memref_slice %arg4[%add3A_564] : memref<320000xi32, #tpu.memory_space<hbm>> -> memref<40xi32, #tpu.memory_space<hbm>>
    tpu.enqueue_dma source(%dma_start3A_574 : memref<40xi32, #tpu.memory_space<hbm>>) target(%dma_start3A_573 : memref<40xi32, #tpu.memory_space<vmem>>) target_semaphore(%arg13 : memref<!tpu.dma_semaphore, #tpu.memory_space<semaphore_mem>>)
    %dma_start3A_575 = arith.constant 1 : i32
    %dma_start3A_576 = arith.constant 1 : i32
    %dma_start3A_577 = arith.constant 0 : i32
    %dma_start3A_578 = tpu.memref_slice %arg7[%dma_start3A_575, %dma_start3A_576, %dma_start3A_577] : memref<4x2x40xi32, #tpu.memory_space<vmem>> -> memref<1x1x40xi32, #tpu.memory_space<vmem>>
    %dma_start3A_579 = tpu.memref_squeeze %dma_start3A_578 : memref<1x1x40xi32, #tpu.memory_space<vmem>> -> memref<40xi32, #tpu.memory_space<vmem>>
    %dma_start3A_580 = tpu.memref_slice %arg5[%add3A_564] : memref<320000xi32, #tpu.memory_space<hbm>> -> memref<40xi32, #tpu.memory_space<hbm>>
    %dma_start3A_581 = arith.constant 0 : i32
    %dma_start3A_582 = tpu.memref_slice %arg7[%dma_start3A_575, %dma_start3A_576, %dma_start3A_581] : memref<4x2x40xi32, #tpu.memory_space<vmem>> -> memref<1x1x40xi32, #tpu.memory_space<vmem>>
    %dma_start3A_583 = tpu.memref_squeeze %dma_start3A_582 : memref<1x1x40xi32, #tpu.memory_space<vmem>> -> memref<40xi32, #tpu.memory_space<vmem>>
    %dma_start3A_584 = tpu.memref_slice %arg5[%add3A_564] : memref<320000xi32, #tpu.memory_space<hbm>> -> memref<40xi32, #tpu.memory_space<hbm>>
    tpu.enqueue_dma source(%dma_start3A_584 : memref<40xi32, #tpu.memory_space<hbm>>) target(%dma_start3A_583 : memref<40xi32, #tpu.memory_space<vmem>>) target_semaphore(%arg13 : memref<!tpu.dma_semaphore, #tpu.memory_space<semaphore_mem>>)
    %scan3A_585 = arith.constant 0 : i32
    %scan3A_586 = arith.constant 0 : i32
    %scan3A_587 = arith.constant 40 : i32
    %scan3A_588 = arith.addi %scan3A_586, %scan3A_587 : i32
    %scan3A_589 = arith.constant 1 : i32
    scf.for %scan3A_805 = %scan3A_586 to %scan3A_588 step %scan3A_589  : i32 {
      %get3A = arith.constant 1 : i32
      %get3A_806 = arith.index_cast %get3A : i32 to index
      %get3A_807 = arith.index_cast %scan3A_805 : i32 to index
      %get3A_808 = arith.constant 0 : index
      %get3A_809 = tpu.vector_load %arg8[%get3A_806, %get3A_807, %get3A_808] {strides = array<i32>} : memref<2x40x128xf32, #tpu.memory_space<vmem>>, vector<1x1x16xf32>,
      %get3A_810 = vector.shape_cast %get3A_809 : vector<1x1x16xf32> to vector<16xf32>
      %get3A_811 = arith.constant 1 : i32
      %get3A_812 = arith.index_cast %get3A_811 : i32 to index
      %get3A_813 = arith.index_cast %scan3A_805 : i32 to index
      %get3A_814 = arith.constant 0 : index
      %get3A_815 = tpu.vector_load %arg9[%get3A_812, %get3A_813, %get3A_814] {strides = array<i32>} : memref<2x40x128xf32, #tpu.memory_space<vmem>>, vector<1x1x16xf32>,
      %get3A_816 = vector.shape_cast %get3A_815 : vector<1x1x16xf32> to vector<16xf32>
      %mul3A_817 = arith.mulf %get3A_810, %get3A_816 : vector<16xf32>
      %swap3A = arith.constant 1 : i32
      %swap3A_818 = arith.index_cast %swap3A : i32 to index
      %swap3A_819 = arith.index_cast %scan3A_805 : i32 to index
      %swap3A_820 = arith.constant 0 : index
      %swap3A_821 = tpu.vector_load %arg10[%swap3A_818, %swap3A_819, %swap3A_820] {strides = array<i32>} : memref<2x40x128xf32, #tpu.memory_space<vmem>>, vector<1x1x16xf32>,
      %swap3A_822 = vector.shape_cast %swap3A_821 : vector<1x1x16xf32> to vector<16xf32>
      %swap3A_823 = vector.shape_cast %mul3A_817 : vector<16xf32> to vector<1x1x16xf32>
      tpu.vector_store %arg10[%swap3A_818, %swap3A_819, %swap3A_820], %swap3A_823 {strides = array<i32>} : memref<2x40x128xf32, #tpu.memory_space<vmem>>, vector<1x1x16xf32>,
      %get3A_824 = arith.constant 1 : i32
      %get3A_825 = arith.index_cast %get3A_824 : i32 to index
      %get3A_826 = arith.index_cast %scan3A_805 : i32 to index
      %get3A_827 = arith.constant 16 : index
      %get3A_828 = tpu.vector_load %arg8[%get3A_825, %get3A_826, %get3A_827] {strides = array<i32>} : memref<2x40x128xf32, #tpu.memory_space<vmem>>, vector<1x1x16xf32>,
      %get3A_829 = vector.shape_cast %get3A_828 : vector<1x1x16xf32> to vector<16xf32>
      %get3A_830 = arith.constant 1 : i32
      %get3A_831 = arith.index_cast %get3A_830 : i32 to index
      %get3A_832 = arith.index_cast %scan3A_805 : i32 to index
      %get3A_833 = arith.constant 16 : index
      %get3A_834 = tpu.vector_load %arg9[%get3A_831, %get3A_832, %get3A_833] {strides = array<i32>} : memref<2x40x128xf32, #tpu.memory_space<vmem>>, vector<1x1x16xf32>,
      %get3A_835 = vector.shape_cast %get3A_834 : vector<1x1x16xf32> to vector<16xf32>
      %mul3A_836 = arith.mulf %get3A_829, %get3A_835 : vector<16xf32>
      %swap3A_837 = arith.constant 1 : i32
      %swap3A_838 = arith.index_cast %swap3A_837 : i32 to index
      %swap3A_839 = arith.index_cast %scan3A_805 : i32 to index
      %swap3A_840 = arith.constant 16 : index
      %swap3A_841 = tpu.vector_load %arg10[%swap3A_838, %swap3A_839, %swap3A_840] {strides = array<i32>} : memref<2x40x128xf32, #tpu.memory_space<vmem>>, vector<1x1x16xf32>,
      %swap3A_842 = vector.shape_cast %swap3A_841 : vector<1x1x16xf32> to vector<16xf32>
      %swap3A_843 = vector.shape_cast %mul3A_836 : vector<16xf32> to vector<1x1x16xf32>
      tpu.vector_store %arg10[%swap3A_838, %swap3A_839, %swap3A_840], %swap3A_843 {strides = array<i32>} : memref<2x40x128xf32, #tpu.memory_space<vmem>>, vector<1x1x16xf32>,
      %get3A_844 = arith.constant 1 : i32
      %get3A_845 = arith.index_cast %get3A_844 : i32 to index
      %get3A_846 = arith.index_cast %scan3A_805 : i32 to index
      %get3A_847 = arith.constant 32 : index
      %get3A_848 = tpu.vector_load %arg8[%get3A_845, %get3A_846, %get3A_847] {strides = array<i32>} : memref<2x40x128xf32, #tpu.memory_space<vmem>>, vector<1x1x16xf32>,
      %get3A_849 = vector.shape_cast %get3A_848 : vector<1x1x16xf32> to vector<16xf32>
      %get3A_850 = arith.constant 1 : i32
      %get3A_851 = arith.index_cast %get3A_850 : i32 to index
      %get3A_852 = arith.index_cast %scan3A_805 : i32 to index
      %get3A_853 = arith.constant 32 : index
      %get3A_854 = tpu.vector_load %arg9[%get3A_851, %get3A_852, %get3A_853] {strides = array<i32>} : memref<2x40x128xf32, #tpu.memory_space<vmem>>, vector<1x1x16xf32>,
      %get3A_855 = vector.shape_cast %get3A_854 : vector<1x1x16xf32> to vector<16xf32>
      %mul3A_856 = arith.mulf %get3A_849, %get3A_855 : vector<16xf32>
      %swap3A_857 = arith.constant 1 : i32
      %swap3A_858 = arith.index_cast %swap3A_857 : i32 to index
      %swap3A_859 = arith.index_cast %scan3A_805 : i32 to index
      %swap3A_860 = arith.constant 32 : index
      %swap3A_861 = tpu.vector_load %arg10[%swap3A_858, %swap3A_859, %swap3A_860] {strides = array<i32>} : memref<2x40x128xf32, #tpu.memory_space<vmem>>, vector<1x1x16xf32>,
      %swap3A_862 = vector.shape_cast %swap3A_861 : vector<1x1x16xf32> to vector<16xf32>
      %swap3A_863 = vector.shape_cast %mul3A_856 : vector<16xf32> to vector<1x1x16xf32>
      tpu.vector_store %arg10[%swap3A_858, %swap3A_859, %swap3A_860], %swap3A_863 {strides = array<i32>} : memref<2x40x128xf32, #tpu.memory_space<vmem>>, vector<1x1x16xf32>,
      %get3A_864 = arith.constant 1 : i32
      %get3A_865 = arith.index_cast %get3A_864 : i32 to index
      %get3A_866 = arith.index_cast %scan3A_805 : i32 to index
      %get3A_867 = arith.constant 48 : index
      %get3A_868 = tpu.vector_load %arg8[%get3A_865, %get3A_866, %get3A_867] {strides = array<i32>} : memref<2x40x128xf32, #tpu.memory_space<vmem>>, vector<1x1x16xf32>,
      %get3A_869 = vector.shape_cast %get3A_868 : vector<1x1x16xf32> to vector<16xf32>
      %get3A_870 = arith.constant 1 : i32
      %get3A_871 = arith.index_cast %get3A_870 : i32 to index
      %get3A_872 = arith.index_cast %scan3A_805 : i32 to index
      %get3A_873 = arith.constant 48 : index
      %get3A_874 = tpu.vector_load %arg9[%get3A_871, %get3A_872, %get3A_873] {strides = array<i32>} : memref<2x40x128xf32, #tpu.memory_space<vmem>>, vector<1x1x16xf32>,
      %get3A_875 = vector.shape_cast %get3A_874 : vector<1x1x16xf32> to vector<16xf32>
      %mul3A_876 = arith.mulf %get3A_869, %get3A_875 : vector<16xf32>
      %swap3A_877 = arith.constant 1 : i32
      %swap3A_878 = arith.index_cast %swap3A_877 : i32 to index
      %swap3A_879 = arith.index_cast %scan3A_805 : i32 to index
      %swap3A_880 = arith.constant 48 : index
      %swap3A_881 = tpu.vector_load %arg10[%swap3A_878, %swap3A_879, %swap3A_880] {strides = array<i32>} : memref<2x40x128xf32, #tpu.memory_space<vmem>>, vector<1x1x16xf32>,
      %swap3A_882 = vector.shape_cast %swap3A_881 : vector<1x1x16xf32> to vector<16xf32>
      %swap3A_883 = vector.shape_cast %mul3A_876 : vector<16xf32> to vector<1x1x16xf32>
      tpu.vector_store %arg10[%swap3A_878, %swap3A_879, %swap3A_880], %swap3A_883 {strides = array<i32>} : memref<2x40x128xf32, #tpu.memory_space<vmem>>, vector<1x1x16xf32>,
      %get3A_884 = arith.constant 1 : i32
      %get3A_885 = arith.index_cast %get3A_884 : i32 to index
      %get3A_886 = arith.index_cast %scan3A_805 : i32 to index
      %get3A_887 = arith.constant 64 : index
      %get3A_888 = tpu.vector_load %arg8[%get3A_885, %get3A_886, %get3A_887] {strides = array<i32>} : memref<2x40x128xf32, #tpu.memory_space<vmem>>, vector<1x1x16xf32>,
      %get3A_889 = vector.shape_cast %get3A_888 : vector<1x1x16xf32> to vector<16xf32>
      %get3A_890 = arith.constant 1 : i32
      %get3A_891 = arith.index_cast %get3A_890 : i32 to index
      %get3A_892 = arith.index_cast %scan3A_805 : i32 to index
      %get3A_893 = arith.constant 64 : index
      %get3A_894 = tpu.vector_load %arg9[%get3A_891, %get3A_892, %get3A_893] {strides = array<i32>} : memref<2x40x128xf32, #tpu.memory_space<vmem>>, vector<1x1x16xf32>,
      %get3A_895 = vector.shape_cast %get3A_894 : vector<1x1x16xf32> to vector<16xf32>
      %mul3A_896 = arith.mulf %get3A_889, %get3A_895 : vector<16xf32>
      %swap3A_897 = arith.constant 1 : i32
      %swap3A_898 = arith.index_cast %swap3A_897 : i32 to index
      %swap3A_899 = arith.index_cast %scan3A_805 : i32 to index
      %swap3A_900 = arith.constant 64 : index
      %swap3A_901 = tpu.vector_load %arg10[%swap3A_898, %swap3A_899, %swap3A_900] {strides = array<i32>} : memref<2x40x128xf32, #tpu.memory_space<vmem>>, vector<1x1x16xf32>,
      %swap3A_902 = vector.shape_cast %swap3A_901 : vector<1x1x16xf32> to vector<16xf32>
      %swap3A_903 = vector.shape_cast %mul3A_896 : vector<16xf32> to vector<1x1x16xf32>
      tpu.vector_store %arg10[%swap3A_898, %swap3A_899, %swap3A_900], %swap3A_903 {strides = array<i32>} : memref<2x40x128xf32, #tpu.memory_space<vmem>>, vector<1x1x16xf32>,
      %get3A_904 = arith.constant 1 : i32
      %get3A_905 = arith.index_cast %get3A_904 : i32 to index
      %get3A_906 = arith.index_cast %scan3A_805 : i32 to index
      %get3A_907 = arith.constant 80 : index
      %get3A_908 = tpu.vector_load %arg8[%get3A_905, %get3A_906, %get3A_907] {strides = array<i32>} : memref<2x40x128xf32, #tpu.memory_space<vmem>>, vector<1x1x16xf32>,
      %get3A_909 = vector.shape_cast %get3A_908 : vector<1x1x16xf32> to vector<16xf32>
      %get3A_910 = arith.constant 1 : i32
      %get3A_911 = arith.index_cast %get3A_910 : i32 to index
      %get3A_912 = arith.index_cast %scan3A_805 : i32 to index
      %get3A_913 = arith.constant 80 : index
      %get3A_914 = tpu.vector_load %arg9[%get3A_911, %get3A_912, %get3A_913] {strides = array<i32>} : memref<2x40x128xf32, #tpu.memory_space<vmem>>, vector<1x1x16xf32>,
      %get3A_915 = vector.shape_cast %get3A_914 : vector<1x1x16xf32> to vector<16xf32>
      %mul3A_916 = arith.mulf %get3A_909, %get3A_915 : vector<16xf32>
      %swap3A_917 = arith.constant 1 : i32
      %swap3A_918 = arith.index_cast %swap3A_917 : i32 to index
      %swap3A_919 = arith.index_cast %scan3A_805 : i32 to index
      %swap3A_920 = arith.constant 80 : index
      %swap3A_921 = tpu.vector_load %arg10[%swap3A_918, %swap3A_919, %swap3A_920] {strides = array<i32>} : memref<2x40x128xf32, #tpu.memory_space<vmem>>, vector<1x1x16xf32>,
      %swap3A_922 = vector.shape_cast %swap3A_921 : vector<1x1x16xf32> to vector<16xf32>
      %swap3A_923 = vector.shape_cast %mul3A_916 : vector<16xf32> to vector<1x1x16xf32>
      tpu.vector_store %arg10[%swap3A_918, %swap3A_919, %swap3A_920], %swap3A_923 {strides = array<i32>} : memref<2x40x128xf32, #tpu.memory_space<vmem>>, vector<1x1x16xf32>,
      %get3A_924 = arith.constant 1 : i32
      %get3A_925 = arith.index_cast %get3A_924 : i32 to index
      %get3A_926 = arith.index_cast %scan3A_805 : i32 to index
      %get3A_927 = arith.constant 96 : index
      %get3A_928 = tpu.vector_load %arg8[%get3A_925, %get3A_926, %get3A_927] {strides = array<i32>} : memref<2x40x128xf32, #tpu.memory_space<vmem>>, vector<1x1x16xf32>,
      %get3A_929 = vector.shape_cast %get3A_928 : vector<1x1x16xf32> to vector<16xf32>
      %get3A_930 = arith.constant 1 : i32
      %get3A_931 = arith.index_cast %get3A_930 : i32 to index
      %get3A_932 = arith.index_cast %scan3A_805 : i32 to index
      %get3A_933 = arith.constant 96 : index
      %get3A_934 = tpu.vector_load %arg9[%get3A_931, %get3A_932, %get3A_933] {strides = array<i32>} : memref<2x40x128xf32, #tpu.memory_space<vmem>>, vector<1x1x16xf32>,
      %get3A_935 = vector.shape_cast %get3A_934 : vector<1x1x16xf32> to vector<16xf32>
      %mul3A_936 = arith.mulf %get3A_929, %get3A_935 : vector<16xf32>
      %swap3A_937 = arith.constant 1 : i32
      %swap3A_938 = arith.index_cast %swap3A_937 : i32 to index
      %swap3A_939 = arith.index_cast %scan3A_805 : i32 to index
      %swap3A_940 = arith.constant 96 : index
      %swap3A_941 = tpu.vector_load %arg10[%swap3A_938, %swap3A_939, %swap3A_940] {strides = array<i32>} : memref<2x40x128xf32, #tpu.memory_space<vmem>>, vector<1x1x16xf32>,
      %swap3A_942 = vector.shape_cast %swap3A_941 : vector<1x1x16xf32> to vector<16xf32>
      %swap3A_943 = vector.shape_cast %mul3A_936 : vector<16xf32> to vector<1x1x16xf32>
      tpu.vector_store %arg10[%swap3A_938, %swap3A_939, %swap3A_940], %swap3A_943 {strides = array<i32>} : memref<2x40x128xf32, #tpu.memory_space<vmem>>, vector<1x1x16xf32>,
      %get3A_944 = arith.constant 1 : i32
      %get3A_945 = arith.index_cast %get3A_944 : i32 to index
      %get3A_946 = arith.index_cast %scan3A_805 : i32 to index
      %get3A_947 = arith.constant 112 : index
      %get3A_948 = tpu.vector_load %arg8[%get3A_945, %get3A_946, %get3A_947] {strides = array<i32>} : memref<2x40x128xf32, #tpu.memory_space<vmem>>, vector<1x1x16xf32>,
      %get3A_949 = vector.shape_cast %get3A_948 : vector<1x1x16xf32> to vector<16xf32>
      %get3A_950 = arith.constant 1 : i32
      %get3A_951 = arith.index_cast %get3A_950 : i32 to index
      %get3A_952 = arith.index_cast %scan3A_805 : i32 to index
      %get3A_953 = arith.constant 112 : index
      %get3A_954 = tpu.vector_load %arg9[%get3A_951, %get3A_952, %get3A_953] {strides = array<i32>} : memref<2x40x128xf32, #tpu.memory_space<vmem>>, vector<1x1x16xf32>,
      %get3A_955 = vector.shape_cast %get3A_954 : vector<1x1x16xf32> to vector<16xf32>
      %mul3A_956 = arith.mulf %get3A_949, %get3A_955 : vector<16xf32>
      %swap3A_957 = arith.constant 1 : i32
      %swap3A_958 = arith.index_cast %swap3A_957 : i32 to index
      %swap3A_959 = arith.index_cast %scan3A_805 : i32 to index
      %swap3A_960 = arith.constant 112 : index
      %swap3A_961 = tpu.vector_load %arg10[%swap3A_958, %swap3A_959, %swap3A_960] {strides = array<i32>} : memref<2x40x128xf32, #tpu.memory_space<vmem>>, vector<1x1x16xf32>,
      %swap3A_962 = vector.shape_cast %swap3A_961 : vector<1x1x16xf32> to vector<16xf32>
      %swap3A_963 = vector.shape_cast %mul3A_956 : vector<16xf32> to vector<1x1x16xf32>
      tpu.vector_store %arg10[%swap3A_958, %swap3A_959, %swap3A_960], %swap3A_963 {strides = array<i32>} : memref<2x40x128xf32, #tpu.memory_space<vmem>>, vector<1x1x16xf32>,
    }
    %scan3A_590 = arith.constant 40 : i32
    %dma_start3A_591 = arith.constant 1 : i32
    %dma_start3A_592 = arith.constant 3 : i32
    %dma_start3A_593 = arith.constant 1 : i32
    %dma_start3A_594 = arith.constant 0 : i32
    %dma_start3A_595 = arith.constant 0 : i32
    %dma_start3A_596 = tpu.memref_slice %arg10[%dma_start3A_591, %dma_start3A_594, %dma_start3A_595] : memref<2x40x128xf32, #tpu.memory_space<vmem>> -> memref<1x40x128xf32, #tpu.memory_space<vmem>>
    %dma_start3A_597 = tpu.memref_squeeze %dma_start3A_596 : memref<1x40x128xf32, #tpu.memory_space<vmem>> -> memref<40x128xf32, #tpu.memory_space<vmem>>
    %dma_start3A_598 = arith.constant 0 : i32
    %dma_start3A_599 = tpu.memref_slice %arg7[%dma_start3A_592, %dma_start3A_593, %dma_start3A_598] : memref<4x2x40xi32, #tpu.memory_space<vmem>> -> memref<1x1x40xi32, #tpu.memory_space<vmem>>
    %dma_start3A_600 = tpu.memref_squeeze %dma_start3A_599 : memref<1x1x40xi32, #tpu.memory_space<vmem>> -> memref<40xi32, #tpu.memory_space<vmem>>
    %dma_start3A_601 = arith.constant 0 : i32
    %dma_start3A_602 = arith.constant 0 : i32
    %dma_start3A_603 = tpu.memref_slice %arg11[%dma_start3A_601, %dma_start3A_602] : memref<10000x128xf32, #tpu.memory_space<vmem_shared>> -> memref<10000x128xf32, #tpu.memory_space<vmem_shared>>
    tpu.enqueue_indirect_dma source(%dma_start3A_597 : memref<40x128xf32, #tpu.memory_space<vmem>>) target(%dma_start3A_603 : memref<10000x128xf32, #tpu.memory_space<vmem_shared>>) offsets(%dma_start3A_600 : memref<40xi32, #tpu.memory_space<vmem>>) semaphore(%arg21 : memref<!tpu.dma_semaphore, #tpu.memory_space<semaphore_mem>>) {add = true}
    %dma_wait3A_604 = arith.constant 1 : i32
    %dma_wait3A_605 = arith.constant 0 : i32
    %dma_wait3A_606 = arith.constant 0 : i32
    %dma_wait3A_607 = tpu.memref_slice %arg7[%dma_wait3A_604, %dma_wait3A_605, %dma_wait3A_606] : memref<4x2x40xi32, #tpu.memory_space<vmem>> -> memref<1x1x40xi32, #tpu.memory_space<vmem>>
    %dma_wait3A_608 = tpu.memref_squeeze %dma_wait3A_607 : memref<1x1x40xi32, #tpu.memory_space<vmem>> -> memref<40xi32, #tpu.memory_space<vmem>>
    %dma_wait3A_609 = tpu.memref_slice %arg4[%mul3A_21] : memref<320000xi32, #tpu.memory_space<hbm>> -> memref<40xi32, #tpu.memory_space<hbm>>
    %dma_wait3A_610 = arith.constant 0 : i32
    %dma_wait3A_611 = tpu.memref_slice %arg7[%dma_wait3A_604, %dma_wait3A_605, %dma_wait3A_610] : memref<4x2x40xi32, #tpu.memory_space<vmem>> -> memref<1x1x40xi32, #tpu.memory_space<vmem>>
    %dma_wait3A_612 = tpu.memref_squeeze %dma_wait3A_611 : memref<1x1x40xi32, #tpu.memory_space<vmem>> -> memref<40xi32, #tpu.memory_space<vmem>>
    %dma_wait3A_613 = tpu.memref_slice %arg4[%mul3A_21] : memref<320000xi32, #tpu.memory_space<hbm>> -> memref<40xi32, #tpu.memory_space<hbm>>
    tpu.wait_dma2 semaphore(%arg13 : memref<!tpu.dma_semaphore, #tpu.memory_space<semaphore_mem>>) src(%dma_wait3A_613 : memref<40xi32, #tpu.memory_space<hbm>>) dst(%dma_wait3A_612 : memref<40xi32, #tpu.memory_space<vmem>>)
    %dma_wait3A_614 = arith.constant 1 : i32
    %dma_wait3A_615 = arith.constant 1 : i32
    %dma_wait3A_616 = arith.constant 0 : i32
    %dma_wait3A_617 = tpu.memref_slice %arg7[%dma_wait3A_614, %dma_wait3A_615, %dma_wait3A_616] : memref<4x2x40xi32, #tpu.memory_space<vmem>> -> memref<1x1x40xi32, #tpu.memory_space<vmem>>
    %dma_wait3A_618 = tpu.memref_squeeze %dma_wait3A_617 : memref<1x1x40xi32, #tpu.memory_space<vmem>> -> memref<40xi32, #tpu.memory_space<vmem>>
    %dma_wait3A_619 = tpu.memref_slice %arg5[%mul3A_21] : memref<320000xi32, #tpu.memory_space<hbm>> -> memref<40xi32, #tpu.memory_space<hbm>>
    %dma_wait3A_620 = arith.constant 0 : i32
    %dma_wait3A_621 = tpu.memref_slice %arg7[%dma_wait3A_614, %dma_wait3A_615, %dma_wait3A_620] : memref<4x2x40xi32, #tpu.memory_space<vmem>> -> memref<1x1x40xi32, #tpu.memory_space<vmem>>
    %dma_wait3A_622 = tpu.memref_squeeze %dma_wait3A_621 : memref<1x1x40xi32, #tpu.memory_space<vmem>> -> memref<40xi32, #tpu.memory_space<vmem>>
    %dma_wait3A_623 = tpu.memref_slice %arg5[%mul3A_21] : memref<320000xi32, #tpu.memory_space<hbm>> -> memref<40xi32, #tpu.memory_space<hbm>>
    tpu.wait_dma2 semaphore(%arg13 : memref<!tpu.dma_semaphore, #tpu.memory_space<semaphore_mem>>) src(%dma_wait3A_623 : memref<40xi32, #tpu.memory_space<hbm>>) dst(%dma_wait3A_622 : memref<40xi32, #tpu.memory_space<vmem>>)
    %dma_start3A_624 = arith.constant 1 : i32
    %dma_start3A_625 = arith.constant 0 : i32
    %dma_start3A_626 = arith.constant 1 : i32
    %dma_start3A_627 = arith.constant 0 : i32
    %dma_start3A_628 = arith.constant 0 : i32
    %dma_start3A_629 = tpu.memref_slice %arg8[%dma_start3A_626, %dma_start3A_627, %dma_start3A_628] : memref<2x40x128xf32, #tpu.memory_space<vmem>> -> memref<1x40x128xf32, #tpu.memory_space<vmem>>
    %dma_start3A_630 = tpu.memref_squeeze %dma_start3A_629 : memref<1x40x128xf32, #tpu.memory_space<vmem>> -> memref<40x128xf32, #tpu.memory_space<vmem>>
    %dma_start3A_631 = arith.constant 0 : i32
    %dma_start3A_632 = tpu.memref_slice %arg7[%dma_start3A_624, %dma_start3A_625, %dma_start3A_631] : memref<4x2x40xi32, #tpu.memory_space<vmem>> -> memref<1x1x40xi32, #tpu.memory_space<vmem>>
    %dma_start3A_633 = tpu.memref_squeeze %dma_start3A_632 : memref<1x1x40xi32, #tpu.memory_space<vmem>> -> memref<40xi32, #tpu.memory_space<vmem>>
    %dma_start3A_634 = arith.constant 0 : i32
    %dma_start3A_635 = arith.constant 0 : i32
    %dma_start3A_636 = tpu.memref_slice %arg2[%dma_start3A_634, %dma_start3A_635] : memref<10000x128xf32, #tpu.memory_space<hbm>> -> memref<10000x128xf32, #tpu.memory_space<hbm>>
    tpu.enqueue_indirect_dma source(%dma_start3A_636 : memref<10000x128xf32, #tpu.memory_space<hbm>>) target(%dma_start3A_630 : memref<40x128xf32, #tpu.memory_space<vmem>>) offsets(%dma_start3A_633 : memref<40xi32, #tpu.memory_space<vmem>>) semaphore(%arg17 : memref<!tpu.dma_semaphore, #tpu.memory_space<semaphore_mem>>)
    %add3A_637 = arith.constant 9960 : i32
    %add3A_638 = arith.addi %mul3A_21, %add3A_637 : i32
    %dma_start3A_639 = arith.constant 1 : i32
    %dma_start3A_640 = arith.constant 0 : i32
    %dma_start3A_641 = arith.constant 0 : i32
    %dma_start3A_642 = tpu.memref_slice %arg9[%dma_start3A_639, %dma_start3A_640, %dma_start3A_641] : memref<2x40x128xf32, #tpu.memory_space<vmem>> -> memref<1x40x128xf32, #tpu.memory_space<vmem>>
    %dma_start3A_643 = tpu.memref_squeeze %dma_start3A_642 : memref<1x40x128xf32, #tpu.memory_space<vmem>> -> memref<40x128xf32, #tpu.memory_space<vmem>>
    %dma_start3A_644 = arith.constant 0 : i32
    %dma_start3A_645 = tpu.memref_slice %arg3[%add3A_638, %dma_start3A_644] : memref<320000x128xf32, #tpu.memory_space<hbm>> -> memref<40x128xf32, #tpu.memory_space<hbm>>
    %dma_start3A_646 = arith.constant 0 : i32
    %dma_start3A_647 = arith.constant 0 : i32
    %dma_start3A_648 = tpu.memref_slice %arg9[%dma_start3A_639, %dma_start3A_646, %dma_start3A_647] : memref<2x40x128xf32, #tpu.memory_space<vmem>> -> memref<1x40x128xf32, #tpu.memory_space<vmem>>
    %dma_start3A_649 = tpu.memref_squeeze %dma_start3A_648 : memref<1x40x128xf32, #tpu.memory_space<vmem>> -> memref<40x128xf32, #tpu.memory_space<vmem>>
    %dma_start3A_650 = arith.constant 0 : i32
    %dma_start3A_651 = tpu.memref_slice %arg3[%add3A_638, %dma_start3A_650] : memref<320000x128xf32, #tpu.memory_space<hbm>> -> memref<40x128xf32, #tpu.memory_space<hbm>>
    tpu.enqueue_dma source(%dma_start3A_651 : memref<40x128xf32, #tpu.memory_space<hbm>>) target(%dma_start3A_649 : memref<40x128xf32, #tpu.memory_space<vmem>>) target_semaphore(%arg19 : memref<!tpu.dma_semaphore, #tpu.memory_space<semaphore_mem>>)
    %dma_wait3A_652 = arith.constant 0 : i32
    %dma_wait3A_653 = arith.constant 0 : i32
    %dma_wait3A_654 = arith.constant 0 : i32
    %dma_wait3A_655 = arith.constant 0 : i32
    %dma_wait3A_656 = arith.constant 0 : i32
    %dma_wait3A_657 = tpu.memref_slice %arg8[%dma_wait3A_654, %dma_wait3A_655, %dma_wait3A_656] : memref<2x40x128xf32, #tpu.memory_space<vmem>> -> memref<1x40x128xf32, #tpu.memory_space<vmem>>
    %dma_wait3A_658 = tpu.memref_squeeze %dma_wait3A_657 : memref<1x40x128xf32, #tpu.memory_space<vmem>> -> memref<40x128xf32, #tpu.memory_space<vmem>>
    %dma_wait3A_659 = arith.constant 0 : i32
    %dma_wait3A_660 = tpu.memref_slice %arg7[%dma_wait3A_652, %dma_wait3A_653, %dma_wait3A_659] : memref<4x2x40xi32, #tpu.memory_space<vmem>> -> memref<1x1x40xi32, #tpu.memory_space<vmem>>
    %dma_wait3A_661 = tpu.memref_squeeze %dma_wait3A_660 : memref<1x1x40xi32, #tpu.memory_space<vmem>> -> memref<40xi32, #tpu.memory_space<vmem>>
    %dma_wait3A_662 = arith.constant 0 : i32
    %dma_wait3A_663 = arith.constant 0 : i32
    %dma_wait3A_664 = tpu.memref_slice %arg2[%dma_wait3A_662, %dma_wait3A_663] : memref<10000x128xf32, #tpu.memory_space<hbm>> -> memref<10000x128xf32, #tpu.memory_space<hbm>>
    tpu.wait_indirect_dma semaphore(%arg16 : memref<!tpu.dma_semaphore, #tpu.memory_space<semaphore_mem>>) src(%dma_wait3A_664 : memref<10000x128xf32, #tpu.memory_space<hbm>>) dst(%dma_wait3A_658 : memref<40x128xf32, #tpu.memory_space<vmem>>)
    %dma_wait3A_665 = arith.constant 0 : i32
    %dma_wait3A_666 = arith.constant 0 : i32
    %dma_wait3A_667 = arith.constant 0 : i32
    %dma_wait3A_668 = tpu.memref_slice %arg9[%dma_wait3A_665, %dma_wait3A_666, %dma_wait3A_667] : memref<2x40x128xf32, #tpu.memory_space<vmem>> -> memref<1x40x128xf32, #tpu.memory_space<vmem>>
    %dma_wait3A_669 = tpu.memref_squeeze %dma_wait3A_668 : memref<1x40x128xf32, #tpu.memory_space<vmem>> -> memref<40x128xf32, #tpu.memory_space<vmem>>
    %dma_wait3A_670 = arith.constant 0 : i32
    %dma_wait3A_671 = tpu.memref_slice %arg3[%mul3A_21, %dma_wait3A_670] : memref<320000x128xf32, #tpu.memory_space<hbm>> -> memref<40x128xf32, #tpu.memory_space<hbm>>
    %dma_wait3A_672 = arith.constant 0 : i32
    %dma_wait3A_673 = arith.constant 0 : i32
    %dma_wait3A_674 = tpu.memref_slice %arg9[%dma_wait3A_665, %dma_wait3A_672, %dma_wait3A_673] : memref<2x40x128xf32, #tpu.memory_space<vmem>> -> memref<1x40x128xf32, #tpu.memory_space<vmem>>
    %dma_wait3A_675 = tpu.memref_squeeze %dma_wait3A_674 : memref<1x40x128xf32, #tpu.memory_space<vmem>> -> memref<40x128xf32, #tpu.memory_space<vmem>>
    %dma_wait3A_676 = arith.constant 0 : i32
    %dma_wait3A_677 = tpu.memref_slice %arg3[%mul3A_21, %dma_wait3A_676] : memref<320000x128xf32, #tpu.memory_space<hbm>> -> memref<40x128xf32, #tpu.memory_space<hbm>>
    tpu.wait_dma2 semaphore(%arg18 : memref<!tpu.dma_semaphore, #tpu.memory_space<semaphore_mem>>) src(%dma_wait3A_677 : memref<40x128xf32, #tpu.memory_space<hbm>>) dst(%dma_wait3A_675 : memref<40x128xf32, #tpu.memory_space<vmem>>)
    %dma_wait3A_678 = arith.constant 0 : i32
    %dma_wait3A_679 = arith.constant 2 : i32
    %dma_wait3A_680 = arith.constant 1 : i32
    %dma_wait3A_681 = arith.constant 0 : i32
    %dma_wait3A_682 = arith.constant 0 : i32
    %dma_wait3A_683 = tpu.memref_slice %arg10[%dma_wait3A_678, %dma_wait3A_681, %dma_wait3A_682] : memref<2x40x128xf32, #tpu.memory_space<vmem>> -> memref<1x40x128xf32, #tpu.memory_space<vmem>>
    %dma_wait3A_684 = tpu.memref_squeeze %dma_wait3A_683 : memref<1x40x128xf32, #tpu.memory_space<vmem>> -> memref<40x128xf32, #tpu.memory_space<vmem>>
    %dma_wait3A_685 = arith.constant 0 : i32
    %dma_wait3A_686 = tpu.memref_slice %arg7[%dma_wait3A_679, %dma_wait3A_680, %dma_wait3A_685] : memref<4x2x40xi32, #tpu.memory_space<vmem>> -> memref<1x1x40xi32, #tpu.memory_space<vmem>>
    %dma_wait3A_687 = tpu.memref_squeeze %dma_wait3A_686 : memref<1x1x40xi32, #tpu.memory_space<vmem>> -> memref<40xi32, #tpu.memory_space<vmem>>
    %dma_wait3A_688 = arith.constant 0 : i32
    %dma_wait3A_689 = arith.constant 0 : i32
    %dma_wait3A_690 = tpu.memref_slice %arg11[%dma_wait3A_688, %dma_wait3A_689] : memref<10000x128xf32, #tpu.memory_space<vmem_shared>> -> memref<10000x128xf32, #tpu.memory_space<vmem_shared>>
    tpu.wait_indirect_dma semaphore(%arg20 : memref<!tpu.dma_semaphore, #tpu.memory_space<semaphore_mem>>) src(%dma_wait3A_684 : memref<40x128xf32, #tpu.memory_space<vmem>>) dst(%dma_wait3A_690 : memref<10000x128xf32, #tpu.memory_space<vmem_shared>>)
    %scan3A_691 = arith.constant 0 : i32
    %scan3A_692 = arith.constant 0 : i32
    %scan3A_693 = arith.constant 40 : i32
    %scan3A_694 = arith.addi %scan3A_692, %scan3A_693 : i32
    %scan3A_695 = arith.constant 1 : i32
    scf.for %scan3A_805 = %scan3A_692 to %scan3A_694 step %scan3A_695  : i32 {
      %get3A = arith.constant 0 : i32
      %get3A_806 = arith.index_cast %get3A : i32 to index
      %get3A_807 = arith.index_cast %scan3A_805 : i32 to index
      %get3A_808 = arith.constant 0 : index
      %get3A_809 = tpu.vector_load %arg8[%get3A_806, %get3A_807, %get3A_808] {strides = array<i32>} : memref<2x40x128xf32, #tpu.memory_space<vmem>>, vector<1x1x16xf32>,
      %get3A_810 = vector.shape_cast %get3A_809 : vector<1x1x16xf32> to vector<16xf32>
      %get3A_811 = arith.constant 0 : i32
      %get3A_812 = arith.index_cast %get3A_811 : i32 to index
      %get3A_813 = arith.index_cast %scan3A_805 : i32 to index
      %get3A_814 = arith.constant 0 : index
      %get3A_815 = tpu.vector_load %arg9[%get3A_812, %get3A_813, %get3A_814] {strides = array<i32>} : memref<2x40x128xf32, #tpu.memory_space<vmem>>, vector<1x1x16xf32>,
      %get3A_816 = vector.shape_cast %get3A_815 : vector<1x1x16xf32> to vector<16xf32>
      %mul3A_817 = arith.mulf %get3A_810, %get3A_816 : vector<16xf32>
      %swap3A = arith.constant 0 : i32
      %swap3A_818 = arith.index_cast %swap3A : i32 to index
      %swap3A_819 = arith.index_cast %scan3A_805 : i32 to index
      %swap3A_820 = arith.constant 0 : index
      %swap3A_821 = tpu.vector_load %arg10[%swap3A_818, %swap3A_819, %swap3A_820] {strides = array<i32>} : memref<2x40x128xf32, #tpu.memory_space<vmem>>, vector<1x1x16xf32>,
      %swap3A_822 = vector.shape_cast %swap3A_821 : vector<1x1x16xf32> to vector<16xf32>
      %swap3A_823 = vector.shape_cast %mul3A_817 : vector<16xf32> to vector<1x1x16xf32>
      tpu.vector_store %arg10[%swap3A_818, %swap3A_819, %swap3A_820], %swap3A_823 {strides = array<i32>} : memref<2x40x128xf32, #tpu.memory_space<vmem>>, vector<1x1x16xf32>,
      %get3A_824 = arith.constant 0 : i32
      %get3A_825 = arith.index_cast %get3A_824 : i32 to index
      %get3A_826 = arith.index_cast %scan3A_805 : i32 to index
      %get3A_827 = arith.constant 16 : index
      %get3A_828 = tpu.vector_load %arg8[%get3A_825, %get3A_826, %get3A_827] {strides = array<i32>} : memref<2x40x128xf32, #tpu.memory_space<vmem>>, vector<1x1x16xf32>,
      %get3A_829 = vector.shape_cast %get3A_828 : vector<1x1x16xf32> to vector<16xf32>
      %get3A_830 = arith.constant 0 : i32
      %get3A_831 = arith.index_cast %get3A_830 : i32 to index
      %get3A_832 = arith.index_cast %scan3A_805 : i32 to index
      %get3A_833 = arith.constant 16 : index
      %get3A_834 = tpu.vector_load %arg9[%get3A_831, %get3A_832, %get3A_833] {strides = array<i32>} : memref<2x40x128xf32, #tpu.memory_space<vmem>>, vector<1x1x16xf32>,
      %get3A_835 = vector.shape_cast %get3A_834 : vector<1x1x16xf32> to vector<16xf32>
      %mul3A_836 = arith.mulf %get3A_829, %get3A_835 : vector<16xf32>
      %swap3A_837 = arith.constant 0 : i32
      %swap3A_838 = arith.index_cast %swap3A_837 : i32 to index
      %swap3A_839 = arith.index_cast %scan3A_805 : i32 to index
      %swap3A_840 = arith.constant 16 : index
      %swap3A_841 = tpu.vector_load %arg10[%swap3A_838, %swap3A_839, %swap3A_840] {strides = array<i32>} : memref<2x40x128xf32, #tpu.memory_space<vmem>>, vector<1x1x16xf32>,
      %swap3A_842 = vector.shape_cast %swap3A_841 : vector<1x1x16xf32> to vector<16xf32>
      %swap3A_843 = vector.shape_cast %mul3A_836 : vector<16xf32> to vector<1x1x16xf32>
      tpu.vector_store %arg10[%swap3A_838, %swap3A_839, %swap3A_840], %swap3A_843 {strides = array<i32>} : memref<2x40x128xf32, #tpu.memory_space<vmem>>, vector<1x1x16xf32>,
      %get3A_844 = arith.constant 0 : i32
      %get3A_845 = arith.index_cast %get3A_844 : i32 to index
      %get3A_846 = arith.index_cast %scan3A_805 : i32 to index
      %get3A_847 = arith.constant 32 : index
      %get3A_848 = tpu.vector_load %arg8[%get3A_845, %get3A_846, %get3A_847] {strides = array<i32>} : memref<2x40x128xf32, #tpu.memory_space<vmem>>, vector<1x1x16xf32>,
      %get3A_849 = vector.shape_cast %get3A_848 : vector<1x1x16xf32> to vector<16xf32>
      %get3A_850 = arith.constant 0 : i32
      %get3A_851 = arith.index_cast %get3A_850 : i32 to index
      %get3A_852 = arith.index_cast %scan3A_805 : i32 to index
      %get3A_853 = arith.constant 32 : index
      %get3A_854 = tpu.vector_load %arg9[%get3A_851, %get3A_852, %get3A_853] {strides = array<i32>} : memref<2x40x128xf32, #tpu.memory_space<vmem>>, vector<1x1x16xf32>,
      %get3A_855 = vector.shape_cast %get3A_854 : vector<1x1x16xf32> to vector<16xf32>
      %mul3A_856 = arith.mulf %get3A_849, %get3A_855 : vector<16xf32>
      %swap3A_857 = arith.constant 0 : i32
      %swap3A_858 = arith.index_cast %swap3A_857 : i32 to index
      %swap3A_859 = arith.index_cast %scan3A_805 : i32 to index
      %swap3A_860 = arith.constant 32 : index
      %swap3A_861 = tpu.vector_load %arg10[%swap3A_858, %swap3A_859, %swap3A_860] {strides = array<i32>} : memref<2x40x128xf32, #tpu.memory_space<vmem>>, vector<1x1x16xf32>,
      %swap3A_862 = vector.shape_cast %swap3A_861 : vector<1x1x16xf32> to vector<16xf32>
      %swap3A_863 = vector.shape_cast %mul3A_856 : vector<16xf32> to vector<1x1x16xf32>
      tpu.vector_store %arg10[%swap3A_858, %swap3A_859, %swap3A_860], %swap3A_863 {strides = array<i32>} : memref<2x40x128xf32, #tpu.memory_space<vmem>>, vector<1x1x16xf32>,
      %get3A_864 = arith.constant 0 : i32
      %get3A_865 = arith.index_cast %get3A_864 : i32 to index
      %get3A_866 = arith.index_cast %scan3A_805 : i32 to index
      %get3A_867 = arith.constant 48 : index
      %get3A_868 = tpu.vector_load %arg8[%get3A_865, %get3A_866, %get3A_867] {strides = array<i32>} : memref<2x40x128xf32, #tpu.memory_space<vmem>>, vector<1x1x16xf32>,
      %get3A_869 = vector.shape_cast %get3A_868 : vector<1x1x16xf32> to vector<16xf32>
      %get3A_870 = arith.constant 0 : i32
      %get3A_871 = arith.index_cast %get3A_870 : i32 to index
      %get3A_872 = arith.index_cast %scan3A_805 : i32 to index
      %get3A_873 = arith.constant 48 : index
      %get3A_874 = tpu.vector_load %arg9[%get3A_871, %get3A_872, %get3A_873] {strides = array<i32>} : memref<2x40x128xf32, #tpu.memory_space<vmem>>, vector<1x1x16xf32>,
      %get3A_875 = vector.shape_cast %get3A_874 : vector<1x1x16xf32> to vector<16xf32>
      %mul3A_876 = arith.mulf %get3A_869, %get3A_875 : vector<16xf32>
      %swap3A_877 = arith.constant 0 : i32
      %swap3A_878 = arith.index_cast %swap3A_877 : i32 to index
      %swap3A_879 = arith.index_cast %scan3A_805 : i32 to index
      %swap3A_880 = arith.constant 48 : index
      %swap3A_881 = tpu.vector_load %arg10[%swap3A_878, %swap3A_879, %swap3A_880] {strides = array<i32>} : memref<2x40x128xf32, #tpu.memory_space<vmem>>, vector<1x1x16xf32>,
      %swap3A_882 = vector.shape_cast %swap3A_881 : vector<1x1x16xf32> to vector<16xf32>
      %swap3A_883 = vector.shape_cast %mul3A_876 : vector<16xf32> to vector<1x1x16xf32>
      tpu.vector_store %arg10[%swap3A_878, %swap3A_879, %swap3A_880], %swap3A_883 {strides = array<i32>} : memref<2x40x128xf32, #tpu.memory_space<vmem>>, vector<1x1x16xf32>,
      %get3A_884 = arith.constant 0 : i32
      %get3A_885 = arith.index_cast %get3A_884 : i32 to index
      %get3A_886 = arith.index_cast %scan3A_805 : i32 to index
      %get3A_887 = arith.constant 64 : index
      %get3A_888 = tpu.vector_load %arg8[%get3A_885, %get3A_886, %get3A_887] {strides = array<i32>} : memref<2x40x128xf32, #tpu.memory_space<vmem>>, vector<1x1x16xf32>,
      %get3A_889 = vector.shape_cast %get3A_888 : vector<1x1x16xf32> to vector<16xf32>
      %get3A_890 = arith.constant 0 : i32
      %get3A_891 = arith.index_cast %get3A_890 : i32 to index
      %get3A_892 = arith.index_cast %scan3A_805 : i32 to index
      %get3A_893 = arith.constant 64 : index
      %get3A_894 = tpu.vector_load %arg9[%get3A_891, %get3A_892, %get3A_893] {strides = array<i32>} : memref<2x40x128xf32, #tpu.memory_space<vmem>>, vector<1x1x16xf32>,
      %get3A_895 = vector.shape_cast %get3A_894 : vector<1x1x16xf32> to vector<16xf32>
      %mul3A_896 = arith.mulf %get3A_889, %get3A_895 : vector<16xf32>
      %swap3A_897 = arith.constant 0 : i32
      %swap3A_898 = arith.index_cast %swap3A_897 : i32 to index
      %swap3A_899 = arith.index_cast %scan3A_805 : i32 to index
      %swap3A_900 = arith.constant 64 : index
      %swap3A_901 = tpu.vector_load %arg10[%swap3A_898, %swap3A_899, %swap3A_900] {strides = array<i32>} : memref<2x40x128xf32, #tpu.memory_space<vmem>>, vector<1x1x16xf32>,
      %swap3A_902 = vector.shape_cast %swap3A_901 : vector<1x1x16xf32> to vector<16xf32>
      %swap3A_903 = vector.shape_cast %mul3A_896 : vector<16xf32> to vector<1x1x16xf32>
      tpu.vector_store %arg10[%swap3A_898, %swap3A_899, %swap3A_900], %swap3A_903 {strides = array<i32>} : memref<2x40x128xf32, #tpu.memory_space<vmem>>, vector<1x1x16xf32>,
      %get3A_904 = arith.constant 0 : i32
      %get3A_905 = arith.index_cast %get3A_904 : i32 to index
      %get3A_906 = arith.index_cast %scan3A_805 : i32 to index
      %get3A_907 = arith.constant 80 : index
      %get3A_908 = tpu.vector_load %arg8[%get3A_905, %get3A_906, %get3A_907] {strides = array<i32>} : memref<2x40x128xf32, #tpu.memory_space<vmem>>, vector<1x1x16xf32>,
      %get3A_909 = vector.shape_cast %get3A_908 : vector<1x1x16xf32> to vector<16xf32>
      %get3A_910 = arith.constant 0 : i32
      %get3A_911 = arith.index_cast %get3A_910 : i32 to index
      %get3A_912 = arith.index_cast %scan3A_805 : i32 to index
      %get3A_913 = arith.constant 80 : index
      %get3A_914 = tpu.vector_load %arg9[%get3A_911, %get3A_912, %get3A_913] {strides = array<i32>} : memref<2x40x128xf32, #tpu.memory_space<vmem>>, vector<1x1x16xf32>,
      %get3A_915 = vector.shape_cast %get3A_914 : vector<1x1x16xf32> to vector<16xf32>
      %mul3A_916 = arith.mulf %get3A_909, %get3A_915 : vector<16xf32>
      %swap3A_917 = arith.constant 0 : i32
      %swap3A_918 = arith.index_cast %swap3A_917 : i32 to index
      %swap3A_919 = arith.index_cast %scan3A_805 : i32 to index
      %swap3A_920 = arith.constant 80 : index
      %swap3A_921 = tpu.vector_load %arg10[%swap3A_918, %swap3A_919, %swap3A_920] {strides = array<i32>} : memref<2x40x128xf32, #tpu.memory_space<vmem>>, vector<1x1x16xf32>,
      %swap3A_922 = vector.shape_cast %swap3A_921 : vector<1x1x16xf32> to vector<16xf32>
      %swap3A_923 = vector.shape_cast %mul3A_916 : vector<16xf32> to vector<1x1x16xf32>
      tpu.vector_store %arg10[%swap3A_918, %swap3A_919, %swap3A_920], %swap3A_923 {strides = array<i32>} : memref<2x40x128xf32, #tpu.memory_space<vmem>>, vector<1x1x16xf32>,
      %get3A_924 = arith.constant 0 : i32
      %get3A_925 = arith.index_cast %get3A_924 : i32 to index
      %get3A_926 = arith.index_cast %scan3A_805 : i32 to index
      %get3A_927 = arith.constant 96 : index
      %get3A_928 = tpu.vector_load %arg8[%get3A_925, %get3A_926, %get3A_927] {strides = array<i32>} : memref<2x40x128xf32, #tpu.memory_space<vmem>>, vector<1x1x16xf32>,
      %get3A_929 = vector.shape_cast %get3A_928 : vector<1x1x16xf32> to vector<16xf32>
      %get3A_930 = arith.constant 0 : i32
      %get3A_931 = arith.index_cast %get3A_930 : i32 to index
      %get3A_932 = arith.index_cast %scan3A_805 : i32 to index
      %get3A_933 = arith.constant 96 : index
      %get3A_934 = tpu.vector_load %arg9[%get3A_931, %get3A_932, %get3A_933] {strides = array<i32>} : memref<2x40x128xf32, #tpu.memory_space<vmem>>, vector<1x1x16xf32>,
      %get3A_935 = vector.shape_cast %get3A_934 : vector<1x1x16xf32> to vector<16xf32>
      %mul3A_936 = arith.mulf %get3A_929, %get3A_935 : vector<16xf32>
      %swap3A_937 = arith.constant 0 : i32
      %swap3A_938 = arith.index_cast %swap3A_937 : i32 to index
      %swap3A_939 = arith.index_cast %scan3A_805 : i32 to index
      %swap3A_940 = arith.constant 96 : index
      %swap3A_941 = tpu.vector_load %arg10[%swap3A_938, %swap3A_939, %swap3A_940] {strides = array<i32>} : memref<2x40x128xf32, #tpu.memory_space<vmem>>, vector<1x1x16xf32>,
      %swap3A_942 = vector.shape_cast %swap3A_941 : vector<1x1x16xf32> to vector<16xf32>
      %swap3A_943 = vector.shape_cast %mul3A_936 : vector<16xf32> to vector<1x1x16xf32>
      tpu.vector_store %arg10[%swap3A_938, %swap3A_939, %swap3A_940], %swap3A_943 {strides = array<i32>} : memref<2x40x128xf32, #tpu.memory_space<vmem>>, vector<1x1x16xf32>,
      %get3A_944 = arith.constant 0 : i32
      %get3A_945 = arith.index_cast %get3A_944 : i32 to index
      %get3A_946 = arith.index_cast %scan3A_805 : i32 to index
      %get3A_947 = arith.constant 112 : index
      %get3A_948 = tpu.vector_load %arg8[%get3A_945, %get3A_946, %get3A_947] {strides = array<i32>} : memref<2x40x128xf32, #tpu.memory_space<vmem>>, vector<1x1x16xf32>,
      %get3A_949 = vector.shape_cast %get3A_948 : vector<1x1x16xf32> to vector<16xf32>
      %get3A_950 = arith.constant 0 : i32
      %get3A_951 = arith.index_cast %get3A_950 : i32 to index
      %get3A_952 = arith.index_cast %scan3A_805 : i32 to index
      %get3A_953 = arith.constant 112 : index
      %get3A_954 = tpu.vector_load %arg9[%get3A_951, %get3A_952, %get3A_953] {strides = array<i32>} : memref<2x40x128xf32, #tpu.memory_space<vmem>>, vector<1x1x16xf32>,
      %get3A_955 = vector.shape_cast %get3A_954 : vector<1x1x16xf32> to vector<16xf32>
      %mul3A_956 = arith.mulf %get3A_949, %get3A_955 : vector<16xf32>
      %swap3A_957 = arith.constant 0 : i32
      %swap3A_958 = arith.index_cast %swap3A_957 : i32 to index
      %swap3A_959 = arith.index_cast %scan3A_805 : i32 to index
      %swap3A_960 = arith.constant 112 : index
      %swap3A_961 = tpu.vector_load %arg10[%swap3A_958, %swap3A_959, %swap3A_960] {strides = array<i32>} : memref<2x40x128xf32, #tpu.memory_space<vmem>>, vector<1x1x16xf32>,
      %swap3A_962 = vector.shape_cast %swap3A_961 : vector<1x1x16xf32> to vector<16xf32>
      %swap3A_963 = vector.shape_cast %mul3A_956 : vector<16xf32> to vector<1x1x16xf32>
      tpu.vector_store %arg10[%swap3A_958, %swap3A_959, %swap3A_960], %swap3A_963 {strides = array<i32>} : memref<2x40x128xf32, #tpu.memory_space<vmem>>, vector<1x1x16xf32>,
    }
    %scan3A_696 = arith.constant 40 : i32
    %dma_start3A_697 = arith.constant 0 : i32
    %dma_start3A_698 = arith.constant 0 : i32
    %dma_start3A_699 = arith.constant 1 : i32
    %dma_start3A_700 = arith.constant 0 : i32
    %dma_start3A_701 = arith.constant 0 : i32
    %dma_start3A_702 = tpu.memref_slice %arg10[%dma_start3A_697, %dma_start3A_700, %dma_start3A_701] : memref<2x40x128xf32, #tpu.memory_space<vmem>> -> memref<1x40x128xf32, #tpu.memory_space<vmem>>
    %dma_start3A_703 = tpu.memref_squeeze %dma_start3A_702 : memref<1x40x128xf32, #tpu.memory_space<vmem>> -> memref<40x128xf32, #tpu.memory_space<vmem>>
    %dma_start3A_704 = arith.constant 0 : i32
    %dma_start3A_705 = tpu.memref_slice %arg7[%dma_start3A_698, %dma_start3A_699, %dma_start3A_704] : memref<4x2x40xi32, #tpu.memory_space<vmem>> -> memref<1x1x40xi32, #tpu.memory_space<vmem>>
    %dma_start3A_706 = tpu.memref_squeeze %dma_start3A_705 : memref<1x1x40xi32, #tpu.memory_space<vmem>> -> memref<40xi32, #tpu.memory_space<vmem>>
    %dma_start3A_707 = arith.constant 0 : i32
    %dma_start3A_708 = arith.constant 0 : i32
    %dma_start3A_709 = tpu.memref_slice %arg11[%dma_start3A_707, %dma_start3A_708] : memref<10000x128xf32, #tpu.memory_space<vmem_shared>> -> memref<10000x128xf32, #tpu.memory_space<vmem_shared>>
    tpu.enqueue_indirect_dma source(%dma_start3A_703 : memref<40x128xf32, #tpu.memory_space<vmem>>) target(%dma_start3A_709 : memref<10000x128xf32, #tpu.memory_space<vmem_shared>>) offsets(%dma_start3A_706 : memref<40xi32, #tpu.memory_space<vmem>>) semaphore(%arg20 : memref<!tpu.dma_semaphore, #tpu.memory_space<semaphore_mem>>) {add = true}
    %dma_wait3A_710 = arith.constant 1 : i32
    %dma_wait3A_711 = arith.constant 0 : i32
    %dma_wait3A_712 = arith.constant 1 : i32
    %dma_wait3A_713 = arith.constant 0 : i32
    %dma_wait3A_714 = arith.constant 0 : i32
    %dma_wait3A_715 = tpu.memref_slice %arg8[%dma_wait3A_712, %dma_wait3A_713, %dma_wait3A_714] : memref<2x40x128xf32, #tpu.memory_space<vmem>> -> memref<1x40x128xf32, #tpu.memory_space<vmem>>
    %dma_wait3A_716 = tpu.memref_squeeze %dma_wait3A_715 : memref<1x40x128xf32, #tpu.memory_space<vmem>> -> memref<40x128xf32, #tpu.memory_space<vmem>>
    %dma_wait3A_717 = arith.constant 0 : i32
    %dma_wait3A_718 = tpu.memref_slice %arg7[%dma_wait3A_710, %dma_wait3A_711, %dma_wait3A_717] : memref<4x2x40xi32, #tpu.memory_space<vmem>> -> memref<1x1x40xi32, #tpu.memory_space<vmem>>
    %dma_wait3A_719 = tpu.memref_squeeze %dma_wait3A_718 : memref<1x1x40xi32, #tpu.memory_space<vmem>> -> memref<40xi32, #tpu.memory_space<vmem>>
    %dma_wait3A_720 = arith.constant 0 : i32
    %dma_wait3A_721 = arith.constant 0 : i32
    %dma_wait3A_722 = tpu.memref_slice %arg2[%dma_wait3A_720, %dma_wait3A_721] : memref<10000x128xf32, #tpu.memory_space<hbm>> -> memref<10000x128xf32, #tpu.memory_space<hbm>>
    tpu.wait_indirect_dma semaphore(%arg17 : memref<!tpu.dma_semaphore, #tpu.memory_space<semaphore_mem>>) src(%dma_wait3A_722 : memref<10000x128xf32, #tpu.memory_space<hbm>>) dst(%dma_wait3A_716 : memref<40x128xf32, #tpu.memory_space<vmem>>)
    %dma_wait3A_723 = arith.constant 1 : i32
    %dma_wait3A_724 = arith.constant 0 : i32
    %dma_wait3A_725 = arith.constant 0 : i32
    %dma_wait3A_726 = tpu.memref_slice %arg9[%dma_wait3A_723, %dma_wait3A_724, %dma_wait3A_725] : memref<2x40x128xf32, #tpu.memory_space<vmem>> -> memref<1x40x128xf32, #tpu.memory_space<vmem>>
    %dma_wait3A_727 = tpu.memref_squeeze %dma_wait3A_726 : memref<1x40x128xf32, #tpu.memory_space<vmem>> -> memref<40x128xf32, #tpu.memory_space<vmem>>
    %dma_wait3A_728 = arith.constant 0 : i32
    %dma_wait3A_729 = tpu.memref_slice %arg3[%mul3A_21, %dma_wait3A_728] : memref<320000x128xf32, #tpu.memory_space<hbm>> -> memref<40x128xf32, #tpu.memory_space<hbm>>
    %dma_wait3A_730 = arith.constant 0 : i32
    %dma_wait3A_731 = arith.constant 0 : i32
    %dma_wait3A_732 = tpu.memref_slice %arg9[%dma_wait3A_723, %dma_wait3A_730, %dma_wait3A_731] : memref<2x40x128xf32, #tpu.memory_space<vmem>> -> memref<1x40x128xf32, #tpu.memory_space<vmem>>
    %dma_wait3A_733 = tpu.memref_squeeze %dma_wait3A_732 : memref<1x40x128xf32, #tpu.memory_space<vmem>> -> memref<40x128xf32, #tpu.memory_space<vmem>>
    %dma_wait3A_734 = arith.constant 0 : i32
    %dma_wait3A_735 = tpu.memref_slice %arg3[%mul3A_21, %dma_wait3A_734] : memref<320000x128xf32, #tpu.memory_space<hbm>> -> memref<40x128xf32, #tpu.memory_space<hbm>>
    tpu.wait_dma2 semaphore(%arg19 : memref<!tpu.dma_semaphore, #tpu.memory_space<semaphore_mem>>) src(%dma_wait3A_735 : memref<40x128xf32, #tpu.memory_space<hbm>>) dst(%dma_wait3A_733 : memref<40x128xf32, #tpu.memory_space<vmem>>)
    %dma_wait3A_736 = arith.constant 1 : i32
    %dma_wait3A_737 = arith.constant 3 : i32
    %dma_wait3A_738 = arith.constant 1 : i32
    %dma_wait3A_739 = arith.constant 0 : i32
    %dma_wait3A_740 = arith.constant 0 : i32
    %dma_wait3A_741 = tpu.memref_slice %arg10[%dma_wait3A_736, %dma_wait3A_739, %dma_wait3A_740] : memref<2x40x128xf32, #tpu.memory_space<vmem>> -> memref<1x40x128xf32, #tpu.memory_space<vmem>>
    %dma_wait3A_742 = tpu.memref_squeeze %dma_wait3A_741 : memref<1x40x128xf32, #tpu.memory_space<vmem>> -> memref<40x128xf32, #tpu.memory_space<vmem>>
    %dma_wait3A_743 = arith.constant 0 : i32
    %dma_wait3A_744 = tpu.memref_slice %arg7[%dma_wait3A_737, %dma_wait3A_738, %dma_wait3A_743] : memref<4x2x40xi32, #tpu.memory_space<vmem>> -> memref<1x1x40xi32, #tpu.memory_space<vmem>>
    %dma_wait3A_745 = tpu.memref_squeeze %dma_wait3A_744 : memref<1x1x40xi32, #tpu.memory_space<vmem>> -> memref<40xi32, #tpu.memory_space<vmem>>
    %dma_wait3A_746 = arith.constant 0 : i32
    %dma_wait3A_747 = arith.constant 0 : i32
    %dma_wait3A_748 = tpu.memref_slice %arg11[%dma_wait3A_746, %dma_wait3A_747] : memref<10000x128xf32, #tpu.memory_space<vmem_shared>> -> memref<10000x128xf32, #tpu.memory_space<vmem_shared>>
    tpu.wait_indirect_dma semaphore(%arg21 : memref<!tpu.dma_semaphore, #tpu.memory_space<semaphore_mem>>) src(%dma_wait3A_742 : memref<40x128xf32, #tpu.memory_space<vmem>>) dst(%dma_wait3A_748 : memref<10000x128xf32, #tpu.memory_space<vmem_shared>>)
    %scan3A_749 = arith.constant 0 : i32
    %scan3A_750 = arith.constant 0 : i32
    %scan3A_751 = arith.constant 40 : i32
    %scan3A_752 = arith.addi %scan3A_750, %scan3A_751 : i32
    %scan3A_753 = arith.constant 1 : i32
    scf.for %scan3A_805 = %scan3A_750 to %scan3A_752 step %scan3A_753  : i32 {
      %get3A = arith.constant 1 : i32
      %get3A_806 = arith.index_cast %get3A : i32 to index
      %get3A_807 = arith.index_cast %scan3A_805 : i32 to index
      %get3A_808 = arith.constant 0 : index
      %get3A_809 = tpu.vector_load %arg8[%get3A_806, %get3A_807, %get3A_808] {strides = array<i32>} : memref<2x40x128xf32, #tpu.memory_space<vmem>>, vector<1x1x16xf32>,
      %get3A_810 = vector.shape_cast %get3A_809 : vector<1x1x16xf32> to vector<16xf32>
      %get3A_811 = arith.constant 1 : i32
      %get3A_812 = arith.index_cast %get3A_811 : i32 to index
      %get3A_813 = arith.index_cast %scan3A_805 : i32 to index
      %get3A_814 = arith.constant 0 : index
      %get3A_815 = tpu.vector_load %arg9[%get3A_812, %get3A_813, %get3A_814] {strides = array<i32>} : memref<2x40x128xf32, #tpu.memory_space<vmem>>, vector<1x1x16xf32>,
      %get3A_816 = vector.shape_cast %get3A_815 : vector<1x1x16xf32> to vector<16xf32>
      %mul3A_817 = arith.mulf %get3A_810, %get3A_816 : vector<16xf32>
      %swap3A = arith.constant 1 : i32
      %swap3A_818 = arith.index_cast %swap3A : i32 to index
      %swap3A_819 = arith.index_cast %scan3A_805 : i32 to index
      %swap3A_820 = arith.constant 0 : index
      %swap3A_821 = tpu.vector_load %arg10[%swap3A_818, %swap3A_819, %swap3A_820] {strides = array<i32>} : memref<2x40x128xf32, #tpu.memory_space<vmem>>, vector<1x1x16xf32>,
      %swap3A_822 = vector.shape_cast %swap3A_821 : vector<1x1x16xf32> to vector<16xf32>
      %swap3A_823 = vector.shape_cast %mul3A_817 : vector<16xf32> to vector<1x1x16xf32>
      tpu.vector_store %arg10[%swap3A_818, %swap3A_819, %swap3A_820], %swap3A_823 {strides = array<i32>} : memref<2x40x128xf32, #tpu.memory_space<vmem>>, vector<1x1x16xf32>,
      %get3A_824 = arith.constant 1 : i32
      %get3A_825 = arith.index_cast %get3A_824 : i32 to index
      %get3A_826 = arith.index_cast %scan3A_805 : i32 to index
      %get3A_827 = arith.constant 16 : index
      %get3A_828 = tpu.vector_load %arg8[%get3A_825, %get3A_826, %get3A_827] {strides = array<i32>} : memref<2x40x128xf32, #tpu.memory_space<vmem>>, vector<1x1x16xf32>,
      %get3A_829 = vector.shape_cast %get3A_828 : vector<1x1x16xf32> to vector<16xf32>
      %get3A_830 = arith.constant 1 : i32
      %get3A_831 = arith.index_cast %get3A_830 : i32 to index
      %get3A_832 = arith.index_cast %scan3A_805 : i32 to index
      %get3A_833 = arith.constant 16 : index
      %get3A_834 = tpu.vector_load %arg9[%get3A_831, %get3A_832, %get3A_833] {strides = array<i32>} : memref<2x40x128xf32, #tpu.memory_space<vmem>>, vector<1x1x16xf32>,
      %get3A_835 = vector.shape_cast %get3A_834 : vector<1x1x16xf32> to vector<16xf32>
      %mul3A_836 = arith.mulf %get3A_829, %get3A_835 : vector<16xf32>
      %swap3A_837 = arith.constant 1 : i32
      %swap3A_838 = arith.index_cast %swap3A_837 : i32 to index
      %swap3A_839 = arith.index_cast %scan3A_805 : i32 to index
      %swap3A_840 = arith.constant 16 : index
      %swap3A_841 = tpu.vector_load %arg10[%swap3A_838, %swap3A_839, %swap3A_840] {strides = array<i32>} : memref<2x40x128xf32, #tpu.memory_space<vmem>>, vector<1x1x16xf32>,
      %swap3A_842 = vector.shape_cast %swap3A_841 : vector<1x1x16xf32> to vector<16xf32>
      %swap3A_843 = vector.shape_cast %mul3A_836 : vector<16xf32> to vector<1x1x16xf32>
      tpu.vector_store %arg10[%swap3A_838, %swap3A_839, %swap3A_840], %swap3A_843 {strides = array<i32>} : memref<2x40x128xf32, #tpu.memory_space<vmem>>, vector<1x1x16xf32>,
      %get3A_844 = arith.constant 1 : i32
      %get3A_845 = arith.index_cast %get3A_844 : i32 to index
      %get3A_846 = arith.index_cast %scan3A_805 : i32 to index
      %get3A_847 = arith.constant 32 : index
      %get3A_848 = tpu.vector_load %arg8[%get3A_845, %get3A_846, %get3A_847] {strides = array<i32>} : memref<2x40x128xf32, #tpu.memory_space<vmem>>, vector<1x1x16xf32>,
      %get3A_849 = vector.shape_cast %get3A_848 : vector<1x1x16xf32> to vector<16xf32>
      %get3A_850 = arith.constant 1 : i32
      %get3A_851 = arith.index_cast %get3A_850 : i32 to index
      %get3A_852 = arith.index_cast %scan3A_805 : i32 to index
      %get3A_853 = arith.constant 32 : index
      %get3A_854 = tpu.vector_load %arg9[%get3A_851, %get3A_852, %get3A_853] {strides = array<i32>} : memref<2x40x128xf32, #tpu.memory_space<vmem>>, vector<1x1x16xf32>,
      %get3A_855 = vector.shape_cast %get3A_854 : vector<1x1x16xf32> to vector<16xf32>
      %mul3A_856 = arith.mulf %get3A_849, %get3A_855 : vector<16xf32>
      %swap3A_857 = arith.constant 1 : i32
      %swap3A_858 = arith.index_cast %swap3A_857 : i32 to index
      %swap3A_859 = arith.index_cast %scan3A_805 : i32 to index
      %swap3A_860 = arith.constant 32 : index
      %swap3A_861 = tpu.vector_load %arg10[%swap3A_858, %swap3A_859, %swap3A_860] {strides = array<i32>} : memref<2x40x128xf32, #tpu.memory_space<vmem>>, vector<1x1x16xf32>,
      %swap3A_862 = vector.shape_cast %swap3A_861 : vector<1x1x16xf32> to vector<16xf32>
      %swap3A_863 = vector.shape_cast %mul3A_856 : vector<16xf32> to vector<1x1x16xf32>
      tpu.vector_store %arg10[%swap3A_858, %swap3A_859, %swap3A_860], %swap3A_863 {strides = array<i32>} : memref<2x40x128xf32, #tpu.memory_space<vmem>>, vector<1x1x16xf32>,
      %get3A_864 = arith.constant 1 : i32
      %get3A_865 = arith.index_cast %get3A_864 : i32 to index
      %get3A_866 = arith.index_cast %scan3A_805 : i32 to index
      %get3A_867 = arith.constant 48 : index
      %get3A_868 = tpu.vector_load %arg8[%get3A_865, %get3A_866, %get3A_867] {strides = array<i32>} : memref<2x40x128xf32, #tpu.memory_space<vmem>>, vector<1x1x16xf32>,
      %get3A_869 = vector.shape_cast %get3A_868 : vector<1x1x16xf32> to vector<16xf32>
      %get3A_870 = arith.constant 1 : i32
      %get3A_871 = arith.index_cast %get3A_870 : i32 to index
      %get3A_872 = arith.index_cast %scan3A_805 : i32 to index
      %get3A_873 = arith.constant 48 : index
      %get3A_874 = tpu.vector_load %arg9[%get3A_871, %get3A_872, %get3A_873] {strides = array<i32>} : memref<2x40x128xf32, #tpu.memory_space<vmem>>, vector<1x1x16xf32>,
      %get3A_875 = vector.shape_cast %get3A_874 : vector<1x1x16xf32> to vector<16xf32>
      %mul3A_876 = arith.mulf %get3A_869, %get3A_875 : vector<16xf32>
      %swap3A_877 = arith.constant 1 : i32
      %swap3A_878 = arith.index_cast %swap3A_877 : i32 to index
      %swap3A_879 = arith.index_cast %scan3A_805 : i32 to index
      %swap3A_880 = arith.constant 48 : index
      %swap3A_881 = tpu.vector_load %arg10[%swap3A_878, %swap3A_879, %swap3A_880] {strides = array<i32>} : memref<2x40x128xf32, #tpu.memory_space<vmem>>, vector<1x1x16xf32>,
      %swap3A_882 = vector.shape_cast %swap3A_881 : vector<1x1x16xf32> to vector<16xf32>
      %swap3A_883 = vector.shape_cast %mul3A_876 : vector<16xf32> to vector<1x1x16xf32>
      tpu.vector_store %arg10[%swap3A_878, %swap3A_879, %swap3A_880], %swap3A_883 {strides = array<i32>} : memref<2x40x128xf32, #tpu.memory_space<vmem>>, vector<1x1x16xf32>,
      %get3A_884 = arith.constant 1 : i32
      %get3A_885 = arith.index_cast %get3A_884 : i32 to index
      %get3A_886 = arith.index_cast %scan3A_805 : i32 to index
      %get3A_887 = arith.constant 64 : index
      %get3A_888 = tpu.vector_load %arg8[%get3A_885, %get3A_886, %get3A_887] {strides = array<i32>} : memref<2x40x128xf32, #tpu.memory_space<vmem>>, vector<1x1x16xf32>,
      %get3A_889 = vector.shape_cast %get3A_888 : vector<1x1x16xf32> to vector<16xf32>
      %get3A_890 = arith.constant 1 : i32
      %get3A_891 = arith.index_cast %get3A_890 : i32 to index
      %get3A_892 = arith.index_cast %scan3A_805 : i32 to index
      %get3A_893 = arith.constant 64 : index
      %get3A_894 = tpu.vector_load %arg9[%get3A_891, %get3A_892, %get3A_893] {strides = array<i32>} : memref<2x40x128xf32, #tpu.memory_space<vmem>>, vector<1x1x16xf32>,
      %get3A_895 = vector.shape_cast %get3A_894 : vector<1x1x16xf32> to vector<16xf32>
      %mul3A_896 = arith.mulf %get3A_889, %get3A_895 : vector<16xf32>
      %swap3A_897 = arith.constant 1 : i32
      %swap3A_898 = arith.index_cast %swap3A_897 : i32 to index
      %swap3A_899 = arith.index_cast %scan3A_805 : i32 to index
      %swap3A_900 = arith.constant 64 : index
      %swap3A_901 = tpu.vector_load %arg10[%swap3A_898, %swap3A_899, %swap3A_900] {strides = array<i32>} : memref<2x40x128xf32, #tpu.memory_space<vmem>>, vector<1x1x16xf32>,
      %swap3A_902 = vector.shape_cast %swap3A_901 : vector<1x1x16xf32> to vector<16xf32>
      %swap3A_903 = vector.shape_cast %mul3A_896 : vector<16xf32> to vector<1x1x16xf32>
      tpu.vector_store %arg10[%swap3A_898, %swap3A_899, %swap3A_900], %swap3A_903 {strides = array<i32>} : memref<2x40x128xf32, #tpu.memory_space<vmem>>, vector<1x1x16xf32>,
      %get3A_904 = arith.constant 1 : i32
      %get3A_905 = arith.index_cast %get3A_904 : i32 to index
      %get3A_906 = arith.index_cast %scan3A_805 : i32 to index
      %get3A_907 = arith.constant 80 : index
      %get3A_908 = tpu.vector_load %arg8[%get3A_905, %get3A_906, %get3A_907] {strides = array<i32>} : memref<2x40x128xf32, #tpu.memory_space<vmem>>, vector<1x1x16xf32>,
      %get3A_909 = vector.shape_cast %get3A_908 : vector<1x1x16xf32> to vector<16xf32>
      %get3A_910 = arith.constant 1 : i32
      %get3A_911 = arith.index_cast %get3A_910 : i32 to index
      %get3A_912 = arith.index_cast %scan3A_805 : i32 to index
      %get3A_913 = arith.constant 80 : index
      %get3A_914 = tpu.vector_load %arg9[%get3A_911, %get3A_912, %get3A_913] {strides = array<i32>} : memref<2x40x128xf32, #tpu.memory_space<vmem>>, vector<1x1x16xf32>,
      %get3A_915 = vector.shape_cast %get3A_914 : vector<1x1x16xf32> to vector<16xf32>
      %mul3A_916 = arith.mulf %get3A_909, %get3A_915 : vector<16xf32>
      %swap3A_917 = arith.constant 1 : i32
      %swap3A_918 = arith.index_cast %swap3A_917 : i32 to index
      %swap3A_919 = arith.index_cast %scan3A_805 : i32 to index
      %swap3A_920 = arith.constant 80 : index
      %swap3A_921 = tpu.vector_load %arg10[%swap3A_918, %swap3A_919, %swap3A_920] {strides = array<i32>} : memref<2x40x128xf32, #tpu.memory_space<vmem>>, vector<1x1x16xf32>,
      %swap3A_922 = vector.shape_cast %swap3A_921 : vector<1x1x16xf32> to vector<16xf32>
      %swap3A_923 = vector.shape_cast %mul3A_916 : vector<16xf32> to vector<1x1x16xf32>
      tpu.vector_store %arg10[%swap3A_918, %swap3A_919, %swap3A_920], %swap3A_923 {strides = array<i32>} : memref<2x40x128xf32, #tpu.memory_space<vmem>>, vector<1x1x16xf32>,
      %get3A_924 = arith.constant 1 : i32
      %get3A_925 = arith.index_cast %get3A_924 : i32 to index
      %get3A_926 = arith.index_cast %scan3A_805 : i32 to index
      %get3A_927 = arith.constant 96 : index
      %get3A_928 = tpu.vector_load %arg8[%get3A_925, %get3A_926, %get3A_927] {strides = array<i32>} : memref<2x40x128xf32, #tpu.memory_space<vmem>>, vector<1x1x16xf32>,
      %get3A_929 = vector.shape_cast %get3A_928 : vector<1x1x16xf32> to vector<16xf32>
      %get3A_930 = arith.constant 1 : i32
      %get3A_931 = arith.index_cast %get3A_930 : i32 to index
      %get3A_932 = arith.index_cast %scan3A_805 : i32 to index
      %get3A_933 = arith.constant 96 : index
      %get3A_934 = tpu.vector_load %arg9[%get3A_931, %get3A_932, %get3A_933] {strides = array<i32>} : memref<2x40x128xf32, #tpu.memory_space<vmem>>, vector<1x1x16xf32>,
      %get3A_935 = vector.shape_cast %get3A_934 : vector<1x1x16xf32> to vector<16xf32>
      %mul3A_936 = arith.mulf %get3A_929, %get3A_935 : vector<16xf32>
      %swap3A_937 = arith.constant 1 : i32
      %swap3A_938 = arith.index_cast %swap3A_937 : i32 to index
      %swap3A_939 = arith.index_cast %scan3A_805 : i32 to index
      %swap3A_940 = arith.constant 96 : index
      %swap3A_941 = tpu.vector_load %arg10[%swap3A_938, %swap3A_939, %swap3A_940] {strides = array<i32>} : memref<2x40x128xf32, #tpu.memory_space<vmem>>, vector<1x1x16xf32>,
      %swap3A_942 = vector.shape_cast %swap3A_941 : vector<1x1x16xf32> to vector<16xf32>
      %swap3A_943 = vector.shape_cast %mul3A_936 : vector<16xf32> to vector<1x1x16xf32>
      tpu.vector_store %arg10[%swap3A_938, %swap3A_939, %swap3A_940], %swap3A_943 {strides = array<i32>} : memref<2x40x128xf32, #tpu.memory_space<vmem>>, vector<1x1x16xf32>,
      %get3A_944 = arith.constant 1 : i32
      %get3A_945 = arith.index_cast %get3A_944 : i32 to index
      %get3A_946 = arith.index_cast %scan3A_805 : i32 to index
      %get3A_947 = arith.constant 112 : index
      %get3A_948 = tpu.vector_load %arg8[%get3A_945, %get3A_946, %get3A_947] {strides = array<i32>} : memref<2x40x128xf32, #tpu.memory_space<vmem>>, vector<1x1x16xf32>,
      %get3A_949 = vector.shape_cast %get3A_948 : vector<1x1x16xf32> to vector<16xf32>
      %get3A_950 = arith.constant 1 : i32
      %get3A_951 = arith.index_cast %get3A_950 : i32 to index
      %get3A_952 = arith.index_cast %scan3A_805 : i32 to index
      %get3A_953 = arith.constant 112 : index
      %get3A_954 = tpu.vector_load %arg9[%get3A_951, %get3A_952, %get3A_953] {strides = array<i32>} : memref<2x40x128xf32, #tpu.memory_space<vmem>>, vector<1x1x16xf32>,
      %get3A_955 = vector.shape_cast %get3A_954 : vector<1x1x16xf32> to vector<16xf32>
      %mul3A_956 = arith.mulf %get3A_949, %get3A_955 : vector<16xf32>
      %swap3A_957 = arith.constant 1 : i32
      %swap3A_958 = arith.index_cast %swap3A_957 : i32 to index
      %swap3A_959 = arith.index_cast %scan3A_805 : i32 to index
      %swap3A_960 = arith.constant 112 : index
      %swap3A_961 = tpu.vector_load %arg10[%swap3A_958, %swap3A_959, %swap3A_960] {strides = array<i32>} : memref<2x40x128xf32, #tpu.memory_space<vmem>>, vector<1x1x16xf32>,
      %swap3A_962 = vector.shape_cast %swap3A_961 : vector<1x1x16xf32> to vector<16xf32>
      %swap3A_963 = vector.shape_cast %mul3A_956 : vector<16xf32> to vector<1x1x16xf32>
      tpu.vector_store %arg10[%swap3A_958, %swap3A_959, %swap3A_960], %swap3A_963 {strides = array<i32>} : memref<2x40x128xf32, #tpu.memory_space<vmem>>, vector<1x1x16xf32>,
    }
    %scan3A_754 = arith.constant 40 : i32
    %dma_start3A_755 = arith.constant 1 : i32
    %dma_start3A_756 = arith.constant 1 : i32
    %dma_start3A_757 = arith.constant 1 : i32
    %dma_start3A_758 = arith.constant 0 : i32
    %dma_start3A_759 = arith.constant 0 : i32
    %dma_start3A_760 = tpu.memref_slice %arg10[%dma_start3A_755, %dma_start3A_758, %dma_start3A_759] : memref<2x40x128xf32, #tpu.memory_space<vmem>> -> memref<1x40x128xf32, #tpu.memory_space<vmem>>
    %dma_start3A_761 = tpu.memref_squeeze %dma_start3A_760 : memref<1x40x128xf32, #tpu.memory_space<vmem>> -> memref<40x128xf32, #tpu.memory_space<vmem>>
    %dma_start3A_762 = arith.constant 0 : i32
    %dma_start3A_763 = tpu.memref_slice %arg7[%dma_start3A_756, %dma_start3A_757, %dma_start3A_762] : memref<4x2x40xi32, #tpu.memory_space<vmem>> -> memref<1x1x40xi32, #tpu.memory_space<vmem>>
    %dma_start3A_764 = tpu.memref_squeeze %dma_start3A_763 : memref<1x1x40xi32, #tpu.memory_space<vmem>> -> memref<40xi32, #tpu.memory_space<vmem>>
    %dma_start3A_765 = arith.constant 0 : i32
    %dma_start3A_766 = arith.constant 0 : i32
    %dma_start3A_767 = tpu.memref_slice %arg11[%dma_start3A_765, %dma_start3A_766] : memref<10000x128xf32, #tpu.memory_space<vmem_shared>> -> memref<10000x128xf32, #tpu.memory_space<vmem_shared>>
    tpu.enqueue_indirect_dma source(%dma_start3A_761 : memref<40x128xf32, #tpu.memory_space<vmem>>) target(%dma_start3A_767 : memref<10000x128xf32, #tpu.memory_space<vmem_shared>>) offsets(%dma_start3A_764 : memref<40xi32, #tpu.memory_space<vmem>>) semaphore(%arg21 : memref<!tpu.dma_semaphore, #tpu.memory_space<semaphore_mem>>) {add = true}
    %dma_wait3A_768 = arith.constant 0 : i32
    %dma_wait3A_769 = arith.constant 0 : i32
    %dma_wait3A_770 = arith.constant 1 : i32
    %dma_wait3A_771 = arith.constant 0 : i32
    %dma_wait3A_772 = arith.constant 0 : i32
    %dma_wait3A_773 = tpu.memref_slice %arg10[%dma_wait3A_768, %dma_wait3A_771, %dma_wait3A_772] : memref<2x40x128xf32, #tpu.memory_space<vmem>> -> memref<1x40x128xf32, #tpu.memory_space<vmem>>
    %dma_wait3A_774 = tpu.memref_squeeze %dma_wait3A_773 : memref<1x40x128xf32, #tpu.memory_space<vmem>> -> memref<40x128xf32, #tpu.memory_space<vmem>>
    %dma_wait3A_775 = arith.constant 0 : i32
    %dma_wait3A_776 = tpu.memref_slice %arg7[%dma_wait3A_769, %dma_wait3A_770, %dma_wait3A_775] : memref<4x2x40xi32, #tpu.memory_space<vmem>> -> memref<1x1x40xi32, #tpu.memory_space<vmem>>
    %dma_wait3A_777 = tpu.memref_squeeze %dma_wait3A_776 : memref<1x1x40xi32, #tpu.memory_space<vmem>> -> memref<40xi32, #tpu.memory_space<vmem>>
    %dma_wait3A_778 = arith.constant 0 : i32
    %dma_wait3A_779 = arith.constant 0 : i32
    %dma_wait3A_780 = tpu.memref_slice %arg11[%dma_wait3A_778, %dma_wait3A_779] : memref<10000x128xf32, #tpu.memory_space<vmem_shared>> -> memref<10000x128xf32, #tpu.memory_space<vmem_shared>>
    tpu.wait_indirect_dma semaphore(%arg20 : memref<!tpu.dma_semaphore, #tpu.memory_space<semaphore_mem>>) src(%dma_wait3A_774 : memref<40x128xf32, #tpu.memory_space<vmem>>) dst(%dma_wait3A_780 : memref<10000x128xf32, #tpu.memory_space<vmem_shared>>)
    %dma_wait3A_781 = arith.constant 1 : i32
    %dma_wait3A_782 = arith.constant 1 : i32
    %dma_wait3A_783 = arith.constant 1 : i32
    %dma_wait3A_784 = arith.constant 0 : i32
    %dma_wait3A_785 = arith.constant 0 : i32
    %dma_wait3A_786 = tpu.memref_slice %arg10[%dma_wait3A_781, %dma_wait3A_784, %dma_wait3A_785] : memref<2x40x128xf32, #tpu.memory_space<vmem>> -> memref<1x40x128xf32, #tpu.memory_space<vmem>>
    %dma_wait3A_787 = tpu.memref_squeeze %dma_wait3A_786 : memref<1x40x128xf32, #tpu.memory_space<vmem>> -> memref<40x128xf32, #tpu.memory_space<vmem>>
    %dma_wait3A_788 = arith.constant 0 : i32
    %dma_wait3A_789 = tpu.memref_slice %arg7[%dma_wait3A_782, %dma_wait3A_783, %dma_wait3A_788] : memref<4x2x40xi32, #tpu.memory_space<vmem>> -> memref<1x1x40xi32, #tpu.memory_space<vmem>>
    %dma_wait3A_790 = tpu.memref_squeeze %dma_wait3A_789 : memref<1x1x40xi32, #tpu.memory_space<vmem>> -> memref<40xi32, #tpu.memory_space<vmem>>
    %dma_wait3A_791 = arith.constant 0 : i32
    %dma_wait3A_792 = arith.constant 0 : i32
    %dma_wait3A_793 = tpu.memref_slice %arg11[%dma_wait3A_791, %dma_wait3A_792] : memref<10000x128xf32, #tpu.memory_space<vmem_shared>> -> memref<10000x128xf32, #tpu.memory_space<vmem_shared>>
    tpu.wait_indirect_dma semaphore(%arg21 : memref<!tpu.dma_semaphore, #tpu.memory_space<semaphore_mem>>) src(%dma_wait3A_787 : memref<40x128xf32, #tpu.memory_space<vmem>>) dst(%dma_wait3A_793 : memref<10000x128xf32, #tpu.memory_space<vmem_shared>>)
    %barrier3A_794 = arith.constant 0 : index
    tpu.barrier barrier_id(%barrier3A_794)
    %eq3A_795 = arith.constant 15 : i32
    %eq3A_796 = arith.cmpi eq, %arg1, %eq3A_795 : i32
    %convert_element_type3A_797 = arith.extui %eq3A_796 : i1 to i32
    %cond3A_798 = arith.constant 0 : i32
    %cond3A_799 = arith.cmpi ne, %convert_element_type3A_797, %cond3A_798 : i32
    scf.if %cond3A_799 {
      "tpu.region"() ({
        %run_scoped3A = tpu.sem_alloc : memref<!tpu.dma_semaphore, #tpu.memory_space<semaphore_mem>>
        %dma_start3A_805 = arith.constant 0 : i32
        %dma_start3A_806 = tpu.memref_slice %arg6[%arg0, %mul3A_7, %dma_start3A_805] : memref<2x10000x128xf32, #tpu.memory_space<hbm>> -> memref<1x640x128xf32, #tpu.memory_space<hbm>>
        %dma_start3A_807 = tpu.memref_squeeze %dma_start3A_806 : memref<1x640x128xf32, #tpu.memory_space<hbm>> -> memref<640x128xf32, #tpu.memory_space<hbm>>
        %dma_start3A_808 = arith.constant 0 : i32
        %dma_start3A_809 = tpu.memref_slice %arg11[%mul3A_7, %dma_start3A_808] : memref<10000x128xf32, #tpu.memory_space<vmem_shared>> -> memref<640x128xf32, #tpu.memory_space<vmem_shared>>
        tpu.enqueue_dma source(%dma_start3A_809 : memref<640x128xf32, #tpu.memory_space<vmem_shared>>) target(%dma_start3A_807 : memref<640x128xf32, #tpu.memory_space<hbm>>) target_semaphore(%run_scoped3A : memref<!tpu.dma_semaphore, #tpu.memory_space<semaphore_mem>>)
        %dma_wait3A_810 = arith.constant 0 : i32
        %dma_wait3A_811 = tpu.memref_slice %arg6[%arg0, %mul3A_7, %dma_wait3A_810] : memref<2x10000x128xf32, #tpu.memory_space<hbm>> -> memref<1x640x128xf32, #tpu.memory_space<hbm>>
        %dma_wait3A_812 = tpu.memref_squeeze %dma_wait3A_811 : memref<1x640x128xf32, #tpu.memory_space<hbm>> -> memref<640x128xf32, #tpu.memory_space<hbm>>
        %dma_wait3A_813 = arith.constant 0 : i32
        %dma_wait3A_814 = tpu.memref_slice %arg11[%mul3A_7, %dma_wait3A_813] : memref<10000x128xf32, #tpu.memory_space<vmem_shared>> -> memref<640x128xf32, #tpu.memory_space<vmem_shared>>
        tpu.wait_dma2 semaphore(%run_scoped3A : memref<!tpu.dma_semaphore, #tpu.memory_space<semaphore_mem>>) src(%dma_wait3A_814 : memref<640x128xf32, #tpu.memory_space<vmem_shared>>) dst(%dma_wait3A_812 : memref<640x128xf32, #tpu.memory_space<hbm>>)
        tpu.yield
      }) : () -> ()
    } else {
    }
    %ne3A_800 = arith.constant 15 : i32
    %ne3A_801 = arith.cmpi ne, %arg1, %ne3A_800 : i32
    %convert_element_type3A_802 = arith.extui %ne3A_801 : i1 to i32
    %cond3A_803 = arith.constant 0 : i32
    %cond3A_804 = arith.cmpi ne, %convert_element_type3A_802, %cond3A_803 : i32
    scf.if %cond3A_804 {
      "tpu.region"() ({
        %run_scoped3A = tpu.sem_alloc : memref<!tpu.dma_semaphore, #tpu.memory_space<semaphore_mem>>
        %dma_start3A_805 = arith.constant 0 : i32
        %dma_start3A_806 = tpu.memref_slice %arg6[%arg0, %mul3A_7, %dma_start3A_805] : memref<2x10000x128xf32, #tpu.memory_space<hbm>> -> memref<1x624x128xf32, #tpu.memory_space<hbm>>
        %dma_start3A_807 = tpu.memref_squeeze %dma_start3A_806 : memref<1x624x128xf32, #tpu.memory_space<hbm>> -> memref<624x128xf32, #tpu.memory_space<hbm>>
        %dma_start3A_808 = arith.constant 0 : i32
        %dma_start3A_809 = tpu.memref_slice %arg11[%mul3A_7, %dma_start3A_808] : memref<10000x128xf32, #tpu.memory_space<vmem_shared>> -> memref<624x128xf32, #tpu.memory_space<vmem_shared>>
        tpu.enqueue_dma source(%dma_start3A_809 : memref<624x128xf32, #tpu.memory_space<vmem_shared>>) target(%dma_start3A_807 : memref<624x128xf32, #tpu.memory_space<hbm>>) target_semaphore(%run_scoped3A : memref<!tpu.dma_semaphore, #tpu.memory_space<semaphore_mem>>)
        %dma_wait3A_810 = arith.constant 0 : i32
        %dma_wait3A_811 = tpu.memref_slice %arg6[%arg0, %mul3A_7, %dma_wait3A_810] : memref<2x10000x128xf32, #tpu.memory_space<hbm>> -> memref<1x624x128xf32, #tpu.memory_space<hbm>>
        %dma_wait3A_812 = tpu.memref_squeeze %dma_wait3A_811 : memref<1x624x128xf32, #tpu.memory_space<hbm>> -> memref<624x128xf32, #tpu.memory_space<hbm>>
        %dma_wait3A_813 = arith.constant 0 : i32
        %dma_wait3A_814 = tpu.memref_slice %arg11[%mul3A_7, %dma_wait3A_813] : memref<10000x128xf32, #tpu.memory_space<vmem_shared>> -> memref<624x128xf32, #tpu.memory_space<vmem_shared>>
        tpu.wait_dma2 semaphore(%run_scoped3A : memref<!tpu.dma_semaphore, #tpu.memory_space<semaphore_mem>>) src(%dma_wait3A_814 : memref<624x128xf32, #tpu.memory_space<vmem_shared>>) dst(%dma_wait3A_812 : memref<624x128xf32, #tpu.memory_space<hbm>>)
        tpu.yield
      }) : () -> ()
    } else {
    }
    return
  }
}

module attributes {stable_mosaic.version = 14 : i64} {
  func.func @_lin1_body(%arg0: memref<10000x128xf32, #tpu.memory_space<vmem>>, %arg1: memref<128x128xf32, #tpu.memory_space<vmem>>, %arg2: memref<10000x128xf32, #tpu.memory_space<vmem>>) attributes {dimension_semantics = [], scalar_prefetch = 0 : i64, scratch_operands = 0 : i64, tpu.core_type = #tpu.core_type<tc>} {
    %get3A = arith.constant 0 : index
    %get3A_0 = arith.constant 0 : index
    %get3A_1 = vector.load %arg0[%get3A, %get3A_0] : memref<10000x128xf32, #tpu.memory_space<vmem>>, vector<10000x128xf32>
    %get3A_2 = arith.constant 0 : index
    %get3A_3 = arith.constant 0 : index
    %get3A_4 = vector.load %arg1[%get3A_2, %get3A_3] : memref<128x128xf32, #tpu.memory_space<vmem>>, vector<128x128xf32>
    %dot_general3A = arith.constant dense<0.000000e+00> : vector<10000x128xf32>
    %dot_general3A_5 = tpu.matmul %get3A_1, %get3A_4, %dot_general3A {dimension_numbers = #tpu.dot_dimension_numbers<[1], [0], [0], [1], [0, 0, 1, 1], [], []>, transpose_lhs_hint = false} : vector<10000x128xf32>, vector<128x128xf32>, vector<10000x128xf32> -> vector<10000x128xf32>
    %swap3A = arith.constant 0 : index
    %swap3A_6 = arith.constant 0 : index
    %swap3A_7 = vector.load %arg2[%swap3A, %swap3A_6] : memref<10000x128xf32, #tpu.memory_space<vmem>>, vector<10000x128xf32>
    tpu.vector_store %arg2[%swap3A, %swap3A_6], %dot_general3A_5 {strides = array<i32>} : memref<10000x128xf32, #tpu.memory_space<vmem>>, vector<10000x128xf32>,
    return
  }
}

module attributes {stable_mosaic.version = 14 : i64} {
  func.func @_cutoff_body(%arg0: memref<2500x128xf32, #tpu.memory_space<vmem>>, %arg1: memref<2500x128xf32, #tpu.memory_space<vmem>>) attributes {dimension_semantics = [], scalar_prefetch = 0 : i64, scratch_operands = 0 : i64, tpu.core_type = #tpu.core_type<tc>} {
    %get3A = arith.constant 0 : index
    %get3A_0 = arith.constant 0 : index
    %get3A_1 = vector.load %arg0[%get3A, %get3A_0] : memref<2500x128xf32, #tpu.memory_space<vmem>>, vector<2500x128xf32>
    %mul3A = arith.constant 0.314159274 : f32
    %mul3A_2 = vector.broadcast %mul3A : f32 to vector<2500x128xf32>
    %mul3A_3 = arith.mulf %get3A_1, %mul3A_2 : vector<2500x128xf32>
    %cos3A = math.cos %mul3A_3 : vector<2500x128xf32>
    %add3A = arith.constant 1.000000e+00 : f32
    %add3A_4 = vector.broadcast %add3A : f32 to vector<2500x128xf32>
    %add3A_5 = arith.addf %cos3A, %add3A_4 : vector<2500x128xf32>
    %mul3A_6 = arith.constant 5.000000e-01 : f32
    %mul3A_7 = vector.broadcast %mul3A_6 : f32 to vector<2500x128xf32>
    %mul3A_8 = arith.mulf %mul3A_7, %add3A_5 : vector<2500x128xf32>
    %swap3A = arith.constant 0 : index
    %swap3A_9 = arith.constant 0 : index
    %swap3A_10 = vector.load %arg1[%swap3A, %swap3A_9] : memref<2500x128xf32, #tpu.memory_space<vmem>>, vector<2500x128xf32>
    tpu.vector_store %arg1[%swap3A, %swap3A_9], %mul3A_8 {strides = array<i32>} : memref<2500x128xf32, #tpu.memory_space<vmem>>, vector<2500x128xf32>,
    return
  }
}

module attributes {stable_mosaic.version = 14 : i64} {
  func.func @_filter_body(%arg0: i32, %arg1: memref<16000x16xf32, #tpu.memory_space<vmem>>, %arg2: memref<320000xf32, #tpu.memory_space<vmem>>, %arg3: memref<16x128xf32, #tpu.memory_space<vmem>>, %arg4: memref<1x128xf32, #tpu.memory_space<vmem>>, %arg5: memref<128x128xf32, #tpu.memory_space<vmem>>, %arg6: memref<1x128xf32, #tpu.memory_space<vmem>>, %arg7: memref<16000x128xf32, #tpu.memory_space<vmem>>) attributes {dimension_semantics = [#tpu.dimension_semantics<arbitrary>], iteration_bounds = array<i64: 20>, scalar_prefetch = 0 : i64, scratch_operands = 0 : i64, tpu.core_type = #tpu.core_type<tc>, window_params = [{transform_indices = @transform_0, window_bounds = array<i64: 16000, 16>}, {pipeline_mode = #tpu.pipeline_mode<synchronous>, transform_indices = @transform_1, window_bounds = array<i64: 320000>}, {pipeline_mode = #tpu.pipeline_mode<synchronous>, transform_indices = @transform_2, window_bounds = array<i64: 16, 128>}, {pipeline_mode = #tpu.pipeline_mode<synchronous>, transform_indices = @transform_3, window_bounds = array<i64: 1, 128>}, {pipeline_mode = #tpu.pipeline_mode<synchronous>, transform_indices = @transform_4, window_bounds = array<i64: 128, 128>}, {pipeline_mode = #tpu.pipeline_mode<synchronous>, transform_indices = @transform_5, window_bounds = array<i64: 1, 128>}, {transform_indices = @transform_6, window_bounds = array<i64: 16000, 128>}]} {
    %get3A = arith.constant 0 : index
    %get3A_0 = arith.constant 0 : index
    %get3A_1 = vector.load %arg1[%get3A, %get3A_0] : memref<16000x16xf32, #tpu.memory_space<vmem>>, vector<16000x16xf32>
    %get3A_2 = arith.constant 0 : index
    %get3A_3 = arith.constant 0 : index
    %get3A_4 = vector.load %arg3[%get3A_2, %get3A_3] : memref<16x128xf32, #tpu.memory_space<vmem>>, vector<16x128xf32>
    %dot_general3A = arith.constant dense<0.000000e+00> : vector<16000x128xf32>
    %dot_general3A_5 = tpu.matmul %get3A_1, %get3A_4, %dot_general3A {dimension_numbers = #tpu.dot_dimension_numbers<[1], [0], [0], [1], [0, 0, 1, 1], [], []>, transpose_lhs_hint = false} : vector<16000x16xf32>, vector<16x128xf32>, vector<16000x128xf32> -> vector<16000x128xf32>
    %get3A_6 = arith.constant 0 : index
    %get3A_7 = arith.constant 0 : index
    %get3A_8 = vector.load %arg4[%get3A_6, %get3A_7] : memref<1x128xf32, #tpu.memory_space<vmem>>, vector<1x128xf32>
    %add3A = vector.broadcast %get3A_8 : vector<1x128xf32> to vector<16000x128xf32>
    %add3A_9 = arith.addf %dot_general3A_5, %add3A : vector<16000x128xf32>
    %max3A = arith.constant 0.000000e+00 : f32
    %max3A_10 = vector.broadcast %max3A : f32 to vector<16000x128xf32>
    %max3A_11 = arith.maximumf %add3A_9, %max3A_10 : vector<16000x128xf32>
    %get3A_12 = arith.constant 0 : index
    %get3A_13 = arith.constant 0 : index
    %get3A_14 = vector.load %arg5[%get3A_12, %get3A_13] : memref<128x128xf32, #tpu.memory_space<vmem>>, vector<128x128xf32>
    %dot_general3A_15 = arith.constant dense<0.000000e+00> : vector<16000x128xf32>
    %dot_general3A_16 = tpu.matmul %max3A_11, %get3A_14, %dot_general3A_15 {dimension_numbers = #tpu.dot_dimension_numbers<[1], [0], [0], [1], [0, 0, 1, 1], [], []>, transpose_lhs_hint = false} : vector<16000x128xf32>, vector<128x128xf32>, vector<16000x128xf32> -> vector<16000x128xf32>
    %get3A_17 = arith.constant 0 : index
    %get3A_18 = arith.constant 0 : index
    %get3A_19 = vector.load %arg6[%get3A_17, %get3A_18] : memref<1x128xf32, #tpu.memory_space<vmem>>, vector<1x128xf32>
    %add3A_20 = vector.broadcast %get3A_19 : vector<1x128xf32> to vector<16000x128xf32>
    %add3A_21 = arith.addf %dot_general3A_16, %add3A_20 : vector<16000x128xf32>
    %mul3A = arith.constant 16000 : i32
    %mul3A_22 = arith.muli %arg0, %mul3A : i32
    %get3A_23 = arith.index_cast %mul3A_22 : i32 to index
    %get3A_24 = vector.load %arg2[%get3A_23] : memref<320000xf32, #tpu.memory_space<vmem>>, vector<16000xf32>
    %broadcast_in_dim3A = vector.shape_cast %get3A_24 : vector<16000xf32> to vector<16000x1xf32>
    %mul3A_25 = vector.broadcast %broadcast_in_dim3A : vector<16000x1xf32> to vector<16000x128xf32>
    %mul3A_26 = arith.mulf %add3A_21, %mul3A_25 : vector<16000x128xf32>
    %swap3A = arith.constant 0 : index
    %swap3A_27 = arith.constant 0 : index
    %swap3A_28 = vector.load %arg7[%swap3A, %swap3A_27] : memref<16000x128xf32, #tpu.memory_space<vmem>>, vector<16000x128xf32>
    tpu.vector_store %arg7[%swap3A, %swap3A_27], %mul3A_26 {strides = array<i32>} : memref<16000x128xf32, #tpu.memory_space<vmem>>, vector<16000x128xf32>,
    return
  }
  func.func @transform_0(%arg0: i32) -> (i32, i32) {
    %c0_i32 = arith.constant 0 : i32
    %c0_i32_0 = arith.constant 0 : i32
    return %arg0, %c0_i32 : i32, i32
  }
  func.func @transform_1(%arg0: i32) -> i32 {
    %c0_i32 = arith.constant 0 : i32
    %c0_i32_0 = arith.constant 0 : i32
    return %c0_i32 : i32
  }
  func.func @transform_2(%arg0: i32) -> (i32, i32) {
    %c0_i32 = arith.constant 0 : i32
    %c0_i32_0 = arith.constant 0 : i32
    %c0_i32_1 = arith.constant 0 : i32
    return %c0_i32, %c0_i32_0 : i32, i32
  }
  func.func @transform_3(%arg0: i32) -> (i32, i32) {
    %c0_i32 = arith.constant 0 : i32
    %c0_i32_0 = arith.constant 0 : i32
    %c0_i32_1 = arith.constant 0 : i32
    return %c0_i32, %c0_i32_0 : i32, i32
  }
  func.func @transform_4(%arg0: i32) -> (i32, i32) {
    %c0_i32 = arith.constant 0 : i32
    %c0_i32_0 = arith.constant 0 : i32
    %c0_i32_1 = arith.constant 0 : i32
    return %c0_i32, %c0_i32_0 : i32, i32
  }
  func.func @transform_5(%arg0: i32) -> (i32, i32) {
    %c0_i32 = arith.constant 0 : i32
    %c0_i32_0 = arith.constant 0 : i32
    %c0_i32_1 = arith.constant 0 : i32
    return %c0_i32, %c0_i32_0 : i32, i32
  }
  func.func @transform_6(%arg0: i32) -> (i32, i32) {
    %c0_i32 = arith.constant 0 : i32
    %c0_i32_0 = arith.constant 0 : i32
    return %arg0, %c0_i32 : i32, i32
  }
}

module attributes {stable_mosaic.version = 14 : i64} {
  func.func @_tail_body(%arg0: i32, %arg1: memref<2000x128xf32, #tpu.memory_space<vmem>>, %arg2: memref<2000x128xf32, #tpu.memory_space<vmem>>, %arg3: memref<2000x128xf32, #tpu.memory_space<vmem>>, %arg4: memref<128x128xf32, #tpu.memory_space<vmem>>, %arg5: memref<1x128xf32, #tpu.memory_space<vmem>>, %arg6: memref<128x128xf32, #tpu.memory_space<vmem>>, %arg7: memref<1x128xf32, #tpu.memory_space<vmem>>, %arg8: memref<2000x128xf32, #tpu.memory_space<vmem>>) attributes {dimension_semantics = [#tpu.dimension_semantics<arbitrary>], iteration_bounds = array<i64: 5>, scalar_prefetch = 0 : i64, scratch_operands = 0 : i64, tpu.core_type = #tpu.core_type<tc>, window_params = [{transform_indices = @transform_0, window_bounds = array<i64: 2000, 128>}, {transform_indices = @transform_1, window_bounds = array<i64: 2000, 128>}, {transform_indices = @transform_2, window_bounds = array<i64: 2000, 128>}, {pipeline_mode = #tpu.pipeline_mode<synchronous>, transform_indices = @transform_3, window_bounds = array<i64: 128, 128>}, {pipeline_mode = #tpu.pipeline_mode<synchronous>, transform_indices = @transform_4, window_bounds = array<i64: 1, 128>}, {pipeline_mode = #tpu.pipeline_mode<synchronous>, transform_indices = @transform_5, window_bounds = array<i64: 128, 128>}, {pipeline_mode = #tpu.pipeline_mode<synchronous>, transform_indices = @transform_6, window_bounds = array<i64: 1, 128>}, {transform_indices = @transform_7, window_bounds = array<i64: 2000, 128>}]} {
    %get3A = arith.constant 0 : index
    %get3A_0 = arith.constant 0 : index
    %get3A_1 = vector.load %arg1[%get3A, %get3A_0] : memref<2000x128xf32, #tpu.memory_space<vmem>>, vector<2000x128xf32>
    %get3A_2 = arith.constant 0 : index
    %get3A_3 = arith.constant 0 : index
    %get3A_4 = vector.load %arg2[%get3A_2, %get3A_3] : memref<2000x128xf32, #tpu.memory_space<vmem>>, vector<2000x128xf32>
    %add3A = arith.addf %get3A_1, %get3A_4 : vector<2000x128xf32>
    %get3A_5 = arith.constant 0 : index
    %get3A_6 = arith.constant 0 : index
    %get3A_7 = vector.load %arg4[%get3A_5, %get3A_6] : memref<128x128xf32, #tpu.memory_space<vmem>>, vector<128x128xf32>
    %dot_general3A = arith.constant dense<0.000000e+00> : vector<2000x128xf32>
    %dot_general3A_8 = tpu.matmul %add3A, %get3A_7, %dot_general3A {dimension_numbers = #tpu.dot_dimension_numbers<[1], [0], [0], [1], [0, 0, 1, 1], [], []>, transpose_lhs_hint = false} : vector<2000x128xf32>, vector<128x128xf32>, vector<2000x128xf32> -> vector<2000x128xf32>
    %get3A_9 = arith.constant 0 : index
    %get3A_10 = arith.constant 0 : index
    %get3A_11 = vector.load %arg5[%get3A_9, %get3A_10] : memref<1x128xf32, #tpu.memory_space<vmem>>, vector<1x128xf32>
    %add3A_12 = vector.broadcast %get3A_11 : vector<1x128xf32> to vector<2000x128xf32>
    %add3A_13 = arith.addf %dot_general3A_8, %add3A_12 : vector<2000x128xf32>
    %max3A = arith.constant 0.000000e+00 : f32
    %max3A_14 = vector.broadcast %max3A : f32 to vector<2000x128xf32>
    %max3A_15 = arith.maximumf %add3A_13, %max3A_14 : vector<2000x128xf32>
    %get3A_16 = arith.constant 0 : index
    %get3A_17 = arith.constant 0 : index
    %get3A_18 = vector.load %arg3[%get3A_16, %get3A_17] : memref<2000x128xf32, #tpu.memory_space<vmem>>, vector<2000x128xf32>
    %get3A_19 = arith.constant 0 : index
    %get3A_20 = arith.constant 0 : index
    %get3A_21 = vector.load %arg6[%get3A_19, %get3A_20] : memref<128x128xf32, #tpu.memory_space<vmem>>, vector<128x128xf32>
    %dot_general3A_22 = arith.constant dense<0.000000e+00> : vector<2000x128xf32>
    %dot_general3A_23 = tpu.matmul %max3A_15, %get3A_21, %dot_general3A_22 {dimension_numbers = #tpu.dot_dimension_numbers<[1], [0], [0], [1], [0, 0, 1, 1], [], []>, transpose_lhs_hint = false} : vector<2000x128xf32>, vector<128x128xf32>, vector<2000x128xf32> -> vector<2000x128xf32>
    %add3A_24 = arith.addf %get3A_18, %dot_general3A_23 : vector<2000x128xf32>
    %get3A_25 = arith.constant 0 : index
    %get3A_26 = arith.constant 0 : index
    %get3A_27 = vector.load %arg7[%get3A_25, %get3A_26] : memref<1x128xf32, #tpu.memory_space<vmem>>, vector<1x128xf32>
    %add3A_28 = vector.broadcast %get3A_27 : vector<1x128xf32> to vector<2000x128xf32>
    %add3A_29 = arith.addf %add3A_24, %add3A_28 : vector<2000x128xf32>
    %swap3A = arith.constant 0 : index
    %swap3A_30 = arith.constant 0 : index
    %swap3A_31 = vector.load %arg8[%swap3A, %swap3A_30] : memref<2000x128xf32, #tpu.memory_space<vmem>>, vector<2000x128xf32>
    tpu.vector_store %arg8[%swap3A, %swap3A_30], %add3A_29 {strides = array<i32>} : memref<2000x128xf32, #tpu.memory_space<vmem>>, vector<2000x128xf32>,
    return
  }
  func.func @transform_0(%arg0: i32) -> (i32, i32) {
    %c0_i32 = arith.constant 0 : i32
    %c0_i32_0 = arith.constant 0 : i32
    return %arg0, %c0_i32 : i32, i32
  }
  func.func @transform_1(%arg0: i32) -> (i32, i32) {
    %c0_i32 = arith.constant 0 : i32
    %c0_i32_0 = arith.constant 0 : i32
    return %arg0, %c0_i32 : i32, i32
  }
  func.func @transform_2(%arg0: i32) -> (i32, i32) {
    %c0_i32 = arith.constant 0 : i32
    %c0_i32_0 = arith.constant 0 : i32
    return %arg0, %c0_i32 : i32, i32
  }
  func.func @transform_3(%arg0: i32) -> (i32, i32) {
    %c0_i32 = arith.constant 0 : i32
    %c0_i32_0 = arith.constant 0 : i32
    %c0_i32_1 = arith.constant 0 : i32
    return %c0_i32, %c0_i32_0 : i32, i32
  }
  func.func @transform_4(%arg0: i32) -> (i32, i32) {
    %c0_i32 = arith.constant 0 : i32
    %c0_i32_0 = arith.constant 0 : i32
    %c0_i32_1 = arith.constant 0 : i32
    return %c0_i32, %c0_i32_0 : i32, i32
  }
  func.func @transform_5(%arg0: i32) -> (i32, i32) {
    %c0_i32 = arith.constant 0 : i32
    %c0_i32_0 = arith.constant 0 : i32
    %c0_i32_1 = arith.constant 0 : i32
    return %c0_i32, %c0_i32_0 : i32, i32
  }
  func.func @transform_6(%arg0: i32) -> (i32, i32) {
    %c0_i32 = arith.constant 0 : i32
    %c0_i32_0 = arith.constant 0 : i32
    %c0_i32_1 = arith.constant 0 : i32
    return %c0_i32, %c0_i32_0 : i32, i32
  }
  func.func @transform_7(%arg0: i32) -> (i32, i32) {
    %c0_i32 = arith.constant 0 : i32
    %c0_i32_0 = arith.constant 0 : i32
    return %arg0, %c0_i32 : i32, i32
  }
}

</mosaic_0001>

<sc_bundles>
// kernel: kernel.7.cloned.1.call-start
scs
__scs_entry_jumppad:
0x0: {  	(pc) =	sbr.rel $0x88, $3  }
0x1: {  	(tag) =	ssettag $0x0;
	lr =	simm.s32 $0x1  }
0x2: {  	[smem:$0x3F94] =	sst lr;
	_ =	strace $0xD0000000  }
0x3: {  	_ = 	snop  }
0x4: {  	_ = 	snop  }
0x5: {  	_ = 	snop  }
0x6: {  	_ = 	snop  }
0x7: {  	_ = 	snop  }
__scs_overlays_trampoline_lowered:
0x8: {  	[smem:$0x3FA3] =	sst s0  }
0x9: {  	[smem:$0x3FA4] =	sst s1  }
0xa: {  	[smem:$0x3FA5] =	sst s2  }
0xb: {  	[smem:$0x3FA6] =	sst s3  }
0xc: {  	[smem:$0x3FA7] =	sst s4  }
0xd: {  	[smem:$0x3FA8] =	sst s5  }
0xe: {  	[smem:$0x3FA9] =	sst s6  }
0xf: {  	[smem:$0x3FAA] =	sst s7  }
0x10: {  	[smem:$0x3FAB] =	sst s8  }
0x11: {  	[smem:$0x3FAC] =	sst s9;
	s0 =	simm.s32 @!p0 $0x0  }
0x12: {  	s1 =	sld [smem:$0x3F92];
	s0 =	simm.s32 @p0 $0x1  }
0x13: {  	[smem:$0x3FAD] =	sst s0;
	s0 =	simm.s32 @!p1 $0x0  }
0x14: {  	s2 =	sld [smem:$0x3F91];
	s0 =	simm.s32 @p1 $0x1  }
0x15: {  	[smem:$0x3FAE] =	sst s0;
	s0 =	simm.s32 @!p2 $0x0  }
0x16: {  	s3 =	sld [smem:$0x3FDB];
	s0 =	simm.s32 @p2 $0x1  }
0x17: {  	s4 =	simm.s32 $0x1BF5;
	[smem:$0x3FB0] =	sst s0  }
0x18: {  	s0 =	sld [smem:$0x3F93];
	_ =	swait.ge [sflag:s4], $0x0  }
0x19: {  	s7 =	sld [smem:$0x3F94]  }
0x1a: {  	s8 =	sadd.s32 $0xFFFFE003, lr  }
0x1b: {  	s9 =	sadd.s32 $0xFFFFFEF7, lr;
	s5 =	simm.s32 $0xFFFFFFFF;
	p2 =	slt.u32 s8, $0xFFFFF086  }
0x1c: {  	p1 =	slt.u32 s9, $0xF7A;
	s5 =	simm.s32 @!p2 $0x0  }
0x1d: {  	s5 =	simm.s32 @p1 $0x1;
	p0 =	seq.s32 s7, s2  }
0x1e: {  	s7 =	smul.u32 @!p0 $0xF7A, s2;
	p2 =	seq.s32 @!p0 s5, $0x0  }
0x1f: {  	s9 =	smul.u32 $0xF7A, s1;
	s8 =	simm.s32 @!p0 $0x1BF5;
	p2 =	por !p2, p0  }
0x20: {  	[sflag:s8] =	ssyncset.s32 @!p0 $0xFFFFF086;
	s6 =	sadd.s32 @!p0 s3, s7;
	s7 =	simm.s32 @!p0 $0x108  }
0x21: {  	s3 =	sadd.s32 s3, s9;
	s6 =	sadd.s32 @!p0 $0x88, s6;
	s7 =	simm.s32 @p2 $0x1082  }
0x22: {  	[simem:s7], [sflag:s8] =	dma.local @!p0 [hbm:s6], $0xF7A  }
0x23: {  	s9 =	sor.u32 $0xD0000000, s2;
	s6 =	simm.s32 $0x108;
	_ =	swait.ge @!p0 [sflag:s8], $0x0  }
0x24: {  	s3 =	sadd.s32 $0x88, s3;
	s6 =	simm.s32 @!p1 $0x1082;
	[sflag:s4] =	ssyncset.s32 $0xFFFFF086  }
0x25: {  	[simem:s6], [sflag:s4] =	dma.local [hbm:s3], $0xF7A  }
0x26: {  	[smem:$0x3F94] =	sst s1;
	(tag) =	ssettag s2;
	_ =	strace s9  }
0x27: {  	s1 =	sld [smem:$0x3FA4]  }
0x28: {  	s2 =	sld [smem:$0x3FA5]  }
0x29: {  	s4 =	sld [smem:$0x3FA7]  }
0x2a: {  	p0 =	seq.s32 s5, $0x0;
	s5 =	sld [smem:$0x3FA8]  }
0x2b: {  	s6 =	sld [smem:$0x3FA9]  }
0x2c: {  	s7 =	sld [smem:$0x3FAA]  }
0x2d: {  	s3 =	simm.s32 $0x108;
	s8 =	sld [smem:$0x3FAB]  }
0x2e: {  	s3 =	simm.s32 @!p0 $0x1082;
	s9 =	sld [smem:$0x3FAC]  }
0x2f: {  	lr =	sadd.s32 s0, s3;
	s0 =	sld [smem:$0x3FA3]  }
0x30: {  	s3 =	sld [smem:$0x3FA6]  }
0x31: {  	[smem:$0x3FAF] =	sst s10  }
0x32: {  	s10 =	sld [smem:$0x3FAD];
	_ =	sdelay $0x3  }
0x33: {  	p0 =	seq.s32 s10, $0x1;
	s10 =	sld [smem:$0x3FAF];
	_ =	sdelay $0x3  }
0x34: {  	[smem:$0x3FAF] =	sst s10  }
0x35: {  	s10 =	sld [smem:$0x3FAE];
	_ =	sdelay $0x3  }
0x36: {  	p1 =	seq.s32 s10, $0x1;
	s10 =	sld [smem:$0x3FAF];
	_ =	sdelay $0x3  }
0x37: {  	[smem:$0x3FAF] =	sst s10  }
0x38: {  	s10 =	sld [smem:$0x3FB0]  }
0x39: {  	_ = 	snop;
	(pc) =	sbr.ind lr, $3  }
0x3a: {  	_ = 	snop  }
0x3b: {  	_ = 	snop  }
0x3c: {  	p2 =	seq.s32 s10, $0x1;
	s10 =	sld [smem:$0x3FAF]  }
0x3d: {  	_ =	shalt  }
0x3e: {  	_ =	shalt  }
0x3f: {  	_ =	shalt  }
0x40: {  	_ =	shalt  }
0x41: {  	_ =	shalt  }
0x42: {  	_ =	shalt  }
0x43: {  	_ =	shalt  }
0x44: {  	_ =	shalt  }
0x45: {  	_ =	shalt  }
0x46: {  	_ =	shalt  }
0x47: {  	_ =	shalt  }
0x48: {  	_ =	shalt  }
0x49: {  	_ =	shalt  }
0x4a: {  	_ =	shalt  }
0x4b: {  	_ =	shalt  }
0x4c: {  	_ =	shalt  }
0x4d: {  	_ =	shalt  }
0x4e: {  	_ =	shalt  }
0x4f: {  	_ =	shalt  }
0x50: {  	_ =	shalt  }
0x51: {  	_ =	shalt  }
0x52: {  	_ =	shalt  }
0x53: {  	_ =	shalt  }
0x54: {  	_ =	shalt  }
0x55: {  	_ =	shalt  }
0x56: {  	_ =	shalt  }
0x57: {  	_ =	shalt  }
0x58: {  	_ =	shalt  }
0x59: {  	_ =	shalt  }
0x5a: {  	_ =	shalt  }
0x5b: {  	_ =	shalt  }
0x5c: {  	_ =	shalt  }
0x5d: {  	_ =	shalt  }
0x5e: {  	_ =	shalt  }
0x5f: {  	_ =	shalt  }
0x60: {  	_ =	shalt  }
0x61: {  	_ =	shalt  }
0x62: {  	_ =	shalt  }
0x63: {  	_ =	shalt  }
0x64: {  	_ =	shalt  }
0x65: {  	_ =	shalt  }
0x66: {  	_ =	shalt  }
0x67: {  	_ =	shalt  }
0x68: {  	_ =	shalt  }
0x69: {  	_ =	shalt  }
0x6a: {  	_ =	shalt  }
0x6b: {  	_ =	shalt  }
0x6c: {  	_ =	shalt  }
0x6d: {  	_ =	shalt  }
0x6e: {  	_ =	shalt  }
0x6f: {  	_ =	shalt  }
0x70: {  	_ =	shalt  }
0x71: {  	_ =	shalt  }
0x72: {  	_ =	shalt  }
0x73: {  	_ =	shalt  }
0x74: {  	_ =	shalt  }
0x75: {  	_ =	shalt  }
0x76: {  	_ =	shalt  }
0x77: {  	_ =	shalt  }
0x78: {  	_ =	shalt  }
0x79: {  	_ =	shalt  }
0x7a: {  	_ =	shalt  }
0x7b: {  	_ =	shalt  }
0x7c: {  	_ =	shalt  }
0x7d: {  	_ =	shalt  }
0x7e: {  	_ =	shalt  }
0x7f: {  	_ =	shalt  }
0x80: {  	_ =	shalt  }
0x81: {  	_ =	shalt  }
0x82: {  	_ =	shalt  }
0x83: {  	_ =	shalt  }
0x84: {  	_ =	shalt  }
0x85: {  	_ =	shalt  }
0x86: {  	_ =	shalt  }
0x87: {  	_ =	shalt  }
.Lfunc_end0:
.L_simem_size_0:
called_computation_lowered:
.L_overlay_start_0:
0x88: {  	s2 =	sld [smem:$0x3FD9]  }
0x89: {  	s3 =	sld [smem:$0x3FFE];
	_ =	sdelay $0x1  }
0x8a: {  	s1 =	srdreg.scid  }
0x8b: {  	s0 =	sand.u32 $0x1, s1  }
0x8c: {  	s17 =	sshll.u32 s0, $0xA;
	s2 =	sadd.s32 s3, s2  }
0x8d: {  	s2 =	sadd.s32 s2, s17  }
0x8e: {  	[smem:$0x3FBB] =	sst s2  }
0x8f: {  	_ = 	snop  }
0x90: {  	s2 =	sld [smem:$0x3FD0];
	(tm) =	ssettm $0x1  }
0x91: {  	s18 =	sld [smem:$0x3FFB];
	_ =	sdelay $0x3  }
0x92: {  	_ =	strace s18  }
0x93: {  	s3 =	sld [smem:$0x3FFC];
	_ =	sdelay $0x3  }
0x94: {  	_ =	strace s3  }
0x95: {  	s3 =	sld [smem:$0x3FFD];
	_ =	sdelay $0x3  }
0x96: {  	_ =	strace s3  }
0x97: {  	_ =	strace $0x8FFFFFFF  }
0x98: {  	s19 =	sld [smem:$0x3FDB];
	_ =	sdelay $0x1  }
0x99: {  	s4 =	simm.s32 $_scs_section_size  }
0x9a: {  	s5 =	simm.s32 $_size__tile_overlayer_lowered;
	s6 =	simm.s32 $_tile_overlayer_lowered  }
0x9b: {  	s22 =	simm.s32 $0x1BFF;
	s21 =	sshll.u32 s6, $0x1;
	s3 =	sadd.s32 s4, s19  }
0x9c: {  	s7 =	simm.s32 $0x0;
	s20 =	sshll.u32 s5, $0x1;
	s5 =	sadd.s32 s21, s3  }
0x9d: {  	[timem:s7], [sflag:s22] =	dma.local [hbm:s5], s20  }
0x9e: {  	_ =	swait.ge [sflag:s22], s20  }
0x9f: {  	s4 =	ssub.s32 $0x0, s20;
	[sflag:s22] =	ssyncset.done $0x0  }
0xa0: {  	[sflag:s22] =	ssyncadd.s32 s4;
	_ =	sdelay $0x1  }
0xa1: {  	s23 =	simm.s32 $0x1B8B  }
0xa2: {  	_ =	swait.ge [sflag:s23], $0x1  }
0xa3: {  	[sflag:s23] =	ssyncset.done $0x0  }
0xa4: {  	s25 =	simm.s32 $0x1B8E;
	s24 =	sld [smem:$0x3FFE];
	[sflag:s23] =	ssyncadd.s32 $0xFFFFFFFF  }
0xa5: {  	s26 =	simm.s32 $execute0_lowered;
	[smem:$0x3FD2] =	sst s25  }
0xa6: {  	s5 =	sshll.u32 s26, $0x1;
	_ =	strace $0x80000046;
	[dreg:$0x1] =	wrdreg $0xFFFFFFFF  }
0xa7: {  	s28 =	simm.s32 $_size_execute0_lowered;
	s3 =	sadd.s32 s3, s5;
	[dreg:$0x0] =	wrdreg $0x0  }
0xa8: {  	s5 =	sshll.u32 s28, $0x1;
	[dreg:$0x2] =	wrdreg s3  }
0xa9: {  	[dreg:$0x3] =	wrdreg s5  }
0xaa: {  	[dreg:$0x4] =	wrdreg $0xC0  }
0xab: {  	_ =	task [dreg:s7], $0x5FFFF  }
0xac: {  	[dreg:$0x1] =	wrdreg $0xFFFFFFFF  }
0xad: {  	[dreg:$0x0] =	wrdreg $0x60  }
0xae: {  	[dreg:$0x2] =	wrdreg s2  }
0xaf: {  	[dreg:$0x3] =	wrdreg s24  }
0xb0: {  	[dreg:$0x4] =	wrdreg $0x7C000  }
0xb1: {  	[dreg:$0x5] =	wrdreg $0x9  }
0xb2: {  	_ =	task.clear_ibuf [dreg:s7], $0x6FFFF;
	_ =	strace $0x90000046  }
0xb3: {  	s29 =	simm.s32 $0x9;
	_ =	strace $0x80000048  }
0xb4: {  	_ =	swait.ge [sflag:s29], $0x1  }
0xb5: {  	[sflag:s29] =	ssyncadd.s32 $0xFFFFFFFF  }
0xb6: {  	_ =	strace $0x90000048  }
0xb7: {  	_ =	sfence  }
0xb8: {  	s30 =	sld [smem:$0x0];
	_ =	sdelay $0x2  }
0xb9: {  	s31 =	sshll.u32 s1, $0xD;
	s1 =	sshrl.u32 s1, $0x2  }
0xba: {  	s3 =	sand.u32 $0x4000, s31;
	s1 =	sadd.s32 s1, s30  }
0xbb: {  	s0 =	sor.u32 s3, s0;
	s1 =	sshll.u32 s1, $0x11  }
0xbc: {  	s0 =	sor.u32 s1, s0  }
0xbd: {  	s0 =	sadd.s32 $0x8F2B, s0  }
0xbe: {  	[sflag:s0] =	ssyncadd.remote.s32 $0x1  }
0xbf: {  	_ =	sfence.sel $0xFFFF  }
0xc0: {  	[dreg:$0x0] =	wrdreg $0xFFFFFFFF;
	(pc) =	sbr.abs _section_cstart, $3  }
0xc1: {  	[dreg:$0x1] =	wrdreg $0xFFFFFFFF  }
0xc2: {  	_ =	task.clear_ibuf [dreg:s7], $0x2FFFF;
	_ =	strace $0x9FFFFFFF  }
0xc3: {  	(tm) =	ssettm $0x7FFFFFFF  }
tec
execute0_lowered:
.L_overlay_start_1:
0x0: {  	(tag) =	ssettag $0x1  }
0x1: {  	s1 =	rddreg [dreg:$0x0]  }
0x2: {  	s0 =	rddreg [dreg:$0x1]  }
0x3: {  	s2 =	rddreg [dreg:$0x2]  }
0x4: {  	s3 =	simm.s32 $0x0;
	s11 =	srdreg.scid;
	s13 =	stileid.u32  }
0x5: {  	s28 =	simm.s32 $0x3;
	s29 =	simm.s32 $0x6;
	[smem:$0x7FF] =	sst s3  }
0x6: {  	s3 =	sand.u32 $0x1, s11;
	s4 =	sshll.u32 s13, $0x1;
	s8 =	smul.u32 $0x4E000, s13  }
0x7: {  	s5 =	sadd.s32 $0x4F7A00, s0;
	s24 =	smul.u32 $0x13800, s13;
	s4 =	sor.u32 s3, s4  }
0x8: {  	s6 =	sadd.s32 $0xBC00, s0;
	s7 =	sadd.s32 $0x1E00, s0;
	s10 =	smul.u32 $0x2710, s4  }
0x9: {  	s9 =	ssub.s32 $0x2, s3;
	s8 =	sshrl.u32 s8, $0x2;
	s4 =	smul.u32 $0x27100, s4  }
0xa: {  	_ =	strace $0x80000047;
	s11 =	sshrl.u32 s9, $0x1;
	s21 =	sadd.s32 s8, s2  }
0xb: {  	s9 =	ssub.s32 s9, s11;
	s4 =	sadd.s32 s5, s4;
	[dreg:$0x4] =	wrdreg s21  }
0xc: {  	p0 =	sne.s32 s13, $0xF;
	s9 =	smax.u32 s9, $0x1;
	[dreg:$0x9] =	wrdreg s4  }
0xd: {  	s12 =	sshrl.u32 s10, $0x3;
	s13 =	sadd.s32 $0x2800, s21;
	[dreg:$0x1d] =	wrdreg s9  }
0xe: {  	s15 =	sadd.s32 $0x28, s10;
	s14 =	sadd.s32 s6, s12;
	[smem:$0x7F1] =	sst s13  }
0xf: {  	s11 =	sadd.s32 s7, s12;
	s16 =	sshrl.u32 s15, $0x3;
	[dreg:$0x5] =	wrdreg s14  }
0x10: {  	s17 =	sadd.s32 $0x50, s10;
	[dreg:$0x6] =	wrdreg s11;
	s12 =	sadd.s32 s6, s16  }
0x11: {  	s18 =	sshll.u32 s15, $0x4;
	s11 =	sadd.s32 s7, s16;
	[dreg:$0x7] =	wrdreg s12  }
0x12: {  	s19 =	sshrl.u32 s17, $0x3;
	s4 =	sadd.s32 s5, s18;
	[dreg:$0x8] =	wrdreg s11  }
0x13: {  	s23 =	sadd.s32 $0x78, s10;
	s20 =	sadd.s32 s6, s19;
	[dreg:$0xa] =	wrdreg s4  }
0x14: {  	s25 =	sshrl.u32 s23, $0x3;
	s8 =	sadd.s32 s7, s19;
	[dreg:$0xb] =	wrdreg s20  }
0x15: {  	s30 =	simm.s32 $0x8;
	s26 =	sadd.s32 s6, s25;
	[dreg:$0xc] =	wrdreg s8  }
0x16: {  	s31 =	simm.s32 $0x300;
	s18 =	sadd.s32 $0xA0, s10;
	[dreg:$0xe] =	wrdreg s26  }
0x17: {  	s22 =	sshll.u32 s17, $0x4;
	s19 =	sadd.s32 $0xC8, s10;
	[dreg:$0x12] =	wrdreg s18  }
0x18: {  	s14 =	sshll.u32 s23, $0x4;
	s4 =	sadd.s32 s5, s22;
	[dreg:$0x13] =	wrdreg s19  }
0x19: {  	s3 =	smul.u32 $0x138800, s3;
	s16 =	sadd.s32 s5, s14;
	[dreg:$0xd] =	wrdreg s4  }
0x1a: {  	s15 =	sadd.s32 $0x26C0, s10;
	s20 =	sadd.s32 $0xF0, s10;
	[dreg:$0x11] =	wrdreg s16  }
0x1b: {  	s17 =	sshrl.u32 s15, $0x3;
	s22 =	sadd.s32 $0x118, s10;
	[dreg:$0x14] =	wrdreg s20  }
0x1c: {  	s12 =	sadd.s32 s24, s3;
	s24 =	sadd.s32 s6, s17;
	[dreg:$0x15] =	wrdreg s22  }
0x1d: {  	s23 =	sadd.s32 $0x26E8, s10;
	s10 =	sadd.s32 $0x12C00, s21;
	[dreg:$0x16] =	wrdreg s24  }
0x1e: {  	s0 =	sadd.s32 $0x15A00, s0;
	s11 =	sadd.s32 $0x137400, s2;
	[dreg:$0x1f] =	wrdreg s10  }
0x1f: {  	s9 =	simm.s32 $0x80;
	s14 =	sadd.s32 $0x3C00, s21;
	[smem:$0x7EF] =	sst s11  }
0x20: {  	s13 =	simm.s32 $0x28;
	s18 =	sadd.s32 $0x8C00, s21;
	[smem:$0x7F2] =	sst s14  }
0x21: {  	s3 =	sshrl.u32 s3, $0x3;
	s19 =	sadd.s32 $0xA000, s21;
	[smem:$0x7F6] =	sst s18  }
0x22: {  	s8 =	sshll.u32 s23, $0x4;
	s4 =	sadd.s32 s7, s25;
	[smem:$0x7F7] =	sst s19  }
0x23: {  	s25 =	sshrl.u32 s23, $0x3;
	s16 =	sadd.s32 $0x6400, s21;
	[dreg:$0xf] =	wrdreg s4  }
0x24: {  	s20 =	sadd.s32 $0xB400, s21;
	s22 =	sadd.s32 $0xC800, s21;
	[smem:$0x7F4] =	sst s16  }
0x25: {  	s23 =	sadd.s32 $0xDC00, s21;
	s24 =	sadd.s32 $0xF000, s21;
	[smem:$0x7F8] =	sst s20  }
0x26: {  	s10 =	simm.s32 $0x100;
	s11 =	simm.s32 $0x180;
	[smem:$0x7F9] =	sst s22  }
0x27: {  	s18 =	simm.s32 $0x4000;
	s19 =	simm.s32 $0x5;
	[smem:$0x7FA] =	sst s23  }
0x28: {  	s4 =	sshrl.u32 s12, $0x3;
	s26 =	sadd.s32 s6, s25;
	[smem:$0x7FB] =	sst s24  }
0x29: {  	s12 =	sadd.s32 $0x1400, s21;
	s16 =	simm.s32 $0x2;
	[dreg:$0x19] =	wrdreg s26  }
0x2a: {  	s4 =	sadd.s32 s0, s4;
	s0 =	sadd.s32 s0, s3;
	[smem:$0x7F0] =	sst s12  }
0x2b: {  	s3 =	sshll.u32 s15, $0x4;
	s15 =	sadd.s32 $0x5000, s21;
	[dreg:$0x10] =	wrdreg s4  }
0x2c: {  	s20 =	simm.s32 $0x7;
	s26 =	sadd.s32 $0x11800, s21;
	[smem:$0x7F3] =	sst s15  }
0x2d: {  	s22 =	simm.s32 $0x9;
	s4 =	sadd.s32 s7, s17;
	[smem:$0x7FD] =	sst s26  }
0x2e: {  	s23 =	simm.s32 $0xA;
	s3 =	sadd.s32 s5, s3;
	[dreg:$0x17] =	wrdreg s4  }
0x2f: {  	s24 =	simm.s32 $0x0;
	s0 =	sadd.s32 $0x24900, s0;
	[dreg:$0x18] =	wrdreg s3  }
0x30: {  	s12 =	simm.s32 $0x1;
	s17 =	sadd.s32 $0x7800, s21;
	[dreg:$0x1c] =	wrdreg s0  }
0x31: {  	s15 =	simm.s32 $0x2C00;
	s3 =	sadd.s32 s7, s25;
	[smem:$0x7F5] =	sst s17  }
0x32: {  	s25 =	sadd.s32 $0x10400, s21;
	[dreg:$0x1a] =	wrdreg s3;
	s3 =	sadd.s32 s5, s8  }
0x33: {  	s17 =	simm.s32 $0x1800;
	[dreg:$0x1b] =	wrdreg s3;
	s3 =	sadd.s32 $0x124800, s2  }
0x34: {  	s4 =	simm.s32 $0x6800;
	[smem:$0x7FC] =	sst s25;
	s0 =	sshrl.u32 @!p0 s3, $0x3  }
0x35: {  	v0 =	vimm.f32 $0.0e+00;
	s3 =	simm.s32 $0x4;
	[dreg:$0x1e] =	wrdreg s0;
	s0 =	simm.s32 $0x5400  }
.LBB2_1:
0x36: {  	[smem:$0x7EE] =	sst s24;
	s8 =	simm.s32 $0x0;
	s14 =	simm.s32 $0x200  }
.LBB2_2:
0x37: {  	p1 =	sne.s32 s14, $0x4E00;
	[tilespmem:s8+$0x5470] =	vst v0  }
0x38: {  	[tilespmem:s8+$0x5400] =	vst v0  }
0x39: {  	[tilespmem:s8+$0x5410] =	vst v0  }
.Ltmp0:
0x3a: {  	[tilespmem:s8+$0x5420] =	vst v0;
	(pc) =	sbr.rel @p1 .LBB2_2-.Ltmp0, $4  }
0x3b: {  	[tilespmem:s8+$0x5430] =	vst v0  }
0x3c: {  	[tilespmem:s8+$0x5440] =	vst v0  }
0x3d: {  	[tilespmem:s8+$0x5450] =	vst v0  }
0x3e: {  	[tilespmem:s8+$0x5460] =	vst v0;
	s8 =	sshra.s32 s14, $0x2;
	s14 =	sadd.s32 $0x200, s14  }
0x3f: {  	[tilespmem:s8+$0x5470] =	vst v0  }
0x40: {  	[tilespmem:s8+$0x5400] =	vst v0  }
0x41: {  	[tilespmem:s8+$0x5410] =	vst v0  }
0x42: {  	[tilespmem:s8+$0x5420] =	vst v0  }
0x43: {  	[tilespmem:s8+$0x5430] =	vst v0  }
0x44: {  	[tilespmem:s8+$0x5440] =	vst v0  }
0x45: {  	[tilespmem:s8+$0x5450] =	vst v0  }
0x46: {  	[tilespmem:s8+$0x5460] =	vst v0;
	s14 =	simm.s32 $0xB  }
0x47: {  	[spmem:s21] =	stream.linear.scatter [tilespmem:s0], [sflag:$0xB], $0x1400, $0x38;
	[tilespmem:$0x1B480] =	vst v63  }
0x48: {  	_ =	swait.ge [sflag:s14], $0x1400  }
0x49: {  	s21 =	sld [smem:$0x7F0]  }
0x4a: {  	[sflag:s14] =	ssyncset.done $0x0  }
0x4b: {  	[sflag:s14] =	ssyncadd.s32 $0xFFFFEC00  }
0x4c: {  	[spmem:s21] =	stream.linear.scatter [tilespmem:s0], [sflag:$0xB], $0x1400, $0x38;
	[tilespmem:$0x1B480] =	vst v63  }
0x4d: {  	_ =	swait.ge [sflag:s14], $0x1400  }
0x4e: {  	s24 =	sld [smem:$0x7F1]  }
0x4f: {  	[sflag:s14] =	ssyncset.done $0x0  }
0x50: {  	[sflag:s14] =	ssyncadd.s32 $0xFFFFEC00  }
0x51: {  	[spmem:s24] =	stream.linear.scatter [tilespmem:s0], [sflag:$0xB], $0x1400, $0x38;
	[tilespmem:$0x1B480] =	vst v63  }
0x52: {  	_ =	swait.ge [sflag:s14], $0x1400  }
0x53: {  	s25 =	sld [smem:$0x7F2]  }
0x54: {  	[sflag:s14] =	ssyncset.done $0x0  }
0x55: {  	[sflag:s14] =	ssyncadd.s32 $0xFFFFEC00  }
0x56: {  	[spmem:s25] =	stream.linear.scatter [tilespmem:s0], [sflag:$0xB], $0x1400, $0x38;
	[tilespmem:$0x1B480] =	vst v63  }
0x57: {  	_ =	swait.ge [sflag:s14], $0x1400  }
0x58: {  	s26 =	sld [smem:$0x7F3]  }
0x59: {  	[sflag:s14] =	ssyncset.done $0x0  }
0x5a: {  	[sflag:s14] =	ssyncadd.s32 $0xFFFFEC00  }
0x5b: {  	[spmem:s26] =	stream.linear.scatter [tilespmem:s0], [sflag:$0xB], $0x1400, $0x38;
	[tilespmem:$0x1B480] =	vst v63  }
0x5c: {  	_ =	swait.ge [sflag:s14], $0x1400  }
0x5d: {  	s21 =	sld [smem:$0x7F4]  }
0x5e: {  	[sflag:s14] =	ssyncset.done $0x0  }
0x5f: {  	[sflag:s14] =	ssyncadd.s32 $0xFFFFEC00  }
0x60: {  	[spmem:s21] =	stream.linear.scatter [tilespmem:s0], [sflag:$0xB], $0x1400, $0x38;
	[tilespmem:$0x1B480] =	vst v63  }
0x61: {  	_ =	swait.ge [sflag:s14], $0x1400  }
0x62: {  	s24 =	sld [smem:$0x7F5]  }
0x63: {  	[sflag:s14] =	ssyncset.done $0x0  }
0x64: {  	[sflag:s14] =	ssyncadd.s32 $0xFFFFEC00  }
0x65: {  	[spmem:s24] =	stream.linear.scatter [tilespmem:s0], [sflag:$0xB], $0x1400, $0x38;
	[tilespmem:$0x1B480] =	vst v63  }
0x66: {  	_ =	swait.ge [sflag:s14], $0x1400  }
0x67: {  	s25 =	sld [smem:$0x7F6]  }
0x68: {  	[sflag:s14] =	ssyncset.done $0x0  }
0x69: {  	[sflag:s14] =	ssyncadd.s32 $0xFFFFEC00  }
0x6a: {  	[spmem:s25] =	stream.linear.scatter [tilespmem:s0], [sflag:$0xB], $0x1400, $0x38;
	[tilespmem:$0x1B480] =	vst v63  }
0x6b: {  	_ =	swait.ge [sflag:s14], $0x1400  }
0x6c: {  	s26 =	sld [smem:$0x7F7]  }
0x6d: {  	[sflag:s14] =	ssyncset.done $0x0  }
0x6e: {  	[sflag:s14] =	ssyncadd.s32 $0xFFFFEC00  }
0x6f: {  	[spmem:s26] =	stream.linear.scatter [tilespmem:s0], [sflag:$0xB], $0x1400, $0x38;
	[tilespmem:$0x1B480] =	vst v63  }
0x70: {  	_ =	swait.ge [sflag:s14], $0x1400  }
0x71: {  	s21 =	sld [smem:$0x7F8]  }
0x72: {  	[sflag:s14] =	ssyncset.done $0x0  }
0x73: {  	[sflag:s14] =	ssyncadd.s32 $0xFFFFEC00  }
0x74: {  	[spmem:s21] =	stream.linear.scatter [tilespmem:s0], [sflag:$0xB], $0x1400, $0x38;
	[tilespmem:$0x1B480] =	vst v63  }
0x75: {  	_ =	swait.ge [sflag:s14], $0x1400  }
0x76: {  	s24 =	sld [smem:$0x7F9]  }
0x77: {  	[sflag:s14] =	ssyncset.done $0x0  }
0x78: {  	[sflag:s14] =	ssyncadd.s32 $0xFFFFEC00  }
0x79: {  	[spmem:s24] =	stream.linear.scatter [tilespmem:s0], [sflag:$0xB], $0x1400, $0x38;
	[tilespmem:$0x1B480] =	vst v63  }
0x7a: {  	_ =	swait.ge [sflag:s14], $0x1400  }
0x7b: {  	s25 =	sld [smem:$0x7FA]  }
0x7c: {  	[sflag:s14] =	ssyncset.done $0x0  }
0x7d: {  	[sflag:s14] =	ssyncadd.s32 $0xFFFFEC00  }
0x7e: {  	[spmem:s25] =	stream.linear.scatter [tilespmem:s0], [sflag:$0xB], $0x1400, $0x38;
	[tilespmem:$0x1B480] =	vst v63  }
0x7f: {  	_ =	swait.ge [sflag:s14], $0x1400  }
0x80: {  	s26 =	sld [smem:$0x7FB]  }
0x81: {  	[sflag:s14] =	ssyncset.done $0x0  }
0x82: {  	[sflag:s14] =	ssyncadd.s32 $0xFFFFEC00  }
0x83: {  	[spmem:s26] =	stream.linear.scatter [tilespmem:s0], [sflag:$0xB], $0x1400, $0x38;
	[tilespmem:$0x1B480] =	vst v63  }
0x84: {  	_ =	swait.ge [sflag:s14], $0x1400  }
0x85: {  	s21 =	sld [smem:$0x7FC]  }
0x86: {  	[sflag:s14] =	ssyncset.done $0x0  }
0x87: {  	[sflag:s14] =	ssyncadd.s32 $0xFFFFEC00  }
0x88: {  	[spmem:s21] =	stream.linear.scatter [tilespmem:s0], [sflag:$0xB], $0x1400, $0x38;
	[tilespmem:$0x1B480] =	vst v63  }
0x89: {  	_ =	swait.ge [sflag:s14], $0x1400  }
0x8a: {  	s24 =	sld [smem:$0x7FD]  }
0x8b: {  	[sflag:s14] =	ssyncset.done $0x0  }
0x8c: {  	[sflag:s14] =	ssyncadd.s32 $0xFFFFEC00  }
0x8d: {  	[spmem:s24] =	stream.linear.scatter [tilespmem:s0], [sflag:$0xB], $0x1400, $0x38;
	[tilespmem:$0x1B480] =	vst v63  }
0x8e: {  	_ =	swait.ge [sflag:s14], $0x1400  }
0x8f: {  	[sflag:s14] =	ssyncset.done $0x0  }
0x90: {  	s8 =	simm.s32 @p0 $0x5400;
	[sflag:s14] =	ssyncadd.s32 $0xFFFFEC00;
	s14 =	rddreg [dreg:$0x1f]  }
0x91: {  	[spmem:s14] =	stream.linear.scatter @p0 [tilespmem:s8], [sflag:$0xB], $0xC00, $0x38;
	[tilespmem:$0x1B480] =	vst v63  }
0x92: {  	s8 =	simm.s32 @p0 $0xB  }
0x93: {  	_ =	swait.ge @p0 [sflag:s8], $0xC00  }
0x94: {  	s14 =	sld [smem:$0x7EF]  }
0x95: {  	[sflag:s8] =	ssyncset.done @p0 $0x0  }
0x96: {  	[sflag:s8] =	ssyncadd.s32 @p0 $0xFFFFF400;
	s8 =	simm.s32 @!p0 $0x5400  }
0x97: {  	[spmem:s14] =	stream.linear.scatter @!p0 [tilespmem:s8], [sflag:$0xB], $0x1400, $0x38;
	[tilespmem:$0x1B480] =	vst v63  }
0x98: {  	s8 =	simm.s32 @!p0 $0xB  }
0x99: {  	_ =	swait.ge @!p0 [sflag:s8], $0x1400  }
0x9a: {  	[sflag:s8] =	ssyncset.done @!p0 $0x0  }
0x9b: {  	[sflag:s8] =	ssyncadd.s32 @!p0 $0xFFFFEC00  }
0x9c: {  	[bflag:$0x0] =	sbarrier.arrive $0xFFFF  }
0x9d: {  	s8 =	simm.s32 $0x0;
	s25 =	rddreg [dreg:$0x5]  }
0x9e: {  	[tilespmem:s8], [sflag:$0x1] =	stream.linear.gather [hbm4b:s25+s8], $0x28, $0x38;
	[tilespmem:$0x1B480] =	vst v63  }
0x9f: {  	s26 =	rddreg [dreg:$0x6]  }
0xa0: {  	[tilespmem:s9], [sflag:$0x1] =	stream.linear.gather [hbm4b:s26+s8], $0x28, $0x38;
	[tilespmem:$0x1B480] =	vst v63  }
0xa1: {  	s21 =	rddreg [dreg:$0x7]  }
0xa2: {  	[tilespmem:s10], [sflag:$0x2] =	stream.linear.gather [hbm4b:s21+s8], $0x28, $0x38;
	[tilespmem:$0x1B480] =	vst v63  }
0xa3: {  	s24 =	rddreg [dreg:$0x8]  }
0xa4: {  	[tilespmem:s11], [sflag:$0x2] =	stream.linear.gather [hbm4b:s24+s8], $0x28, $0x38;
	[tilespmem:$0x1B480] =	vst v63  }
0xa5: {  	_ =	swait.ge [sflag:s12], $0x28  }
0xa6: {  	[sflag:s12] =	ssyncset.done $0x0  }
0xa7: {  	[sflag:s12] =	ssyncadd.s32 $0xFFFFFFD8  }
0xa8: {  	_ =	swait.ge [sflag:s12], $0x28  }
0xa9: {  	[sflag:s12] =	ssyncset.done $0x0  }
0xaa: {  	s25 =	simm.s32 $0x400;
	[sflag:s12] =	ssyncadd.s32 $0xFFFFFFD8  }
0xab: {  	[tilespmem:s25], [sflag:$0x5] =	stream.indirect.gather [hbm4b:s1+s13], $0x80, s8, s13, $0xb8;
	[tilespmem:$0x1B480] =	vst v63  }
0xac: {  	s26 =	rddreg [dreg:$0x9]  }
0xad: {  	[tilespmem:s15], [sflag:$0x7] =	stream.linear.gather [hbm4b:s26+s8], $0x1400, $0x38;
	[tilespmem:$0x1B480] =	vst v63  }
0xae: {  	_ =	swait.ge [sflag:s16], $0x28  }
0xaf: {  	[sflag:s16] =	ssyncset.done $0x0  }
0xb0: {  	[sflag:s16] =	ssyncadd.s32 $0xFFFFFFD8  }
0xb1: {  	_ =	swait.ge [sflag:s16], $0x28  }
0xb2: {  	[sflag:s16] =	ssyncset.done $0x0  }
0xb3: {  	[sflag:s16] =	ssyncadd.s32 $0xFFFFFFD8  }
0xb4: {  	[tilespmem:s17], [sflag:$0x6] =	stream.indirect.gather [hbm4b:s1+s13], $0x80, s10, s13, $0xb8;
	[tilespmem:$0x1B480] =	vst v63  }
0xb5: {  	s15 =	rddreg [dreg:$0xa]  }
0xb6: {  	[tilespmem:s18], [sflag:$0x8] =	stream.linear.gather [hbm4b:s15+s8], $0x1400, $0x38;
	[tilespmem:$0x1B480] =	vst v63  }
0xb7: {  	_ =	swait.ge [sflag:s19], $0x1400  }
0xb8: {  	[sflag:s19] =	ssyncset.done $0x0  }
0xb9: {  	[sflag:s19] =	ssyncadd.s32 $0xFFFFEC00  }
0xba: {  	_ =	swait.ge [sflag:s20], $0x1400  }
0xbb: {  	[sflag:s20] =	ssyncset.done $0x0  }
0xbc: {  	s24 =	simm.s32 $0x200;
	s21 =	rddreg [dreg:$0xb];
	[sflag:s20] =	ssyncadd.s32 $0xFFFFEC00  }
0xbd: {  	[tilespmem:s24], [sflag:$0x3] =	stream.linear.gather [hbm4b:s21+s8], $0x28, $0x38;
	[tilespmem:$0x1B480] =	vst v63  }
0xbe: {  	s26 =	simm.s32 $0x280;
	s25 =	rddreg [dreg:$0xc];
	s21 =	simm.s32 $0x0  }
0xbf: {  	[tilespmem:s26], [sflag:$0x3] =	stream.linear.gather [hbm4b:s25+s8], $0x28, $0x38;
	[tilespmem:$0x1B480] =	vst v63  }
0xc0: {  	v1 =	vld [tilespmem:s21+$0x470]  }
0xc1: {  	v2 =	vld [tilespmem:s21+$0x2C70]  }
0xc2: {  	v3 =	vld [tilespmem:s21+$0x400]  }
0xc3: {  	v4 =	vld [tilespmem:s21+$0x2C00]  }
0xc4: {  	v5 =	vld [tilespmem:s21+$0x410]  }
0xc5: {  	v6 =	vld [tilespmem:s21+$0x2C10]  }
0xc6: {  	v7 =	vld [tilespmem:s21+$0x420]  }
0xc7: {  	v8 =	vld [tilespmem:s21+$0x430]  }
0xc8: {  	v1 =	vmul.f32 v2, v1;
	v2 =	vld [tilespmem:s21+$0x2C20]  }
0xc9: {  	v9 =	vld [tilespmem:s21+$0x2C30]  }
0xca: {  	v10 =	vld [tilespmem:s21+$0x2C40];
	v3 =	vmul.f32 v4, v3  }
0xcb: {  	[tilespmem:s21+$0x5470] =	vst v1;
	v1 =	vmul.f32 v6, v5;
	v6 =	vld [tilespmem:s21+$0x440]  }
0xcc: {  	v4 =	vld [tilespmem:s21+$0x2C50];
	[tilespmem:s21+$0x5400] =	vst v3  }
0xcd: {  	v3 =	vld [tilespmem:s21+$0x450];
	[tilespmem:s21+$0x5410] =	vst v1;
	v1 =	vmul.f32 v2, v7  }
0xce: {  	v5 =	vld [tilespmem:s21+$0x2C60];
	v7 =	vmul.f32 v9, v8  }
0xcf: {  	s24 =	simm.s32 $0x80;
	[tilespmem:s21+$0x5420] =	vst v1;
	v1 =	vld [tilespmem:s21+$0x460]  }
0xd0: {  	s8 =	simm.s32 $0x400;
	v6 =	vmul.f32 v10, v6;
	v2 =	vld [tilespmem:s24+$0x470];
	[tilespmem:s21+$0x5430] =	vst v7  }
.LBB2_4:
0xd1: {  	p1 =	sne.s32 s8, $0x4E00;
	v7 =	vld [tilespmem:s24+$0x2C70]  }
0xd2: {  	v8 =	vld [tilespmem:s24+$0x400];
	[tilespmem:s21+$0x5440] =	vst v6;
	v3 =	vmul.f32 v4, v3  }
0xd3: {  	v4 =	vld [tilespmem:s24+$0x2C00]  }
0xd4: {  	v6 =	vld [tilespmem:s24+$0x410];
	[tilespmem:s21+$0x5450] =	vst v3;
	v1 =	vmul.f32 v5, v1  }
0xd5: {  	v3 =	vld [tilespmem:s24+$0x2C10]  }
0xd6: {  	v5 =	vld [tilespmem:s24+$0x420];
	v2 =	vmul.f32 v7, v2;
	[tilespmem:s21+$0x5460] =	vst v1;
	s21 =	smov.u32 s24  }
0xd7: {  	v1 =	vld [tilespmem:s21+$0x2C20]  }
0xd8: {  	v4 =	vmul.f32 v4, v8;
	v7 =	vld [tilespmem:s21+$0x430];
	[tilespmem:s21+$0x5470] =	vst v2  }
0xd9: {  	v2 =	vld [tilespmem:s21+$0x2C30]  }
0xda: {  	[tilespmem:s21+$0x5400] =	vst v4;
	v3 =	vmul.f32 v3, v6;
	v6 =	vld [tilespmem:s21+$0x440]  }
0xdb: {  	v8 =	vld [tilespmem:s21+$0x2C40]  }
.Ltmp1:
0xdc: {  	[tilespmem:s21+$0x5410] =	vst v3;
	v1 =	vmul.f32 v1, v5;
	v3 =	vld [tilespmem:s21+$0x450];
	(pc) =	sbr.rel @p1 .LBB2_4-.Ltmp1, $4  }
0xdd: {  	v4 =	vld [tilespmem:s21+$0x2C50]  }
0xde: {  	[tilespmem:s21+$0x5420] =	vst v1;
	v7 =	vmul.f32 v2, v7;
	v1 =	vld [tilespmem:s21+$0x460]  }
0xdf: {  	s24 =	sshra.s32 s8, $0x2;
	v5 =	vld [tilespmem:s21+$0x2C60]  }
0xe0: {  	s8 =	sadd.s32 $0x200, s8;
	v2 =	vld [tilespmem:s24+$0x470];
	[tilespmem:s21+$0x5430] =	vst v7;
	v6 =	vmul.f32 v8, v6  }
0xe1: {  	v7 =	vld [tilespmem:s24+$0x2C70]  }
0xe2: {  	v8 =	vld [tilespmem:s24+$0x400];
	[tilespmem:s21+$0x5440] =	vst v6;
	v3 =	vmul.f32 v4, v3  }
0xe3: {  	v4 =	vld [tilespmem:s24+$0x2C00]  }
0xe4: {  	v6 =	vld [tilespmem:s24+$0x410];
	[tilespmem:s21+$0x5450] =	vst v3;
	v1 =	vmul.f32 v5, v1  }
0xe5: {  	v3 =	vld [tilespmem:s24+$0x2C10]  }
0xe6: {  	v5 =	vld [tilespmem:s24+$0x420];
	[tilespmem:s21+$0x5460] =	vst v1  }
0xe7: {  	v1 =	vmul.f32 v7, v2;
	v2 =	vld [tilespmem:s24+$0x2C20]  }
0xe8: {  	v7 =	vld [tilespmem:s24+$0x430]  }
0xe9: {  	v4 =	vmul.f32 v4, v8;
	[tilespmem:s24+$0x5470] =	vst v1;
	v1 =	vld [tilespmem:s24+$0x2C30]  }
0xea: {  	v8 =	vld [tilespmem:s24+$0x2C60]  }
0xeb: {  	[tilespmem:s24+$0x5400] =	vst v4;
	v3 =	vmul.f32 v3, v6;
	v4 =	vld [tilespmem:s24+$0x440]  }
0xec: {  	v6 =	vld [tilespmem:s24+$0x2C40]  }
0xed: {  	[tilespmem:s24+$0x5410] =	vst v3;
	v2 =	vmul.f32 v2, v5;
	v3 =	vld [tilespmem:s24+$0x450]  }
0xee: {  	v5 =	vld [tilespmem:s24+$0x2C50]  }
0xef: {  	[tilespmem:s24+$0x5420] =	vst v2;
	v2 =	vld [tilespmem:s24+$0x460];
	_ =	sdelay $0x1  }
0xf0: {  	v1 =	vmul.f32 v1, v7  }
0xf1: {  	v4 =	vmul.f32 v6, v4  }
0xf2: {  	[tilespmem:s24+$0x5430] =	vst v1;
	v1 =	vmul.f32 v5, v3  }
0xf3: {  	[tilespmem:s24+$0x5440] =	vst v4;
	v2 =	vmul.f32 v8, v2  }
0xf4: {  	[tilespmem:s24+$0x5450] =	vst v1  }
0xf5: {  	[tilespmem:s24+$0x5460] =	vst v2  }
0xf6: {  	[spmem:s2] =	stream.indirect.scatter.add.f32 [tilespmem:s0], [sflag:$0x9], $0x80, s9, s13, $0xb8;
	[tilespmem:$0x1B480] =	vst v63  }
0xf7: {  	_ =	swait.ge [sflag:s28], $0x28  }
0xf8: {  	[sflag:s28] =	ssyncset.done $0x0  }
0xf9: {  	[sflag:s28] =	ssyncadd.s32 $0xFFFFFFD8  }
0xfa: {  	_ =	swait.ge [sflag:s28], $0x28  }
0xfb: {  	[sflag:s28] =	ssyncset.done $0x0  }
0xfc: {  	s8 =	simm.s32 $0x400;
	s14 =	simm.s32 $0x200;
	[sflag:s28] =	ssyncadd.s32 $0xFFFFFFD8  }
0xfd: {  	[tilespmem:s8], [sflag:$0x5] =	stream.indirect.gather [hbm4b:s1+s13], $0x80, s14, s13, $0xb8;
	[tilespmem:$0x1B480] =	vst v63  }
0xfe: {  	s15 =	simm.s32 $0x2C00;
	s21 =	rddreg [dreg:$0xd];
	s8 =	simm.s32 $0x0  }
0xff: {  	[tilespmem:s15], [sflag:$0x7] =	stream.linear.gather [hbm4b:s21+s8], $0x1400, $0x38;
	[tilespmem:$0x1B480] =	vst v63  }
0x100: {  	_ =	swait.ge [sflag:s29], $0x1400  }
0x101: {  	[sflag:s29] =	ssyncset.done $0x0  }
0x102: {  	[sflag:s29] =	ssyncadd.s32 $0xFFFFEC00  }
0x103: {  	_ =	swait.ge [sflag:s30], $0x1400  }
0x104: {  	[sflag:s30] =	ssyncset.done $0x0  }
0x105: {  	s24 =	rddreg [dreg:$0xe];
	[sflag:s30] =	ssyncadd.s32 $0xFFFFEC00  }
0x106: {  	[tilespmem:s31], [sflag:$0x4] =	stream.linear.gather [hbm4b:s24+s8], $0x28, $0x38;
	[tilespmem:$0x1B480] =	vst v63  }
0x107: {  	s26 =	simm.s32 $0x380;
	s21 =	simm.s32 $0x0;
	s25 =	rddreg [dreg:$0xf]  }
0x108: {  	[tilespmem:s26], [sflag:$0x4] =	stream.linear.gather [hbm4b:s25+s8], $0x28, $0x38;
	[tilespmem:$0x1B480] =	vst v63  }
0x109: {  	v1 =	vld [tilespmem:s21+$0x1870]  }
0x10a: {  	v2 =	vld [tilespmem:s21+$0x4070]  }
0x10b: {  	v3 =	vld [tilespmem:s21+$0x1800]  }
0x10c: {  	v4 =	vld [tilespmem:s21+$0x4000]  }
0x10d: {  	v5 =	vld [tilespmem:s21+$0x1810]  }
0x10e: {  	v6 =	vld [tilespmem:s21+$0x4010]  }
0x10f: {  	v7 =	vld [tilespmem:s21+$0x1820]  }
0x110: {  	v8 =	vld [tilespmem:s21+$0x1830]  }
0x111: {  	v1 =	vmul.f32 v2, v1;
	v2 =	vld [tilespmem:s21+$0x4020]  }
0x112: {  	v9 =	vld [tilespmem:s21+$0x4030]  }
0x113: {  	v10 =	vld [tilespmem:s21+$0x4040];
	v3 =	vmul.f32 v4, v3  }
0x114: {  	[tilespmem:s21+$0x6870] =	vst v1;
	v1 =	vmul.f32 v6, v5;
	v6 =	vld [tilespmem:s21+$0x1840]  }
0x115: {  	v4 =	vld [tilespmem:s21+$0x4050];
	[tilespmem:s21+$0x6800] =	vst v3  }
0x116: {  	v3 =	vld [tilespmem:s21+$0x1850];
	[tilespmem:s21+$0x6810] =	vst v1;
	v1 =	vmul.f32 v2, v7  }
0x117: {  	v5 =	vld [tilespmem:s21+$0x4060];
	v7 =	vmul.f32 v9, v8  }
0x118: {  	s24 =	simm.s32 $0x80;
	[tilespmem:s21+$0x6820] =	vst v1;
	v1 =	vld [tilespmem:s21+$0x1860]  }
0x119: {  	s8 =	simm.s32 $0x400;
	v6 =	vmul.f32 v10, v6;
	v2 =	vld [tilespmem:s24+$0x1870];
	[tilespmem:s21+$0x6830] =	vst v7  }
.LBB2_6:
0x11a: {  	p1 =	sne.s32 s8, $0x4E00;
	v7 =	vld [tilespmem:s24+$0x4070]  }
0x11b: {  	v8 =	vld [tilespmem:s24+$0x1800];
	[tilespmem:s21+$0x6840] =	vst v6;
	v3 =	vmul.f32 v4, v3  }
0x11c: {  	v4 =	vld [tilespmem:s24+$0x4000]  }
0x11d: {  	v6 =	vld [tilespmem:s24+$0x1810];
	[tilespmem:s21+$0x6850] =	vst v3;
	v1 =	vmul.f32 v5, v1  }
0x11e: {  	v3 =	vld [tilespmem:s24+$0x4010]  }
0x11f: {  	v5 =	vld [tilespmem:s24+$0x1820];
	v2 =	vmul.f32 v7, v2;
	[tilespmem:s21+$0x6860] =	vst v1;
	s21 =	smov.u32 s24  }
0x120: {  	v1 =	vld [tilespmem:s21+$0x4020]  }
0x121: {  	v4 =	vmul.f32 v4, v8;
	v7 =	vld [tilespmem:s21+$0x1830];
	[tilespmem:s21+$0x6870] =	vst v2  }
0x122: {  	v2 =	vld [tilespmem:s21+$0x4030]  }
0x123: {  	[tilespmem:s21+$0x6800] =	vst v4;
	v3 =	vmul.f32 v3, v6;
	v6 =	vld [tilespmem:s21+$0x1840]  }
0x124: {  	v8 =	vld [tilespmem:s21+$0x4040]  }
.Ltmp2:
0x125: {  	[tilespmem:s21+$0x6810] =	vst v3;
	v1 =	vmul.f32 v1, v5;
	v3 =	vld [tilespmem:s21+$0x1850];
	(pc) =	sbr.rel @p1 .LBB2_6-.Ltmp2, $4  }
0x126: {  	v4 =	vld [tilespmem:s21+$0x4050]  }
0x127: {  	[tilespmem:s21+$0x6820] =	vst v1;
	v7 =	vmul.f32 v2, v7;
	v1 =	vld [tilespmem:s21+$0x1860]  }
0x128: {  	s24 =	sshra.s32 s8, $0x2;
	v5 =	vld [tilespmem:s21+$0x4060]  }
0x129: {  	s8 =	sadd.s32 $0x200, s8;
	v2 =	vld [tilespmem:s24+$0x1870];
	[tilespmem:s21+$0x6830] =	vst v7;
	v6 =	vmul.f32 v8, v6  }
0x12a: {  	v7 =	vld [tilespmem:s24+$0x4070]  }
0x12b: {  	v8 =	vld [tilespmem:s24+$0x1800];
	[tilespmem:s21+$0x6840] =	vst v6;
	v3 =	vmul.f32 v4, v3  }
0x12c: {  	v57 =	vld [tilespmem:s24+$0x4000]  }
0x12d: {  	v6 =	vld [tilespmem:s24+$0x1810];
	[tilespmem:s21+$0x6850] =	vst v3;
	v1 =	vmul.f32 v5, v1  }
0x12e: {  	v3 =	vld [tilespmem:s24+$0x4010]  }
0x12f: {  	v58 =	vld [tilespmem:s24+$0x1820];
	[tilespmem:s21+$0x6860] =	vst v1  }
0x130: {  	v1 =	vmul.f32 v7, v2;
	v2 =	vld [tilespmem:s24+$0x4020]  }
0x131: {  	v59 =	vld [tilespmem:s24+$0x1830]  }
0x132: {  	v60 =	vld [tilespmem:s24+$0x1840]  }
0x133: {  	v61 =	vld [tilespmem:s24+$0x4040]  }
0x134: {  	v62 =	vld [tilespmem:s24+$0x4050]  }
0x135: {  	[tilespmem:s24+$0x6870] =	vst v1;
	v1 =	vld [tilespmem:s24+$0x4030];
	v3 =	vmul.f32 v3, v6  }
0x136: {  	v63 =	vld [tilespmem:s24+$0x4060];
	v2 =	vmul.f32 v2, v58  }
0x137: {  	[tilespmem:s24+$0x6810] =	vst v3;
	v3 =	vld [tilespmem:s24+$0x1850]  }
0x138: {  	[tilespmem:s24+$0x6820] =	vst v2;
	v2 =	vld [tilespmem:s24+$0x1860]  }
0x139: {  	v4 =	vmul.f32 v57, v8  }
0x13a: {  	v1 =	vmul.f32 v1, v59  }
0x13b: {  	[tilespmem:s24+$0x6800] =	vst v4;
	v4 =	vmul.f32 v61, v60  }
0x13c: {  	[tilespmem:s24+$0x6830] =	vst v1;
	v1 =	vmul.f32 v62, v3  }
0x13d: {  	[tilespmem:s24+$0x6840] =	vst v4;
	v2 =	vmul.f32 v63, v2  }
0x13e: {  	[tilespmem:s24+$0x6850] =	vst v1  }
0x13f: {  	[tilespmem:s24+$0x6860] =	vst v2  }
0x140: {  	[spmem:s2] =	stream.indirect.scatter.add.f32 [tilespmem:s4], [sflag:$0xA], $0x80, s11, s13, $0xb8;
	[tilespmem:$0x1B480] =	vst v63  }
0x141: {  	_ =	swait.ge [sflag:s3], $0x28  }
0x142: {  	[sflag:s3] =	ssyncset.done $0x0  }
0x143: {  	[sflag:s3] =	ssyncadd.s32 $0xFFFFFFD8  }
0x144: {  	_ =	swait.ge [sflag:s3], $0x28  }
0x145: {  	[sflag:s3] =	ssyncset.done $0x0  }
0x146: {  	[sflag:s3] =	ssyncadd.s32 $0xFFFFFFD8  }
0x147: {  	[tilespmem:s17], [sflag:$0x6] =	stream.indirect.gather [hbm4b:s1+s13], $0x80, s31, s13, $0xb8;
	[tilespmem:$0x1B480] =	vst v63  }
0x148: {  	s25 =	simm.s32 $0x0;
	s24 =	simm.s32 $0x0;
	s8 =	rddreg [dreg:$0x11]  }
0x149: {  	[tilespmem:s18], [sflag:$0x8] =	stream.linear.gather [hbm4b:s8+s24], $0x1400, $0x38;
	[tilespmem:$0x1B480] =	vst v63  }
.LBB2_8:
0x14a: {  	_ =	swait.ge [sflag:s19], $0x1400  }
0x14b: {  	[sflag:s19] =	ssyncset.done $0x0  }
0x14c: {  	[sflag:s19] =	ssyncadd.s32 $0xFFFFEC00  }
0x14d: {  	_ =	swait.ge [sflag:s20], $0x1400  }
0x14e: {  	[sflag:s20] =	ssyncset.done $0x0  }
0x14f: {  	[sflag:s20] =	ssyncadd.s32 $0xFFFFEC00  }
0x150: {  	s21 =	smul.u32 $0xA0, s25;
	_ =	swait.ge [sflag:s22], $0x1400  }
0x151: {  	s8 =	rddreg [dreg:$0x12]  }
0x152: {  	s26 =	sadd.s32 s21, s8  }
0x153: {  	[sflag:s22] =	ssyncset.done $0x0;
	s8 =	sshrl.u32 s26, $0x3  }
0x154: {  	[sflag:s22] =	ssyncadd.s32 $0xFFFFEC00;
	s14 =	sadd.s32 s6, s8  }
0x155: {  	[tilespmem:s24], [sflag:$0x1] =	stream.linear.gather [hbm4b:s14+s24], $0x28, $0x38;
	[tilespmem:$0x1B480] =	vst v63  }
0x156: {  	s31 =	simm.s32 $0x0;
	s8 =	sadd.s32 s7, s8  }
0x157: {  	[tilespmem:s9], [sflag:$0x1] =	stream.linear.gather [hbm4b:s8+s24], $0x28, $0x38;
	[tilespmem:$0x1B480] =	vst v63  }
0x158: {  	v1 =	vld [tilespmem:s31+$0x470]  }
0x159: {  	v2 =	vld [tilespmem:s31+$0x2C70]  }
0x15a: {  	v3 =	vld [tilespmem:s31+$0x400]  }
0x15b: {  	v4 =	vld [tilespmem:s31+$0x2C00]  }
0x15c: {  	v5 =	vld [tilespmem:s31+$0x410]  }
0x15d: {  	v6 =	vld [tilespmem:s31+$0x2C10]  }
0x15e: {  	v7 =	vld [tilespmem:s31+$0x420]  }
0x15f: {  	v8 =	vld [tilespmem:s31+$0x430]  }
0x160: {  	v1 =	vmul.f32 v2, v1;
	v2 =	vld [tilespmem:s31+$0x2C20]  }
0x161: {  	v9 =	vld [tilespmem:s31+$0x2C30]  }
0x162: {  	v10 =	vld [tilespmem:s31+$0x2C40];
	v3 =	vmul.f32 v4, v3  }
0x163: {  	[tilespmem:s31+$0x5470] =	vst v1;
	v1 =	vmul.f32 v6, v5;
	v6 =	vld [tilespmem:s31+$0x440]  }
0x164: {  	v4 =	vld [tilespmem:s31+$0x2C50];
	[tilespmem:s31+$0x5400] =	vst v3  }
0x165: {  	v3 =	vld [tilespmem:s31+$0x450];
	[tilespmem:s31+$0x5410] =	vst v1;
	v1 =	vmul.f32 v2, v7  }
0x166: {  	v5 =	vld [tilespmem:s31+$0x2C60];
	v7 =	vmul.f32 v9, v8  }
0x167: {  	s8 =	simm.s32 $0x80;
	[tilespmem:s31+$0x5420] =	vst v1;
	v1 =	vld [tilespmem:s31+$0x460]  }
0x168: {  	s14 =	simm.s32 $0x400;
	v6 =	vmul.f32 v10, v6;
	v2 =	vld [tilespmem:s8+$0x470];
	[tilespmem:s31+$0x5430] =	vst v7  }
.LBB2_9:
0x169: {  	p1 =	sne.s32 s14, $0x4E00;
	v7 =	vld [tilespmem:s8+$0x2C70]  }
0x16a: {  	v8 =	vld [tilespmem:s8+$0x400];
	[tilespmem:s31+$0x5440] =	vst v6;
	v3 =	vmul.f32 v4, v3  }
0x16b: {  	v4 =	vld [tilespmem:s8+$0x2C00]  }
0x16c: {  	v6 =	vld [tilespmem:s8+$0x410];
	[tilespmem:s31+$0x5450] =	vst v3;
	v1 =	vmul.f32 v5, v1  }
0x16d: {  	v3 =	vld [tilespmem:s8+$0x2C10]  }
0x16e: {  	v5 =	vld [tilespmem:s8+$0x420];
	v2 =	vmul.f32 v7, v2;
	[tilespmem:s31+$0x5460] =	vst v1;
	s31 =	smov.u32 s8  }
0x16f: {  	v1 =	vld [tilespmem:s31+$0x2C20]  }
0x170: {  	v4 =	vmul.f32 v4, v8;
	v7 =	vld [tilespmem:s31+$0x430];
	[tilespmem:s31+$0x5470] =	vst v2  }
0x171: {  	v2 =	vld [tilespmem:s31+$0x2C30]  }
0x172: {  	[tilespmem:s31+$0x5400] =	vst v4;
	v3 =	vmul.f32 v3, v6;
	v6 =	vld [tilespmem:s31+$0x440]  }
0x173: {  	v8 =	vld [tilespmem:s31+$0x2C40]  }
.Ltmp3:
0x174: {  	[tilespmem:s31+$0x5410] =	vst v3;
	v1 =	vmul.f32 v1, v5;
	v3 =	vld [tilespmem:s31+$0x450];
	(pc) =	sbr.rel @p1 .LBB2_9-.Ltmp3, $4  }
0x175: {  	v4 =	vld [tilespmem:s31+$0x2C50]  }
0x176: {  	[tilespmem:s31+$0x5420] =	vst v1;
	v7 =	vmul.f32 v2, v7;
	v1 =	vld [tilespmem:s31+$0x460]  }
0x177: {  	s8 =	sshra.s32 s14, $0x2;
	v5 =	vld [tilespmem:s31+$0x2C60]  }
0x178: {  	s14 =	sadd.s32 $0x200, s14;
	v2 =	vld [tilespmem:s8+$0x470];
	[tilespmem:s31+$0x5430] =	vst v7;
	v6 =	vmul.f32 v8, v6  }
0x179: {  	v7 =	vld [tilespmem:s8+$0x2C70]  }
0x17a: {  	v8 =	vld [tilespmem:s8+$0x400];
	[tilespmem:s31+$0x5440] =	vst v6;
	v3 =	vmul.f32 v4, v3  }
0x17b: {  	v4 =	vld [tilespmem:s8+$0x2C00]  }
0x17c: {  	v6 =	vld [tilespmem:s8+$0x410];
	[tilespmem:s31+$0x5450] =	vst v3;
	v1 =	vmul.f32 v5, v1  }
0x17d: {  	v3 =	vld [tilespmem:s8+$0x2C10]  }
0x17e: {  	v5 =	vld [tilespmem:s8+$0x420];
	[tilespmem:s31+$0x5460] =	vst v1  }
0x17f: {  	v1 =	vmul.f32 v7, v2;
	v2 =	vld [tilespmem:s8+$0x2C20]  }
0x180: {  	v7 =	vld [tilespmem:s8+$0x430]  }
0x181: {  	v4 =	vmul.f32 v4, v8;
	[tilespmem:s8+$0x5470] =	vst v1;
	v1 =	vld [tilespmem:s8+$0x2C30]  }
0x182: {  	v8 =	vld [tilespmem:s8+$0x2C60]  }
0x183: {  	[tilespmem:s8+$0x5400] =	vst v4;
	v3 =	vmul.f32 v3, v6;
	v4 =	vld [tilespmem:s8+$0x440]  }
0x184: {  	v6 =	vld [tilespmem:s8+$0x2C40]  }
0x185: {  	[tilespmem:s8+$0x5410] =	vst v3;
	v2 =	vmul.f32 v2, v5;
	v3 =	vld [tilespmem:s8+$0x450]  }
0x186: {  	v5 =	vld [tilespmem:s8+$0x2C50]  }
0x187: {  	[tilespmem:s8+$0x5420] =	vst v2;
	v2 =	vld [tilespmem:s8+$0x460];
	_ =	sdelay $0x1  }
0x188: {  	v1 =	vmul.f32 v1, v7  }
0x189: {  	v4 =	vmul.f32 v6, v4  }
0x18a: {  	[tilespmem:s8+$0x5430] =	vst v1;
	v1 =	vmul.f32 v5, v3  }
0x18b: {  	[tilespmem:s8+$0x5440] =	vst v4;
	v2 =	vmul.f32 v8, v2  }
0x18c: {  	[tilespmem:s8+$0x5450] =	vst v1  }
0x18d: {  	s14 =	simm.s32 $0x280;
	[tilespmem:s8+$0x5460] =	vst v2  }
0x18e: {  	[spmem:s2] =	stream.indirect.scatter.add.f32 [tilespmem:s0], [sflag:$0x9], $0x80, s14, s13, $0xb8;
	[tilespmem:$0x1B480] =	vst v63  }
0x18f: {  	_ =	swait.ge [sflag:s12], $0x28  }
0x190: {  	[sflag:s12] =	ssyncset.done $0x0  }
0x191: {  	[sflag:s12] =	ssyncadd.s32 $0xFFFFFFD8  }
0x192: {  	_ =	swait.ge [sflag:s12], $0x28  }
0x193: {  	s26 =	sshll.u32 s26, $0x4;
	[sflag:s12] =	ssyncset.done $0x0  }
0x194: {  	s8 =	simm.s32 $0x0;
	s14 =	simm.s32 $0x400;
	[sflag:s12] =	ssyncadd.s32 $0xFFFFFFD8  }
0x195: {  	[tilespmem:s14], [sflag:$0x5] =	stream.indirect.gather [hbm4b:s1+s13], $0x80, s8, s13, $0xb8;
	[tilespmem:$0x1B480] =	vst v63  }
0x196: {  	s14 =	sadd.s32 s5, s26  }
0x197: {  	[tilespmem:s15], [sflag:$0x7] =	stream.linear.gather [hbm4b:s14+s8], $0x1400, $0x38;
	[tilespmem:$0x1B480] =	vst v63  }
0x198: {  	_ =	swait.ge [sflag:s29], $0x1400  }
0x199: {  	[sflag:s29] =	ssyncset.done $0x0  }
0x19a: {  	[sflag:s29] =	ssyncadd.s32 $0xFFFFEC00  }
0x19b: {  	_ =	swait.ge [sflag:s30], $0x1400  }
0x19c: {  	[sflag:s30] =	ssyncset.done $0x0  }
0x19d: {  	[sflag:s30] =	ssyncadd.s32 $0xFFFFEC00  }
0x19e: {  	_ =	swait.ge [sflag:s23], $0x1400  }
0x19f: {  	s26 =	rddreg [dreg:$0x13]  }
0x1a0: {  	s26 =	sadd.s32 s21, s26  }
0x1a1: {  	[sflag:s23] =	ssyncset.done $0x0;
	s14 =	sshrl.u32 s26, $0x3  }
0x1a2: {  	[sflag:s23] =	ssyncadd.s32 $0xFFFFEC00;
	s31 =	sadd.s32 s6, s14  }
0x1a3: {  	[tilespmem:s10], [sflag:$0x2] =	stream.linear.gather [hbm4b:s31+s8], $0x28, $0x38;
	[tilespmem:$0x1B480] =	vst v63  }
0x1a4: {  	s14 =	sadd.s32 s7, s14;
	s31 =	simm.s32 $0x0  }
0x1a5: {  	[tilespmem:s11], [sflag:$0x2] =	stream.linear.gather [hbm4b:s14+s8], $0x28, $0x38;
	[tilespmem:$0x1B480] =	vst v63  }
0x1a6: {  	v1 =	vld [tilespmem:s31+$0x1870]  }
0x1a7: {  	v2 =	vld [tilespmem:s31+$0x4070]  }
0x1a8: {  	v3 =	vld [tilespmem:s31+$0x1800]  }
0x1a9: {  	v4 =	vld [tilespmem:s31+$0x4000]  }
0x1aa: {  	v5 =	vld [tilespmem:s31+$0x1810]  }
0x1ab: {  	v6 =	vld [tilespmem:s31+$0x4010]  }
0x1ac: {  	v7 =	vld [tilespmem:s31+$0x1820]  }
0x1ad: {  	v8 =	vld [tilespmem:s31+$0x1830]  }
0x1ae: {  	v1 =	vmul.f32 v2, v1;
	v2 =	vld [tilespmem:s31+$0x4020]  }
0x1af: {  	v9 =	vld [tilespmem:s31+$0x4030]  }
0x1b0: {  	v10 =	vld [tilespmem:s31+$0x4040];
	v3 =	vmul.f32 v4, v3  }
0x1b1: {  	[tilespmem:s31+$0x6870] =	vst v1;
	v1 =	vmul.f32 v6, v5;
	v6 =	vld [tilespmem:s31+$0x1840]  }
0x1b2: {  	v4 =	vld [tilespmem:s31+$0x4050];
	[tilespmem:s31+$0x6800] =	vst v3  }
0x1b3: {  	v3 =	vld [tilespmem:s31+$0x1850];
	[tilespmem:s31+$0x6810] =	vst v1;
	v1 =	vmul.f32 v2, v7  }
0x1b4: {  	v5 =	vld [tilespmem:s31+$0x4060];
	v7 =	vmul.f32 v9, v8  }
0x1b5: {  	s8 =	simm.s32 $0x80;
	[tilespmem:s31+$0x6820] =	vst v1;
	v1 =	vld [tilespmem:s31+$0x1860]  }
0x1b6: {  	s14 =	simm.s32 $0x400;
	v6 =	vmul.f32 v10, v6;
	v2 =	vld [tilespmem:s8+$0x1870];
	[tilespmem:s31+$0x6830] =	vst v7  }
.LBB2_11:
0x1b7: {  	p1 =	sne.s32 s14, $0x4E00;
	v7 =	vld [tilespmem:s8+$0x4070]  }
0x1b8: {  	v8 =	vld [tilespmem:s8+$0x1800];
	[tilespmem:s31+$0x6840] =	vst v6;
	v3 =	vmul.f32 v4, v3  }
0x1b9: {  	v4 =	vld [tilespmem:s8+$0x4000]  }
0x1ba: {  	v6 =	vld [tilespmem:s8+$0x1810];
	[tilespmem:s31+$0x6850] =	vst v3;
	v1 =	vmul.f32 v5, v1  }
0x1bb: {  	v3 =	vld [tilespmem:s8+$0x4010]  }
0x1bc: {  	v5 =	vld [tilespmem:s8+$0x1820];
	v2 =	vmul.f32 v7, v2;
	[tilespmem:s31+$0x6860] =	vst v1;
	s31 =	smov.u32 s8  }
0x1bd: {  	v1 =	vld [tilespmem:s31+$0x4020]  }
0x1be: {  	v4 =	vmul.f32 v4, v8;
	v7 =	vld [tilespmem:s31+$0x1830];
	[tilespmem:s31+$0x6870] =	vst v2  }
0x1bf: {  	v2 =	vld [tilespmem:s31+$0x4030]  }
0x1c0: {  	[tilespmem:s31+$0x6800] =	vst v4;
	v3 =	vmul.f32 v3, v6;
	v6 =	vld [tilespmem:s31+$0x1840]  }
0x1c1: {  	v8 =	vld [tilespmem:s31+$0x4040]  }
.Ltmp4:
0x1c2: {  	[tilespmem:s31+$0x6810] =	vst v3;
	v1 =	vmul.f32 v1, v5;
	v3 =	vld [tilespmem:s31+$0x1850];
	(pc) =	sbr.rel @p1 .LBB2_11-.Ltmp4, $4  }
0x1c3: {  	v4 =	vld [tilespmem:s31+$0x4050]  }
0x1c4: {  	[tilespmem:s31+$0x6820] =	vst v1;
	v7 =	vmul.f32 v2, v7;
	v1 =	vld [tilespmem:s31+$0x1860]  }
0x1c5: {  	s8 =	sshra.s32 s14, $0x2;
	v5 =	vld [tilespmem:s31+$0x4060]  }
0x1c6: {  	s14 =	sadd.s32 $0x200, s14;
	v2 =	vld [tilespmem:s8+$0x1870];
	[tilespmem:s31+$0x6830] =	vst v7;
	v6 =	vmul.f32 v8, v6  }
0x1c7: {  	v7 =	vld [tilespmem:s8+$0x4070]  }
0x1c8: {  	v8 =	vld [tilespmem:s8+$0x1800];
	[tilespmem:s31+$0x6840] =	vst v6;
	v3 =	vmul.f32 v4, v3  }
0x1c9: {  	v4 =	vld [tilespmem:s8+$0x4000]  }
0x1ca: {  	v6 =	vld [tilespmem:s8+$0x1810];
	[tilespmem:s31+$0x6850] =	vst v3;
	v1 =	vmul.f32 v5, v1  }
0x1cb: {  	v3 =	vld [tilespmem:s8+$0x4010]  }
0x1cc: {  	v5 =	vld [tilespmem:s8+$0x1820];
	[tilespmem:s31+$0x6860] =	vst v1  }
0x1cd: {  	v1 =	vmul.f32 v7, v2;
	v2 =	vld [tilespmem:s8+$0x4020]  }
0x1ce: {  	v7 =	vld [tilespmem:s8+$0x1830]  }
0x1cf: {  	v4 =	vmul.f32 v4, v8;
	[tilespmem:s8+$0x6870] =	vst v1;
	v1 =	vld [tilespmem:s8+$0x4030]  }
0x1d0: {  	v8 =	vld [tilespmem:s8+$0x4060]  }
0x1d1: {  	[tilespmem:s8+$0x6800] =	vst v4;
	v3 =	vmul.f32 v3, v6;
	v4 =	vld [tilespmem:s8+$0x1840]  }
0x1d2: {  	v6 =	vld [tilespmem:s8+$0x4040]  }
0x1d3: {  	[tilespmem:s8+$0x6810] =	vst v3;
	v2 =	vmul.f32 v2, v5;
	v3 =	vld [tilespmem:s8+$0x1850]  }
0x1d4: {  	v5 =	vld [tilespmem:s8+$0x4050]  }
0x1d5: {  	[tilespmem:s8+$0x6820] =	vst v2;
	v2 =	vld [tilespmem:s8+$0x1860];
	_ =	sdelay $0x1  }
0x1d6: {  	v1 =	vmul.f32 v1, v7  }
0x1d7: {  	v4 =	vmul.f32 v6, v4  }
0x1d8: {  	[tilespmem:s8+$0x6830] =	vst v1;
	v1 =	vmul.f32 v5, v3  }
0x1d9: {  	[tilespmem:s8+$0x6840] =	vst v4;
	v2 =	vmul.f32 v8, v2  }
0x1da: {  	[tilespmem:s8+$0x6850] =	vst v1  }
0x1db: {  	s14 =	simm.s32 $0x380;
	[tilespmem:s8+$0x6860] =	vst v2  }
0x1dc: {  	[spmem:s2] =	stream.indirect.scatter.add.f32 [tilespmem:s4], [sflag:$0xA], $0x80, s14, s13, $0xb8;
	[tilespmem:$0x1B480] =	vst v63  }
0x1dd: {  	_ =	swait.ge [sflag:s16], $0x28  }
0x1de: {  	[sflag:s16] =	ssyncset.done $0x0  }
0x1df: {  	[sflag:s16] =	ssyncadd.s32 $0xFFFFFFD8  }
0x1e0: {  	_ =	swait.ge [sflag:s16], $0x28  }
0x1e1: {  	[sflag:s16] =	ssyncset.done $0x0  }
0x1e2: {  	s15 =	sshll.u32 s26, $0x4;
	[sflag:s16] =	ssyncadd.s32 $0xFFFFFFD8  }
0x1e3: {  	[tilespmem:s17], [sflag:$0x6] =	stream.indirect.gather [hbm4b:s1+s13], $0x80, s10, s13, $0xb8;
	[tilespmem:$0x1B480] =	vst v63  }
0x1e4: {  	s8 =	sadd.s32 s5, s15;
	s14 =	simm.s32 $0x0  }
0x1e5: {  	[tilespmem:s18], [sflag:$0x8] =	stream.linear.gather [hbm4b:s8+s14], $0x1400, $0x38;
	[tilespmem:$0x1B480] =	vst v63  }
0x1e6: {  	_ =	swait.ge [sflag:s19], $0x1400  }
0x1e7: {  	[sflag:s19] =	ssyncset.done $0x0  }
0x1e8: {  	[sflag:s19] =	ssyncadd.s32 $0xFFFFEC00  }
0x1e9: {  	_ =	swait.ge [sflag:s20], $0x1400  }
0x1ea: {  	[sflag:s20] =	ssyncset.done $0x0  }
0x1eb: {  	[sflag:s20] =	ssyncadd.s32 $0xFFFFEC00  }
0x1ec: {  	_ =	swait.ge [sflag:s22], $0x1400  }
0x1ed: {  	s26 =	rddreg [dreg:$0x14]  }
0x1ee: {  	s26 =	sadd.s32 s21, s26  }
0x1ef: {  	[sflag:s22] =	ssyncset.done $0x0;
	s8 =	sshrl.u32 s26, $0x3  }
0x1f0: {  	s15 =	simm.s32 $0x200;
	[sflag:s22] =	ssyncadd.s32 $0xFFFFEC00;
	s31 =	sadd.s32 s6, s8  }
0x1f1: {  	[tilespmem:s15], [sflag:$0x3] =	stream.linear.gather [hbm4b:s31+s14], $0x28, $0x38;
	[tilespmem:$0x1B480] =	vst v63  }
0x1f2: {  	s8 =	sadd.s32 s7, s8;
	s15 =	simm.s32 $0x280;
	s31 =	simm.s32 $0x0  }
0x1f3: {  	[tilespmem:s15], [sflag:$0x3] =	stream.linear.gather [hbm4b:s8+s14], $0x28, $0x38;
	[tilespmem:$0x1B480] =	vst v63  }
0x1f4: {  	v1 =	vld [tilespmem:s31+$0x470]  }
0x1f5: {  	v2 =	vld [tilespmem:s31+$0x2C70]  }
0x1f6: {  	v3 =	vld [tilespmem:s31+$0x400]  }
0x1f7: {  	v4 =	vld [tilespmem:s31+$0x2C00]  }
0x1f8: {  	v5 =	vld [tilespmem:s31+$0x410]  }
0x1f9: {  	v6 =	vld [tilespmem:s31+$0x2C10]  }
0x1fa: {  	v7 =	vld [tilespmem:s31+$0x420]  }
0x1fb: {  	v8 =	vld [tilespmem:s31+$0x430]  }
0x1fc: {  	v1 =	vmul.f32 v2, v1;
	v2 =	vld [tilespmem:s31+$0x2C20]  }
0x1fd: {  	v9 =	vld [tilespmem:s31+$0x2C30]  }
0x1fe: {  	v10 =	vld [tilespmem:s31+$0x2C40];
	v3 =	vmul.f32 v4, v3  }
0x1ff: {  	[tilespmem:s31+$0x5470] =	vst v1;
	v1 =	vmul.f32 v6, v5;
	v6 =	vld [tilespmem:s31+$0x440]  }
0x200: {  	v4 =	vld [tilespmem:s31+$0x2C50];
	[tilespmem:s31+$0x5400] =	vst v3  }
0x201: {  	v3 =	vld [tilespmem:s31+$0x450];
	[tilespmem:s31+$0x5410] =	vst v1;
	v1 =	vmul.f32 v2, v7  }
0x202: {  	v5 =	vld [tilespmem:s31+$0x2C60];
	v7 =	vmul.f32 v9, v8  }
0x203: {  	s8 =	simm.s32 $0x80;
	[tilespmem:s31+$0x5420] =	vst v1;
	v1 =	vld [tilespmem:s31+$0x460]  }
0x204: {  	s14 =	simm.s32 $0x400;
	v6 =	vmul.f32 v10, v6;
	v2 =	vld [tilespmem:s8+$0x470];
	[tilespmem:s31+$0x5430] =	vst v7  }
.LBB2_13:
0x205: {  	p1 =	sne.s32 s14, $0x4E00;
	v7 =	vld [tilespmem:s8+$0x2C70]  }
0x206: {  	v8 =	vld [tilespmem:s8+$0x400];
	[tilespmem:s31+$0x5440] =	vst v6;
	v3 =	vmul.f32 v4, v3  }
0x207: {  	v4 =	vld [tilespmem:s8+$0x2C00]  }
0x208: {  	v6 =	vld [tilespmem:s8+$0x410];
	[tilespmem:s31+$0x5450] =	vst v3;
	v1 =	vmul.f32 v5, v1  }
0x209: {  	v3 =	vld [tilespmem:s8+$0x2C10]  }
0x20a: {  	v5 =	vld [tilespmem:s8+$0x420];
	v2 =	vmul.f32 v7, v2;
	[tilespmem:s31+$0x5460] =	vst v1;
	s31 =	smov.u32 s8  }
0x20b: {  	v1 =	vld [tilespmem:s31+$0x2C20]  }
0x20c: {  	v4 =	vmul.f32 v4, v8;
	v7 =	vld [tilespmem:s31+$0x430];
	[tilespmem:s31+$0x5470] =	vst v2  }
0x20d: {  	v2 =	vld [tilespmem:s31+$0x2C30]  }
0x20e: {  	[tilespmem:s31+$0x5400] =	vst v4;
	v3 =	vmul.f32 v3, v6;
	v6 =	vld [tilespmem:s31+$0x440]  }
0x20f: {  	v8 =	vld [tilespmem:s31+$0x2C40]  }
.Ltmp5:
0x210: {  	[tilespmem:s31+$0x5410] =	vst v3;
	v1 =	vmul.f32 v1, v5;
	v3 =	vld [tilespmem:s31+$0x450];
	(pc) =	sbr.rel @p1 .LBB2_13-.Ltmp5, $4  }
0x211: {  	v4 =	vld [tilespmem:s31+$0x2C50]  }
0x212: {  	[tilespmem:s31+$0x5420] =	vst v1;
	v7 =	vmul.f32 v2, v7;
	v1 =	vld [tilespmem:s31+$0x460]  }
0x213: {  	s8 =	sshra.s32 s14, $0x2;
	v5 =	vld [tilespmem:s31+$0x2C60]  }
0x214: {  	s14 =	sadd.s32 $0x200, s14;
	v2 =	vld [tilespmem:s8+$0x470];
	[tilespmem:s31+$0x5430] =	vst v7;
	v6 =	vmul.f32 v8, v6  }
0x215: {  	v7 =	vld [tilespmem:s8+$0x2C70]  }
0x216: {  	v8 =	vld [tilespmem:s8+$0x400];
	[tilespmem:s31+$0x5440] =	vst v6;
	v3 =	vmul.f32 v4, v3  }
0x217: {  	v4 =	vld [tilespmem:s8+$0x2C00]  }
0x218: {  	v6 =	vld [tilespmem:s8+$0x410];
	[tilespmem:s31+$0x5450] =	vst v3;
	v1 =	vmul.f32 v5, v1  }
0x219: {  	v3 =	vld [tilespmem:s8+$0x2C10]  }
0x21a: {  	v5 =	vld [tilespmem:s8+$0x420];
	[tilespmem:s31+$0x5460] =	vst v1  }
0x21b: {  	v1 =	vmul.f32 v7, v2;
	v2 =	vld [tilespmem:s8+$0x2C20]  }
0x21c: {  	v7 =	vld [tilespmem:s8+$0x430]  }
0x21d: {  	v4 =	vmul.f32 v4, v8;
	[tilespmem:s8+$0x5470] =	vst v1;
	v1 =	vld [tilespmem:s8+$0x2C30]  }
0x21e: {  	v8 =	vld [tilespmem:s8+$0x2C60]  }
0x21f: {  	[tilespmem:s8+$0x5400] =	vst v4;
	v3 =	vmul.f32 v3, v6;
	v4 =	vld [tilespmem:s8+$0x440]  }
0x220: {  	v6 =	vld [tilespmem:s8+$0x2C40]  }
0x221: {  	[tilespmem:s8+$0x5410] =	vst v3;
	v2 =	vmul.f32 v2, v5;
	v3 =	vld [tilespmem:s8+$0x450]  }
0x222: {  	v5 =	vld [tilespmem:s8+$0x2C50]  }
0x223: {  	[tilespmem:s8+$0x5420] =	vst v2;
	v2 =	vld [tilespmem:s8+$0x460];
	_ =	sdelay $0x1  }
0x224: {  	v1 =	vmul.f32 v1, v7  }
0x225: {  	v4 =	vmul.f32 v6, v4  }
0x226: {  	[tilespmem:s8+$0x5430] =	vst v1;
	v1 =	vmul.f32 v5, v3  }
0x227: {  	[tilespmem:s8+$0x5440] =	vst v4;
	v2 =	vmul.f32 v8, v2  }
0x228: {  	[tilespmem:s8+$0x5450] =	vst v1  }
0x229: {  	[tilespmem:s8+$0x5460] =	vst v2  }
0x22a: {  	[spmem:s2] =	stream.indirect.scatter.add.f32 [tilespmem:s0], [sflag:$0x9], $0x80, s9, s13, $0xb8;
	[tilespmem:$0x1B480] =	vst v63  }
0x22b: {  	_ =	swait.ge [sflag:s28], $0x28  }
0x22c: {  	[sflag:s28] =	ssyncset.done $0x0  }
0x22d: {  	[sflag:s28] =	ssyncadd.s32 $0xFFFFFFD8  }
0x22e: {  	_ =	swait.ge [sflag:s28], $0x28  }
0x22f: {  	[sflag:s28] =	ssyncset.done $0x0  }
0x230: {  	s15 =	simm.s32 $0x400;
	s14 =	simm.s32 $0x200;
	[sflag:s28] =	ssyncadd.s32 $0xFFFFFFD8  }
0x231: {  	[tilespmem:s15], [sflag:$0x5] =	stream.indirect.gather [hbm4b:s1+s13], $0x80, s14, s13, $0xb8;
	[tilespmem:$0x1B480] =	vst v63  }
0x232: {  	s15 =	sshll.u32 s26, $0x4  }
0x233: {  	s14 =	simm.s32 $0x0;
	s8 =	sadd.s32 s5, s15;
	s15 =	simm.s32 $0x2C00  }
0x234: {  	[tilespmem:s15], [sflag:$0x7] =	stream.linear.gather [hbm4b:s8+s14], $0x1400, $0x38;
	[tilespmem:$0x1B480] =	vst v63  }
0x235: {  	_ =	swait.ge [sflag:s29], $0x1400  }
0x236: {  	[sflag:s29] =	ssyncset.done $0x0  }
0x237: {  	[sflag:s29] =	ssyncadd.s32 $0xFFFFEC00  }
0x238: {  	_ =	swait.ge [sflag:s30], $0x1400  }
0x239: {  	[sflag:s30] =	ssyncset.done $0x0  }
0x23a: {  	[sflag:s30] =	ssyncadd.s32 $0xFFFFEC00  }
0x23b: {  	_ =	swait.ge [sflag:s23], $0x1400  }
0x23c: {  	s26 =	rddreg [dreg:$0x15]  }
0x23d: {  	s21 =	sadd.s32 s21, s26  }
0x23e: {  	[sflag:s23] =	ssyncset.done $0x0;
	s8 =	sshrl.u32 s21, $0x3  }
0x23f: {  	s31 =	simm.s32 $0x300;
	[sflag:s23] =	ssyncadd.s32 $0xFFFFEC00;
	s26 =	sadd.s32 s6, s8  }
0x240: {  	[tilespmem:s31], [sflag:$0x4] =	stream.linear.gather [hbm4b:s26+s14], $0x28, $0x38;
	[tilespmem:$0x1B480] =	vst v63  }
0x241: {  	s8 =	sadd.s32 s7, s8;
	s26 =	simm.s32 $0x380  }
0x242: {  	[tilespmem:s26], [sflag:$0x4] =	stream.linear.gather [hbm4b:s8+s14], $0x28, $0x38;
	[tilespmem:$0x1B480] =	vst v63  }
0x243: {  	s26 =	simm.s32 $0x0  }
0x244: {  	v1 =	vld [tilespmem:s26+$0x1870]  }
0x245: {  	v2 =	vld [tilespmem:s26+$0x4070]  }
0x246: {  	v3 =	vld [tilespmem:s26+$0x1800]  }
0x247: {  	v4 =	vld [tilespmem:s26+$0x4000]  }
0x248: {  	v5 =	vld [tilespmem:s26+$0x1810]  }
0x249: {  	v6 =	vld [tilespmem:s26+$0x4010]  }
0x24a: {  	v7 =	vld [tilespmem:s26+$0x1820]  }
0x24b: {  	v8 =	vld [tilespmem:s26+$0x1830]  }
0x24c: {  	v1 =	vmul.f32 v2, v1;
	v2 =	vld [tilespmem:s26+$0x4020]  }
0x24d: {  	v9 =	vld [tilespmem:s26+$0x4030]  }
0x24e: {  	v10 =	vld [tilespmem:s26+$0x4040];
	v3 =	vmul.f32 v4, v3  }
0x24f: {  	[tilespmem:s26+$0x6870] =	vst v1;
	v1 =	vmul.f32 v6, v5;
	v6 =	vld [tilespmem:s26+$0x1840]  }
0x250: {  	v4 =	vld [tilespmem:s26+$0x4050];
	[tilespmem:s26+$0x6800] =	vst v3  }
0x251: {  	v3 =	vld [tilespmem:s26+$0x1850];
	[tilespmem:s26+$0x6810] =	vst v1;
	v1 =	vmul.f32 v2, v7  }
0x252: {  	v5 =	vld [tilespmem:s26+$0x4060];
	v7 =	vmul.f32 v9, v8  }
0x253: {  	s8 =	simm.s32 $0x80;
	[tilespmem:s26+$0x6820] =	vst v1;
	v1 =	vld [tilespmem:s26+$0x1860]  }
0x254: {  	s14 =	simm.s32 $0x400;
	v6 =	vmul.f32 v10, v6;
	v2 =	vld [tilespmem:s8+$0x1870];
	[tilespmem:s26+$0x6830] =	vst v7  }
.LBB2_15:
0x255: {  	p1 =	sne.s32 s14, $0x4E00;
	v7 =	vld [tilespmem:s8+$0x4070]  }
0x256: {  	v8 =	vld [tilespmem:s8+$0x1800];
	[tilespmem:s26+$0x6840] =	vst v6;
	v3 =	vmul.f32 v4, v3  }
0x257: {  	v4 =	vld [tilespmem:s8+$0x4000]  }
0x258: {  	v6 =	vld [tilespmem:s8+$0x1810];
	[tilespmem:s26+$0x6850] =	vst v3;
	v1 =	vmul.f32 v5, v1  }
0x259: {  	v3 =	vld [tilespmem:s8+$0x4010]  }
0x25a: {  	v5 =	vld [tilespmem:s8+$0x1820];
	v2 =	vmul.f32 v7, v2;
	[tilespmem:s26+$0x6860] =	vst v1;
	s26 =	smov.u32 s8  }
0x25b: {  	v1 =	vld [tilespmem:s26+$0x4020]  }
0x25c: {  	v4 =	vmul.f32 v4, v8;
	v7 =	vld [tilespmem:s26+$0x1830];
	[tilespmem:s26+$0x6870] =	vst v2  }
0x25d: {  	v2 =	vld [tilespmem:s26+$0x4030]  }
0x25e: {  	[tilespmem:s26+$0x6800] =	vst v4;
	v3 =	vmul.f32 v3, v6;
	v6 =	vld [tilespmem:s26+$0x1840]  }
0x25f: {  	v8 =	vld [tilespmem:s26+$0x4040]  }
.Ltmp6:
0x260: {  	[tilespmem:s26+$0x6810] =	vst v3;
	v1 =	vmul.f32 v1, v5;
	v3 =	vld [tilespmem:s26+$0x1850];
	(pc) =	sbr.rel @p1 .LBB2_15-.Ltmp6, $4  }
0x261: {  	v4 =	vld [tilespmem:s26+$0x4050]  }
0x262: {  	[tilespmem:s26+$0x6820] =	vst v1;
	v7 =	vmul.f32 v2, v7;
	v1 =	vld [tilespmem:s26+$0x1860]  }
0x263: {  	s8 =	sshra.s32 s14, $0x2;
	v5 =	vld [tilespmem:s26+$0x4060]  }
0x264: {  	s14 =	sadd.s32 $0x200, s14;
	v2 =	vld [tilespmem:s8+$0x1870];
	[tilespmem:s26+$0x6830] =	vst v7;
	v6 =	vmul.f32 v8, v6  }
0x265: {  	v7 =	vld [tilespmem:s8+$0x4070]  }
0x266: {  	v8 =	vld [tilespmem:s8+$0x1800];
	[tilespmem:s26+$0x6840] =	vst v6;
	v3 =	vmul.f32 v4, v3  }
0x267: {  	v57 =	vld [tilespmem:s8+$0x4000]  }
0x268: {  	v6 =	vld [tilespmem:s8+$0x1810];
	[tilespmem:s26+$0x6850] =	vst v3;
	v1 =	vmul.f32 v5, v1  }
0x269: {  	v3 =	vld [tilespmem:s8+$0x4010]  }
0x26a: {  	v58 =	vld [tilespmem:s8+$0x1820];
	[tilespmem:s26+$0x6860] =	vst v1  }
0x26b: {  	v1 =	vmul.f32 v7, v2;
	v2 =	vld [tilespmem:s8+$0x4020]  }
0x26c: {  	v59 =	vld [tilespmem:s8+$0x1830]  }
0x26d: {  	v60 =	vld [tilespmem:s8+$0x1840]  }
0x26e: {  	v61 =	vld [tilespmem:s8+$0x4040]  }
0x26f: {  	v62 =	vld [tilespmem:s8+$0x4050]  }
0x270: {  	[tilespmem:s8+$0x6870] =	vst v1;
	v1 =	vld [tilespmem:s8+$0x4030];
	v3 =	vmul.f32 v3, v6  }
0x271: {  	v63 =	vld [tilespmem:s8+$0x4060];
	v2 =	vmul.f32 v2, v58  }
0x272: {  	[tilespmem:s8+$0x6810] =	vst v3;
	v3 =	vld [tilespmem:s8+$0x1850]  }
0x273: {  	[tilespmem:s8+$0x6820] =	vst v2;
	v2 =	vld [tilespmem:s8+$0x1860]  }
0x274: {  	v4 =	vmul.f32 v57, v8  }
0x275: {  	v1 =	vmul.f32 v1, v59  }
0x276: {  	[tilespmem:s8+$0x6800] =	vst v4;
	v4 =	vmul.f32 v61, v60  }
0x277: {  	[tilespmem:s8+$0x6830] =	vst v1;
	v1 =	vmul.f32 v62, v3  }
0x278: {  	[tilespmem:s8+$0x6840] =	vst v4;
	v2 =	vmul.f32 v63, v2  }
0x279: {  	[tilespmem:s8+$0x6850] =	vst v1  }
0x27a: {  	[tilespmem:s8+$0x6860] =	vst v2  }
0x27b: {  	[spmem:s2] =	stream.indirect.scatter.add.f32 [tilespmem:s4], [sflag:$0xA], $0x80, s11, s13, $0xb8;
	[tilespmem:$0x1B480] =	vst v63  }
0x27c: {  	_ =	swait.ge [sflag:s3], $0x28  }
0x27d: {  	[sflag:s3] =	ssyncset.done $0x0  }
0x27e: {  	s25 =	sadd.s32 $0x1, s25;
	[sflag:s3] =	ssyncadd.s32 $0xFFFFFFD8  }
0x27f: {  	p1 =	sne.s32 s25, $0x3D;
	_ =	swait.ge [sflag:s3], $0x28  }
.Ltmp7:
0x280: {  	[sflag:s3] =	ssyncset.done $0x0;
	(pc) =	sbr.rel @p1 .LBB2_8-.Ltmp7, $4  }
0x281: {  	s26 =	sshll.u32 s21, $0x4;
	[sflag:s3] =	ssyncadd.s32 $0xFFFFFFD8  }
0x282: {  	[tilespmem:s17], [sflag:$0x6] =	stream.indirect.gather [hbm4b:s1+s13], $0x80, s31, s13, $0xb8;
	[tilespmem:$0x1B480] =	vst v63  }
0x283: {  	s14 =	simm.s32 $0x0;
	s8 =	sadd.s32 s5, s26  }
0x284: {  	[tilespmem:s18], [sflag:$0x8] =	stream.linear.gather [hbm4b:s8+s14], $0x1400, $0x38;
	[tilespmem:$0x1B480] =	vst v63  }
0x285: {  	_ =	swait.ge [sflag:s19], $0x1400  }
0x286: {  	[sflag:s19] =	ssyncset.done $0x0  }
0x287: {  	[sflag:s19] =	ssyncadd.s32 $0xFFFFEC00  }
0x288: {  	_ =	swait.ge [sflag:s20], $0x1400  }
0x289: {  	[sflag:s20] =	ssyncset.done $0x0  }
0x28a: {  	[sflag:s20] =	ssyncadd.s32 $0xFFFFEC00  }
0x28b: {  	_ =	swait.ge [sflag:s22], $0x1400  }
0x28c: {  	[sflag:s22] =	ssyncset.done $0x0  }
0x28d: {  	s8 =	simm.s32 $0x0;
	s14 =	rddreg [dreg:$0x16];
	[sflag:s22] =	ssyncadd.s32 $0xFFFFEC00  }
0x28e: {  	[tilespmem:s8], [sflag:$0x1] =	stream.linear.gather [hbm4b:s14+s8], $0x28, $0x38;
	[tilespmem:$0x1B480] =	vst v63  }
0x28f: {  	s21 =	simm.s32 $0x0;
	s26 =	rddreg [dreg:$0x17]  }
0x290: {  	[tilespmem:s9], [sflag:$0x1] =	stream.linear.gather [hbm4b:s26+s8], $0x28, $0x38;
	[tilespmem:$0x1B480] =	vst v63  }
0x291: {  	v1 =	vld [tilespmem:s21+$0x470]  }
0x292: {  	v2 =	vld [tilespmem:s21+$0x2C70]  }
0x293: {  	v3 =	vld [tilespmem:s21+$0x400]  }
0x294: {  	v4 =	vld [tilespmem:s21+$0x2C00]  }
0x295: {  	v5 =	vld [tilespmem:s21+$0x410]  }
0x296: {  	v6 =	vld [tilespmem:s21+$0x2C10]  }
0x297: {  	v7 =	vld [tilespmem:s21+$0x420]  }
0x298: {  	v8 =	vld [tilespmem:s21+$0x430]  }
0x299: {  	v1 =	vmul.f32 v2, v1;
	v2 =	vld [tilespmem:s21+$0x2C20]  }
0x29a: {  	v9 =	vld [tilespmem:s21+$0x2C30]  }
0x29b: {  	v10 =	vld [tilespmem:s21+$0x2C40];
	v3 =	vmul.f32 v4, v3  }
0x29c: {  	[tilespmem:s21+$0x5470] =	vst v1;
	v1 =	vmul.f32 v6, v5;
	v6 =	vld [tilespmem:s21+$0x440]  }
0x29d: {  	v4 =	vld [tilespmem:s21+$0x2C50];
	[tilespmem:s21+$0x5400] =	vst v3  }
0x29e: {  	v3 =	vld [tilespmem:s21+$0x450];
	[tilespmem:s21+$0x5410] =	vst v1;
	v1 =	vmul.f32 v2, v7  }
0x29f: {  	v5 =	vld [tilespmem:s21+$0x2C60];
	v7 =	vmul.f32 v9, v8  }
0x2a0: {  	s8 =	simm.s32 $0x80;
	[tilespmem:s21+$0x5420] =	vst v1;
	v1 =	vld [tilespmem:s21+$0x460]  }
0x2a1: {  	s14 =	simm.s32 $0x400;
	v6 =	vmul.f32 v10, v6;
	v2 =	vld [tilespmem:s8+$0x470];
	[tilespmem:s21+$0x5430] =	vst v7  }
.LBB2_18:
0x2a2: {  	p1 =	sne.s32 s14, $0x4E00;
	v7 =	vld [tilespmem:s8+$0x2C70]  }
0x2a3: {  	v8 =	vld [tilespmem:s8+$0x400];
	[tilespmem:s21+$0x5440] =	vst v6;
	v3 =	vmul.f32 v4, v3  }
0x2a4: {  	v4 =	vld [tilespmem:s8+$0x2C00]  }
0x2a5: {  	v6 =	vld [tilespmem:s8+$0x410];
	[tilespmem:s21+$0x5450] =	vst v3;
	v1 =	vmul.f32 v5, v1  }
0x2a6: {  	v3 =	vld [tilespmem:s8+$0x2C10]  }
0x2a7: {  	v5 =	vld [tilespmem:s8+$0x420];
	v2 =	vmul.f32 v7, v2;
	[tilespmem:s21+$0x5460] =	vst v1;
	s21 =	smov.u32 s8  }
0x2a8: {  	v1 =	vld [tilespmem:s21+$0x2C20]  }
0x2a9: {  	v4 =	vmul.f32 v4, v8;
	v7 =	vld [tilespmem:s21+$0x430];
	[tilespmem:s21+$0x5470] =	vst v2  }
0x2aa: {  	v2 =	vld [tilespmem:s21+$0x2C30]  }
0x2ab: {  	[tilespmem:s21+$0x5400] =	vst v4;
	v3 =	vmul.f32 v3, v6;
	v6 =	vld [tilespmem:s21+$0x440]  }
0x2ac: {  	v8 =	vld [tilespmem:s21+$0x2C40]  }
.Ltmp8:
0x2ad: {  	[tilespmem:s21+$0x5410] =	vst v3;
	v1 =	vmul.f32 v1, v5;
	v3 =	vld [tilespmem:s21+$0x450];
	(pc) =	sbr.rel @p1 .LBB2_18-.Ltmp8, $4  }
0x2ae: {  	v4 =	vld [tilespmem:s21+$0x2C50]  }
0x2af: {  	[tilespmem:s21+$0x5420] =	vst v1;
	v7 =	vmul.f32 v2, v7;
	v1 =	vld [tilespmem:s21+$0x460]  }
0x2b0: {  	s8 =	sshra.s32 s14, $0x2;
	v5 =	vld [tilespmem:s21+$0x2C60]  }
0x2b1: {  	s14 =	sadd.s32 $0x200, s14;
	v2 =	vld [tilespmem:s8+$0x470];
	[tilespmem:s21+$0x5430] =	vst v7;
	v6 =	vmul.f32 v8, v6  }
0x2b2: {  	v7 =	vld [tilespmem:s8+$0x2C70]  }
0x2b3: {  	v8 =	vld [tilespmem:s8+$0x400];
	[tilespmem:s21+$0x5440] =	vst v6;
	v3 =	vmul.f32 v4, v3  }
0x2b4: {  	v4 =	vld [tilespmem:s8+$0x2C00]  }
0x2b5: {  	v6 =	vld [tilespmem:s8+$0x410];
	[tilespmem:s21+$0x5450] =	vst v3;
	v1 =	vmul.f32 v5, v1  }
0x2b6: {  	v3 =	vld [tilespmem:s8+$0x2C10]  }
0x2b7: {  	v5 =	vld [tilespmem:s8+$0x420];
	[tilespmem:s21+$0x5460] =	vst v1  }
0x2b8: {  	v1 =	vmul.f32 v7, v2;
	v2 =	vld [tilespmem:s8+$0x2C20]  }
0x2b9: {  	v7 =	vld [tilespmem:s8+$0x430]  }
0x2ba: {  	v4 =	vmul.f32 v4, v8;
	[tilespmem:s8+$0x5470] =	vst v1;
	v1 =	vld [tilespmem:s8+$0x2C30]  }
0x2bb: {  	v8 =	vld [tilespmem:s8+$0x2C60]  }
0x2bc: {  	[tilespmem:s8+$0x5400] =	vst v4;
	v3 =	vmul.f32 v3, v6;
	v4 =	vld [tilespmem:s8+$0x440]  }
0x2bd: {  	v6 =	vld [tilespmem:s8+$0x2C40]  }
0x2be: {  	[tilespmem:s8+$0x5410] =	vst v3;
	v2 =	vmul.f32 v2, v5;
	v3 =	vld [tilespmem:s8+$0x450]  }
0x2bf: {  	v5 =	vld [tilespmem:s8+$0x2C50]  }
0x2c0: {  	[tilespmem:s8+$0x5420] =	vst v2;
	v2 =	vld [tilespmem:s8+$0x460];
	_ =	sdelay $0x1  }
0x2c1: {  	v1 =	vmul.f32 v1, v7  }
0x2c2: {  	v4 =	vmul.f32 v6, v4  }
0x2c3: {  	[tilespmem:s8+$0x5430] =	vst v1;
	v1 =	vmul.f32 v5, v3  }
0x2c4: {  	[tilespmem:s8+$0x5440] =	vst v4;
	v2 =	vmul.f32 v8, v2  }
0x2c5: {  	[tilespmem:s8+$0x5450] =	vst v1  }
0x2c6: {  	s14 =	simm.s32 $0x280;
	[tilespmem:s8+$0x5460] =	vst v2  }
0x2c7: {  	[spmem:s2] =	stream.indirect.scatter.add.f32 [tilespmem:s0], [sflag:$0x9], $0x80, s14, s13, $0xb8;
	[tilespmem:$0x1B480] =	vst v63  }
0x2c8: {  	_ =	swait.ge [sflag:s12], $0x28  }
0x2c9: {  	[sflag:s12] =	ssyncset.done $0x0  }
0x2ca: {  	[sflag:s12] =	ssyncadd.s32 $0xFFFFFFD8  }
0x2cb: {  	_ =	swait.ge [sflag:s12], $0x28  }
0x2cc: {  	[sflag:s12] =	ssyncset.done $0x0  }
0x2cd: {  	s21 =	simm.s32 $0x0;
	s14 =	simm.s32 $0x400;
	[sflag:s12] =	ssyncadd.s32 $0xFFFFFFD8  }
0x2ce: {  	[tilespmem:s14], [sflag:$0x5] =	stream.indirect.gather [hbm4b:s1+s13], $0x80, s21, s13, $0xb8;
	[tilespmem:$0x1B480] =	vst v63  }
0x2cf: {  	s24 =	rddreg [dreg:$0x18]  }
0x2d0: {  	[tilespmem:s15], [sflag:$0x7] =	stream.linear.gather [hbm4b:s24+s21], $0x1400, $0x38;
	[tilespmem:$0x1B480] =	vst v63  }
0x2d1: {  	_ =	swait.ge [sflag:s29], $0x1400  }
0x2d2: {  	[sflag:s29] =	ssyncset.done $0x0  }
0x2d3: {  	[sflag:s29] =	ssyncadd.s32 $0xFFFFEC00  }
0x2d4: {  	_ =	swait.ge [sflag:s30], $0x1400  }
0x2d5: {  	[sflag:s30] =	ssyncset.done $0x0  }
0x2d6: {  	[sflag:s30] =	ssyncadd.s32 $0xFFFFEC00  }
0x2d7: {  	_ =	swait.ge [sflag:s23], $0x1400  }
0x2d8: {  	[sflag:s23] =	ssyncset.done $0x0  }
0x2d9: {  	s25 =	rddreg [dreg:$0x19];
	[sflag:s23] =	ssyncadd.s32 $0xFFFFEC00  }
0x2da: {  	[tilespmem:s10], [sflag:$0x2] =	stream.linear.gather [hbm4b:s25+s21], $0x28, $0x38;
	[tilespmem:$0x1B480] =	vst v63  }
0x2db: {  	s26 =	rddreg [dreg:$0x1a]  }
0x2dc: {  	[tilespmem:s11], [sflag:$0x2] =	stream.linear.gather [hbm4b:s26+s21], $0x28, $0x38;
	[tilespmem:$0x1B480] =	vst v63  }
0x2dd: {  	s21 =	simm.s32 $0x0  }
0x2de: {  	v1 =	vld [tilespmem:s21+$0x1870]  }
0x2df: {  	v2 =	vld [tilespmem:s21+$0x4070]  }
0x2e0: {  	v3 =	vld [tilespmem:s21+$0x1800]  }
0x2e1: {  	v4 =	vld [tilespmem:s21+$0x4000]  }
0x2e2: {  	v5 =	vld [tilespmem:s21+$0x1810]  }
0x2e3: {  	v6 =	vld [tilespmem:s21+$0x4010]  }
0x2e4: {  	v7 =	vld [tilespmem:s21+$0x1820]  }
0x2e5: {  	v8 =	vld [tilespmem:s21+$0x1830]  }
0x2e6: {  	v1 =	vmul.f32 v2, v1;
	v2 =	vld [tilespmem:s21+$0x4020]  }
0x2e7: {  	v9 =	vld [tilespmem:s21+$0x4030]  }
0x2e8: {  	v10 =	vld [tilespmem:s21+$0x4040];
	v3 =	vmul.f32 v4, v3  }
0x2e9: {  	[tilespmem:s21+$0x6870] =	vst v1;
	v1 =	vmul.f32 v6, v5;
	v6 =	vld [tilespmem:s21+$0x1840]  }
0x2ea: {  	v4 =	vld [tilespmem:s21+$0x4050];
	[tilespmem:s21+$0x6800] =	vst v3  }
0x2eb: {  	v3 =	vld [tilespmem:s21+$0x1850];
	[tilespmem:s21+$0x6810] =	vst v1;
	v1 =	vmul.f32 v2, v7  }
0x2ec: {  	v5 =	vld [tilespmem:s21+$0x4060];
	v7 =	vmul.f32 v9, v8  }
0x2ed: {  	s8 =	simm.s32 $0x80;
	[tilespmem:s21+$0x6820] =	vst v1;
	v1 =	vld [tilespmem:s21+$0x1860]  }
0x2ee: {  	s14 =	simm.s32 $0x400;
	v6 =	vmul.f32 v10, v6;
	v2 =	vld [tilespmem:s8+$0x1870];
	[tilespmem:s21+$0x6830] =	vst v7  }
.LBB2_20:
0x2ef: {  	p1 =	sne.s32 s14, $0x4E00;
	v7 =	vld [tilespmem:s8+$0x4070]  }
0x2f0: {  	v8 =	vld [tilespmem:s8+$0x1800];
	[tilespmem:s21+$0x6840] =	vst v6;
	v3 =	vmul.f32 v4, v3  }
0x2f1: {  	v4 =	vld [tilespmem:s8+$0x4000]  }
0x2f2: {  	v6 =	vld [tilespmem:s8+$0x1810];
	[tilespmem:s21+$0x6850] =	vst v3;
	v1 =	vmul.f32 v5, v1  }
0x2f3: {  	v3 =	vld [tilespmem:s8+$0x4010]  }
0x2f4: {  	v5 =	vld [tilespmem:s8+$0x1820];
	v2 =	vmul.f32 v7, v2;
	[tilespmem:s21+$0x6860] =	vst v1;
	s21 =	smov.u32 s8  }
0x2f5: {  	v1 =	vld [tilespmem:s21+$0x4020]  }
0x2f6: {  	v4 =	vmul.f32 v4, v8;
	v7 =	vld [tilespmem:s21+$0x1830];
	[tilespmem:s21+$0x6870] =	vst v2  }
0x2f7: {  	v2 =	vld [tilespmem:s21+$0x4030]  }
0x2f8: {  	[tilespmem:s21+$0x6800] =	vst v4;
	v3 =	vmul.f32 v3, v6;
	v6 =	vld [tilespmem:s21+$0x1840]  }
0x2f9: {  	v8 =	vld [tilespmem:s21+$0x4040]  }
.Ltmp9:
0x2fa: {  	[tilespmem:s21+$0x6810] =	vst v3;
	v1 =	vmul.f32 v1, v5;
	v3 =	vld [tilespmem:s21+$0x1850];
	(pc) =	sbr.rel @p1 .LBB2_20-.Ltmp9, $4  }
0x2fb: {  	v4 =	vld [tilespmem:s21+$0x4050]  }
0x2fc: {  	[tilespmem:s21+$0x6820] =	vst v1;
	v7 =	vmul.f32 v2, v7;
	v1 =	vld [tilespmem:s21+$0x1860]  }
0x2fd: {  	s8 =	sshra.s32 s14, $0x2;
	v5 =	vld [tilespmem:s21+$0x4060]  }
0x2fe: {  	s14 =	sadd.s32 $0x200, s14;
	v2 =	vld [tilespmem:s8+$0x1870];
	[tilespmem:s21+$0x6830] =	vst v7;
	v6 =	vmul.f32 v8, v6  }
0x2ff: {  	v7 =	vld [tilespmem:s8+$0x4070]  }
0x300: {  	v8 =	vld [tilespmem:s8+$0x1800];
	[tilespmem:s21+$0x6840] =	vst v6;
	v3 =	vmul.f32 v4, v3  }
0x301: {  	v4 =	vld [tilespmem:s8+$0x4000]  }
0x302: {  	v6 =	vld [tilespmem:s8+$0x1810];
	[tilespmem:s21+$0x6850] =	vst v3;
	v1 =	vmul.f32 v5, v1  }
0x303: {  	v3 =	vld [tilespmem:s8+$0x4010]  }
0x304: {  	v5 =	vld [tilespmem:s8+$0x1820];
	[tilespmem:s21+$0x6860] =	vst v1  }
0x305: {  	v1 =	vmul.f32 v7, v2;
	v2 =	vld [tilespmem:s8+$0x4020]  }
0x306: {  	v7 =	vld [tilespmem:s8+$0x1830]  }
0x307: {  	v4 =	vmul.f32 v4, v8;
	[tilespmem:s8+$0x6870] =	vst v1;
	v1 =	vld [tilespmem:s8+$0x4030]  }
0x308: {  	v8 =	vld [tilespmem:s8+$0x4060]  }
0x309: {  	[tilespmem:s8+$0x6800] =	vst v4;
	v3 =	vmul.f32 v3, v6;
	v4 =	vld [tilespmem:s8+$0x1840]  }
0x30a: {  	v6 =	vld [tilespmem:s8+$0x4040]  }
0x30b: {  	[tilespmem:s8+$0x6810] =	vst v3;
	v2 =	vmul.f32 v2, v5;
	v3 =	vld [tilespmem:s8+$0x1850]  }
0x30c: {  	v5 =	vld [tilespmem:s8+$0x4050]  }
0x30d: {  	[tilespmem:s8+$0x6820] =	vst v2;
	v2 =	vld [tilespmem:s8+$0x1860];
	_ =	sdelay $0x1  }
0x30e: {  	v1 =	vmul.f32 v1, v7  }
0x30f: {  	v4 =	vmul.f32 v6, v4  }
0x310: {  	[tilespmem:s8+$0x6830] =	vst v1;
	v1 =	vmul.f32 v5, v3  }
0x311: {  	[tilespmem:s8+$0x6840] =	vst v4;
	v2 =	vmul.f32 v8, v2  }
0x312: {  	[tilespmem:s8+$0x6850] =	vst v1  }
0x313: {  	s25 =	simm.s32 $0x380;
	[tilespmem:s8+$0x6860] =	vst v2  }
0x314: {  	[spmem:s2] =	stream.indirect.scatter.add.f32 [tilespmem:s4], [sflag:$0xA], $0x80, s25, s13, $0xb8;
	[tilespmem:$0x1B480] =	vst v63  }
0x315: {  	_ =	swait.ge [sflag:s16], $0x28  }
0x316: {  	[sflag:s16] =	ssyncset.done $0x0  }
0x317: {  	[sflag:s16] =	ssyncadd.s32 $0xFFFFFFD8  }
0x318: {  	_ =	swait.ge [sflag:s16], $0x28  }
0x319: {  	[sflag:s16] =	ssyncset.done $0x0  }
0x31a: {  	[sflag:s16] =	ssyncadd.s32 $0xFFFFFFD8  }
0x31b: {  	[tilespmem:s17], [sflag:$0x6] =	stream.indirect.gather [hbm4b:s1+s13], $0x80, s10, s13, $0xb8;
	[tilespmem:$0x1B480] =	vst v63  }
0x31c: {  	s26 =	simm.s32 $0x0;
	s14 =	rddreg [dreg:$0x1b]  }
0x31d: {  	[tilespmem:s18], [sflag:$0x8] =	stream.linear.gather [hbm4b:s14+s26], $0x1400, $0x38;
	[tilespmem:$0x1B480] =	vst v63  }
0x31e: {  	_ =	swait.ge [sflag:s19], $0x1400  }
0x31f: {  	[sflag:s19] =	ssyncset.done $0x0  }
0x320: {  	[sflag:s19] =	ssyncadd.s32 $0xFFFFEC00  }
0x321: {  	_ =	swait.ge [sflag:s20], $0x1400  }
0x322: {  	[sflag:s20] =	ssyncset.done $0x0  }
0x323: {  	[sflag:s20] =	ssyncadd.s32 $0xFFFFEC00  }
0x324: {  	_ =	swait.ge [sflag:s22], $0x1400  }
0x325: {  	[sflag:s22] =	ssyncset.done $0x0  }
0x326: {  	s21 =	simm.s32 $0x0;
	[sflag:s22] =	ssyncadd.s32 $0xFFFFEC00  }
0x327: {  	v1 =	vld [tilespmem:s21+$0x470]  }
0x328: {  	v2 =	vld [tilespmem:s21+$0x2C70]  }
0x329: {  	v3 =	vld [tilespmem:s21+$0x400]  }
0x32a: {  	v4 =	vld [tilespmem:s21+$0x2C00]  }
0x32b: {  	v5 =	vld [tilespmem:s21+$0x410]  }
0x32c: {  	v6 =	vld [tilespmem:s21+$0x2C10]  }
0x32d: {  	v7 =	vld [tilespmem:s21+$0x420]  }
0x32e: {  	v8 =	vld [tilespmem:s21+$0x430]  }
0x32f: {  	v1 =	vmul.f32 v2, v1;
	v2 =	vld [tilespmem:s21+$0x2C20]  }
0x330: {  	v9 =	vld [tilespmem:s21+$0x2C30]  }
0x331: {  	v10 =	vld [tilespmem:s21+$0x2C40];
	v3 =	vmul.f32 v4, v3  }
0x332: {  	[tilespmem:s21+$0x5470] =	vst v1;
	v1 =	vmul.f32 v6, v5;
	v6 =	vld [tilespmem:s21+$0x440]  }
0x333: {  	v4 =	vld [tilespmem:s21+$0x2C50];
	[tilespmem:s21+$0x5400] =	vst v3  }
0x334: {  	v3 =	vld [tilespmem:s21+$0x450];
	[tilespmem:s21+$0x5410] =	vst v1;
	v1 =	vmul.f32 v2, v7  }
0x335: {  	v5 =	vld [tilespmem:s21+$0x2C60];
	v7 =	vmul.f32 v9, v8  }
0x336: {  	s8 =	simm.s32 $0x80;
	[tilespmem:s21+$0x5420] =	vst v1;
	v1 =	vld [tilespmem:s21+$0x460]  }
0x337: {  	s14 =	simm.s32 $0x400;
	v6 =	vmul.f32 v10, v6;
	v2 =	vld [tilespmem:s8+$0x470];
	[tilespmem:s21+$0x5430] =	vst v7  }
.LBB2_22:
0x338: {  	p1 =	sne.s32 s14, $0x4E00;
	v7 =	vld [tilespmem:s8+$0x2C70]  }
0x339: {  	v8 =	vld [tilespmem:s8+$0x400];
	[tilespmem:s21+$0x5440] =	vst v6;
	v3 =	vmul.f32 v4, v3  }
0x33a: {  	v4 =	vld [tilespmem:s8+$0x2C00]  }
0x33b: {  	v6 =	vld [tilespmem:s8+$0x410];
	[tilespmem:s21+$0x5450] =	vst v3;
	v1 =	vmul.f32 v5, v1  }
0x33c: {  	v3 =	vld [tilespmem:s8+$0x2C10]  }
0x33d: {  	v5 =	vld [tilespmem:s8+$0x420];
	v2 =	vmul.f32 v7, v2;
	[tilespmem:s21+$0x5460] =	vst v1;
	s21 =	smov.u32 s8  }
0x33e: {  	v1 =	vld [tilespmem:s21+$0x2C20]  }
0x33f: {  	v4 =	vmul.f32 v4, v8;
	v7 =	vld [tilespmem:s21+$0x430];
	[tilespmem:s21+$0x5470] =	vst v2  }
0x340: {  	v2 =	vld [tilespmem:s21+$0x2C30]  }
0x341: {  	[tilespmem:s21+$0x5400] =	vst v4;
	v3 =	vmul.f32 v3, v6;
	v6 =	vld [tilespmem:s21+$0x440]  }
0x342: {  	v8 =	vld [tilespmem:s21+$0x2C40]  }
.Ltmp10:
0x343: {  	[tilespmem:s21+$0x5410] =	vst v3;
	v1 =	vmul.f32 v1, v5;
	v3 =	vld [tilespmem:s21+$0x450];
	(pc) =	sbr.rel @p1 .LBB2_22-.Ltmp10, $4  }
0x344: {  	v4 =	vld [tilespmem:s21+$0x2C50]  }
0x345: {  	[tilespmem:s21+$0x5420] =	vst v1;
	v7 =	vmul.f32 v2, v7;
	v1 =	vld [tilespmem:s21+$0x460]  }
0x346: {  	s8 =	sshra.s32 s14, $0x2;
	v5 =	vld [tilespmem:s21+$0x2C60]  }
0x347: {  	s14 =	sadd.s32 $0x200, s14;
	v2 =	vld [tilespmem:s8+$0x470];
	[tilespmem:s21+$0x5430] =	vst v7;
	v6 =	vmul.f32 v8, v6  }
0x348: {  	v7 =	vld [tilespmem:s8+$0x2C70]  }
0x349: {  	v8 =	vld [tilespmem:s8+$0x400];
	[tilespmem:s21+$0x5440] =	vst v6;
	v3 =	vmul.f32 v4, v3  }
0x34a: {  	v4 =	vld [tilespmem:s8+$0x2C00]  }
0x34b: {  	v6 =	vld [tilespmem:s8+$0x410];
	[tilespmem:s21+$0x5450] =	vst v3;
	v1 =	vmul.f32 v5, v1  }
0x34c: {  	v3 =	vld [tilespmem:s8+$0x2C10]  }
0x34d: {  	v5 =	vld [tilespmem:s8+$0x420];
	[tilespmem:s21+$0x5460] =	vst v1  }
0x34e: {  	v1 =	vmul.f32 v7, v2;
	v2 =	vld [tilespmem:s8+$0x2C20]  }
0x34f: {  	v7 =	vld [tilespmem:s8+$0x430]  }
0x350: {  	v4 =	vmul.f32 v4, v8;
	[tilespmem:s8+$0x5470] =	vst v1;
	v1 =	vld [tilespmem:s8+$0x2C30]  }
0x351: {  	v8 =	vld [tilespmem:s8+$0x2C60]  }
0x352: {  	[tilespmem:s8+$0x5400] =	vst v4;
	v3 =	vmul.f32 v3, v6;
	v4 =	vld [tilespmem:s8+$0x440]  }
0x353: {  	v6 =	vld [tilespmem:s8+$0x2C40]  }
0x354: {  	[tilespmem:s8+$0x5410] =	vst v3;
	v2 =	vmul.f32 v2, v5;
	v3 =	vld [tilespmem:s8+$0x450]  }
0x355: {  	v5 =	vld [tilespmem:s8+$0x2C50]  }
0x356: {  	[tilespmem:s8+$0x5420] =	vst v2;
	v2 =	vld [tilespmem:s8+$0x460];
	_ =	sdelay $0x1  }
0x357: {  	v1 =	vmul.f32 v1, v7  }
0x358: {  	v4 =	vmul.f32 v6, v4  }
0x359: {  	[tilespmem:s8+$0x5430] =	vst v1;
	v1 =	vmul.f32 v5, v3  }
0x35a: {  	[tilespmem:s8+$0x5440] =	vst v4;
	v2 =	vmul.f32 v8, v2  }
0x35b: {  	[tilespmem:s8+$0x5450] =	vst v1  }
0x35c: {  	[tilespmem:s8+$0x5460] =	vst v2  }
0x35d: {  	[spmem:s2] =	stream.indirect.scatter.add.f32 [tilespmem:s0], [sflag:$0x9], $0x80, s9, s13, $0xb8;
	[tilespmem:$0x1B480] =	vst v63  }
0x35e: {  	_ =	swait.ge [sflag:s29], $0x1400  }
0x35f: {  	[sflag:s29] =	ssyncset.done $0x0  }
0x360: {  	[sflag:s29] =	ssyncadd.s32 $0xFFFFEC00  }
0x361: {  	_ =	swait.ge [sflag:s30], $0x1400  }
0x362: {  	[sflag:s30] =	ssyncset.done $0x0  }
0x363: {  	[sflag:s30] =	ssyncadd.s32 $0xFFFFEC00  }
0x364: {  	_ =	swait.ge [sflag:s23], $0x1400  }
0x365: {  	[sflag:s23] =	ssyncset.done $0x0  }
0x366: {  	s21 =	simm.s32 $0x0;
	[sflag:s23] =	ssyncadd.s32 $0xFFFFEC00  }
0x367: {  	v1 =	vld [tilespmem:s21+$0x1870]  }
0x368: {  	v2 =	vld [tilespmem:s21+$0x4070]  }
0x369: {  	v3 =	vld [tilespmem:s21+$0x1800]  }
0x36a: {  	v4 =	vld [tilespmem:s21+$0x4000]  }
0x36b: {  	v5 =	vld [tilespmem:s21+$0x1810]  }
0x36c: {  	v6 =	vld [tilespmem:s21+$0x4010]  }
0x36d: {  	v7 =	vld [tilespmem:s21+$0x1820]  }
0x36e: {  	v8 =	vld [tilespmem:s21+$0x1830]  }
0x36f: {  	v1 =	vmul.f32 v2, v1;
	v2 =	vld [tilespmem:s21+$0x4020]  }
0x370: {  	v9 =	vld [tilespmem:s21+$0x4030]  }
0x371: {  	v10 =	vld [tilespmem:s21+$0x4040];
	v3 =	vmul.f32 v4, v3  }
0x372: {  	[tilespmem:s21+$0x6870] =	vst v1;
	v1 =	vmul.f32 v6, v5;
	v6 =	vld [tilespmem:s21+$0x1840]  }
0x373: {  	v4 =	vld [tilespmem:s21+$0x4050];
	[tilespmem:s21+$0x6800] =	vst v3  }
0x374: {  	v3 =	vld [tilespmem:s21+$0x1850];
	[tilespmem:s21+$0x6810] =	vst v1;
	v1 =	vmul.f32 v2, v7  }
0x375: {  	v5 =	vld [tilespmem:s21+$0x4060];
	v7 =	vmul.f32 v9, v8  }
0x376: {  	s8 =	simm.s32 $0x80;
	[tilespmem:s21+$0x6820] =	vst v1;
	v1 =	vld [tilespmem:s21+$0x1860]  }
0x377: {  	s14 =	simm.s32 $0x400;
	v6 =	vmul.f32 v10, v6;
	v2 =	vld [tilespmem:s8+$0x1870];
	[tilespmem:s21+$0x6830] =	vst v7  }
.LBB2_24:
0x378: {  	p1 =	sne.s32 s14, $0x4E00;
	v7 =	vld [tilespmem:s8+$0x4070]  }
0x379: {  	v8 =	vld [tilespmem:s8+$0x1800];
	[tilespmem:s21+$0x6840] =	vst v6;
	v3 =	vmul.f32 v4, v3  }
0x37a: {  	v4 =	vld [tilespmem:s8+$0x4000]  }
0x37b: {  	v6 =	vld [tilespmem:s8+$0x1810];
	[tilespmem:s21+$0x6850] =	vst v3;
	v1 =	vmul.f32 v5, v1  }
0x37c: {  	v3 =	vld [tilespmem:s8+$0x4010]  }
0x37d: {  	v5 =	vld [tilespmem:s8+$0x1820];
	v2 =	vmul.f32 v7, v2;
	[tilespmem:s21+$0x6860] =	vst v1;
	s21 =	smov.u32 s8  }
0x37e: {  	v1 =	vld [tilespmem:s21+$0x4020]  }
0x37f: {  	v4 =	vmul.f32 v4, v8;
	v7 =	vld [tilespmem:s21+$0x1830];
	[tilespmem:s21+$0x6870] =	vst v2  }
0x380: {  	v2 =	vld [tilespmem:s21+$0x4030]  }
0x381: {  	[tilespmem:s21+$0x6800] =	vst v4;
	v3 =	vmul.f32 v3, v6;
	v6 =	vld [tilespmem:s21+$0x1840]  }
0x382: {  	v8 =	vld [tilespmem:s21+$0x4040]  }
.Ltmp11:
0x383: {  	[tilespmem:s21+$0x6810] =	vst v3;
	v1 =	vmul.f32 v1, v5;
	v3 =	vld [tilespmem:s21+$0x1850];
	(pc) =	sbr.rel @p1 .LBB2_24-.Ltmp11, $4  }
0x384: {  	v4 =	vld [tilespmem:s21+$0x4050]  }
0x385: {  	[tilespmem:s21+$0x6820] =	vst v1;
	v7 =	vmul.f32 v2, v7;
	v1 =	vld [tilespmem:s21+$0x1860]  }
0x386: {  	s8 =	sshra.s32 s14, $0x2;
	v5 =	vld [tilespmem:s21+$0x4060]  }
0x387: {  	s14 =	sadd.s32 $0x200, s14;
	v2 =	vld [tilespmem:s8+$0x1870];
	[tilespmem:s21+$0x6830] =	vst v7;
	v6 =	vmul.f32 v8, v6  }
0x388: {  	v7 =	vld [tilespmem:s8+$0x4070]  }
0x389: {  	v8 =	vld [tilespmem:s8+$0x1800];
	[tilespmem:s21+$0x6840] =	vst v6;
	v3 =	vmul.f32 v4, v3  }
0x38a: {  	v57 =	vld [tilespmem:s8+$0x4000]  }
0x38b: {  	v6 =	vld [tilespmem:s8+$0x1810];
	[tilespmem:s21+$0x6850] =	vst v3;
	v1 =	vmul.f32 v5, v1  }
0x38c: {  	v3 =	vld [tilespmem:s8+$0x4010]  }
0x38d: {  	v58 =	vld [tilespmem:s8+$0x1820];
	[tilespmem:s21+$0x6860] =	vst v1  }
0x38e: {  	v1 =	vmul.f32 v7, v2;
	v2 =	vld [tilespmem:s8+$0x4020]  }
0x38f: {  	v59 =	vld [tilespmem:s8+$0x1830]  }
0x390: {  	v60 =	vld [tilespmem:s8+$0x1840]  }
0x391: {  	v61 =	vld [tilespmem:s8+$0x4040]  }
0x392: {  	v62 =	vld [tilespmem:s8+$0x4050]  }
0x393: {  	[tilespmem:s8+$0x6870] =	vst v1;
	v1 =	vld [tilespmem:s8+$0x4030];
	v3 =	vmul.f32 v3, v6  }
0x394: {  	v63 =	vld [tilespmem:s8+$0x4060];
	v2 =	vmul.f32 v2, v58  }
0x395: {  	[tilespmem:s8+$0x6810] =	vst v3;
	v3 =	vld [tilespmem:s8+$0x1850]  }
0x396: {  	[tilespmem:s8+$0x6820] =	vst v2;
	v2 =	vld [tilespmem:s8+$0x1860]  }
0x397: {  	v4 =	vmul.f32 v57, v8  }
0x398: {  	v1 =	vmul.f32 v1, v59  }
0x399: {  	[tilespmem:s8+$0x6800] =	vst v4;
	v4 =	vmul.f32 v61, v60  }
0x39a: {  	[tilespmem:s8+$0x6830] =	vst v1;
	v1 =	vmul.f32 v62, v3  }
0x39b: {  	[tilespmem:s8+$0x6840] =	vst v4;
	v2 =	vmul.f32 v63, v2  }
0x39c: {  	[tilespmem:s8+$0x6850] =	vst v1  }
0x39d: {  	[tilespmem:s8+$0x6860] =	vst v2  }
0x39e: {  	[spmem:s2] =	stream.indirect.scatter.add.f32 [tilespmem:s4], [sflag:$0xA], $0x80, s11, s13, $0xb8;
	[tilespmem:$0x1B480] =	vst v63  }
0x39f: {  	_ =	swait.ge [sflag:s22], $0x1400  }
0x3a0: {  	[sflag:s22] =	ssyncset.done $0x0  }
0x3a1: {  	[sflag:s22] =	ssyncadd.s32 $0xFFFFEC00  }
0x3a2: {  	_ =	swait.ge [sflag:s23], $0x1400  }
0x3a3: {  	[sflag:s23] =	ssyncset.done $0x0  }
0x3a4: {  	[sflag:s23] =	ssyncadd.s32 $0xFFFFEC00  }
0x3a5: {  	s8 =	stileid.u32;
	[bflag:$0x0] =	sbarrier.arrive $0xFFFF  }
0x3a6: {  	s8 =	sshll.u32 @p0 s8, $0x6;
	s21 =	rddreg [dreg:$0x4]  }
0x3a7: {  	s8 =	sor.u32 @p0 $0x1C0B, s8;
	s24 =	rddreg [dreg:$0x10];
	s14 =	sshrl.u32 @p0 s21, $0x3  }
0x3a8: {  	[hbm:s24], [sflag:s8] =	dma.local @p0 [spmem:s14], $0x2700  }
0x3a9: {  	s8 =	simm.s32 @p0 $0xB  }
0x3aa: {  	_ =	swait.ge @p0 [sflag:s8], $0x2700  }
0x3ab: {  	[sflag:s8] =	ssyncset.done @p0 $0x0;
	s14 =	rddreg [dreg:$0x1c]  }
0x3ac: {  	s24 =	rddreg [dreg:$0x1e];
	[sflag:s8] =	ssyncadd.s32 @p0 $0xFFFFD900;
	s8 =	simm.s32 @!p0 $0x1FCB  }
0x3ad: {  	[hbm:s14], [sflag:s8] =	dma.local @!p0 [spmem:s24], $0x2800  }
0x3ae: {  	s8 =	simm.s32 @!p0 $0xB  }
0x3af: {  	_ =	swait.ge @!p0 [sflag:s8], $0x2800  }
0x3b0: {  	s25 =	sld [smem:$0x7EE];
	_ =	sdelay $0x2  }
0x3b1: {  	s26 =	rddreg [dreg:$0x1d];
	s24 =	sadd.s32 $0x1, s25  }
0x3b2: {  	p1 =	sne.s32 s24, s26  }
.Ltmp12:
0x3b3: {  	_ = 	snop;
	(pc) =	sbr.rel @p1 .LBB2_1-.Ltmp12, $3  }
0x3b4: {  	_ =	sdelay $0x1  }
0x3b5: {  	[sflag:s8] =	ssyncset.done @!p0 $0x0  }
0x3b6: {  	[sflag:s8] =	ssyncadd.s32 @!p0 $0xFFFFD800  }
0x3b7: {  	_ =	sfence.sel $0x180000  }
0x3b8: {  	[bflag:$0x0] =	sbarrier.arrive $0xFFFF  }
0x3b9: {  	_ =	strace $0x90000047  }
0x3ba: {  	s0 =	stileid.u32;
	[bflag:$0x2] =	sbarrier.arrive $0xFFFF  }
0x3bb: {  	p0 =	sne.s32 s0, $0x0;
	s0 =	rddreg [dreg:$0x3]  }
0x3bc: {  	s0 =	sadd.s32 @!p0 $0x100000, s0  }
0x3bd: {  	[sflag:s0] =	ssyncadd.tile.s32 @!p0 $0x1;
	_ =	shalt  }
.Lfunc_end2:
_tile_overlayer_lowered:
.L_overlay_start_2:
0x3be: {  	(tag) =	ssettag $0x2  }
0x3bf: {  	s0 =	rddreg [dreg:$0x0];
	s2 =	stileid.u32  }
0x3c0: {  	s1 =	rddreg [dreg:$0x1];
	p0 =	sne.s32 s2, $0x0  }
0x3c1: {  	s3 =	rddreg [dreg:$0x2];
	[bflag:$0x3] =	sbarrier.arrive $0xFFFF;
	s2 =	simm.s32 @!p0 $0x1C0B  }
0x3c2: {  	[timem:s3], [sflag:s2] =	dma.local @!p0 [hbm:s0], s1  }
0x3c3: {  	s0 =	simm.s32 @!p0 $0xB  }
0x3c4: {  	_ =	swait.ge @!p0 [sflag:s0], s1  }
0x3c5: {  	s1 =	ssub.s32 @!p0 $0x0, s1;
	[sflag:s0] =	ssyncset.done @!p0 $0x0  }
0x3c6: {  	[sflag:s0] =	ssyncadd.s32 @!p0 s1  }
0x3c7: {  	[bflag:$0x3] =	sbarrier.arrive $0xFFFF  }
0x3c8: {  	_ =	shalt  }

</sc_bundles>
